<compile_context>
chip_gen: v7x
topology: tpu7x:2x2x1
jax: 0.10.2.dev20260603
libtpu: 0.0.44.dev20260713+nightly
codegen_flags: <defaults>
</compile_context>

<pallas_src>
import functools

import jax
import jax.numpy as jnp
from jax import lax
from jax.experimental import pallas as pl
from jax.experimental.pallas import tpu as pltpu
from jax.experimental.pallas import tpu_sc as plsc

_B = 8
_K = 16
_C = 3
_H = 384
_W = 384
_P = _H * _W
_NW = 32
_WPB = _NW // _B
_QW = _P // _WPB
_CH = 12288
_NCH = _QW // _CH
_LANES = 16
_ALPHA = 0.001
_NPAIR = _K * (_K - 1) / 2.0


def _rsqrt(s):
    i = lax.bitcast_convert_type(s, jnp.int32)
    i = 0x5F3759DF - lax.shift_right_arithmetic(i, 1)
    y = lax.bitcast_convert_type(i, jnp.float32)
    for _ in range(3):
        y = y * (1.5 - 0.5 * s * y * y)
    return y


def _sc_body(img, palb, palv, out_px, out_pal, b0r, b0g, b0b, b1r, b1g, b1b,
             mbuf, palb_v, pald_v, palv_v, stage_v, sem0, sem1, semp):
    cid = lax.axis_index("c")
    sid = lax.axis_index("s")
    wid = sid * 2 + cid
    b = wid // _WPB
    q = wid % _WPB

    bufs = [(b0r, b0g, b0b), (b1r, b1g, b1b)]
    sems = [sem0, sem1]
    base = (b * _C) * _P + q * _QW

    def start_chunk(ch, s):
        off = base + ch * _CH
        return [
            pltpu.async_copy(img.at[pl.ds(off + c * _P, _CH)], bufs[s][c],
                             sems[s])
            for c in range(_C)
        ]

    handles = start_chunk(0, 0)
    palv_h = pltpu.async_copy(palv.at[b], palv_v, semp)

    pltpu.sync_copy(palb.at[b], palb_v)
    pr = [palb_v[pl.ds((0 * _K + k) * _LANES, _LANES)] for k in range(_K)]
    pg = [palb_v[pl.ds((1 * _K + k) * _LANES, _LANES)] for k in range(_K)]
    pb = [palb_v[pl.ds((2 * _K + k) * _LANES, _LANES)] for k in range(_K)]

    for k in range(_K):
        pal_k = (k * 4) * _LANES
        pald_v[pl.ds(pal_k + 0 * _LANES, _LANES)] = pr[k] + pr[k]
        pald_v[pl.ds(pal_k + 1 * _LANES, _LANES)] = pg[k] + pg[k]
        pald_v[pl.ds(pal_k + 2 * _LANES, _LANES)] = pb[k] + pb[k]
        pald_v[pl.ds(pal_k + 3 * _LANES, _LANES)] = (
            pr[k] * pr[k] + pg[k] * pg[k] + pb[k] * pb[k])

    def _dot_vecs(k):
        pal_k = (k * 4) * _LANES
        return (pald_v[pl.ds(pal_k + 0 * _LANES, _LANES)],
                pald_v[pl.ds(pal_k + 1 * _LANES, _LANES)],
                pald_v[pl.ds(pal_k + 2 * _LANES, _LANES)],
                pald_v[pl.ds(pal_k + 3 * _LANES, _LANES)])

    def chunk_compute(s, acc, acc2, mbuf):
        br, bg, bb = bufs[s]

        da = [_dot_vecs(k) for k in range(_K // 2)]

        def body_a(i, acc2):
            off = i * _LANES
            r = br[pl.ds(off, _LANES)]
            g = bg[pl.ds(off, _LANES)]
            bl = bb[pl.ds(off, _LANES)]
            m = None
            for ak, bk, gk, ck in da:
                t = (ck - r * ak) - (g * bk + bl * gk)
                m = t if m is None else jnp.minimum(m, t)
            mbuf[pl.ds(off, _LANES)] = m
            return acc2 + (r * r + g * g + bl * bl)

        acc2 = plsc.parallel_loop(0, _CH // _LANES, unroll=2,
                                  carry=acc2)(body_a)

        db2 = [_dot_vecs(k) for k in range(_K // 2, _K)]

        def body_b(i, acc):
            off = i * _LANES
            r = br[pl.ds(off, _LANES)]
            g = bg[pl.ds(off, _LANES)]
            bl = bb[pl.ds(off, _LANES)]
            m = mbuf[pl.ds(off, _LANES)]
            for ak, bk, gk, ck in db2:
                t = (ck - r * ak) - (g * bk + bl * gk)
                m = jnp.minimum(m, t)
            return acc + m

        return plsc.parallel_loop(0, _CH // _LANES, unroll=2,
                                  carry=acc)(body_b), acc2

    acc = jnp.zeros((_LANES,), jnp.float32)
    acc2 = jnp.zeros((_LANES,), jnp.float32)
    for ch in range(_NCH):
        s = ch % 2
        for h in handles:
            h.wait()
        if ch + 1 < _NCH:
            handles = start_chunk(ch + 1, (ch + 1) % 2)
        acc, acc2 = chunk_compute(s, acc, acc2, mbuf)

    stage_v[...] = acc + acc2
    pltpu.sync_copy(stage_v, out_px.at[wid])

    palv_h.wait()
    lanes = lax.iota(jnp.int32, _LANES)
    pv0 = palv_v[pl.ds(0 * _LANES, _LANES)]
    pv1 = palv_v[pl.ds(1 * _LANES, _LANES)]
    pv2 = palv_v[pl.ds(2 * _LANES, _LANES)]
    for qv in range(_WPB):
        @pl.when(q == qv)
        def _():
            pal_acc = jnp.zeros((_LANES,), jnp.float32)
            for j in range(qv * (_K // _WPB), (qv + 1) * (_K // _WPB)):
                dr = pv0 - pr[j]
                dg = pv1 - pg[j]
                db = pv2 - pb[j]
                d2 = dr * dr + dg * dg + db * db
                dist = d2 * _rsqrt(d2)
                mask = jnp.where(lanes > j, 1.0, 0.0).astype(jnp.float32)
                pal_acc = pal_acc + dist * mask
            stage_v[...] = pal_acc
            pltpu.sync_copy(stage_v, out_pal.at[wid])


_sc_kernel = functools.partial(
    pl.kernel,
    out_type=[
        jax.ShapeDtypeStruct((_NW, _LANES), jnp.float32),
        jax.ShapeDtypeStruct((_NW, _LANES), jnp.float32),
    ],
    mesh=plsc.VectorSubcoreMesh(core_axis_name="c", subcore_axis_name="s"),
    scratch_types=[
        pltpu.VMEM((_CH,), jnp.float32),
        pltpu.VMEM((_CH,), jnp.float32),
        pltpu.VMEM((_CH,), jnp.float32),
        pltpu.VMEM((_CH,), jnp.float32),
        pltpu.VMEM((_CH,), jnp.float32),
        pltpu.VMEM((_CH,), jnp.float32),
        pltpu.VMEM((_CH,), jnp.float32),
        pltpu.VMEM((_C * _K * _LANES,), jnp.float32),
        pltpu.VMEM((4 * _K * _LANES,), jnp.float32),
        pltpu.VMEM((_C * _LANES,), jnp.float32),
        pltpu.VMEM((_LANES,), jnp.float32),
        pltpu.SemaphoreType.DMA,
        pltpu.SemaphoreType.DMA,
        pltpu.SemaphoreType.DMA,
    ],
)(_sc_body)


@jax.jit
def kernel(palettes, images):
    palv = jnp.transpose(palettes, (0, 2, 1))
    palb = jnp.broadcast_to(palv[..., None], (_B, _C, _K, _LANES))
    palb = palb.reshape(_B, _C * _K * _LANES)
    img = images.reshape(_B * _C * _P)
    out_px, out_pal = _sc_kernel(img, palb, palv.reshape(_B, _C * _K))
    mse = jnp.sum(out_px) / (_B * _C * _P)
    pal = jnp.sum(out_pal) / (_NPAIR * _B)
    return mse - _ALPHA * pal

# --- scband reference (transcript-rebuilt; emitter-appended) ---
"""Pipeline reference for scband-palette-loss-38757784879886 (READ-ONLY COPY).

The authoritative reference and input builder live on the scoring server;
editing this copy changes nothing except your own understanding.
"""

import jax, jax.numpy as jnp
import numpy as np

ALPHA = 0.001

def _safe_norm(x, axis):
    s = jnp.sum(x * x, axis=axis)
    return jnp.where(s > 0, jnp.sqrt(jnp.where(s > 0, s, 1.0)), 0.0)

def setup_inputs(seed: int = 0) -> dict:
    key = jax.random.key(seed)
    k1, k2 = jax.random.split(key)
    palettes = jax.random.uniform(k1, (8, 16, 3), dtype=jnp.float32)
    images = jax.random.uniform(k2, (8, 3, 384, 384), dtype=jnp.float32)
    return {"palettes": palettes, "images": images}

def _quantize_images(images, palettes):
    B, C, H, W = images.shape
    K = palettes.shape[1]
    imgs = jnp.transpose(images, (0, 2, 3, 1)).reshape(B, -1, 1, 3)
    pals = palettes.reshape(B, 1, K, 3)
    distances = _safe_norm(imgs - pals, axis=3)
    nearest = jnp.argmin(distances, axis=2)
    mapped = jnp.take_along_axis(palettes, nearest[:, :, None], axis=1)
    mapped = mapped.reshape(B, H, W, C)
    return jnp.transpose(mapped, (0, 3, 1, 2))

def reference(palettes, images):
    quantized = _quantize_images(images, palettes)
    mse_loss = jnp.mean((quantized - images) ** 2)
    B, K, C = palettes.shape
    mask = jnp.tile(jnp.triu(jnp.ones((K, K), dtype=jnp.float32), k=1)[None, :, :, None], (B, 1, 1, 1))
    total_combinations = K * (K - 1) / 2.0
    difference = palettes[:, :, None, :] - palettes[:, None, :, :]
    palette_loss = jnp.sum(_safe_norm(difference * mask, axis=3)) / (total_combinations * B)
    return mse_loss - ALPHA * palette_loss

if __name__ == "__main__":
    import jax
    _d = setup_inputs()
    print(jax.jit(kernel)(*tuple(_d.values())))

</pallas_src>

<mosaic_0001>
#map = affine_map<(d0, d1) -> (0)>
#map1 = affine_map<(d0, d1) -> (0, 0)>
module attributes {stable_mosaic.version = 14 : i64} {
  func.func @_sc_body(%arg0: i32, %arg1: i32, %arg2: memref<3538944xf32, #tpu.memory_space<hbm>>, %arg3: memref<8x768xf32, #tpu.memory_space<hbm>>, %arg4: memref<8x48xf32, #tpu.memory_space<hbm>>, %arg5: memref<32x16xf32, #tpu.memory_space<hbm>>, %arg6: memref<32x16xf32, #tpu.memory_space<hbm>>, %arg7: memref<12288xf32, #tpu.memory_space<vmem>>, %arg8: memref<12288xf32, #tpu.memory_space<vmem>>, %arg9: memref<12288xf32, #tpu.memory_space<vmem>>, %arg10: memref<12288xf32, #tpu.memory_space<vmem>>, %arg11: memref<12288xf32, #tpu.memory_space<vmem>>, %arg12: memref<12288xf32, #tpu.memory_space<vmem>>, %arg13: memref<12288xf32, #tpu.memory_space<vmem>>, %arg14: memref<768xf32, #tpu.memory_space<vmem>>, %arg15: memref<1024xf32, #tpu.memory_space<vmem>>, %arg16: memref<48xf32, #tpu.memory_space<vmem>>, %arg17: memref<16xf32, #tpu.memory_space<vmem>>, %arg18: memref<!tpu.dma_semaphore, #tpu.memory_space<semaphore_mem>>, %arg19: memref<!tpu.dma_semaphore, #tpu.memory_space<semaphore_mem>>, %arg20: memref<!tpu.dma_semaphore, #tpu.memory_space<semaphore_mem>>) attributes {dimension_semantics = [#tpu.dimension_semantics<core_parallel>, #tpu.dimension_semantics<subcore_parallel>], iteration_bounds = array<i64: 2, 16>, scalar_prefetch = 0 : i64, scratch_operands = 14 : i64, tpu.core_type = #tpu.core_type<sc_vector_subcore>, window_params = [{transform_indices = #map}, {transform_indices = #map1}, {transform_indices = #map1}, {transform_indices = #map1}, {transform_indices = #map1}]} {
    %mul3A = arith.constant 2 : i32
    %mul3A_0 = arith.muli %arg1, %mul3A : i32
    %add3A = arith.addi %mul3A_0, %arg0 : i32
    %jit3A = arith.constant 4 : i32
    %div3A = arith.divsi %add3A, %jit3A : i32
    %sign3A = arith.constant 0 : i32
    %sign3A_1 = arith.cmpi sgt, %add3A, %sign3A : i32
    %sign3A_2 = arith.extui %sign3A_1 : i1 to i32
    %sign3A_3 = arith.constant 0 : i32
    %sign3A_4 = arith.cmpi slt, %add3A, %sign3A_3 : i32
    %sign3A_5 = arith.extui %sign3A_4 : i1 to i32
    %sign3A_6 = arith.subi %sign3A_2, %sign3A_5 : i32
    %sign3A_7 = arith.constant 0 : i32
    %sign3A_8 = arith.cmpi sgt, %jit3A, %sign3A_7 : i32
    %sign3A_9 = arith.extui %sign3A_8 : i1 to i32
    %sign3A_10 = arith.constant 0 : i32
    %sign3A_11 = arith.cmpi slt, %jit3A, %sign3A_10 : i32
    %sign3A_12 = arith.extui %sign3A_11 : i1 to i32
    %sign3A_13 = arith.subi %sign3A_9, %sign3A_12 : i32
    %ne3A = arith.cmpi ne, %sign3A_6, %sign3A_13 : i32
    %rem3A = arith.remsi %add3A, %jit3A : i32
    %ne3A_14 = arith.constant 0 : i32
    %ne3A_15 = arith.cmpi ne, %rem3A, %ne3A_14 : i32
    %and3A = arith.andi %ne3A, %ne3A_15 : i1
    %sub3A = arith.constant 1 : i32
    %sub3A_16 = arith.subi %div3A, %sub3A : i32
    %select_n3A = arith.select %and3A, %sub3A_16, %div3A : i32
    %jit3A_17 = arith.constant 4 : i32
    %eq3A = arith.constant 0 : i32
    %eq3A_18 = arith.cmpi eq, %jit3A_17, %eq3A : i32
    %jit3A_19 = arith.constant 1 : i32
    %select_n3A_20 = arith.select %eq3A_18, %jit3A_19, %jit3A_17 : i32
    %rem3A_21 = arith.remsi %add3A, %select_n3A_20 : i32
    %ne3A_22 = arith.constant 0 : i32
    %ne3A_23 = arith.cmpi ne, %rem3A_21, %ne3A_22 : i32
    %lt3A = arith.constant 0 : i32
    %lt3A_24 = arith.cmpi slt, %rem3A_21, %lt3A : i32
    %lt3A_25 = arith.constant 0 : i32
    %lt3A_26 = arith.cmpi slt, %select_n3A_20, %lt3A_25 : i32
    %ne3A_27 = arith.xori %lt3A_24, %lt3A_26 : i1
    %and3A_28 = arith.andi %ne3A_27, %ne3A_23 : i1
    %add3A_29 = arith.addi %rem3A_21, %select_n3A_20 : i32
    %select_n3A_30 = arith.select %and3A_28, %add3A_29, %rem3A_21 : i32
    %mul3A_31 = arith.constant 3 : i32
    %mul3A_32 = arith.muli %select_n3A, %mul3A_31 : i32
    %mul3A_33 = arith.constant 147456 : i32
    %mul3A_34 = arith.muli %mul3A_32, %mul3A_33 : i32
    %mul3A_35 = arith.constant 36864 : i32
    %mul3A_36 = arith.muli %select_n3A_30, %mul3A_35 : i32
    %add3A_37 = arith.addi %mul3A_34, %mul3A_36 : i32
    %add3A_38 = arith.constant 0 : i32
    %add3A_39 = arith.addi %add3A_37, %add3A_38 : i32
    %add3A_40 = arith.constant 0 : i32
    %add3A_41 = arith.addi %add3A_39, %add3A_40 : i32
    %dma_start3A = tpu.memref_slice %arg2[%add3A_41] : memref<3538944xf32, #tpu.memory_space<hbm>> -> memref<12288xf32, #tpu.memory_space<hbm>>
    %dma_start3A_42 = tpu.memref_slice %arg2[%add3A_41] : memref<3538944xf32, #tpu.memory_space<hbm>> -> memref<12288xf32, #tpu.memory_space<hbm>>
    tpu.enqueue_dma source(%dma_start3A_42 : memref<12288xf32, #tpu.memory_space<hbm>>) target(%arg7 : memref<12288xf32, #tpu.memory_space<vmem>>) target_semaphore(%arg18 : memref<!tpu.dma_semaphore, #tpu.memory_space<semaphore_mem>>)
    %add3A_43 = arith.constant 147456 : i32
    %add3A_44 = arith.addi %add3A_39, %add3A_43 : i32
    %dma_start3A_45 = tpu.memref_slice %arg2[%add3A_44] : memref<3538944xf32, #tpu.memory_space<hbm>> -> memref<12288xf32, #tpu.memory_space<hbm>>
    %dma_start3A_46 = tpu.memref_slice %arg2[%add3A_44] : memref<3538944xf32, #tpu.memory_space<hbm>> -> memref<12288xf32, #tpu.memory_space<hbm>>
    tpu.enqueue_dma source(%dma_start3A_46 : memref<12288xf32, #tpu.memory_space<hbm>>) target(%arg8 : memref<12288xf32, #tpu.memory_space<vmem>>) target_semaphore(%arg18 : memref<!tpu.dma_semaphore, #tpu.memory_space<semaphore_mem>>)
    %add3A_47 = arith.constant 294912 : i32
    %add3A_48 = arith.addi %add3A_39, %add3A_47 : i32
    %dma_start3A_49 = tpu.memref_slice %arg2[%add3A_48] : memref<3538944xf32, #tpu.memory_space<hbm>> -> memref<12288xf32, #tpu.memory_space<hbm>>
    %dma_start3A_50 = tpu.memref_slice %arg2[%add3A_48] : memref<3538944xf32, #tpu.memory_space<hbm>> -> memref<12288xf32, #tpu.memory_space<hbm>>
    tpu.enqueue_dma source(%dma_start3A_50 : memref<12288xf32, #tpu.memory_space<hbm>>) target(%arg9 : memref<12288xf32, #tpu.memory_space<vmem>>) target_semaphore(%arg18 : memref<!tpu.dma_semaphore, #tpu.memory_space<semaphore_mem>>)
    %dma_start3A_51 = arith.constant 0 : i32
    %dma_start3A_52 = tpu.memref_slice %arg4[%select_n3A, %dma_start3A_51] : memref<8x48xf32, #tpu.memory_space<hbm>> -> memref<1x48xf32, #tpu.memory_space<hbm>>
    %dma_start3A_53 = tpu.memref_squeeze %dma_start3A_52 : memref<1x48xf32, #tpu.memory_space<hbm>> -> memref<48xf32, #tpu.memory_space<hbm>>
    %dma_start3A_54 = arith.constant 0 : i32
    %dma_start3A_55 = tpu.memref_slice %arg4[%select_n3A, %dma_start3A_54] : memref<8x48xf32, #tpu.memory_space<hbm>> -> memref<1x48xf32, #tpu.memory_space<hbm>>
    %dma_start3A_56 = tpu.memref_squeeze %dma_start3A_55 : memref<1x48xf32, #tpu.memory_space<hbm>> -> memref<48xf32, #tpu.memory_space<hbm>>
    tpu.enqueue_dma source(%dma_start3A_56 : memref<48xf32, #tpu.memory_space<hbm>>) target(%arg16 : memref<48xf32, #tpu.memory_space<vmem>>) target_semaphore(%arg20 : memref<!tpu.dma_semaphore, #tpu.memory_space<semaphore_mem>>)
    "tpu.region"() ({
      %run_scoped3A = tpu.sem_alloc : memref<!tpu.dma_semaphore, #tpu.memory_space<semaphore_mem>>
      %dma_start3A_1268 = arith.constant 0 : i32
      %dma_start3A_1269 = tpu.memref_slice %arg3[%select_n3A, %dma_start3A_1268] : memref<8x768xf32, #tpu.memory_space<hbm>> -> memref<1x768xf32, #tpu.memory_space<hbm>>
      %dma_start3A_1270 = tpu.memref_squeeze %dma_start3A_1269 : memref<1x768xf32, #tpu.memory_space<hbm>> -> memref<768xf32, #tpu.memory_space<hbm>>
      %dma_start3A_1271 = arith.constant 0 : i32
      %dma_start3A_1272 = tpu.memref_slice %arg3[%select_n3A, %dma_start3A_1271] : memref<8x768xf32, #tpu.memory_space<hbm>> -> memref<1x768xf32, #tpu.memory_space<hbm>>
      %dma_start3A_1273 = tpu.memref_squeeze %dma_start3A_1272 : memref<1x768xf32, #tpu.memory_space<hbm>> -> memref<768xf32, #tpu.memory_space<hbm>>
      tpu.enqueue_dma source(%dma_start3A_1273 : memref<768xf32, #tpu.memory_space<hbm>>) target(%arg14 : memref<768xf32, #tpu.memory_space<vmem>>) target_semaphore(%run_scoped3A : memref<!tpu.dma_semaphore, #tpu.memory_space<semaphore_mem>>)
      %dma_wait3A_1274 = arith.constant 0 : i32
      %dma_wait3A_1275 = tpu.memref_slice %arg3[%select_n3A, %dma_wait3A_1274] : memref<8x768xf32, #tpu.memory_space<hbm>> -> memref<1x768xf32, #tpu.memory_space<hbm>>
      %dma_wait3A_1276 = tpu.memref_squeeze %dma_wait3A_1275 : memref<1x768xf32, #tpu.memory_space<hbm>> -> memref<768xf32, #tpu.memory_space<hbm>>
      %dma_wait3A_1277 = arith.constant 0 : i32
      %dma_wait3A_1278 = tpu.memref_slice %arg3[%select_n3A, %dma_wait3A_1277] : memref<8x768xf32, #tpu.memory_space<hbm>> -> memref<1x768xf32, #tpu.memory_space<hbm>>
      %dma_wait3A_1279 = tpu.memref_squeeze %dma_wait3A_1278 : memref<1x768xf32, #tpu.memory_space<hbm>> -> memref<768xf32, #tpu.memory_space<hbm>>
      tpu.wait_dma2 semaphore(%run_scoped3A : memref<!tpu.dma_semaphore, #tpu.memory_space<semaphore_mem>>) src(%dma_wait3A_1279 : memref<768xf32, #tpu.memory_space<hbm>>) dst(%arg14 : memref<768xf32, #tpu.memory_space<vmem>>)
      tpu.yield
    }) : () -> ()
    %get3A = arith.constant 0 : index
    %get3A_57 = tpu.vector_load %arg14[%get3A] {strides = array<i32>} : memref<768xf32, #tpu.memory_space<vmem>>, vector<16xf32>,
    %get3A_58 = vector.shape_cast %get3A_57 : vector<16xf32> to vector<16xf32>
    %get3A_59 = arith.constant 16 : index
    %get3A_60 = tpu.vector_load %arg14[%get3A_59] {strides = array<i32>} : memref<768xf32, #tpu.memory_space<vmem>>, vector<16xf32>,
    %get3A_61 = vector.shape_cast %get3A_60 : vector<16xf32> to vector<16xf32>
    %get3A_62 = arith.constant 32 : index
    %get3A_63 = tpu.vector_load %arg14[%get3A_62] {strides = array<i32>} : memref<768xf32, #tpu.memory_space<vmem>>, vector<16xf32>,
    %get3A_64 = vector.shape_cast %get3A_63 : vector<16xf32> to vector<16xf32>
    %get3A_65 = arith.constant 48 : index
    %get3A_66 = tpu.vector_load %arg14[%get3A_65] {strides = array<i32>} : memref<768xf32, #tpu.memory_space<vmem>>, vector<16xf32>,
    %get3A_67 = vector.shape_cast %get3A_66 : vector<16xf32> to vector<16xf32>
    %get3A_68 = arith.constant 64 : index
    %get3A_69 = tpu.vector_load %arg14[%get3A_68] {strides = array<i32>} : memref<768xf32, #tpu.memory_space<vmem>>, vector<16xf32>,
    %get3A_70 = vector.shape_cast %get3A_69 : vector<16xf32> to vector<16xf32>
    %get3A_71 = arith.constant 80 : index
    %get3A_72 = tpu.vector_load %arg14[%get3A_71] {strides = array<i32>} : memref<768xf32, #tpu.memory_space<vmem>>, vector<16xf32>,
    %get3A_73 = vector.shape_cast %get3A_72 : vector<16xf32> to vector<16xf32>
    %get3A_74 = arith.constant 96 : index
    %get3A_75 = tpu.vector_load %arg14[%get3A_74] {strides = array<i32>} : memref<768xf32, #tpu.memory_space<vmem>>, vector<16xf32>,
    %get3A_76 = vector.shape_cast %get3A_75 : vector<16xf32> to vector<16xf32>
    %get3A_77 = arith.constant 112 : index
    %get3A_78 = tpu.vector_load %arg14[%get3A_77] {strides = array<i32>} : memref<768xf32, #tpu.memory_space<vmem>>, vector<16xf32>,
    %get3A_79 = vector.shape_cast %get3A_78 : vector<16xf32> to vector<16xf32>
    %get3A_80 = arith.constant 128 : index
    %get3A_81 = tpu.vector_load %arg14[%get3A_80] {strides = array<i32>} : memref<768xf32, #tpu.memory_space<vmem>>, vector<16xf32>,
    %get3A_82 = vector.shape_cast %get3A_81 : vector<16xf32> to vector<16xf32>
    %get3A_83 = arith.constant 144 : index
    %get3A_84 = tpu.vector_load %arg14[%get3A_83] {strides = array<i32>} : memref<768xf32, #tpu.memory_space<vmem>>, vector<16xf32>,
    %get3A_85 = vector.shape_cast %get3A_84 : vector<16xf32> to vector<16xf32>
    %get3A_86 = arith.constant 160 : index
    %get3A_87 = tpu.vector_load %arg14[%get3A_86] {strides = array<i32>} : memref<768xf32, #tpu.memory_space<vmem>>, vector<16xf32>,
    %get3A_88 = vector.shape_cast %get3A_87 : vector<16xf32> to vector<16xf32>
    %get3A_89 = arith.constant 176 : index
    %get3A_90 = tpu.vector_load %arg14[%get3A_89] {strides = array<i32>} : memref<768xf32, #tpu.memory_space<vmem>>, vector<16xf32>,
    %get3A_91 = vector.shape_cast %get3A_90 : vector<16xf32> to vector<16xf32>
    %get3A_92 = arith.constant 192 : index
    %get3A_93 = tpu.vector_load %arg14[%get3A_92] {strides = array<i32>} : memref<768xf32, #tpu.memory_space<vmem>>, vector<16xf32>,
    %get3A_94 = vector.shape_cast %get3A_93 : vector<16xf32> to vector<16xf32>
    %get3A_95 = arith.constant 208 : index
    %get3A_96 = tpu.vector_load %arg14[%get3A_95] {strides = array<i32>} : memref<768xf32, #tpu.memory_space<vmem>>, vector<16xf32>,
    %get3A_97 = vector.shape_cast %get3A_96 : vector<16xf32> to vector<16xf32>
    %get3A_98 = arith.constant 224 : index
    %get3A_99 = tpu.vector_load %arg14[%get3A_98] {strides = array<i32>} : memref<768xf32, #tpu.memory_space<vmem>>, vector<16xf32>,
    %get3A_100 = vector.shape_cast %get3A_99 : vector<16xf32> to vector<16xf32>
    %get3A_101 = arith.constant 240 : index
    %get3A_102 = tpu.vector_load %arg14[%get3A_101] {strides = array<i32>} : memref<768xf32, #tpu.memory_space<vmem>>, vector<16xf32>,
    %get3A_103 = vector.shape_cast %get3A_102 : vector<16xf32> to vector<16xf32>
    %get3A_104 = arith.constant 256 : index
    %get3A_105 = tpu.vector_load %arg14[%get3A_104] {strides = array<i32>} : memref<768xf32, #tpu.memory_space<vmem>>, vector<16xf32>,
    %get3A_106 = vector.shape_cast %get3A_105 : vector<16xf32> to vector<16xf32>
    %get3A_107 = arith.constant 272 : index
    %get3A_108 = tpu.vector_load %arg14[%get3A_107] {strides = array<i32>} : memref<768xf32, #tpu.memory_space<vmem>>, vector<16xf32>,
    %get3A_109 = vector.shape_cast %get3A_108 : vector<16xf32> to vector<16xf32>
    %get3A_110 = arith.constant 288 : index
    %get3A_111 = tpu.vector_load %arg14[%get3A_110] {strides = array<i32>} : memref<768xf32, #tpu.memory_space<vmem>>, vector<16xf32>,
    %get3A_112 = vector.shape_cast %get3A_111 : vector<16xf32> to vector<16xf32>
    %get3A_113 = arith.constant 304 : index
    %get3A_114 = tpu.vector_load %arg14[%get3A_113] {strides = array<i32>} : memref<768xf32, #tpu.memory_space<vmem>>, vector<16xf32>,
    %get3A_115 = vector.shape_cast %get3A_114 : vector<16xf32> to vector<16xf32>
    %get3A_116 = arith.constant 320 : index
    %get3A_117 = tpu.vector_load %arg14[%get3A_116] {strides = array<i32>} : memref<768xf32, #tpu.memory_space<vmem>>, vector<16xf32>,
    %get3A_118 = vector.shape_cast %get3A_117 : vector<16xf32> to vector<16xf32>
    %get3A_119 = arith.constant 336 : index
    %get3A_120 = tpu.vector_load %arg14[%get3A_119] {strides = array<i32>} : memref<768xf32, #tpu.memory_space<vmem>>, vector<16xf32>,
    %get3A_121 = vector.shape_cast %get3A_120 : vector<16xf32> to vector<16xf32>
    %get3A_122 = arith.constant 352 : index
    %get3A_123 = tpu.vector_load %arg14[%get3A_122] {strides = array<i32>} : memref<768xf32, #tpu.memory_space<vmem>>, vector<16xf32>,
    %get3A_124 = vector.shape_cast %get3A_123 : vector<16xf32> to vector<16xf32>
    %get3A_125 = arith.constant 368 : index
    %get3A_126 = tpu.vector_load %arg14[%get3A_125] {strides = array<i32>} : memref<768xf32, #tpu.memory_space<vmem>>, vector<16xf32>,
    %get3A_127 = vector.shape_cast %get3A_126 : vector<16xf32> to vector<16xf32>
    %get3A_128 = arith.constant 384 : index
    %get3A_129 = tpu.vector_load %arg14[%get3A_128] {strides = array<i32>} : memref<768xf32, #tpu.memory_space<vmem>>, vector<16xf32>,
    %get3A_130 = vector.shape_cast %get3A_129 : vector<16xf32> to vector<16xf32>
    %get3A_131 = arith.constant 400 : index
    %get3A_132 = tpu.vector_load %arg14[%get3A_131] {strides = array<i32>} : memref<768xf32, #tpu.memory_space<vmem>>, vector<16xf32>,
    %get3A_133 = vector.shape_cast %get3A_132 : vector<16xf32> to vector<16xf32>
    %get3A_134 = arith.constant 416 : index
    %get3A_135 = tpu.vector_load %arg14[%get3A_134] {strides = array<i32>} : memref<768xf32, #tpu.memory_space<vmem>>, vector<16xf32>,
    %get3A_136 = vector.shape_cast %get3A_135 : vector<16xf32> to vector<16xf32>
    %get3A_137 = arith.constant 432 : index
    %get3A_138 = tpu.vector_load %arg14[%get3A_137] {strides = array<i32>} : memref<768xf32, #tpu.memory_space<vmem>>, vector<16xf32>,
    %get3A_139 = vector.shape_cast %get3A_138 : vector<16xf32> to vector<16xf32>
    %get3A_140 = arith.constant 448 : index
    %get3A_141 = tpu.vector_load %arg14[%get3A_140] {strides = array<i32>} : memref<768xf32, #tpu.memory_space<vmem>>, vector<16xf32>,
    %get3A_142 = vector.shape_cast %get3A_141 : vector<16xf32> to vector<16xf32>
    %get3A_143 = arith.constant 464 : index
    %get3A_144 = tpu.vector_load %arg14[%get3A_143] {strides = array<i32>} : memref<768xf32, #tpu.memory_space<vmem>>, vector<16xf32>,
    %get3A_145 = vector.shape_cast %get3A_144 : vector<16xf32> to vector<16xf32>
    %get3A_146 = arith.constant 480 : index
    %get3A_147 = tpu.vector_load %arg14[%get3A_146] {strides = array<i32>} : memref<768xf32, #tpu.memory_space<vmem>>, vector<16xf32>,
    %get3A_148 = vector.shape_cast %get3A_147 : vector<16xf32> to vector<16xf32>
    %get3A_149 = arith.constant 496 : index
    %get3A_150 = tpu.vector_load %arg14[%get3A_149] {strides = array<i32>} : memref<768xf32, #tpu.memory_space<vmem>>, vector<16xf32>,
    %get3A_151 = vector.shape_cast %get3A_150 : vector<16xf32> to vector<16xf32>
    %get3A_152 = arith.constant 512 : index
    %get3A_153 = tpu.vector_load %arg14[%get3A_152] {strides = array<i32>} : memref<768xf32, #tpu.memory_space<vmem>>, vector<16xf32>,
    %get3A_154 = vector.shape_cast %get3A_153 : vector<16xf32> to vector<16xf32>
    %get3A_155 = arith.constant 528 : index
    %get3A_156 = tpu.vector_load %arg14[%get3A_155] {strides = array<i32>} : memref<768xf32, #tpu.memory_space<vmem>>, vector<16xf32>,
    %get3A_157 = vector.shape_cast %get3A_156 : vector<16xf32> to vector<16xf32>
    %get3A_158 = arith.constant 544 : index
    %get3A_159 = tpu.vector_load %arg14[%get3A_158] {strides = array<i32>} : memref<768xf32, #tpu.memory_space<vmem>>, vector<16xf32>,
    %get3A_160 = vector.shape_cast %get3A_159 : vector<16xf32> to vector<16xf32>
    %get3A_161 = arith.constant 560 : index
    %get3A_162 = tpu.vector_load %arg14[%get3A_161] {strides = array<i32>} : memref<768xf32, #tpu.memory_space<vmem>>, vector<16xf32>,
    %get3A_163 = vector.shape_cast %get3A_162 : vector<16xf32> to vector<16xf32>
    %get3A_164 = arith.constant 576 : index
    %get3A_165 = tpu.vector_load %arg14[%get3A_164] {strides = array<i32>} : memref<768xf32, #tpu.memory_space<vmem>>, vector<16xf32>,
    %get3A_166 = vector.shape_cast %get3A_165 : vector<16xf32> to vector<16xf32>
    %get3A_167 = arith.constant 592 : index
    %get3A_168 = tpu.vector_load %arg14[%get3A_167] {strides = array<i32>} : memref<768xf32, #tpu.memory_space<vmem>>, vector<16xf32>,
    %get3A_169 = vector.shape_cast %get3A_168 : vector<16xf32> to vector<16xf32>
    %get3A_170 = arith.constant 608 : index
    %get3A_171 = tpu.vector_load %arg14[%get3A_170] {strides = array<i32>} : memref<768xf32, #tpu.memory_space<vmem>>, vector<16xf32>,
    %get3A_172 = vector.shape_cast %get3A_171 : vector<16xf32> to vector<16xf32>
    %get3A_173 = arith.constant 624 : index
    %get3A_174 = tpu.vector_load %arg14[%get3A_173] {strides = array<i32>} : memref<768xf32, #tpu.memory_space<vmem>>, vector<16xf32>,
    %get3A_175 = vector.shape_cast %get3A_174 : vector<16xf32> to vector<16xf32>
    %get3A_176 = arith.constant 640 : index
    %get3A_177 = tpu.vector_load %arg14[%get3A_176] {strides = array<i32>} : memref<768xf32, #tpu.memory_space<vmem>>, vector<16xf32>,
    %get3A_178 = vector.shape_cast %get3A_177 : vector<16xf32> to vector<16xf32>
    %get3A_179 = arith.constant 656 : index
    %get3A_180 = tpu.vector_load %arg14[%get3A_179] {strides = array<i32>} : memref<768xf32, #tpu.memory_space<vmem>>, vector<16xf32>,
    %get3A_181 = vector.shape_cast %get3A_180 : vector<16xf32> to vector<16xf32>
    %get3A_182 = arith.constant 672 : index
    %get3A_183 = tpu.vector_load %arg14[%get3A_182] {strides = array<i32>} : memref<768xf32, #tpu.memory_space<vmem>>, vector<16xf32>,
    %get3A_184 = vector.shape_cast %get3A_183 : vector<16xf32> to vector<16xf32>
    %get3A_185 = arith.constant 688 : index
    %get3A_186 = tpu.vector_load %arg14[%get3A_185] {strides = array<i32>} : memref<768xf32, #tpu.memory_space<vmem>>, vector<16xf32>,
    %get3A_187 = vector.shape_cast %get3A_186 : vector<16xf32> to vector<16xf32>
    %get3A_188 = arith.constant 704 : index
    %get3A_189 = tpu.vector_load %arg14[%get3A_188] {strides = array<i32>} : memref<768xf32, #tpu.memory_space<vmem>>, vector<16xf32>,
    %get3A_190 = vector.shape_cast %get3A_189 : vector<16xf32> to vector<16xf32>
    %get3A_191 = arith.constant 720 : index
    %get3A_192 = tpu.vector_load %arg14[%get3A_191] {strides = array<i32>} : memref<768xf32, #tpu.memory_space<vmem>>, vector<16xf32>,
    %get3A_193 = vector.shape_cast %get3A_192 : vector<16xf32> to vector<16xf32>
    %get3A_194 = arith.constant 736 : index
    %get3A_195 = tpu.vector_load %arg14[%get3A_194] {strides = array<i32>} : memref<768xf32, #tpu.memory_space<vmem>>, vector<16xf32>,
    %get3A_196 = vector.shape_cast %get3A_195 : vector<16xf32> to vector<16xf32>
    %get3A_197 = arith.constant 752 : index
    %get3A_198 = tpu.vector_load %arg14[%get3A_197] {strides = array<i32>} : memref<768xf32, #tpu.memory_space<vmem>>, vector<16xf32>,
    %get3A_199 = vector.shape_cast %get3A_198 : vector<16xf32> to vector<16xf32>
    %add3A_200 = arith.addf %get3A_58, %get3A_58 : vector<16xf32>
    %swap3A = arith.constant 0 : index
    %swap3A_201 = tpu.vector_load %arg15[%swap3A] {strides = array<i32>} : memref<1024xf32, #tpu.memory_space<vmem>>, vector<16xf32>,
    %swap3A_202 = vector.shape_cast %swap3A_201 : vector<16xf32> to vector<16xf32>
    %swap3A_203 = vector.shape_cast %add3A_200 : vector<16xf32> to vector<16xf32>
    tpu.vector_store %arg15[%swap3A], %swap3A_203 {strides = array<i32>} : memref<1024xf32, #tpu.memory_space<vmem>>, vector<16xf32>,
    %add3A_204 = arith.addf %get3A_106, %get3A_106 : vector<16xf32>
    %swap3A_205 = arith.constant 16 : index
    %swap3A_206 = tpu.vector_load %arg15[%swap3A_205] {strides = array<i32>} : memref<1024xf32, #tpu.memory_space<vmem>>, vector<16xf32>,
    %swap3A_207 = vector.shape_cast %swap3A_206 : vector<16xf32> to vector<16xf32>
    %swap3A_208 = vector.shape_cast %add3A_204 : vector<16xf32> to vector<16xf32>
    tpu.vector_store %arg15[%swap3A_205], %swap3A_208 {strides = array<i32>} : memref<1024xf32, #tpu.memory_space<vmem>>, vector<16xf32>,
    %add3A_209 = arith.addf %get3A_154, %get3A_154 : vector<16xf32>
    %swap3A_210 = arith.constant 32 : index
    %swap3A_211 = tpu.vector_load %arg15[%swap3A_210] {strides = array<i32>} : memref<1024xf32, #tpu.memory_space<vmem>>, vector<16xf32>,
    %swap3A_212 = vector.shape_cast %swap3A_211 : vector<16xf32> to vector<16xf32>
    %swap3A_213 = vector.shape_cast %add3A_209 : vector<16xf32> to vector<16xf32>
    tpu.vector_store %arg15[%swap3A_210], %swap3A_213 {strides = array<i32>} : memref<1024xf32, #tpu.memory_space<vmem>>, vector<16xf32>,
    %mul3A_214 = arith.mulf %get3A_58, %get3A_58 : vector<16xf32>
    %mul3A_215 = arith.mulf %get3A_106, %get3A_106 : vector<16xf32>
    %add3A_216 = arith.addf %mul3A_214, %mul3A_215 : vector<16xf32>
    %mul3A_217 = arith.mulf %get3A_154, %get3A_154 : vector<16xf32>
    %add3A_218 = arith.addf %add3A_216, %mul3A_217 : vector<16xf32>
    %swap3A_219 = arith.constant 48 : index
    %swap3A_220 = tpu.vector_load %arg15[%swap3A_219] {strides = array<i32>} : memref<1024xf32, #tpu.memory_space<vmem>>, vector<16xf32>,
    %swap3A_221 = vector.shape_cast %swap3A_220 : vector<16xf32> to vector<16xf32>
    %swap3A_222 = vector.shape_cast %add3A_218 : vector<16xf32> to vector<16xf32>
    tpu.vector_store %arg15[%swap3A_219], %swap3A_222 {strides = array<i32>} : memref<1024xf32, #tpu.memory_space<vmem>>, vector<16xf32>,
    %add3A_223 = arith.addf %get3A_61, %get3A_61 : vector<16xf32>
    %swap3A_224 = arith.constant 64 : index
    %swap3A_225 = tpu.vector_load %arg15[%swap3A_224] {strides = array<i32>} : memref<1024xf32, #tpu.memory_space<vmem>>, vector<16xf32>,
    %swap3A_226 = vector.shape_cast %swap3A_225 : vector<16xf32> to vector<16xf32>
    %swap3A_227 = vector.shape_cast %add3A_223 : vector<16xf32> to vector<16xf32>
    tpu.vector_store %arg15[%swap3A_224], %swap3A_227 {strides = array<i32>} : memref<1024xf32, #tpu.memory_space<vmem>>, vector<16xf32>,
    %add3A_228 = arith.addf %get3A_109, %get3A_109 : vector<16xf32>
    %swap3A_229 = arith.constant 80 : index
    %swap3A_230 = tpu.vector_load %arg15[%swap3A_229] {strides = array<i32>} : memref<1024xf32, #tpu.memory_space<vmem>>, vector<16xf32>,
    %swap3A_231 = vector.shape_cast %swap3A_230 : vector<16xf32> to vector<16xf32>
    %swap3A_232 = vector.shape_cast %add3A_228 : vector<16xf32> to vector<16xf32>
    tpu.vector_store %arg15[%swap3A_229], %swap3A_232 {strides = array<i32>} : memref<1024xf32, #tpu.memory_space<vmem>>, vector<16xf32>,
    %add3A_233 = arith.addf %get3A_157, %get3A_157 : vector<16xf32>
    %swap3A_234 = arith.constant 96 : index
    %swap3A_235 = tpu.vector_load %arg15[%swap3A_234] {strides = array<i32>} : memref<1024xf32, #tpu.memory_space<vmem>>, vector<16xf32>,
    %swap3A_236 = vector.shape_cast %swap3A_235 : vector<16xf32> to vector<16xf32>
    %swap3A_237 = vector.shape_cast %add3A_233 : vector<16xf32> to vector<16xf32>
    tpu.vector_store %arg15[%swap3A_234], %swap3A_237 {strides = array<i32>} : memref<1024xf32, #tpu.memory_space<vmem>>, vector<16xf32>,
    %mul3A_238 = arith.mulf %get3A_61, %get3A_61 : vector<16xf32>
    %mul3A_239 = arith.mulf %get3A_109, %get3A_109 : vector<16xf32>
    %add3A_240 = arith.addf %mul3A_238, %mul3A_239 : vector<16xf32>
    %mul3A_241 = arith.mulf %get3A_157, %get3A_157 : vector<16xf32>
    %add3A_242 = arith.addf %add3A_240, %mul3A_241 : vector<16xf32>
    %swap3A_243 = arith.constant 112 : index
    %swap3A_244 = tpu.vector_load %arg15[%swap3A_243] {strides = array<i32>} : memref<1024xf32, #tpu.memory_space<vmem>>, vector<16xf32>,
    %swap3A_245 = vector.shape_cast %swap3A_244 : vector<16xf32> to vector<16xf32>
    %swap3A_246 = vector.shape_cast %add3A_242 : vector<16xf32> to vector<16xf32>
    tpu.vector_store %arg15[%swap3A_243], %swap3A_246 {strides = array<i32>} : memref<1024xf32, #tpu.memory_space<vmem>>, vector<16xf32>,
    %add3A_247 = arith.addf %get3A_64, %get3A_64 : vector<16xf32>
    %swap3A_248 = arith.constant 128 : index
    %swap3A_249 = tpu.vector_load %arg15[%swap3A_248] {strides = array<i32>} : memref<1024xf32, #tpu.memory_space<vmem>>, vector<16xf32>,
    %swap3A_250 = vector.shape_cast %swap3A_249 : vector<16xf32> to vector<16xf32>
    %swap3A_251 = vector.shape_cast %add3A_247 : vector<16xf32> to vector<16xf32>
    tpu.vector_store %arg15[%swap3A_248], %swap3A_251 {strides = array<i32>} : memref<1024xf32, #tpu.memory_space<vmem>>, vector<16xf32>,
    %add3A_252 = arith.addf %get3A_112, %get3A_112 : vector<16xf32>
    %swap3A_253 = arith.constant 144 : index
    %swap3A_254 = tpu.vector_load %arg15[%swap3A_253] {strides = array<i32>} : memref<1024xf32, #tpu.memory_space<vmem>>, vector<16xf32>,
    %swap3A_255 = vector.shape_cast %swap3A_254 : vector<16xf32> to vector<16xf32>
    %swap3A_256 = vector.shape_cast %add3A_252 : vector<16xf32> to vector<16xf32>
    tpu.vector_store %arg15[%swap3A_253], %swap3A_256 {strides = array<i32>} : memref<1024xf32, #tpu.memory_space<vmem>>, vector<16xf32>,
    %add3A_257 = arith.addf %get3A_160, %get3A_160 : vector<16xf32>
    %swap3A_258 = arith.constant 160 : index
    %swap3A_259 = tpu.vector_load %arg15[%swap3A_258] {strides = array<i32>} : memref<1024xf32, #tpu.memory_space<vmem>>, vector<16xf32>,
    %swap3A_260 = vector.shape_cast %swap3A_259 : vector<16xf32> to vector<16xf32>
    %swap3A_261 = vector.shape_cast %add3A_257 : vector<16xf32> to vector<16xf32>
    tpu.vector_store %arg15[%swap3A_258], %swap3A_261 {strides = array<i32>} : memref<1024xf32, #tpu.memory_space<vmem>>, vector<16xf32>,
    %mul3A_262 = arith.mulf %get3A_64, %get3A_64 : vector<16xf32>
    %mul3A_263 = arith.mulf %get3A_112, %get3A_112 : vector<16xf32>
    %add3A_264 = arith.addf %mul3A_262, %mul3A_263 : vector<16xf32>
    %mul3A_265 = arith.mulf %get3A_160, %get3A_160 : vector<16xf32>
    %add3A_266 = arith.addf %add3A_264, %mul3A_265 : vector<16xf32>
    %swap3A_267 = arith.constant 176 : index
    %swap3A_268 = tpu.vector_load %arg15[%swap3A_267] {strides = array<i32>} : memref<1024xf32, #tpu.memory_space<vmem>>, vector<16xf32>,
    %swap3A_269 = vector.shape_cast %swap3A_268 : vector<16xf32> to vector<16xf32>
    %swap3A_270 = vector.shape_cast %add3A_266 : vector<16xf32> to vector<16xf32>
    tpu.vector_store %arg15[%swap3A_267], %swap3A_270 {strides = array<i32>} : memref<1024xf32, #tpu.memory_space<vmem>>, vector<16xf32>,
    %add3A_271 = arith.addf %get3A_67, %get3A_67 : vector<16xf32>
    %swap3A_272 = arith.constant 192 : index
    %swap3A_273 = tpu.vector_load %arg15[%swap3A_272] {strides = array<i32>} : memref<1024xf32, #tpu.memory_space<vmem>>, vector<16xf32>,
    %swap3A_274 = vector.shape_cast %swap3A_273 : vector<16xf32> to vector<16xf32>
    %swap3A_275 = vector.shape_cast %add3A_271 : vector<16xf32> to vector<16xf32>
    tpu.vector_store %arg15[%swap3A_272], %swap3A_275 {strides = array<i32>} : memref<1024xf32, #tpu.memory_space<vmem>>, vector<16xf32>,
    %add3A_276 = arith.addf %get3A_115, %get3A_115 : vector<16xf32>
    %swap3A_277 = arith.constant 208 : index
    %swap3A_278 = tpu.vector_load %arg15[%swap3A_277] {strides = array<i32>} : memref<1024xf32, #tpu.memory_space<vmem>>, vector<16xf32>,
    %swap3A_279 = vector.shape_cast %swap3A_278 : vector<16xf32> to vector<16xf32>
    %swap3A_280 = vector.shape_cast %add3A_276 : vector<16xf32> to vector<16xf32>
    tpu.vector_store %arg15[%swap3A_277], %swap3A_280 {strides = array<i32>} : memref<1024xf32, #tpu.memory_space<vmem>>, vector<16xf32>,
    %add3A_281 = arith.addf %get3A_163, %get3A_163 : vector<16xf32>
    %swap3A_282 = arith.constant 224 : index
    %swap3A_283 = tpu.vector_load %arg15[%swap3A_282] {strides = array<i32>} : memref<1024xf32, #tpu.memory_space<vmem>>, vector<16xf32>,
    %swap3A_284 = vector.shape_cast %swap3A_283 : vector<16xf32> to vector<16xf32>
    %swap3A_285 = vector.shape_cast %add3A_281 : vector<16xf32> to vector<16xf32>
    tpu.vector_store %arg15[%swap3A_282], %swap3A_285 {strides = array<i32>} : memref<1024xf32, #tpu.memory_space<vmem>>, vector<16xf32>,
    %mul3A_286 = arith.mulf %get3A_67, %get3A_67 : vector<16xf32>
    %mul3A_287 = arith.mulf %get3A_115, %get3A_115 : vector<16xf32>
    %add3A_288 = arith.addf %mul3A_286, %mul3A_287 : vector<16xf32>
    %mul3A_289 = arith.mulf %get3A_163, %get3A_163 : vector<16xf32>
    %add3A_290 = arith.addf %add3A_288, %mul3A_289 : vector<16xf32>
    %swap3A_291 = arith.constant 240 : index
    %swap3A_292 = tpu.vector_load %arg15[%swap3A_291] {strides = array<i32>} : memref<1024xf32, #tpu.memory_space<vmem>>, vector<16xf32>,
    %swap3A_293 = vector.shape_cast %swap3A_292 : vector<16xf32> to vector<16xf32>
    %swap3A_294 = vector.shape_cast %add3A_290 : vector<16xf32> to vector<16xf32>
    tpu.vector_store %arg15[%swap3A_291], %swap3A_294 {strides = array<i32>} : memref<1024xf32, #tpu.memory_space<vmem>>, vector<16xf32>,
    %add3A_295 = arith.addf %get3A_70, %get3A_70 : vector<16xf32>
    %swap3A_296 = arith.constant 256 : index
    %swap3A_297 = tpu.vector_load %arg15[%swap3A_296] {strides = array<i32>} : memref<1024xf32, #tpu.memory_space<vmem>>, vector<16xf32>,
    %swap3A_298 = vector.shape_cast %swap3A_297 : vector<16xf32> to vector<16xf32>
    %swap3A_299 = vector.shape_cast %add3A_295 : vector<16xf32> to vector<16xf32>
    tpu.vector_store %arg15[%swap3A_296], %swap3A_299 {strides = array<i32>} : memref<1024xf32, #tpu.memory_space<vmem>>, vector<16xf32>,
    %add3A_300 = arith.addf %get3A_118, %get3A_118 : vector<16xf32>
    %swap3A_301 = arith.constant 272 : index
    %swap3A_302 = tpu.vector_load %arg15[%swap3A_301] {strides = array<i32>} : memref<1024xf32, #tpu.memory_space<vmem>>, vector<16xf32>,
    %swap3A_303 = vector.shape_cast %swap3A_302 : vector<16xf32> to vector<16xf32>
    %swap3A_304 = vector.shape_cast %add3A_300 : vector<16xf32> to vector<16xf32>
    tpu.vector_store %arg15[%swap3A_301], %swap3A_304 {strides = array<i32>} : memref<1024xf32, #tpu.memory_space<vmem>>, vector<16xf32>,
    %add3A_305 = arith.addf %get3A_166, %get3A_166 : vector<16xf32>
    %swap3A_306 = arith.constant 288 : index
    %swap3A_307 = tpu.vector_load %arg15[%swap3A_306] {strides = array<i32>} : memref<1024xf32, #tpu.memory_space<vmem>>, vector<16xf32>,
    %swap3A_308 = vector.shape_cast %swap3A_307 : vector<16xf32> to vector<16xf32>
    %swap3A_309 = vector.shape_cast %add3A_305 : vector<16xf32> to vector<16xf32>
    tpu.vector_store %arg15[%swap3A_306], %swap3A_309 {strides = array<i32>} : memref<1024xf32, #tpu.memory_space<vmem>>, vector<16xf32>,
    %mul3A_310 = arith.mulf %get3A_70, %get3A_70 : vector<16xf32>
    %mul3A_311 = arith.mulf %get3A_118, %get3A_118 : vector<16xf32>
    %add3A_312 = arith.addf %mul3A_310, %mul3A_311 : vector<16xf32>
    %mul3A_313 = arith.mulf %get3A_166, %get3A_166 : vector<16xf32>
    %add3A_314 = arith.addf %add3A_312, %mul3A_313 : vector<16xf32>
    %swap3A_315 = arith.constant 304 : index
    %swap3A_316 = tpu.vector_load %arg15[%swap3A_315] {strides = array<i32>} : memref<1024xf32, #tpu.memory_space<vmem>>, vector<16xf32>,
    %swap3A_317 = vector.shape_cast %swap3A_316 : vector<16xf32> to vector<16xf32>
    %swap3A_318 = vector.shape_cast %add3A_314 : vector<16xf32> to vector<16xf32>
    tpu.vector_store %arg15[%swap3A_315], %swap3A_318 {strides = array<i32>} : memref<1024xf32, #tpu.memory_space<vmem>>, vector<16xf32>,
    %add3A_319 = arith.addf %get3A_73, %get3A_73 : vector<16xf32>
    %swap3A_320 = arith.constant 320 : index
    %swap3A_321 = tpu.vector_load %arg15[%swap3A_320] {strides = array<i32>} : memref<1024xf32, #tpu.memory_space<vmem>>, vector<16xf32>,
    %swap3A_322 = vector.shape_cast %swap3A_321 : vector<16xf32> to vector<16xf32>
    %swap3A_323 = vector.shape_cast %add3A_319 : vector<16xf32> to vector<16xf32>
    tpu.vector_store %arg15[%swap3A_320], %swap3A_323 {strides = array<i32>} : memref<1024xf32, #tpu.memory_space<vmem>>, vector<16xf32>,
    %add3A_324 = arith.addf %get3A_121, %get3A_121 : vector<16xf32>
    %swap3A_325 = arith.constant 336 : index
    %swap3A_326 = tpu.vector_load %arg15[%swap3A_325] {strides = array<i32>} : memref<1024xf32, #tpu.memory_space<vmem>>, vector<16xf32>,
    %swap3A_327 = vector.shape_cast %swap3A_326 : vector<16xf32> to vector<16xf32>
    %swap3A_328 = vector.shape_cast %add3A_324 : vector<16xf32> to vector<16xf32>
    tpu.vector_store %arg15[%swap3A_325], %swap3A_328 {strides = array<i32>} : memref<1024xf32, #tpu.memory_space<vmem>>, vector<16xf32>,
    %add3A_329 = arith.addf %get3A_169, %get3A_169 : vector<16xf32>
    %swap3A_330 = arith.constant 352 : index
    %swap3A_331 = tpu.vector_load %arg15[%swap3A_330] {strides = array<i32>} : memref<1024xf32, #tpu.memory_space<vmem>>, vector<16xf32>,
    %swap3A_332 = vector.shape_cast %swap3A_331 : vector<16xf32> to vector<16xf32>
    %swap3A_333 = vector.shape_cast %add3A_329 : vector<16xf32> to vector<16xf32>
    tpu.vector_store %arg15[%swap3A_330], %swap3A_333 {strides = array<i32>} : memref<1024xf32, #tpu.memory_space<vmem>>, vector<16xf32>,
    %mul3A_334 = arith.mulf %get3A_73, %get3A_73 : vector<16xf32>
    %mul3A_335 = arith.mulf %get3A_121, %get3A_121 : vector<16xf32>
    %add3A_336 = arith.addf %mul3A_334, %mul3A_335 : vector<16xf32>
    %mul3A_337 = arith.mulf %get3A_169, %get3A_169 : vector<16xf32>
    %add3A_338 = arith.addf %add3A_336, %mul3A_337 : vector<16xf32>
    %swap3A_339 = arith.constant 368 : index
    %swap3A_340 = tpu.vector_load %arg15[%swap3A_339] {strides = array<i32>} : memref<1024xf32, #tpu.memory_space<vmem>>, vector<16xf32>,
    %swap3A_341 = vector.shape_cast %swap3A_340 : vector<16xf32> to vector<16xf32>
    %swap3A_342 = vector.shape_cast %add3A_338 : vector<16xf32> to vector<16xf32>
    tpu.vector_store %arg15[%swap3A_339], %swap3A_342 {strides = array<i32>} : memref<1024xf32, #tpu.memory_space<vmem>>, vector<16xf32>,
    %add3A_343 = arith.addf %get3A_76, %get3A_76 : vector<16xf32>
    %swap3A_344 = arith.constant 384 : index
    %swap3A_345 = tpu.vector_load %arg15[%swap3A_344] {strides = array<i32>} : memref<1024xf32, #tpu.memory_space<vmem>>, vector<16xf32>,
    %swap3A_346 = vector.shape_cast %swap3A_345 : vector<16xf32> to vector<16xf32>
    %swap3A_347 = vector.shape_cast %add3A_343 : vector<16xf32> to vector<16xf32>
    tpu.vector_store %arg15[%swap3A_344], %swap3A_347 {strides = array<i32>} : memref<1024xf32, #tpu.memory_space<vmem>>, vector<16xf32>,
    %add3A_348 = arith.addf %get3A_124, %get3A_124 : vector<16xf32>
    %swap3A_349 = arith.constant 400 : index
    %swap3A_350 = tpu.vector_load %arg15[%swap3A_349] {strides = array<i32>} : memref<1024xf32, #tpu.memory_space<vmem>>, vector<16xf32>,
    %swap3A_351 = vector.shape_cast %swap3A_350 : vector<16xf32> to vector<16xf32>
    %swap3A_352 = vector.shape_cast %add3A_348 : vector<16xf32> to vector<16xf32>
    tpu.vector_store %arg15[%swap3A_349], %swap3A_352 {strides = array<i32>} : memref<1024xf32, #tpu.memory_space<vmem>>, vector<16xf32>,
    %add3A_353 = arith.addf %get3A_172, %get3A_172 : vector<16xf32>
    %swap3A_354 = arith.constant 416 : index
    %swap3A_355 = tpu.vector_load %arg15[%swap3A_354] {strides = array<i32>} : memref<1024xf32, #tpu.memory_space<vmem>>, vector<16xf32>,
    %swap3A_356 = vector.shape_cast %swap3A_355 : vector<16xf32> to vector<16xf32>
    %swap3A_357 = vector.shape_cast %add3A_353 : vector<16xf32> to vector<16xf32>
    tpu.vector_store %arg15[%swap3A_354], %swap3A_357 {strides = array<i32>} : memref<1024xf32, #tpu.memory_space<vmem>>, vector<16xf32>,
    %mul3A_358 = arith.mulf %get3A_76, %get3A_76 : vector<16xf32>
    %mul3A_359 = arith.mulf %get3A_124, %get3A_124 : vector<16xf32>
    %add3A_360 = arith.addf %mul3A_358, %mul3A_359 : vector<16xf32>
    %mul3A_361 = arith.mulf %get3A_172, %get3A_172 : vector<16xf32>
    %add3A_362 = arith.addf %add3A_360, %mul3A_361 : vector<16xf32>
    %swap3A_363 = arith.constant 432 : index
    %swap3A_364 = tpu.vector_load %arg15[%swap3A_363] {strides = array<i32>} : memref<1024xf32, #tpu.memory_space<vmem>>, vector<16xf32>,
    %swap3A_365 = vector.shape_cast %swap3A_364 : vector<16xf32> to vector<16xf32>
    %swap3A_366 = vector.shape_cast %add3A_362 : vector<16xf32> to vector<16xf32>
    tpu.vector_store %arg15[%swap3A_363], %swap3A_366 {strides = array<i32>} : memref<1024xf32, #tpu.memory_space<vmem>>, vector<16xf32>,
    %add3A_367 = arith.addf %get3A_79, %get3A_79 : vector<16xf32>
    %swap3A_368 = arith.constant 448 : index
    %swap3A_369 = tpu.vector_load %arg15[%swap3A_368] {strides = array<i32>} : memref<1024xf32, #tpu.memory_space<vmem>>, vector<16xf32>,
    %swap3A_370 = vector.shape_cast %swap3A_369 : vector<16xf32> to vector<16xf32>
    %swap3A_371 = vector.shape_cast %add3A_367 : vector<16xf32> to vector<16xf32>
    tpu.vector_store %arg15[%swap3A_368], %swap3A_371 {strides = array<i32>} : memref<1024xf32, #tpu.memory_space<vmem>>, vector<16xf32>,
    %add3A_372 = arith.addf %get3A_127, %get3A_127 : vector<16xf32>
    %swap3A_373 = arith.constant 464 : index
    %swap3A_374 = tpu.vector_load %arg15[%swap3A_373] {strides = array<i32>} : memref<1024xf32, #tpu.memory_space<vmem>>, vector<16xf32>,
    %swap3A_375 = vector.shape_cast %swap3A_374 : vector<16xf32> to vector<16xf32>
    %swap3A_376 = vector.shape_cast %add3A_372 : vector<16xf32> to vector<16xf32>
    tpu.vector_store %arg15[%swap3A_373], %swap3A_376 {strides = array<i32>} : memref<1024xf32, #tpu.memory_space<vmem>>, vector<16xf32>,
    %add3A_377 = arith.addf %get3A_175, %get3A_175 : vector<16xf32>
    %swap3A_378 = arith.constant 480 : index
    %swap3A_379 = tpu.vector_load %arg15[%swap3A_378] {strides = array<i32>} : memref<1024xf32, #tpu.memory_space<vmem>>, vector<16xf32>,
    %swap3A_380 = vector.shape_cast %swap3A_379 : vector<16xf32> to vector<16xf32>
    %swap3A_381 = vector.shape_cast %add3A_377 : vector<16xf32> to vector<16xf32>
    tpu.vector_store %arg15[%swap3A_378], %swap3A_381 {strides = array<i32>} : memref<1024xf32, #tpu.memory_space<vmem>>, vector<16xf32>,
    %mul3A_382 = arith.mulf %get3A_79, %get3A_79 : vector<16xf32>
    %mul3A_383 = arith.mulf %get3A_127, %get3A_127 : vector<16xf32>
    %add3A_384 = arith.addf %mul3A_382, %mul3A_383 : vector<16xf32>
    %mul3A_385 = arith.mulf %get3A_175, %get3A_175 : vector<16xf32>
    %add3A_386 = arith.addf %add3A_384, %mul3A_385 : vector<16xf32>
    %swap3A_387 = arith.constant 496 : index
    %swap3A_388 = tpu.vector_load %arg15[%swap3A_387] {strides = array<i32>} : memref<1024xf32, #tpu.memory_space<vmem>>, vector<16xf32>,
    %swap3A_389 = vector.shape_cast %swap3A_388 : vector<16xf32> to vector<16xf32>
    %swap3A_390 = vector.shape_cast %add3A_386 : vector<16xf32> to vector<16xf32>
    tpu.vector_store %arg15[%swap3A_387], %swap3A_390 {strides = array<i32>} : memref<1024xf32, #tpu.memory_space<vmem>>, vector<16xf32>,
    %add3A_391 = arith.addf %get3A_82, %get3A_82 : vector<16xf32>
    %swap3A_392 = arith.constant 512 : index
    %swap3A_393 = tpu.vector_load %arg15[%swap3A_392] {strides = array<i32>} : memref<1024xf32, #tpu.memory_space<vmem>>, vector<16xf32>,
    %swap3A_394 = vector.shape_cast %swap3A_393 : vector<16xf32> to vector<16xf32>
    %swap3A_395 = vector.shape_cast %add3A_391 : vector<16xf32> to vector<16xf32>
    tpu.vector_store %arg15[%swap3A_392], %swap3A_395 {strides = array<i32>} : memref<1024xf32, #tpu.memory_space<vmem>>, vector<16xf32>,
    %add3A_396 = arith.addf %get3A_130, %get3A_130 : vector<16xf32>
    %swap3A_397 = arith.constant 528 : index
    %swap3A_398 = tpu.vector_load %arg15[%swap3A_397] {strides = array<i32>} : memref<1024xf32, #tpu.memory_space<vmem>>, vector<16xf32>,
    %swap3A_399 = vector.shape_cast %swap3A_398 : vector<16xf32> to vector<16xf32>
    %swap3A_400 = vector.shape_cast %add3A_396 : vector<16xf32> to vector<16xf32>
    tpu.vector_store %arg15[%swap3A_397], %swap3A_400 {strides = array<i32>} : memref<1024xf32, #tpu.memory_space<vmem>>, vector<16xf32>,
    %add3A_401 = arith.addf %get3A_178, %get3A_178 : vector<16xf32>
    %swap3A_402 = arith.constant 544 : index
    %swap3A_403 = tpu.vector_load %arg15[%swap3A_402] {strides = array<i32>} : memref<1024xf32, #tpu.memory_space<vmem>>, vector<16xf32>,
    %swap3A_404 = vector.shape_cast %swap3A_403 : vector<16xf32> to vector<16xf32>
    %swap3A_405 = vector.shape_cast %add3A_401 : vector<16xf32> to vector<16xf32>
    tpu.vector_store %arg15[%swap3A_402], %swap3A_405 {strides = array<i32>} : memref<1024xf32, #tpu.memory_space<vmem>>, vector<16xf32>,
    %mul3A_406 = arith.mulf %get3A_82, %get3A_82 : vector<16xf32>
    %mul3A_407 = arith.mulf %get3A_130, %get3A_130 : vector<16xf32>
    %add3A_408 = arith.addf %mul3A_406, %mul3A_407 : vector<16xf32>
    %mul3A_409 = arith.mulf %get3A_178, %get3A_178 : vector<16xf32>
    %add3A_410 = arith.addf %add3A_408, %mul3A_409 : vector<16xf32>
    %swap3A_411 = arith.constant 560 : index
    %swap3A_412 = tpu.vector_load %arg15[%swap3A_411] {strides = array<i32>} : memref<1024xf32, #tpu.memory_space<vmem>>, vector<16xf32>,
    %swap3A_413 = vector.shape_cast %swap3A_412 : vector<16xf32> to vector<16xf32>
    %swap3A_414 = vector.shape_cast %add3A_410 : vector<16xf32> to vector<16xf32>
    tpu.vector_store %arg15[%swap3A_411], %swap3A_414 {strides = array<i32>} : memref<1024xf32, #tpu.memory_space<vmem>>, vector<16xf32>,
    %add3A_415 = arith.addf %get3A_85, %get3A_85 : vector<16xf32>
    %swap3A_416 = arith.constant 576 : index
    %swap3A_417 = tpu.vector_load %arg15[%swap3A_416] {strides = array<i32>} : memref<1024xf32, #tpu.memory_space<vmem>>, vector<16xf32>,
    %swap3A_418 = vector.shape_cast %swap3A_417 : vector<16xf32> to vector<16xf32>
    %swap3A_419 = vector.shape_cast %add3A_415 : vector<16xf32> to vector<16xf32>
    tpu.vector_store %arg15[%swap3A_416], %swap3A_419 {strides = array<i32>} : memref<1024xf32, #tpu.memory_space<vmem>>, vector<16xf32>,
    %add3A_420 = arith.addf %get3A_133, %get3A_133 : vector<16xf32>
    %swap3A_421 = arith.constant 592 : index
    %swap3A_422 = tpu.vector_load %arg15[%swap3A_421] {strides = array<i32>} : memref<1024xf32, #tpu.memory_space<vmem>>, vector<16xf32>,
    %swap3A_423 = vector.shape_cast %swap3A_422 : vector<16xf32> to vector<16xf32>
    %swap3A_424 = vector.shape_cast %add3A_420 : vector<16xf32> to vector<16xf32>
    tpu.vector_store %arg15[%swap3A_421], %swap3A_424 {strides = array<i32>} : memref<1024xf32, #tpu.memory_space<vmem>>, vector<16xf32>,
    %add3A_425 = arith.addf %get3A_181, %get3A_181 : vector<16xf32>
    %swap3A_426 = arith.constant 608 : index
    %swap3A_427 = tpu.vector_load %arg15[%swap3A_426] {strides = array<i32>} : memref<1024xf32, #tpu.memory_space<vmem>>, vector<16xf32>,
    %swap3A_428 = vector.shape_cast %swap3A_427 : vector<16xf32> to vector<16xf32>
    %swap3A_429 = vector.shape_cast %add3A_425 : vector<16xf32> to vector<16xf32>
    tpu.vector_store %arg15[%swap3A_426], %swap3A_429 {strides = array<i32>} : memref<1024xf32, #tpu.memory_space<vmem>>, vector<16xf32>,
    %mul3A_430 = arith.mulf %get3A_85, %get3A_85 : vector<16xf32>
    %mul3A_431 = arith.mulf %get3A_133, %get3A_133 : vector<16xf32>
    %add3A_432 = arith.addf %mul3A_430, %mul3A_431 : vector<16xf32>
    %mul3A_433 = arith.mulf %get3A_181, %get3A_181 : vector<16xf32>
    %add3A_434 = arith.addf %add3A_432, %mul3A_433 : vector<16xf32>
    %swap3A_435 = arith.constant 624 : index
    %swap3A_436 = tpu.vector_load %arg15[%swap3A_435] {strides = array<i32>} : memref<1024xf32, #tpu.memory_space<vmem>>, vector<16xf32>,
    %swap3A_437 = vector.shape_cast %swap3A_436 : vector<16xf32> to vector<16xf32>
    %swap3A_438 = vector.shape_cast %add3A_434 : vector<16xf32> to vector<16xf32>
    tpu.vector_store %arg15[%swap3A_435], %swap3A_438 {strides = array<i32>} : memref<1024xf32, #tpu.memory_space<vmem>>, vector<16xf32>,
    %add3A_439 = arith.addf %get3A_88, %get3A_88 : vector<16xf32>
    %swap3A_440 = arith.constant 640 : index
    %swap3A_441 = tpu.vector_load %arg15[%swap3A_440] {strides = array<i32>} : memref<1024xf32, #tpu.memory_space<vmem>>, vector<16xf32>,
    %swap3A_442 = vector.shape_cast %swap3A_441 : vector<16xf32> to vector<16xf32>
    %swap3A_443 = vector.shape_cast %add3A_439 : vector<16xf32> to vector<16xf32>
    tpu.vector_store %arg15[%swap3A_440], %swap3A_443 {strides = array<i32>} : memref<1024xf32, #tpu.memory_space<vmem>>, vector<16xf32>,
    %add3A_444 = arith.addf %get3A_136, %get3A_136 : vector<16xf32>
    %swap3A_445 = arith.constant 656 : index
    %swap3A_446 = tpu.vector_load %arg15[%swap3A_445] {strides = array<i32>} : memref<1024xf32, #tpu.memory_space<vmem>>, vector<16xf32>,
    %swap3A_447 = vector.shape_cast %swap3A_446 : vector<16xf32> to vector<16xf32>
    %swap3A_448 = vector.shape_cast %add3A_444 : vector<16xf32> to vector<16xf32>
    tpu.vector_store %arg15[%swap3A_445], %swap3A_448 {strides = array<i32>} : memref<1024xf32, #tpu.memory_space<vmem>>, vector<16xf32>,
    %add3A_449 = arith.addf %get3A_184, %get3A_184 : vector<16xf32>
    %swap3A_450 = arith.constant 672 : index
    %swap3A_451 = tpu.vector_load %arg15[%swap3A_450] {strides = array<i32>} : memref<1024xf32, #tpu.memory_space<vmem>>, vector<16xf32>,
    %swap3A_452 = vector.shape_cast %swap3A_451 : vector<16xf32> to vector<16xf32>
    %swap3A_453 = vector.shape_cast %add3A_449 : vector<16xf32> to vector<16xf32>
    tpu.vector_store %arg15[%swap3A_450], %swap3A_453 {strides = array<i32>} : memref<1024xf32, #tpu.memory_space<vmem>>, vector<16xf32>,
    %mul3A_454 = arith.mulf %get3A_88, %get3A_88 : vector<16xf32>
    %mul3A_455 = arith.mulf %get3A_136, %get3A_136 : vector<16xf32>
    %add3A_456 = arith.addf %mul3A_454, %mul3A_455 : vector<16xf32>
    %mul3A_457 = arith.mulf %get3A_184, %get3A_184 : vector<16xf32>
    %add3A_458 = arith.addf %add3A_456, %mul3A_457 : vector<16xf32>
    %swap3A_459 = arith.constant 688 : index
    %swap3A_460 = tpu.vector_load %arg15[%swap3A_459] {strides = array<i32>} : memref<1024xf32, #tpu.memory_space<vmem>>, vector<16xf32>,
    %swap3A_461 = vector.shape_cast %swap3A_460 : vector<16xf32> to vector<16xf32>
    %swap3A_462 = vector.shape_cast %add3A_458 : vector<16xf32> to vector<16xf32>
    tpu.vector_store %arg15[%swap3A_459], %swap3A_462 {strides = array<i32>} : memref<1024xf32, #tpu.memory_space<vmem>>, vector<16xf32>,
    %add3A_463 = arith.addf %get3A_91, %get3A_91 : vector<16xf32>
    %swap3A_464 = arith.constant 704 : index
    %swap3A_465 = tpu.vector_load %arg15[%swap3A_464] {strides = array<i32>} : memref<1024xf32, #tpu.memory_space<vmem>>, vector<16xf32>,
    %swap3A_466 = vector.shape_cast %swap3A_465 : vector<16xf32> to vector<16xf32>
    %swap3A_467 = vector.shape_cast %add3A_463 : vector<16xf32> to vector<16xf32>
    tpu.vector_store %arg15[%swap3A_464], %swap3A_467 {strides = array<i32>} : memref<1024xf32, #tpu.memory_space<vmem>>, vector<16xf32>,
    %add3A_468 = arith.addf %get3A_139, %get3A_139 : vector<16xf32>
    %swap3A_469 = arith.constant 720 : index
    %swap3A_470 = tpu.vector_load %arg15[%swap3A_469] {strides = array<i32>} : memref<1024xf32, #tpu.memory_space<vmem>>, vector<16xf32>,
    %swap3A_471 = vector.shape_cast %swap3A_470 : vector<16xf32> to vector<16xf32>
    %swap3A_472 = vector.shape_cast %add3A_468 : vector<16xf32> to vector<16xf32>
    tpu.vector_store %arg15[%swap3A_469], %swap3A_472 {strides = array<i32>} : memref<1024xf32, #tpu.memory_space<vmem>>, vector<16xf32>,
    %add3A_473 = arith.addf %get3A_187, %get3A_187 : vector<16xf32>
    %swap3A_474 = arith.constant 736 : index
    %swap3A_475 = tpu.vector_load %arg15[%swap3A_474] {strides = array<i32>} : memref<1024xf32, #tpu.memory_space<vmem>>, vector<16xf32>,
    %swap3A_476 = vector.shape_cast %swap3A_475 : vector<16xf32> to vector<16xf32>
    %swap3A_477 = vector.shape_cast %add3A_473 : vector<16xf32> to vector<16xf32>
    tpu.vector_store %arg15[%swap3A_474], %swap3A_477 {strides = array<i32>} : memref<1024xf32, #tpu.memory_space<vmem>>, vector<16xf32>,
    %mul3A_478 = arith.mulf %get3A_91, %get3A_91 : vector<16xf32>
    %mul3A_479 = arith.mulf %get3A_139, %get3A_139 : vector<16xf32>
    %add3A_480 = arith.addf %mul3A_478, %mul3A_479 : vector<16xf32>
    %mul3A_481 = arith.mulf %get3A_187, %get3A_187 : vector<16xf32>
    %add3A_482 = arith.addf %add3A_480, %mul3A_481 : vector<16xf32>
    %swap3A_483 = arith.constant 752 : index
    %swap3A_484 = tpu.vector_load %arg15[%swap3A_483] {strides = array<i32>} : memref<1024xf32, #tpu.memory_space<vmem>>, vector<16xf32>,
    %swap3A_485 = vector.shape_cast %swap3A_484 : vector<16xf32> to vector<16xf32>
    %swap3A_486 = vector.shape_cast %add3A_482 : vector<16xf32> to vector<16xf32>
    tpu.vector_store %arg15[%swap3A_483], %swap3A_486 {strides = array<i32>} : memref<1024xf32, #tpu.memory_space<vmem>>, vector<16xf32>,
    %add3A_487 = arith.addf %get3A_94, %get3A_94 : vector<16xf32>
    %swap3A_488 = arith.constant 768 : index
    %swap3A_489 = tpu.vector_load %arg15[%swap3A_488] {strides = array<i32>} : memref<1024xf32, #tpu.memory_space<vmem>>, vector<16xf32>,
    %swap3A_490 = vector.shape_cast %swap3A_489 : vector<16xf32> to vector<16xf32>
    %swap3A_491 = vector.shape_cast %add3A_487 : vector<16xf32> to vector<16xf32>
    tpu.vector_store %arg15[%swap3A_488], %swap3A_491 {strides = array<i32>} : memref<1024xf32, #tpu.memory_space<vmem>>, vector<16xf32>,
    %add3A_492 = arith.addf %get3A_142, %get3A_142 : vector<16xf32>
    %swap3A_493 = arith.constant 784 : index
    %swap3A_494 = tpu.vector_load %arg15[%swap3A_493] {strides = array<i32>} : memref<1024xf32, #tpu.memory_space<vmem>>, vector<16xf32>,
    %swap3A_495 = vector.shape_cast %swap3A_494 : vector<16xf32> to vector<16xf32>
    %swap3A_496 = vector.shape_cast %add3A_492 : vector<16xf32> to vector<16xf32>
    tpu.vector_store %arg15[%swap3A_493], %swap3A_496 {strides = array<i32>} : memref<1024xf32, #tpu.memory_space<vmem>>, vector<16xf32>,
    %add3A_497 = arith.addf %get3A_190, %get3A_190 : vector<16xf32>
    %swap3A_498 = arith.constant 800 : index
    %swap3A_499 = tpu.vector_load %arg15[%swap3A_498] {strides = array<i32>} : memref<1024xf32, #tpu.memory_space<vmem>>, vector<16xf32>,
    %swap3A_500 = vector.shape_cast %swap3A_499 : vector<16xf32> to vector<16xf32>
    %swap3A_501 = vector.shape_cast %add3A_497 : vector<16xf32> to vector<16xf32>
    tpu.vector_store %arg15[%swap3A_498], %swap3A_501 {strides = array<i32>} : memref<1024xf32, #tpu.memory_space<vmem>>, vector<16xf32>,
    %mul3A_502 = arith.mulf %get3A_94, %get3A_94 : vector<16xf32>
    %mul3A_503 = arith.mulf %get3A_142, %get3A_142 : vector<16xf32>
    %add3A_504 = arith.addf %mul3A_502, %mul3A_503 : vector<16xf32>
    %mul3A_505 = arith.mulf %get3A_190, %get3A_190 : vector<16xf32>
    %add3A_506 = arith.addf %add3A_504, %mul3A_505 : vector<16xf32>
    %swap3A_507 = arith.constant 816 : index
    %swap3A_508 = tpu.vector_load %arg15[%swap3A_507] {strides = array<i32>} : memref<1024xf32, #tpu.memory_space<vmem>>, vector<16xf32>,
    %swap3A_509 = vector.shape_cast %swap3A_508 : vector<16xf32> to vector<16xf32>
    %swap3A_510 = vector.shape_cast %add3A_506 : vector<16xf32> to vector<16xf32>
    tpu.vector_store %arg15[%swap3A_507], %swap3A_510 {strides = array<i32>} : memref<1024xf32, #tpu.memory_space<vmem>>, vector<16xf32>,
    %add3A_511 = arith.addf %get3A_97, %get3A_97 : vector<16xf32>
    %swap3A_512 = arith.constant 832 : index
    %swap3A_513 = tpu.vector_load %arg15[%swap3A_512] {strides = array<i32>} : memref<1024xf32, #tpu.memory_space<vmem>>, vector<16xf32>,
    %swap3A_514 = vector.shape_cast %swap3A_513 : vector<16xf32> to vector<16xf32>
    %swap3A_515 = vector.shape_cast %add3A_511 : vector<16xf32> to vector<16xf32>
    tpu.vector_store %arg15[%swap3A_512], %swap3A_515 {strides = array<i32>} : memref<1024xf32, #tpu.memory_space<vmem>>, vector<16xf32>,
    %add3A_516 = arith.addf %get3A_145, %get3A_145 : vector<16xf32>
    %swap3A_517 = arith.constant 848 : index
    %swap3A_518 = tpu.vector_load %arg15[%swap3A_517] {strides = array<i32>} : memref<1024xf32, #tpu.memory_space<vmem>>, vector<16xf32>,
    %swap3A_519 = vector.shape_cast %swap3A_518 : vector<16xf32> to vector<16xf32>
    %swap3A_520 = vector.shape_cast %add3A_516 : vector<16xf32> to vector<16xf32>
    tpu.vector_store %arg15[%swap3A_517], %swap3A_520 {strides = array<i32>} : memref<1024xf32, #tpu.memory_space<vmem>>, vector<16xf32>,
    %add3A_521 = arith.addf %get3A_193, %get3A_193 : vector<16xf32>
    %swap3A_522 = arith.constant 864 : index
    %swap3A_523 = tpu.vector_load %arg15[%swap3A_522] {strides = array<i32>} : memref<1024xf32, #tpu.memory_space<vmem>>, vector<16xf32>,
    %swap3A_524 = vector.shape_cast %swap3A_523 : vector<16xf32> to vector<16xf32>
    %swap3A_525 = vector.shape_cast %add3A_521 : vector<16xf32> to vector<16xf32>
    tpu.vector_store %arg15[%swap3A_522], %swap3A_525 {strides = array<i32>} : memref<1024xf32, #tpu.memory_space<vmem>>, vector<16xf32>,
    %mul3A_526 = arith.mulf %get3A_97, %get3A_97 : vector<16xf32>
    %mul3A_527 = arith.mulf %get3A_145, %get3A_145 : vector<16xf32>
    %add3A_528 = arith.addf %mul3A_526, %mul3A_527 : vector<16xf32>
    %mul3A_529 = arith.mulf %get3A_193, %get3A_193 : vector<16xf32>
    %add3A_530 = arith.addf %add3A_528, %mul3A_529 : vector<16xf32>
    %swap3A_531 = arith.constant 880 : index
    %swap3A_532 = tpu.vector_load %arg15[%swap3A_531] {strides = array<i32>} : memref<1024xf32, #tpu.memory_space<vmem>>, vector<16xf32>,
    %swap3A_533 = vector.shape_cast %swap3A_532 : vector<16xf32> to vector<16xf32>
    %swap3A_534 = vector.shape_cast %add3A_530 : vector<16xf32> to vector<16xf32>
    tpu.vector_store %arg15[%swap3A_531], %swap3A_534 {strides = array<i32>} : memref<1024xf32, #tpu.memory_space<vmem>>, vector<16xf32>,
    %add3A_535 = arith.addf %get3A_100, %get3A_100 : vector<16xf32>
    %swap3A_536 = arith.constant 896 : index
    %swap3A_537 = tpu.vector_load %arg15[%swap3A_536] {strides = array<i32>} : memref<1024xf32, #tpu.memory_space<vmem>>, vector<16xf32>,
    %swap3A_538 = vector.shape_cast %swap3A_537 : vector<16xf32> to vector<16xf32>
    %swap3A_539 = vector.shape_cast %add3A_535 : vector<16xf32> to vector<16xf32>
    tpu.vector_store %arg15[%swap3A_536], %swap3A_539 {strides = array<i32>} : memref<1024xf32, #tpu.memory_space<vmem>>, vector<16xf32>,
    %add3A_540 = arith.addf %get3A_148, %get3A_148 : vector<16xf32>
    %swap3A_541 = arith.constant 912 : index
    %swap3A_542 = tpu.vector_load %arg15[%swap3A_541] {strides = array<i32>} : memref<1024xf32, #tpu.memory_space<vmem>>, vector<16xf32>,
    %swap3A_543 = vector.shape_cast %swap3A_542 : vector<16xf32> to vector<16xf32>
    %swap3A_544 = vector.shape_cast %add3A_540 : vector<16xf32> to vector<16xf32>
    tpu.vector_store %arg15[%swap3A_541], %swap3A_544 {strides = array<i32>} : memref<1024xf32, #tpu.memory_space<vmem>>, vector<16xf32>,
    %add3A_545 = arith.addf %get3A_196, %get3A_196 : vector<16xf32>
    %swap3A_546 = arith.constant 928 : index
    %swap3A_547 = tpu.vector_load %arg15[%swap3A_546] {strides = array<i32>} : memref<1024xf32, #tpu.memory_space<vmem>>, vector<16xf32>,
    %swap3A_548 = vector.shape_cast %swap3A_547 : vector<16xf32> to vector<16xf32>
    %swap3A_549 = vector.shape_cast %add3A_545 : vector<16xf32> to vector<16xf32>
    tpu.vector_store %arg15[%swap3A_546], %swap3A_549 {strides = array<i32>} : memref<1024xf32, #tpu.memory_space<vmem>>, vector<16xf32>,
    %mul3A_550 = arith.mulf %get3A_100, %get3A_100 : vector<16xf32>
    %mul3A_551 = arith.mulf %get3A_148, %get3A_148 : vector<16xf32>
    %add3A_552 = arith.addf %mul3A_550, %mul3A_551 : vector<16xf32>
    %mul3A_553 = arith.mulf %get3A_196, %get3A_196 : vector<16xf32>
    %add3A_554 = arith.addf %add3A_552, %mul3A_553 : vector<16xf32>
    %swap3A_555 = arith.constant 944 : index
    %swap3A_556 = tpu.vector_load %arg15[%swap3A_555] {strides = array<i32>} : memref<1024xf32, #tpu.memory_space<vmem>>, vector<16xf32>,
    %swap3A_557 = vector.shape_cast %swap3A_556 : vector<16xf32> to vector<16xf32>
    %swap3A_558 = vector.shape_cast %add3A_554 : vector<16xf32> to vector<16xf32>
    tpu.vector_store %arg15[%swap3A_555], %swap3A_558 {strides = array<i32>} : memref<1024xf32, #tpu.memory_space<vmem>>, vector<16xf32>,
    %add3A_559 = arith.addf %get3A_103, %get3A_103 : vector<16xf32>
    %swap3A_560 = arith.constant 960 : index
    %swap3A_561 = tpu.vector_load %arg15[%swap3A_560] {strides = array<i32>} : memref<1024xf32, #tpu.memory_space<vmem>>, vector<16xf32>,
    %swap3A_562 = vector.shape_cast %swap3A_561 : vector<16xf32> to vector<16xf32>
    %swap3A_563 = vector.shape_cast %add3A_559 : vector<16xf32> to vector<16xf32>
    tpu.vector_store %arg15[%swap3A_560], %swap3A_563 {strides = array<i32>} : memref<1024xf32, #tpu.memory_space<vmem>>, vector<16xf32>,
    %add3A_564 = arith.addf %get3A_151, %get3A_151 : vector<16xf32>
    %swap3A_565 = arith.constant 976 : index
    %swap3A_566 = tpu.vector_load %arg15[%swap3A_565] {strides = array<i32>} : memref<1024xf32, #tpu.memory_space<vmem>>, vector<16xf32>,
    %swap3A_567 = vector.shape_cast %swap3A_566 : vector<16xf32> to vector<16xf32>
    %swap3A_568 = vector.shape_cast %add3A_564 : vector<16xf32> to vector<16xf32>
    tpu.vector_store %arg15[%swap3A_565], %swap3A_568 {strides = array<i32>} : memref<1024xf32, #tpu.memory_space<vmem>>, vector<16xf32>,
    %add3A_569 = arith.addf %get3A_199, %get3A_199 : vector<16xf32>
    %swap3A_570 = arith.constant 992 : index
    %swap3A_571 = tpu.vector_load %arg15[%swap3A_570] {strides = array<i32>} : memref<1024xf32, #tpu.memory_space<vmem>>, vector<16xf32>,
    %swap3A_572 = vector.shape_cast %swap3A_571 : vector<16xf32> to vector<16xf32>
    %swap3A_573 = vector.shape_cast %add3A_569 : vector<16xf32> to vector<16xf32>
    tpu.vector_store %arg15[%swap3A_570], %swap3A_573 {strides = array<i32>} : memref<1024xf32, #tpu.memory_space<vmem>>, vector<16xf32>,
    %mul3A_574 = arith.mulf %get3A_103, %get3A_103 : vector<16xf32>
    %mul3A_575 = arith.mulf %get3A_151, %get3A_151 : vector<16xf32>
    %add3A_576 = arith.addf %mul3A_574, %mul3A_575 : vector<16xf32>
    %mul3A_577 = arith.mulf %get3A_199, %get3A_199 : vector<16xf32>
    %add3A_578 = arith.addf %add3A_576, %mul3A_577 : vector<16xf32>
    %swap3A_579 = arith.constant 1008 : index
    %swap3A_580 = tpu.vector_load %arg15[%swap3A_579] {strides = array<i32>} : memref<1024xf32, #tpu.memory_space<vmem>>, vector<16xf32>,
    %swap3A_581 = vector.shape_cast %swap3A_580 : vector<16xf32> to vector<16xf32>
    %swap3A_582 = vector.shape_cast %add3A_578 : vector<16xf32> to vector<16xf32>
    tpu.vector_store %arg15[%swap3A_579], %swap3A_582 {strides = array<i32>} : memref<1024xf32, #tpu.memory_space<vmem>>, vector<16xf32>,
    %broadcast_in_dim3A = arith.constant 0.000000e+00 : f32
    %broadcast_in_dim3A_583 = vector.broadcast %broadcast_in_dim3A : f32 to vector<16xf32>
    %broadcast_in_dim3A_584 = arith.constant 0.000000e+00 : f32
    %broadcast_in_dim3A_585 = vector.broadcast %broadcast_in_dim3A_584 : f32 to vector<16xf32>
    %dma_wait3A = tpu.memref_slice %arg2[%add3A_41] : memref<3538944xf32, #tpu.memory_space<hbm>> -> memref<12288xf32, #tpu.memory_space<hbm>>
    %dma_wait3A_586 = tpu.memref_slice %arg2[%add3A_41] : memref<3538944xf32, #tpu.memory_space<hbm>> -> memref<12288xf32, #tpu.memory_space<hbm>>
    tpu.wait_dma2 semaphore(%arg18 : memref<!tpu.dma_semaphore, #tpu.memory_space<semaphore_mem>>) src(%dma_wait3A_586 : memref<12288xf32, #tpu.memory_space<hbm>>) dst(%arg7 : memref<12288xf32, #tpu.memory_space<vmem>>)
    %dma_wait3A_587 = tpu.memref_slice %arg2[%add3A_44] : memref<3538944xf32, #tpu.memory_space<hbm>> -> memref<12288xf32, #tpu.memory_space<hbm>>
    %dma_wait3A_588 = tpu.memref_slice %arg2[%add3A_44] : memref<3538944xf32, #tpu.memory_space<hbm>> -> memref<12288xf32, #tpu.memory_space<hbm>>
    tpu.wait_dma2 semaphore(%arg18 : memref<!tpu.dma_semaphore, #tpu.memory_space<semaphore_mem>>) src(%dma_wait3A_588 : memref<12288xf32, #tpu.memory_space<hbm>>) dst(%arg8 : memref<12288xf32, #tpu.memory_space<vmem>>)
    %dma_wait3A_589 = tpu.memref_slice %arg2[%add3A_48] : memref<3538944xf32, #tpu.memory_space<hbm>> -> memref<12288xf32, #tpu.memory_space<hbm>>
    %dma_wait3A_590 = tpu.memref_slice %arg2[%add3A_48] : memref<3538944xf32, #tpu.memory_space<hbm>> -> memref<12288xf32, #tpu.memory_space<hbm>>
    tpu.wait_dma2 semaphore(%arg18 : memref<!tpu.dma_semaphore, #tpu.memory_space<semaphore_mem>>) src(%dma_wait3A_590 : memref<12288xf32, #tpu.memory_space<hbm>>) dst(%arg9 : memref<12288xf32, #tpu.memory_space<vmem>>)
    %add3A_591 = arith.constant 12288 : i32
    %add3A_592 = arith.addi %add3A_37, %add3A_591 : i32
    %add3A_593 = arith.constant 0 : i32
    %add3A_594 = arith.addi %add3A_592, %add3A_593 : i32
    %dma_start3A_595 = tpu.memref_slice %arg2[%add3A_594] : memref<3538944xf32, #tpu.memory_space<hbm>> -> memref<12288xf32, #tpu.memory_space<hbm>>
    %dma_start3A_596 = tpu.memref_slice %arg2[%add3A_594] : memref<3538944xf32, #tpu.memory_space<hbm>> -> memref<12288xf32, #tpu.memory_space<hbm>>
    tpu.enqueue_dma source(%dma_start3A_596 : memref<12288xf32, #tpu.memory_space<hbm>>) target(%arg10 : memref<12288xf32, #tpu.memory_space<vmem>>) target_semaphore(%arg19 : memref<!tpu.dma_semaphore, #tpu.memory_space<semaphore_mem>>)
    %add3A_597 = arith.constant 147456 : i32
    %add3A_598 = arith.addi %add3A_592, %add3A_597 : i32
    %dma_start3A_599 = tpu.memref_slice %arg2[%add3A_598] : memref<3538944xf32, #tpu.memory_space<hbm>> -> memref<12288xf32, #tpu.memory_space<hbm>>
    %dma_start3A_600 = tpu.memref_slice %arg2[%add3A_598] : memref<3538944xf32, #tpu.memory_space<hbm>> -> memref<12288xf32, #tpu.memory_space<hbm>>
    tpu.enqueue_dma source(%dma_start3A_600 : memref<12288xf32, #tpu.memory_space<hbm>>) target(%arg11 : memref<12288xf32, #tpu.memory_space<vmem>>) target_semaphore(%arg19 : memref<!tpu.dma_semaphore, #tpu.memory_space<semaphore_mem>>)
    %add3A_601 = arith.constant 294912 : i32
    %add3A_602 = arith.addi %add3A_592, %add3A_601 : i32
    %dma_start3A_603 = tpu.memref_slice %arg2[%add3A_602] : memref<3538944xf32, #tpu.memory_space<hbm>> -> memref<12288xf32, #tpu.memory_space<hbm>>
    %dma_start3A_604 = tpu.memref_slice %arg2[%add3A_602] : memref<3538944xf32, #tpu.memory_space<hbm>> -> memref<12288xf32, #tpu.memory_space<hbm>>
    tpu.enqueue_dma source(%dma_start3A_604 : memref<12288xf32, #tpu.memory_space<hbm>>) target(%arg12 : memref<12288xf32, #tpu.memory_space<vmem>>) target_semaphore(%arg19 : memref<!tpu.dma_semaphore, #tpu.memory_space<semaphore_mem>>)
    %get3A_605 = arith.constant 0 : index
    %get3A_606 = tpu.vector_load %arg15[%get3A_605] {strides = array<i32>} : memref<1024xf32, #tpu.memory_space<vmem>>, vector<16xf32>,
    %get3A_607 = vector.shape_cast %get3A_606 : vector<16xf32> to vector<16xf32>
    %get3A_608 = arith.constant 16 : index
    %get3A_609 = tpu.vector_load %arg15[%get3A_608] {strides = array<i32>} : memref<1024xf32, #tpu.memory_space<vmem>>, vector<16xf32>,
    %get3A_610 = vector.shape_cast %get3A_609 : vector<16xf32> to vector<16xf32>
    %get3A_611 = arith.constant 32 : index
    %get3A_612 = tpu.vector_load %arg15[%get3A_611] {strides = array<i32>} : memref<1024xf32, #tpu.memory_space<vmem>>, vector<16xf32>,
    %get3A_613 = vector.shape_cast %get3A_612 : vector<16xf32> to vector<16xf32>
    %get3A_614 = arith.constant 48 : index
    %get3A_615 = tpu.vector_load %arg15[%get3A_614] {strides = array<i32>} : memref<1024xf32, #tpu.memory_space<vmem>>, vector<16xf32>,
    %get3A_616 = vector.shape_cast %get3A_615 : vector<16xf32> to vector<16xf32>
    %get3A_617 = arith.constant 64 : index
    %get3A_618 = tpu.vector_load %arg15[%get3A_617] {strides = array<i32>} : memref<1024xf32, #tpu.memory_space<vmem>>, vector<16xf32>,
    %get3A_619 = vector.shape_cast %get3A_618 : vector<16xf32> to vector<16xf32>
    %get3A_620 = arith.constant 80 : index
    %get3A_621 = tpu.vector_load %arg15[%get3A_620] {strides = array<i32>} : memref<1024xf32, #tpu.memory_space<vmem>>, vector<16xf32>,
    %get3A_622 = vector.shape_cast %get3A_621 : vector<16xf32> to vector<16xf32>
    %get3A_623 = arith.constant 96 : index
    %get3A_624 = tpu.vector_load %arg15[%get3A_623] {strides = array<i32>} : memref<1024xf32, #tpu.memory_space<vmem>>, vector<16xf32>,
    %get3A_625 = vector.shape_cast %get3A_624 : vector<16xf32> to vector<16xf32>
    %get3A_626 = arith.constant 112 : index
    %get3A_627 = tpu.vector_load %arg15[%get3A_626] {strides = array<i32>} : memref<1024xf32, #tpu.memory_space<vmem>>, vector<16xf32>,
    %get3A_628 = vector.shape_cast %get3A_627 : vector<16xf32> to vector<16xf32>
    %get3A_629 = arith.constant 128 : index
    %get3A_630 = tpu.vector_load %arg15[%get3A_629] {strides = array<i32>} : memref<1024xf32, #tpu.memory_space<vmem>>, vector<16xf32>,
    %get3A_631 = vector.shape_cast %get3A_630 : vector<16xf32> to vector<16xf32>
    %get3A_632 = arith.constant 144 : index
    %get3A_633 = tpu.vector_load %arg15[%get3A_632] {strides = array<i32>} : memref<1024xf32, #tpu.memory_space<vmem>>, vector<16xf32>,
    %get3A_634 = vector.shape_cast %get3A_633 : vector<16xf32> to vector<16xf32>
    %get3A_635 = arith.constant 160 : index
    %get3A_636 = tpu.vector_load %arg15[%get3A_635] {strides = array<i32>} : memref<1024xf32, #tpu.memory_space<vmem>>, vector<16xf32>,
    %get3A_637 = vector.shape_cast %get3A_636 : vector<16xf32> to vector<16xf32>
    %get3A_638 = arith.constant 176 : index
    %get3A_639 = tpu.vector_load %arg15[%get3A_638] {strides = array<i32>} : memref<1024xf32, #tpu.memory_space<vmem>>, vector<16xf32>,
    %get3A_640 = vector.shape_cast %get3A_639 : vector<16xf32> to vector<16xf32>
    %get3A_641 = arith.constant 192 : index
    %get3A_642 = tpu.vector_load %arg15[%get3A_641] {strides = array<i32>} : memref<1024xf32, #tpu.memory_space<vmem>>, vector<16xf32>,
    %get3A_643 = vector.shape_cast %get3A_642 : vector<16xf32> to vector<16xf32>
    %get3A_644 = arith.constant 208 : index
    %get3A_645 = tpu.vector_load %arg15[%get3A_644] {strides = array<i32>} : memref<1024xf32, #tpu.memory_space<vmem>>, vector<16xf32>,
    %get3A_646 = vector.shape_cast %get3A_645 : vector<16xf32> to vector<16xf32>
    %get3A_647 = arith.constant 224 : index
    %get3A_648 = tpu.vector_load %arg15[%get3A_647] {strides = array<i32>} : memref<1024xf32, #tpu.memory_space<vmem>>, vector<16xf32>,
    %get3A_649 = vector.shape_cast %get3A_648 : vector<16xf32> to vector<16xf32>
    %get3A_650 = arith.constant 240 : index
    %get3A_651 = tpu.vector_load %arg15[%get3A_650] {strides = array<i32>} : memref<1024xf32, #tpu.memory_space<vmem>>, vector<16xf32>,
    %get3A_652 = vector.shape_cast %get3A_651 : vector<16xf32> to vector<16xf32>
    %get3A_653 = arith.constant 256 : index
    %get3A_654 = tpu.vector_load %arg15[%get3A_653] {strides = array<i32>} : memref<1024xf32, #tpu.memory_space<vmem>>, vector<16xf32>,
    %get3A_655 = vector.shape_cast %get3A_654 : vector<16xf32> to vector<16xf32>
    %get3A_656 = arith.constant 272 : index
    %get3A_657 = tpu.vector_load %arg15[%get3A_656] {strides = array<i32>} : memref<1024xf32, #tpu.memory_space<vmem>>, vector<16xf32>,
    %get3A_658 = vector.shape_cast %get3A_657 : vector<16xf32> to vector<16xf32>
    %get3A_659 = arith.constant 288 : index
    %get3A_660 = tpu.vector_load %arg15[%get3A_659] {strides = array<i32>} : memref<1024xf32, #tpu.memory_space<vmem>>, vector<16xf32>,
    %get3A_661 = vector.shape_cast %get3A_660 : vector<16xf32> to vector<16xf32>
    %get3A_662 = arith.constant 304 : index
    %get3A_663 = tpu.vector_load %arg15[%get3A_662] {strides = array<i32>} : memref<1024xf32, #tpu.memory_space<vmem>>, vector<16xf32>,
    %get3A_664 = vector.shape_cast %get3A_663 : vector<16xf32> to vector<16xf32>
    %get3A_665 = arith.constant 320 : index
    %get3A_666 = tpu.vector_load %arg15[%get3A_665] {strides = array<i32>} : memref<1024xf32, #tpu.memory_space<vmem>>, vector<16xf32>,
    %get3A_667 = vector.shape_cast %get3A_666 : vector<16xf32> to vector<16xf32>
    %get3A_668 = arith.constant 336 : index
    %get3A_669 = tpu.vector_load %arg15[%get3A_668] {strides = array<i32>} : memref<1024xf32, #tpu.memory_space<vmem>>, vector<16xf32>,
    %get3A_670 = vector.shape_cast %get3A_669 : vector<16xf32> to vector<16xf32>
    %get3A_671 = arith.constant 352 : index
    %get3A_672 = tpu.vector_load %arg15[%get3A_671] {strides = array<i32>} : memref<1024xf32, #tpu.memory_space<vmem>>, vector<16xf32>,
    %get3A_673 = vector.shape_cast %get3A_672 : vector<16xf32> to vector<16xf32>
    %get3A_674 = arith.constant 368 : index
    %get3A_675 = tpu.vector_load %arg15[%get3A_674] {strides = array<i32>} : memref<1024xf32, #tpu.memory_space<vmem>>, vector<16xf32>,
    %get3A_676 = vector.shape_cast %get3A_675 : vector<16xf32> to vector<16xf32>
    %get3A_677 = arith.constant 384 : index
    %get3A_678 = tpu.vector_load %arg15[%get3A_677] {strides = array<i32>} : memref<1024xf32, #tpu.memory_space<vmem>>, vector<16xf32>,
    %get3A_679 = vector.shape_cast %get3A_678 : vector<16xf32> to vector<16xf32>
    %get3A_680 = arith.constant 400 : index
    %get3A_681 = tpu.vector_load %arg15[%get3A_680] {strides = array<i32>} : memref<1024xf32, #tpu.memory_space<vmem>>, vector<16xf32>,
    %get3A_682 = vector.shape_cast %get3A_681 : vector<16xf32> to vector<16xf32>
    %get3A_683 = arith.constant 416 : index
    %get3A_684 = tpu.vector_load %arg15[%get3A_683] {strides = array<i32>} : memref<1024xf32, #tpu.memory_space<vmem>>, vector<16xf32>,
    %get3A_685 = vector.shape_cast %get3A_684 : vector<16xf32> to vector<16xf32>
    %get3A_686 = arith.constant 432 : index
    %get3A_687 = tpu.vector_load %arg15[%get3A_686] {strides = array<i32>} : memref<1024xf32, #tpu.memory_space<vmem>>, vector<16xf32>,
    %get3A_688 = vector.shape_cast %get3A_687 : vector<16xf32> to vector<16xf32>
    %get3A_689 = arith.constant 448 : index
    %get3A_690 = tpu.vector_load %arg15[%get3A_689] {strides = array<i32>} : memref<1024xf32, #tpu.memory_space<vmem>>, vector<16xf32>,
    %get3A_691 = vector.shape_cast %get3A_690 : vector<16xf32> to vector<16xf32>
    %get3A_692 = arith.constant 464 : index
    %get3A_693 = tpu.vector_load %arg15[%get3A_692] {strides = array<i32>} : memref<1024xf32, #tpu.memory_space<vmem>>, vector<16xf32>,
    %get3A_694 = vector.shape_cast %get3A_693 : vector<16xf32> to vector<16xf32>
    %get3A_695 = arith.constant 480 : index
    %get3A_696 = tpu.vector_load %arg15[%get3A_695] {strides = array<i32>} : memref<1024xf32, #tpu.memory_space<vmem>>, vector<16xf32>,
    %get3A_697 = vector.shape_cast %get3A_696 : vector<16xf32> to vector<16xf32>
    %get3A_698 = arith.constant 496 : index
    %get3A_699 = tpu.vector_load %arg15[%get3A_698] {strides = array<i32>} : memref<1024xf32, #tpu.memory_space<vmem>>, vector<16xf32>,
    %get3A_700 = vector.shape_cast %get3A_699 : vector<16xf32> to vector<16xf32>
    %parallel_loop3A = arith.constant 0 : i32
    %parallel_loop3A_701 = arith.constant 768 : i32
    %parallel_loop3A_702 = arith.constant 1 : i32
    %parallel_loop3A_703 = scf.for %parallel_loop3A_1268 = %parallel_loop3A to %parallel_loop3A_701 step %parallel_loop3A_702 iter_args(%parallel_loop3A_1269 = %broadcast_in_dim3A_585) -> (vector<16xf32>)  : i32 {
      %parallel_loop3A_1270 = arith.constant 16 : i32
      %parallel_loop3A_1271 = arith.muli %parallel_loop3A_1268, %parallel_loop3A_1270 : i32
      %parallel_loop3A_1272 = arith.index_cast %parallel_loop3A_1271 : i32 to index
      %parallel_loop3A_1273 = tpu.vector_load %arg7[%parallel_loop3A_1272] {strides = array<i32>} : memref<12288xf32, #tpu.memory_space<vmem>>, vector<16xf32>,
      %parallel_loop3A_1274 = vector.shape_cast %parallel_loop3A_1273 : vector<16xf32> to vector<16xf32>
      %parallel_loop3A_1275 = arith.index_cast %parallel_loop3A_1271 : i32 to index
      %parallel_loop3A_1276 = tpu.vector_load %arg8[%parallel_loop3A_1275] {strides = array<i32>} : memref<12288xf32, #tpu.memory_space<vmem>>, vector<16xf32>,
      %parallel_loop3A_1277 = vector.shape_cast %parallel_loop3A_1276 : vector<16xf32> to vector<16xf32>
      %parallel_loop3A_1278 = arith.index_cast %parallel_loop3A_1271 : i32 to index
      %parallel_loop3A_1279 = tpu.vector_load %arg9[%parallel_loop3A_1278] {strides = array<i32>} : memref<12288xf32, #tpu.memory_space<vmem>>, vector<16xf32>,
      %parallel_loop3A_1280 = vector.shape_cast %parallel_loop3A_1279 : vector<16xf32> to vector<16xf32>
      %parallel_loop3A_1281 = arith.mulf %parallel_loop3A_1274, %get3A_607 : vector<16xf32>
      %parallel_loop3A_1282 = arith.subf %get3A_616, %parallel_loop3A_1281 : vector<16xf32>
      %parallel_loop3A_1283 = arith.mulf %parallel_loop3A_1277, %get3A_610 : vector<16xf32>
      %parallel_loop3A_1284 = arith.mulf %parallel_loop3A_1280, %get3A_613 : vector<16xf32>
      %parallel_loop3A_1285 = arith.addf %parallel_loop3A_1283, %parallel_loop3A_1284 : vector<16xf32>
      %parallel_loop3A_1286 = arith.subf %parallel_loop3A_1282, %parallel_loop3A_1285 : vector<16xf32>
      %parallel_loop3A_1287 = arith.mulf %parallel_loop3A_1274, %get3A_619 : vector<16xf32>
      %parallel_loop3A_1288 = arith.subf %get3A_628, %parallel_loop3A_1287 : vector<16xf32>
      %parallel_loop3A_1289 = arith.mulf %parallel_loop3A_1277, %get3A_622 : vector<16xf32>
      %parallel_loop3A_1290 = arith.mulf %parallel_loop3A_1280, %get3A_625 : vector<16xf32>
      %parallel_loop3A_1291 = arith.addf %parallel_loop3A_1289, %parallel_loop3A_1290 : vector<16xf32>
      %parallel_loop3A_1292 = arith.subf %parallel_loop3A_1288, %parallel_loop3A_1291 : vector<16xf32>
      %parallel_loop3A_1293 = arith.minimumf %parallel_loop3A_1286, %parallel_loop3A_1292 : vector<16xf32>
      %parallel_loop3A_1294 = arith.mulf %parallel_loop3A_1274, %get3A_631 : vector<16xf32>
      %parallel_loop3A_1295 = arith.subf %get3A_640, %parallel_loop3A_1294 : vector<16xf32>
      %parallel_loop3A_1296 = arith.mulf %parallel_loop3A_1277, %get3A_634 : vector<16xf32>
      %parallel_loop3A_1297 = arith.mulf %parallel_loop3A_1280, %get3A_637 : vector<16xf32>
      %parallel_loop3A_1298 = arith.addf %parallel_loop3A_1296, %parallel_loop3A_1297 : vector<16xf32>
      %parallel_loop3A_1299 = arith.subf %parallel_loop3A_1295, %parallel_loop3A_1298 : vector<16xf32>
      %parallel_loop3A_1300 = arith.minimumf %parallel_loop3A_1293, %parallel_loop3A_1299 : vector<16xf32>
      %parallel_loop3A_1301 = arith.mulf %parallel_loop3A_1274, %get3A_643 : vector<16xf32>
      %parallel_loop3A_1302 = arith.subf %get3A_652, %parallel_loop3A_1301 : vector<16xf32>
      %parallel_loop3A_1303 = arith.mulf %parallel_loop3A_1277, %get3A_646 : vector<16xf32>
      %parallel_loop3A_1304 = arith.mulf %parallel_loop3A_1280, %get3A_649 : vector<16xf32>
      %parallel_loop3A_1305 = arith.addf %parallel_loop3A_1303, %parallel_loop3A_1304 : vector<16xf32>
      %parallel_loop3A_1306 = arith.subf %parallel_loop3A_1302, %parallel_loop3A_1305 : vector<16xf32>
      %parallel_loop3A_1307 = arith.minimumf %parallel_loop3A_1300, %parallel_loop3A_1306 : vector<16xf32>
      %parallel_loop3A_1308 = arith.mulf %parallel_loop3A_1274, %get3A_655 : vector<16xf32>
      %parallel_loop3A_1309 = arith.subf %get3A_664, %parallel_loop3A_1308 : vector<16xf32>
      %parallel_loop3A_1310 = arith.mulf %parallel_loop3A_1277, %get3A_658 : vector<16xf32>
      %parallel_loop3A_1311 = arith.mulf %parallel_loop3A_1280, %get3A_661 : vector<16xf32>
      %parallel_loop3A_1312 = arith.addf %parallel_loop3A_1310, %parallel_loop3A_1311 : vector<16xf32>
      %parallel_loop3A_1313 = arith.subf %parallel_loop3A_1309, %parallel_loop3A_1312 : vector<16xf32>
      %parallel_loop3A_1314 = arith.minimumf %parallel_loop3A_1307, %parallel_loop3A_1313 : vector<16xf32>
      %parallel_loop3A_1315 = arith.mulf %parallel_loop3A_1274, %get3A_667 : vector<16xf32>
      %parallel_loop3A_1316 = arith.subf %get3A_676, %parallel_loop3A_1315 : vector<16xf32>
      %parallel_loop3A_1317 = arith.mulf %parallel_loop3A_1277, %get3A_670 : vector<16xf32>
      %parallel_loop3A_1318 = arith.mulf %parallel_loop3A_1280, %get3A_673 : vector<16xf32>
      %parallel_loop3A_1319 = arith.addf %parallel_loop3A_1317, %parallel_loop3A_1318 : vector<16xf32>
      %parallel_loop3A_1320 = arith.subf %parallel_loop3A_1316, %parallel_loop3A_1319 : vector<16xf32>
      %parallel_loop3A_1321 = arith.minimumf %parallel_loop3A_1314, %parallel_loop3A_1320 : vector<16xf32>
      %parallel_loop3A_1322 = arith.mulf %parallel_loop3A_1274, %get3A_679 : vector<16xf32>
      %parallel_loop3A_1323 = arith.subf %get3A_688, %parallel_loop3A_1322 : vector<16xf32>
      %parallel_loop3A_1324 = arith.mulf %parallel_loop3A_1277, %get3A_682 : vector<16xf32>
      %parallel_loop3A_1325 = arith.mulf %parallel_loop3A_1280, %get3A_685 : vector<16xf32>
      %parallel_loop3A_1326 = arith.addf %parallel_loop3A_1324, %parallel_loop3A_1325 : vector<16xf32>
      %parallel_loop3A_1327 = arith.subf %parallel_loop3A_1323, %parallel_loop3A_1326 : vector<16xf32>
      %parallel_loop3A_1328 = arith.minimumf %parallel_loop3A_1321, %parallel_loop3A_1327 : vector<16xf32>
      %parallel_loop3A_1329 = arith.mulf %parallel_loop3A_1274, %get3A_691 : vector<16xf32>
      %parallel_loop3A_1330 = arith.subf %get3A_700, %parallel_loop3A_1329 : vector<16xf32>
      %parallel_loop3A_1331 = arith.mulf %parallel_loop3A_1277, %get3A_694 : vector<16xf32>
      %parallel_loop3A_1332 = arith.mulf %parallel_loop3A_1280, %get3A_697 : vector<16xf32>
      %parallel_loop3A_1333 = arith.addf %parallel_loop3A_1331, %parallel_loop3A_1332 : vector<16xf32>
      %parallel_loop3A_1334 = arith.subf %parallel_loop3A_1330, %parallel_loop3A_1333 : vector<16xf32>
      %parallel_loop3A_1335 = arith.minimumf %parallel_loop3A_1328, %parallel_loop3A_1334 : vector<16xf32>
      %parallel_loop3A_1336 = arith.index_cast %parallel_loop3A_1271 : i32 to index
      %parallel_loop3A_1337 = tpu.vector_load %arg13[%parallel_loop3A_1336] {strides = array<i32>} : memref<12288xf32, #tpu.memory_space<vmem>>, vector<16xf32>,
      %parallel_loop3A_1338 = vector.shape_cast %parallel_loop3A_1337 : vector<16xf32> to vector<16xf32>
      %parallel_loop3A_1339 = vector.shape_cast %parallel_loop3A_1335 : vector<16xf32> to vector<16xf32>
      tpu.vector_store %arg13[%parallel_loop3A_1336], %parallel_loop3A_1339 {strides = array<i32>} : memref<12288xf32, #tpu.memory_space<vmem>>, vector<16xf32>,
      %parallel_loop3A_1340 = arith.mulf %parallel_loop3A_1274, %parallel_loop3A_1274 : vector<16xf32>
      %parallel_loop3A_1341 = arith.mulf %parallel_loop3A_1277, %parallel_loop3A_1277 : vector<16xf32>
      %parallel_loop3A_1342 = arith.addf %parallel_loop3A_1340, %parallel_loop3A_1341 : vector<16xf32>
      %parallel_loop3A_1343 = arith.mulf %parallel_loop3A_1280, %parallel_loop3A_1280 : vector<16xf32>
      %parallel_loop3A_1344 = arith.addf %parallel_loop3A_1342, %parallel_loop3A_1343 : vector<16xf32>
      %parallel_loop3A_1345 = arith.addf %parallel_loop3A_1269, %parallel_loop3A_1344 : vector<16xf32>
      scf.yield %parallel_loop3A_1345 : vector<16xf32>
    } {sc.loop_unroll_factor = 2 : i64, sc.parallel_access}
    %get3A_704 = arith.constant 512 : index
    %get3A_705 = tpu.vector_load %arg15[%get3A_704] {strides = array<i32>} : memref<1024xf32, #tpu.memory_space<vmem>>, vector<16xf32>,
    %get3A_706 = vector.shape_cast %get3A_705 : vector<16xf32> to vector<16xf32>
    %get3A_707 = arith.constant 528 : index
    %get3A_708 = tpu.vector_load %arg15[%get3A_707] {strides = array<i32>} : memref<1024xf32, #tpu.memory_space<vmem>>, vector<16xf32>,
    %get3A_709 = vector.shape_cast %get3A_708 : vector<16xf32> to vector<16xf32>
    %get3A_710 = arith.constant 544 : index
    %get3A_711 = tpu.vector_load %arg15[%get3A_710] {strides = array<i32>} : memref<1024xf32, #tpu.memory_space<vmem>>, vector<16xf32>,
    %get3A_712 = vector.shape_cast %get3A_711 : vector<16xf32> to vector<16xf32>
    %get3A_713 = arith.constant 560 : index
    %get3A_714 = tpu.vector_load %arg15[%get3A_713] {strides = array<i32>} : memref<1024xf32, #tpu.memory_space<vmem>>, vector<16xf32>,
    %get3A_715 = vector.shape_cast %get3A_714 : vector<16xf32> to vector<16xf32>
    %get3A_716 = arith.constant 576 : index
    %get3A_717 = tpu.vector_load %arg15[%get3A_716] {strides = array<i32>} : memref<1024xf32, #tpu.memory_space<vmem>>, vector<16xf32>,
    %get3A_718 = vector.shape_cast %get3A_717 : vector<16xf32> to vector<16xf32>
    %get3A_719 = arith.constant 592 : index
    %get3A_720 = tpu.vector_load %arg15[%get3A_719] {strides = array<i32>} : memref<1024xf32, #tpu.memory_space<vmem>>, vector<16xf32>,
    %get3A_721 = vector.shape_cast %get3A_720 : vector<16xf32> to vector<16xf32>
    %get3A_722 = arith.constant 608 : index
    %get3A_723 = tpu.vector_load %arg15[%get3A_722] {strides = array<i32>} : memref<1024xf32, #tpu.memory_space<vmem>>, vector<16xf32>,
    %get3A_724 = vector.shape_cast %get3A_723 : vector<16xf32> to vector<16xf32>
    %get3A_725 = arith.constant 624 : index
    %get3A_726 = tpu.vector_load %arg15[%get3A_725] {strides = array<i32>} : memref<1024xf32, #tpu.memory_space<vmem>>, vector<16xf32>,
    %get3A_727 = vector.shape_cast %get3A_726 : vector<16xf32> to vector<16xf32>
    %get3A_728 = arith.constant 640 : index
    %get3A_729 = tpu.vector_load %arg15[%get3A_728] {strides = array<i32>} : memref<1024xf32, #tpu.memory_space<vmem>>, vector<16xf32>,
    %get3A_730 = vector.shape_cast %get3A_729 : vector<16xf32> to vector<16xf32>
    %get3A_731 = arith.constant 656 : index
    %get3A_732 = tpu.vector_load %arg15[%get3A_731] {strides = array<i32>} : memref<1024xf32, #tpu.memory_space<vmem>>, vector<16xf32>,
    %get3A_733 = vector.shape_cast %get3A_732 : vector<16xf32> to vector<16xf32>
    %get3A_734 = arith.constant 672 : index
    %get3A_735 = tpu.vector_load %arg15[%get3A_734] {strides = array<i32>} : memref<1024xf32, #tpu.memory_space<vmem>>, vector<16xf32>,
    %get3A_736 = vector.shape_cast %get3A_735 : vector<16xf32> to vector<16xf32>
    %get3A_737 = arith.constant 688 : index
    %get3A_738 = tpu.vector_load %arg15[%get3A_737] {strides = array<i32>} : memref<1024xf32, #tpu.memory_space<vmem>>, vector<16xf32>,
    %get3A_739 = vector.shape_cast %get3A_738 : vector<16xf32> to vector<16xf32>
    %get3A_740 = arith.constant 704 : index
    %get3A_741 = tpu.vector_load %arg15[%get3A_740] {strides = array<i32>} : memref<1024xf32, #tpu.memory_space<vmem>>, vector<16xf32>,
    %get3A_742 = vector.shape_cast %get3A_741 : vector<16xf32> to vector<16xf32>
    %get3A_743 = arith.constant 720 : index
    %get3A_744 = tpu.vector_load %arg15[%get3A_743] {strides = array<i32>} : memref<1024xf32, #tpu.memory_space<vmem>>, vector<16xf32>,
    %get3A_745 = vector.shape_cast %get3A_744 : vector<16xf32> to vector<16xf32>
    %get3A_746 = arith.constant 736 : index
    %get3A_747 = tpu.vector_load %arg15[%get3A_746] {strides = array<i32>} : memref<1024xf32, #tpu.memory_space<vmem>>, vector<16xf32>,
    %get3A_748 = vector.shape_cast %get3A_747 : vector<16xf32> to vector<16xf32>
    %get3A_749 = arith.constant 752 : index
    %get3A_750 = tpu.vector_load %arg15[%get3A_749] {strides = array<i32>} : memref<1024xf32, #tpu.memory_space<vmem>>, vector<16xf32>,
    %get3A_751 = vector.shape_cast %get3A_750 : vector<16xf32> to vector<16xf32>
    %get3A_752 = arith.constant 768 : index
    %get3A_753 = tpu.vector_load %arg15[%get3A_752] {strides = array<i32>} : memref<1024xf32, #tpu.memory_space<vmem>>, vector<16xf32>,
    %get3A_754 = vector.shape_cast %get3A_753 : vector<16xf32> to vector<16xf32>
    %get3A_755 = arith.constant 784 : index
    %get3A_756 = tpu.vector_load %arg15[%get3A_755] {strides = array<i32>} : memref<1024xf32, #tpu.memory_space<vmem>>, vector<16xf32>,
    %get3A_757 = vector.shape_cast %get3A_756 : vector<16xf32> to vector<16xf32>
    %get3A_758 = arith.constant 800 : index
    %get3A_759 = tpu.vector_load %arg15[%get3A_758] {strides = array<i32>} : memref<1024xf32, #tpu.memory_space<vmem>>, vector<16xf32>,
    %get3A_760 = vector.shape_cast %get3A_759 : vector<16xf32> to vector<16xf32>
    %get3A_761 = arith.constant 816 : index
    %get3A_762 = tpu.vector_load %arg15[%get3A_761] {strides = array<i32>} : memref<1024xf32, #tpu.memory_space<vmem>>, vector<16xf32>,
    %get3A_763 = vector.shape_cast %get3A_762 : vector<16xf32> to vector<16xf32>
    %get3A_764 = arith.constant 832 : index
    %get3A_765 = tpu.vector_load %arg15[%get3A_764] {strides = array<i32>} : memref<1024xf32, #tpu.memory_space<vmem>>, vector<16xf32>,
    %get3A_766 = vector.shape_cast %get3A_765 : vector<16xf32> to vector<16xf32>
    %get3A_767 = arith.constant 848 : index
    %get3A_768 = tpu.vector_load %arg15[%get3A_767] {strides = array<i32>} : memref<1024xf32, #tpu.memory_space<vmem>>, vector<16xf32>,
    %get3A_769 = vector.shape_cast %get3A_768 : vector<16xf32> to vector<16xf32>
    %get3A_770 = arith.constant 864 : index
    %get3A_771 = tpu.vector_load %arg15[%get3A_770] {strides = array<i32>} : memref<1024xf32, #tpu.memory_space<vmem>>, vector<16xf32>,
    %get3A_772 = vector.shape_cast %get3A_771 : vector<16xf32> to vector<16xf32>
    %get3A_773 = arith.constant 880 : index
    %get3A_774 = tpu.vector_load %arg15[%get3A_773] {strides = array<i32>} : memref<1024xf32, #tpu.memory_space<vmem>>, vector<16xf32>,
    %get3A_775 = vector.shape_cast %get3A_774 : vector<16xf32> to vector<16xf32>
    %get3A_776 = arith.constant 896 : index
    %get3A_777 = tpu.vector_load %arg15[%get3A_776] {strides = array<i32>} : memref<1024xf32, #tpu.memory_space<vmem>>, vector<16xf32>,
    %get3A_778 = vector.shape_cast %get3A_777 : vector<16xf32> to vector<16xf32>
    %get3A_779 = arith.constant 912 : index
    %get3A_780 = tpu.vector_load %arg15[%get3A_779] {strides = array<i32>} : memref<1024xf32, #tpu.memory_space<vmem>>, vector<16xf32>,
    %get3A_781 = vector.shape_cast %get3A_780 : vector<16xf32> to vector<16xf32>
    %get3A_782 = arith.constant 928 : index
    %get3A_783 = tpu.vector_load %arg15[%get3A_782] {strides = array<i32>} : memref<1024xf32, #tpu.memory_space<vmem>>, vector<16xf32>,
    %get3A_784 = vector.shape_cast %get3A_783 : vector<16xf32> to vector<16xf32>
    %get3A_785 = arith.constant 944 : index
    %get3A_786 = tpu.vector_load %arg15[%get3A_785] {strides = array<i32>} : memref<1024xf32, #tpu.memory_space<vmem>>, vector<16xf32>,
    %get3A_787 = vector.shape_cast %get3A_786 : vector<16xf32> to vector<16xf32>
    %get3A_788 = arith.constant 960 : index
    %get3A_789 = tpu.vector_load %arg15[%get3A_788] {strides = array<i32>} : memref<1024xf32, #tpu.memory_space<vmem>>, vector<16xf32>,
    %get3A_790 = vector.shape_cast %get3A_789 : vector<16xf32> to vector<16xf32>
    %get3A_791 = arith.constant 976 : index
    %get3A_792 = tpu.vector_load %arg15[%get3A_791] {strides = array<i32>} : memref<1024xf32, #tpu.memory_space<vmem>>, vector<16xf32>,
    %get3A_793 = vector.shape_cast %get3A_792 : vector<16xf32> to vector<16xf32>
    %get3A_794 = arith.constant 992 : index
    %get3A_795 = tpu.vector_load %arg15[%get3A_794] {strides = array<i32>} : memref<1024xf32, #tpu.memory_space<vmem>>, vector<16xf32>,
    %get3A_796 = vector.shape_cast %get3A_795 : vector<16xf32> to vector<16xf32>
    %get3A_797 = arith.constant 1008 : index
    %get3A_798 = tpu.vector_load %arg15[%get3A_797] {strides = array<i32>} : memref<1024xf32, #tpu.memory_space<vmem>>, vector<16xf32>,
    %get3A_799 = vector.shape_cast %get3A_798 : vector<16xf32> to vector<16xf32>
    %parallel_loop3A_800 = arith.constant 0 : i32
    %parallel_loop3A_801 = arith.constant 768 : i32
    %parallel_loop3A_802 = arith.constant 1 : i32
    %parallel_loop3A_803 = scf.for %parallel_loop3A_1268 = %parallel_loop3A_800 to %parallel_loop3A_801 step %parallel_loop3A_802 iter_args(%parallel_loop3A_1269 = %broadcast_in_dim3A_583) -> (vector<16xf32>)  : i32 {
      %parallel_loop3A_1270 = arith.constant 16 : i32
      %parallel_loop3A_1271 = arith.muli %parallel_loop3A_1268, %parallel_loop3A_1270 : i32
      %parallel_loop3A_1272 = arith.index_cast %parallel_loop3A_1271 : i32 to index
      %parallel_loop3A_1273 = tpu.vector_load %arg7[%parallel_loop3A_1272] {strides = array<i32>} : memref<12288xf32, #tpu.memory_space<vmem>>, vector<16xf32>,
      %parallel_loop3A_1274 = vector.shape_cast %parallel_loop3A_1273 : vector<16xf32> to vector<16xf32>
      %parallel_loop3A_1275 = arith.index_cast %parallel_loop3A_1271 : i32 to index
      %parallel_loop3A_1276 = tpu.vector_load %arg8[%parallel_loop3A_1275] {strides = array<i32>} : memref<12288xf32, #tpu.memory_space<vmem>>, vector<16xf32>,
      %parallel_loop3A_1277 = vector.shape_cast %parallel_loop3A_1276 : vector<16xf32> to vector<16xf32>
      %parallel_loop3A_1278 = arith.index_cast %parallel_loop3A_1271 : i32 to index
      %parallel_loop3A_1279 = tpu.vector_load %arg9[%parallel_loop3A_1278] {strides = array<i32>} : memref<12288xf32, #tpu.memory_space<vmem>>, vector<16xf32>,
      %parallel_loop3A_1280 = vector.shape_cast %parallel_loop3A_1279 : vector<16xf32> to vector<16xf32>
      %parallel_loop3A_1281 = arith.index_cast %parallel_loop3A_1271 : i32 to index
      %parallel_loop3A_1282 = tpu.vector_load %arg13[%parallel_loop3A_1281] {strides = array<i32>} : memref<12288xf32, #tpu.memory_space<vmem>>, vector<16xf32>,
      %parallel_loop3A_1283 = vector.shape_cast %parallel_loop3A_1282 : vector<16xf32> to vector<16xf32>
      %parallel_loop3A_1284 = arith.mulf %parallel_loop3A_1274, %get3A_706 : vector<16xf32>
      %parallel_loop3A_1285 = arith.subf %get3A_715, %parallel_loop3A_1284 : vector<16xf32>
      %parallel_loop3A_1286 = arith.mulf %parallel_loop3A_1277, %get3A_709 : vector<16xf32>
      %parallel_loop3A_1287 = arith.mulf %parallel_loop3A_1280, %get3A_712 : vector<16xf32>
      %parallel_loop3A_1288 = arith.addf %parallel_loop3A_1286, %parallel_loop3A_1287 : vector<16xf32>
      %parallel_loop3A_1289 = arith.subf %parallel_loop3A_1285, %parallel_loop3A_1288 : vector<16xf32>
      %parallel_loop3A_1290 = arith.minimumf %parallel_loop3A_1283, %parallel_loop3A_1289 : vector<16xf32>
      %parallel_loop3A_1291 = arith.mulf %parallel_loop3A_1274, %get3A_718 : vector<16xf32>
      %parallel_loop3A_1292 = arith.subf %get3A_727, %parallel_loop3A_1291 : vector<16xf32>
      %parallel_loop3A_1293 = arith.mulf %parallel_loop3A_1277, %get3A_721 : vector<16xf32>
      %parallel_loop3A_1294 = arith.mulf %parallel_loop3A_1280, %get3A_724 : vector<16xf32>
      %parallel_loop3A_1295 = arith.addf %parallel_loop3A_1293, %parallel_loop3A_1294 : vector<16xf32>
      %parallel_loop3A_1296 = arith.subf %parallel_loop3A_1292, %parallel_loop3A_1295 : vector<16xf32>
      %parallel_loop3A_1297 = arith.minimumf %parallel_loop3A_1290, %parallel_loop3A_1296 : vector<16xf32>
      %parallel_loop3A_1298 = arith.mulf %parallel_loop3A_1274, %get3A_730 : vector<16xf32>
      %parallel_loop3A_1299 = arith.subf %get3A_739, %parallel_loop3A_1298 : vector<16xf32>
      %parallel_loop3A_1300 = arith.mulf %parallel_loop3A_1277, %get3A_733 : vector<16xf32>
      %parallel_loop3A_1301 = arith.mulf %parallel_loop3A_1280, %get3A_736 : vector<16xf32>
      %parallel_loop3A_1302 = arith.addf %parallel_loop3A_1300, %parallel_loop3A_1301 : vector<16xf32>
      %parallel_loop3A_1303 = arith.subf %parallel_loop3A_1299, %parallel_loop3A_1302 : vector<16xf32>
      %parallel_loop3A_1304 = arith.minimumf %parallel_loop3A_1297, %parallel_loop3A_1303 : vector<16xf32>
      %parallel_loop3A_1305 = arith.mulf %parallel_loop3A_1274, %get3A_742 : vector<16xf32>
      %parallel_loop3A_1306 = arith.subf %get3A_751, %parallel_loop3A_1305 : vector<16xf32>
      %parallel_loop3A_1307 = arith.mulf %parallel_loop3A_1277, %get3A_745 : vector<16xf32>
      %parallel_loop3A_1308 = arith.mulf %parallel_loop3A_1280, %get3A_748 : vector<16xf32>
      %parallel_loop3A_1309 = arith.addf %parallel_loop3A_1307, %parallel_loop3A_1308 : vector<16xf32>
      %parallel_loop3A_1310 = arith.subf %parallel_loop3A_1306, %parallel_loop3A_1309 : vector<16xf32>
      %parallel_loop3A_1311 = arith.minimumf %parallel_loop3A_1304, %parallel_loop3A_1310 : vector<16xf32>
      %parallel_loop3A_1312 = arith.mulf %parallel_loop3A_1274, %get3A_754 : vector<16xf32>
      %parallel_loop3A_1313 = arith.subf %get3A_763, %parallel_loop3A_1312 : vector<16xf32>
      %parallel_loop3A_1314 = arith.mulf %parallel_loop3A_1277, %get3A_757 : vector<16xf32>
      %parallel_loop3A_1315 = arith.mulf %parallel_loop3A_1280, %get3A_760 : vector<16xf32>
      %parallel_loop3A_1316 = arith.addf %parallel_loop3A_1314, %parallel_loop3A_1315 : vector<16xf32>
      %parallel_loop3A_1317 = arith.subf %parallel_loop3A_1313, %parallel_loop3A_1316 : vector<16xf32>
      %parallel_loop3A_1318 = arith.minimumf %parallel_loop3A_1311, %parallel_loop3A_1317 : vector<16xf32>
      %parallel_loop3A_1319 = arith.mulf %parallel_loop3A_1274, %get3A_766 : vector<16xf32>
      %parallel_loop3A_1320 = arith.subf %get3A_775, %parallel_loop3A_1319 : vector<16xf32>
      %parallel_loop3A_1321 = arith.mulf %parallel_loop3A_1277, %get3A_769 : vector<16xf32>
      %parallel_loop3A_1322 = arith.mulf %parallel_loop3A_1280, %get3A_772 : vector<16xf32>
      %parallel_loop3A_1323 = arith.addf %parallel_loop3A_1321, %parallel_loop3A_1322 : vector<16xf32>
      %parallel_loop3A_1324 = arith.subf %parallel_loop3A_1320, %parallel_loop3A_1323 : vector<16xf32>
      %parallel_loop3A_1325 = arith.minimumf %parallel_loop3A_1318, %parallel_loop3A_1324 : vector<16xf32>
      %parallel_loop3A_1326 = arith.mulf %parallel_loop3A_1274, %get3A_778 : vector<16xf32>
      %parallel_loop3A_1327 = arith.subf %get3A_787, %parallel_loop3A_1326 : vector<16xf32>
      %parallel_loop3A_1328 = arith.mulf %parallel_loop3A_1277, %get3A_781 : vector<16xf32>
      %parallel_loop3A_1329 = arith.mulf %parallel_loop3A_1280, %get3A_784 : vector<16xf32>
      %parallel_loop3A_1330 = arith.addf %parallel_loop3A_1328, %parallel_loop3A_1329 : vector<16xf32>
      %parallel_loop3A_1331 = arith.subf %parallel_loop3A_1327, %parallel_loop3A_1330 : vector<16xf32>
      %parallel_loop3A_1332 = arith.minimumf %parallel_loop3A_1325, %parallel_loop3A_1331 : vector<16xf32>
      %parallel_loop3A_1333 = arith.mulf %parallel_loop3A_1274, %get3A_790 : vector<16xf32>
      %parallel_loop3A_1334 = arith.subf %get3A_799, %parallel_loop3A_1333 : vector<16xf32>
      %parallel_loop3A_1335 = arith.mulf %parallel_loop3A_1277, %get3A_793 : vector<16xf32>
      %parallel_loop3A_1336 = arith.mulf %parallel_loop3A_1280, %get3A_796 : vector<16xf32>
      %parallel_loop3A_1337 = arith.addf %parallel_loop3A_1335, %parallel_loop3A_1336 : vector<16xf32>
      %parallel_loop3A_1338 = arith.subf %parallel_loop3A_1334, %parallel_loop3A_1337 : vector<16xf32>
      %parallel_loop3A_1339 = arith.minimumf %parallel_loop3A_1332, %parallel_loop3A_1338 : vector<16xf32>
      %parallel_loop3A_1340 = arith.addf %parallel_loop3A_1269, %parallel_loop3A_1339 : vector<16xf32>
      scf.yield %parallel_loop3A_1340 : vector<16xf32>
    } {sc.loop_unroll_factor = 2 : i64, sc.parallel_access}
    %dma_wait3A_804 = tpu.memref_slice %arg2[%add3A_594] : memref<3538944xf32, #tpu.memory_space<hbm>> -> memref<12288xf32, #tpu.memory_space<hbm>>
    %dma_wait3A_805 = tpu.memref_slice %arg2[%add3A_594] : memref<3538944xf32, #tpu.memory_space<hbm>> -> memref<12288xf32, #tpu.memory_space<hbm>>
    tpu.wait_dma2 semaphore(%arg19 : memref<!tpu.dma_semaphore, #tpu.memory_space<semaphore_mem>>) src(%dma_wait3A_805 : memref<12288xf32, #tpu.memory_space<hbm>>) dst(%arg10 : memref<12288xf32, #tpu.memory_space<vmem>>)
    %dma_wait3A_806 = tpu.memref_slice %arg2[%add3A_598] : memref<3538944xf32, #tpu.memory_space<hbm>> -> memref<12288xf32, #tpu.memory_space<hbm>>
    %dma_wait3A_807 = tpu.memref_slice %arg2[%add3A_598] : memref<3538944xf32, #tpu.memory_space<hbm>> -> memref<12288xf32, #tpu.memory_space<hbm>>
    tpu.wait_dma2 semaphore(%arg19 : memref<!tpu.dma_semaphore, #tpu.memory_space<semaphore_mem>>) src(%dma_wait3A_807 : memref<12288xf32, #tpu.memory_space<hbm>>) dst(%arg11 : memref<12288xf32, #tpu.memory_space<vmem>>)
    %dma_wait3A_808 = tpu.memref_slice %arg2[%add3A_602] : memref<3538944xf32, #tpu.memory_space<hbm>> -> memref<12288xf32, #tpu.memory_space<hbm>>
    %dma_wait3A_809 = tpu.memref_slice %arg2[%add3A_602] : memref<3538944xf32, #tpu.memory_space<hbm>> -> memref<12288xf32, #tpu.memory_space<hbm>>
    tpu.wait_dma2 semaphore(%arg19 : memref<!tpu.dma_semaphore, #tpu.memory_space<semaphore_mem>>) src(%dma_wait3A_809 : memref<12288xf32, #tpu.memory_space<hbm>>) dst(%arg12 : memref<12288xf32, #tpu.memory_space<vmem>>)
    %add3A_810 = arith.constant 24576 : i32
    %add3A_811 = arith.addi %add3A_37, %add3A_810 : i32
    %add3A_812 = arith.constant 0 : i32
    %add3A_813 = arith.addi %add3A_811, %add3A_812 : i32
    %dma_start3A_814 = tpu.memref_slice %arg2[%add3A_813] : memref<3538944xf32, #tpu.memory_space<hbm>> -> memref<12288xf32, #tpu.memory_space<hbm>>
    %dma_start3A_815 = tpu.memref_slice %arg2[%add3A_813] : memref<3538944xf32, #tpu.memory_space<hbm>> -> memref<12288xf32, #tpu.memory_space<hbm>>
    tpu.enqueue_dma source(%dma_start3A_815 : memref<12288xf32, #tpu.memory_space<hbm>>) target(%arg7 : memref<12288xf32, #tpu.memory_space<vmem>>) target_semaphore(%arg18 : memref<!tpu.dma_semaphore, #tpu.memory_space<semaphore_mem>>)
    %add3A_816 = arith.constant 147456 : i32
    %add3A_817 = arith.addi %add3A_811, %add3A_816 : i32
    %dma_start3A_818 = tpu.memref_slice %arg2[%add3A_817] : memref<3538944xf32, #tpu.memory_space<hbm>> -> memref<12288xf32, #tpu.memory_space<hbm>>
    %dma_start3A_819 = tpu.memref_slice %arg2[%add3A_817] : memref<3538944xf32, #tpu.memory_space<hbm>> -> memref<12288xf32, #tpu.memory_space<hbm>>
    tpu.enqueue_dma source(%dma_start3A_819 : memref<12288xf32, #tpu.memory_space<hbm>>) target(%arg8 : memref<12288xf32, #tpu.memory_space<vmem>>) target_semaphore(%arg18 : memref<!tpu.dma_semaphore, #tpu.memory_space<semaphore_mem>>)
    %add3A_820 = arith.constant 294912 : i32
    %add3A_821 = arith.addi %add3A_811, %add3A_820 : i32
    %dma_start3A_822 = tpu.memref_slice %arg2[%add3A_821] : memref<3538944xf32, #tpu.memory_space<hbm>> -> memref<12288xf32, #tpu.memory_space<hbm>>
    %dma_start3A_823 = tpu.memref_slice %arg2[%add3A_821] : memref<3538944xf32, #tpu.memory_space<hbm>> -> memref<12288xf32, #tpu.memory_space<hbm>>
    tpu.enqueue_dma source(%dma_start3A_823 : memref<12288xf32, #tpu.memory_space<hbm>>) target(%arg9 : memref<12288xf32, #tpu.memory_space<vmem>>) target_semaphore(%arg18 : memref<!tpu.dma_semaphore, #tpu.memory_space<semaphore_mem>>)
    %get3A_824 = arith.constant 0 : index
    %get3A_825 = tpu.vector_load %arg15[%get3A_824] {strides = array<i32>} : memref<1024xf32, #tpu.memory_space<vmem>>, vector<16xf32>,
    %get3A_826 = vector.shape_cast %get3A_825 : vector<16xf32> to vector<16xf32>
    %get3A_827 = arith.constant 16 : index
    %get3A_828 = tpu.vector_load %arg15[%get3A_827] {strides = array<i32>} : memref<1024xf32, #tpu.memory_space<vmem>>, vector<16xf32>,
    %get3A_829 = vector.shape_cast %get3A_828 : vector<16xf32> to vector<16xf32>
    %get3A_830 = arith.constant 32 : index
    %get3A_831 = tpu.vector_load %arg15[%get3A_830] {strides = array<i32>} : memref<1024xf32, #tpu.memory_space<vmem>>, vector<16xf32>,
    %get3A_832 = vector.shape_cast %get3A_831 : vector<16xf32> to vector<16xf32>
    %get3A_833 = arith.constant 48 : index
    %get3A_834 = tpu.vector_load %arg15[%get3A_833] {strides = array<i32>} : memref<1024xf32, #tpu.memory_space<vmem>>, vector<16xf32>,
    %get3A_835 = vector.shape_cast %get3A_834 : vector<16xf32> to vector<16xf32>
    %get3A_836 = arith.constant 64 : index
    %get3A_837 = tpu.vector_load %arg15[%get3A_836] {strides = array<i32>} : memref<1024xf32, #tpu.memory_space<vmem>>, vector<16xf32>,
    %get3A_838 = vector.shape_cast %get3A_837 : vector<16xf32> to vector<16xf32>
    %get3A_839 = arith.constant 80 : index
    %get3A_840 = tpu.vector_load %arg15[%get3A_839] {strides = array<i32>} : memref<1024xf32, #tpu.memory_space<vmem>>, vector<16xf32>,
    %get3A_841 = vector.shape_cast %get3A_840 : vector<16xf32> to vector<16xf32>
    %get3A_842 = arith.constant 96 : index
    %get3A_843 = tpu.vector_load %arg15[%get3A_842] {strides = array<i32>} : memref<1024xf32, #tpu.memory_space<vmem>>, vector<16xf32>,
    %get3A_844 = vector.shape_cast %get3A_843 : vector<16xf32> to vector<16xf32>
    %get3A_845 = arith.constant 112 : index
    %get3A_846 = tpu.vector_load %arg15[%get3A_845] {strides = array<i32>} : memref<1024xf32, #tpu.memory_space<vmem>>, vector<16xf32>,
    %get3A_847 = vector.shape_cast %get3A_846 : vector<16xf32> to vector<16xf32>
    %get3A_848 = arith.constant 128 : index
    %get3A_849 = tpu.vector_load %arg15[%get3A_848] {strides = array<i32>} : memref<1024xf32, #tpu.memory_space<vmem>>, vector<16xf32>,
    %get3A_850 = vector.shape_cast %get3A_849 : vector<16xf32> to vector<16xf32>
    %get3A_851 = arith.constant 144 : index
    %get3A_852 = tpu.vector_load %arg15[%get3A_851] {strides = array<i32>} : memref<1024xf32, #tpu.memory_space<vmem>>, vector<16xf32>,
    %get3A_853 = vector.shape_cast %get3A_852 : vector<16xf32> to vector<16xf32>
    %get3A_854 = arith.constant 160 : index
    %get3A_855 = tpu.vector_load %arg15[%get3A_854] {strides = array<i32>} : memref<1024xf32, #tpu.memory_space<vmem>>, vector<16xf32>,
    %get3A_856 = vector.shape_cast %get3A_855 : vector<16xf32> to vector<16xf32>
    %get3A_857 = arith.constant 176 : index
    %get3A_858 = tpu.vector_load %arg15[%get3A_857] {strides = array<i32>} : memref<1024xf32, #tpu.memory_space<vmem>>, vector<16xf32>,
    %get3A_859 = vector.shape_cast %get3A_858 : vector<16xf32> to vector<16xf32>
    %get3A_860 = arith.constant 192 : index
    %get3A_861 = tpu.vector_load %arg15[%get3A_860] {strides = array<i32>} : memref<1024xf32, #tpu.memory_space<vmem>>, vector<16xf32>,
    %get3A_862 = vector.shape_cast %get3A_861 : vector<16xf32> to vector<16xf32>
    %get3A_863 = arith.constant 208 : index
    %get3A_864 = tpu.vector_load %arg15[%get3A_863] {strides = array<i32>} : memref<1024xf32, #tpu.memory_space<vmem>>, vector<16xf32>,
    %get3A_865 = vector.shape_cast %get3A_864 : vector<16xf32> to vector<16xf32>
    %get3A_866 = arith.constant 224 : index
    %get3A_867 = tpu.vector_load %arg15[%get3A_866] {strides = array<i32>} : memref<1024xf32, #tpu.memory_space<vmem>>, vector<16xf32>,
    %get3A_868 = vector.shape_cast %get3A_867 : vector<16xf32> to vector<16xf32>
    %get3A_869 = arith.constant 240 : index
    %get3A_870 = tpu.vector_load %arg15[%get3A_869] {strides = array<i32>} : memref<1024xf32, #tpu.memory_space<vmem>>, vector<16xf32>,
    %get3A_871 = vector.shape_cast %get3A_870 : vector<16xf32> to vector<16xf32>
    %get3A_872 = arith.constant 256 : index
    %get3A_873 = tpu.vector_load %arg15[%get3A_872] {strides = array<i32>} : memref<1024xf32, #tpu.memory_space<vmem>>, vector<16xf32>,
    %get3A_874 = vector.shape_cast %get3A_873 : vector<16xf32> to vector<16xf32>
    %get3A_875 = arith.constant 272 : index
    %get3A_876 = tpu.vector_load %arg15[%get3A_875] {strides = array<i32>} : memref<1024xf32, #tpu.memory_space<vmem>>, vector<16xf32>,
    %get3A_877 = vector.shape_cast %get3A_876 : vector<16xf32> to vector<16xf32>
    %get3A_878 = arith.constant 288 : index
    %get3A_879 = tpu.vector_load %arg15[%get3A_878] {strides = array<i32>} : memref<1024xf32, #tpu.memory_space<vmem>>, vector<16xf32>,
    %get3A_880 = vector.shape_cast %get3A_879 : vector<16xf32> to vector<16xf32>
    %get3A_881 = arith.constant 304 : index
    %get3A_882 = tpu.vector_load %arg15[%get3A_881] {strides = array<i32>} : memref<1024xf32, #tpu.memory_space<vmem>>, vector<16xf32>,
    %get3A_883 = vector.shape_cast %get3A_882 : vector<16xf32> to vector<16xf32>
    %get3A_884 = arith.constant 320 : index
    %get3A_885 = tpu.vector_load %arg15[%get3A_884] {strides = array<i32>} : memref<1024xf32, #tpu.memory_space<vmem>>, vector<16xf32>,
    %get3A_886 = vector.shape_cast %get3A_885 : vector<16xf32> to vector<16xf32>
    %get3A_887 = arith.constant 336 : index
    %get3A_888 = tpu.vector_load %arg15[%get3A_887] {strides = array<i32>} : memref<1024xf32, #tpu.memory_space<vmem>>, vector<16xf32>,
    %get3A_889 = vector.shape_cast %get3A_888 : vector<16xf32> to vector<16xf32>
    %get3A_890 = arith.constant 352 : index
    %get3A_891 = tpu.vector_load %arg15[%get3A_890] {strides = array<i32>} : memref<1024xf32, #tpu.memory_space<vmem>>, vector<16xf32>,
    %get3A_892 = vector.shape_cast %get3A_891 : vector<16xf32> to vector<16xf32>
    %get3A_893 = arith.constant 368 : index
    %get3A_894 = tpu.vector_load %arg15[%get3A_893] {strides = array<i32>} : memref<1024xf32, #tpu.memory_space<vmem>>, vector<16xf32>,
    %get3A_895 = vector.shape_cast %get3A_894 : vector<16xf32> to vector<16xf32>
    %get3A_896 = arith.constant 384 : index
    %get3A_897 = tpu.vector_load %arg15[%get3A_896] {strides = array<i32>} : memref<1024xf32, #tpu.memory_space<vmem>>, vector<16xf32>,
    %get3A_898 = vector.shape_cast %get3A_897 : vector<16xf32> to vector<16xf32>
    %get3A_899 = arith.constant 400 : index
    %get3A_900 = tpu.vector_load %arg15[%get3A_899] {strides = array<i32>} : memref<1024xf32, #tpu.memory_space<vmem>>, vector<16xf32>,
    %get3A_901 = vector.shape_cast %get3A_900 : vector<16xf32> to vector<16xf32>
    %get3A_902 = arith.constant 416 : index
    %get3A_903 = tpu.vector_load %arg15[%get3A_902] {strides = array<i32>} : memref<1024xf32, #tpu.memory_space<vmem>>, vector<16xf32>,
    %get3A_904 = vector.shape_cast %get3A_903 : vector<16xf32> to vector<16xf32>
    %get3A_905 = arith.constant 432 : index
    %get3A_906 = tpu.vector_load %arg15[%get3A_905] {strides = array<i32>} : memref<1024xf32, #tpu.memory_space<vmem>>, vector<16xf32>,
    %get3A_907 = vector.shape_cast %get3A_906 : vector<16xf32> to vector<16xf32>
    %get3A_908 = arith.constant 448 : index
    %get3A_909 = tpu.vector_load %arg15[%get3A_908] {strides = array<i32>} : memref<1024xf32, #tpu.memory_space<vmem>>, vector<16xf32>,
    %get3A_910 = vector.shape_cast %get3A_909 : vector<16xf32> to vector<16xf32>
    %get3A_911 = arith.constant 464 : index
    %get3A_912 = tpu.vector_load %arg15[%get3A_911] {strides = array<i32>} : memref<1024xf32, #tpu.memory_space<vmem>>, vector<16xf32>,
    %get3A_913 = vector.shape_cast %get3A_912 : vector<16xf32> to vector<16xf32>
    %get3A_914 = arith.constant 480 : index
    %get3A_915 = tpu.vector_load %arg15[%get3A_914] {strides = array<i32>} : memref<1024xf32, #tpu.memory_space<vmem>>, vector<16xf32>,
    %get3A_916 = vector.shape_cast %get3A_915 : vector<16xf32> to vector<16xf32>
    %get3A_917 = arith.constant 496 : index
    %get3A_918 = tpu.vector_load %arg15[%get3A_917] {strides = array<i32>} : memref<1024xf32, #tpu.memory_space<vmem>>, vector<16xf32>,
    %get3A_919 = vector.shape_cast %get3A_918 : vector<16xf32> to vector<16xf32>
    %parallel_loop3A_920 = arith.constant 0 : i32
    %parallel_loop3A_921 = arith.constant 768 : i32
    %parallel_loop3A_922 = arith.constant 1 : i32
    %parallel_loop3A_923 = scf.for %parallel_loop3A_1268 = %parallel_loop3A_920 to %parallel_loop3A_921 step %parallel_loop3A_922 iter_args(%parallel_loop3A_1269 = %parallel_loop3A_703) -> (vector<16xf32>)  : i32 {
      %parallel_loop3A_1270 = arith.constant 16 : i32
      %parallel_loop3A_1271 = arith.muli %parallel_loop3A_1268, %parallel_loop3A_1270 : i32
      %parallel_loop3A_1272 = arith.index_cast %parallel_loop3A_1271 : i32 to index
      %parallel_loop3A_1273 = tpu.vector_load %arg10[%parallel_loop3A_1272] {strides = array<i32>} : memref<12288xf32, #tpu.memory_space<vmem>>, vector<16xf32>,
      %parallel_loop3A_1274 = vector.shape_cast %parallel_loop3A_1273 : vector<16xf32> to vector<16xf32>
      %parallel_loop3A_1275 = arith.index_cast %parallel_loop3A_1271 : i32 to index
      %parallel_loop3A_1276 = tpu.vector_load %arg11[%parallel_loop3A_1275] {strides = array<i32>} : memref<12288xf32, #tpu.memory_space<vmem>>, vector<16xf32>,
      %parallel_loop3A_1277 = vector.shape_cast %parallel_loop3A_1276 : vector<16xf32> to vector<16xf32>
      %parallel_loop3A_1278 = arith.index_cast %parallel_loop3A_1271 : i32 to index
      %parallel_loop3A_1279 = tpu.vector_load %arg12[%parallel_loop3A_1278] {strides = array<i32>} : memref<12288xf32, #tpu.memory_space<vmem>>, vector<16xf32>,
      %parallel_loop3A_1280 = vector.shape_cast %parallel_loop3A_1279 : vector<16xf32> to vector<16xf32>
      %parallel_loop3A_1281 = arith.mulf %parallel_loop3A_1274, %get3A_826 : vector<16xf32>
      %parallel_loop3A_1282 = arith.subf %get3A_835, %parallel_loop3A_1281 : vector<16xf32>
      %parallel_loop3A_1283 = arith.mulf %parallel_loop3A_1277, %get3A_829 : vector<16xf32>
      %parallel_loop3A_1284 = arith.mulf %parallel_loop3A_1280, %get3A_832 : vector<16xf32>
      %parallel_loop3A_1285 = arith.addf %parallel_loop3A_1283, %parallel_loop3A_1284 : vector<16xf32>
      %parallel_loop3A_1286 = arith.subf %parallel_loop3A_1282, %parallel_loop3A_1285 : vector<16xf32>
      %parallel_loop3A_1287 = arith.mulf %parallel_loop3A_1274, %get3A_838 : vector<16xf32>
      %parallel_loop3A_1288 = arith.subf %get3A_847, %parallel_loop3A_1287 : vector<16xf32>
      %parallel_loop3A_1289 = arith.mulf %parallel_loop3A_1277, %get3A_841 : vector<16xf32>
      %parallel_loop3A_1290 = arith.mulf %parallel_loop3A_1280, %get3A_844 : vector<16xf32>
      %parallel_loop3A_1291 = arith.addf %parallel_loop3A_1289, %parallel_loop3A_1290 : vector<16xf32>
      %parallel_loop3A_1292 = arith.subf %parallel_loop3A_1288, %parallel_loop3A_1291 : vector<16xf32>
      %parallel_loop3A_1293 = arith.minimumf %parallel_loop3A_1286, %parallel_loop3A_1292 : vector<16xf32>
      %parallel_loop3A_1294 = arith.mulf %parallel_loop3A_1274, %get3A_850 : vector<16xf32>
      %parallel_loop3A_1295 = arith.subf %get3A_859, %parallel_loop3A_1294 : vector<16xf32>
      %parallel_loop3A_1296 = arith.mulf %parallel_loop3A_1277, %get3A_853 : vector<16xf32>
      %parallel_loop3A_1297 = arith.mulf %parallel_loop3A_1280, %get3A_856 : vector<16xf32>
      %parallel_loop3A_1298 = arith.addf %parallel_loop3A_1296, %parallel_loop3A_1297 : vector<16xf32>
      %parallel_loop3A_1299 = arith.subf %parallel_loop3A_1295, %parallel_loop3A_1298 : vector<16xf32>
      %parallel_loop3A_1300 = arith.minimumf %parallel_loop3A_1293, %parallel_loop3A_1299 : vector<16xf32>
      %parallel_loop3A_1301 = arith.mulf %parallel_loop3A_1274, %get3A_862 : vector<16xf32>
      %parallel_loop3A_1302 = arith.subf %get3A_871, %parallel_loop3A_1301 : vector<16xf32>
      %parallel_loop3A_1303 = arith.mulf %parallel_loop3A_1277, %get3A_865 : vector<16xf32>
      %parallel_loop3A_1304 = arith.mulf %parallel_loop3A_1280, %get3A_868 : vector<16xf32>
      %parallel_loop3A_1305 = arith.addf %parallel_loop3A_1303, %parallel_loop3A_1304 : vector<16xf32>
      %parallel_loop3A_1306 = arith.subf %parallel_loop3A_1302, %parallel_loop3A_1305 : vector<16xf32>
      %parallel_loop3A_1307 = arith.minimumf %parallel_loop3A_1300, %parallel_loop3A_1306 : vector<16xf32>
      %parallel_loop3A_1308 = arith.mulf %parallel_loop3A_1274, %get3A_874 : vector<16xf32>
      %parallel_loop3A_1309 = arith.subf %get3A_883, %parallel_loop3A_1308 : vector<16xf32>
      %parallel_loop3A_1310 = arith.mulf %parallel_loop3A_1277, %get3A_877 : vector<16xf32>
      %parallel_loop3A_1311 = arith.mulf %parallel_loop3A_1280, %get3A_880 : vector<16xf32>
      %parallel_loop3A_1312 = arith.addf %parallel_loop3A_1310, %parallel_loop3A_1311 : vector<16xf32>
      %parallel_loop3A_1313 = arith.subf %parallel_loop3A_1309, %parallel_loop3A_1312 : vector<16xf32>
      %parallel_loop3A_1314 = arith.minimumf %parallel_loop3A_1307, %parallel_loop3A_1313 : vector<16xf32>
      %parallel_loop3A_1315 = arith.mulf %parallel_loop3A_1274, %get3A_886 : vector<16xf32>
      %parallel_loop3A_1316 = arith.subf %get3A_895, %parallel_loop3A_1315 : vector<16xf32>
      %parallel_loop3A_1317 = arith.mulf %parallel_loop3A_1277, %get3A_889 : vector<16xf32>
      %parallel_loop3A_1318 = arith.mulf %parallel_loop3A_1280, %get3A_892 : vector<16xf32>
      %parallel_loop3A_1319 = arith.addf %parallel_loop3A_1317, %parallel_loop3A_1318 : vector<16xf32>
      %parallel_loop3A_1320 = arith.subf %parallel_loop3A_1316, %parallel_loop3A_1319 : vector<16xf32>
      %parallel_loop3A_1321 = arith.minimumf %parallel_loop3A_1314, %parallel_loop3A_1320 : vector<16xf32>
      %parallel_loop3A_1322 = arith.mulf %parallel_loop3A_1274, %get3A_898 : vector<16xf32>
      %parallel_loop3A_1323 = arith.subf %get3A_907, %parallel_loop3A_1322 : vector<16xf32>
      %parallel_loop3A_1324 = arith.mulf %parallel_loop3A_1277, %get3A_901 : vector<16xf32>
      %parallel_loop3A_1325 = arith.mulf %parallel_loop3A_1280, %get3A_904 : vector<16xf32>
      %parallel_loop3A_1326 = arith.addf %parallel_loop3A_1324, %parallel_loop3A_1325 : vector<16xf32>
      %parallel_loop3A_1327 = arith.subf %parallel_loop3A_1323, %parallel_loop3A_1326 : vector<16xf32>
      %parallel_loop3A_1328 = arith.minimumf %parallel_loop3A_1321, %parallel_loop3A_1327 : vector<16xf32>
      %parallel_loop3A_1329 = arith.mulf %parallel_loop3A_1274, %get3A_910 : vector<16xf32>
      %parallel_loop3A_1330 = arith.subf %get3A_919, %parallel_loop3A_1329 : vector<16xf32>
      %parallel_loop3A_1331 = arith.mulf %parallel_loop3A_1277, %get3A_913 : vector<16xf32>
      %parallel_loop3A_1332 = arith.mulf %parallel_loop3A_1280, %get3A_916 : vector<16xf32>
      %parallel_loop3A_1333 = arith.addf %parallel_loop3A_1331, %parallel_loop3A_1332 : vector<16xf32>
      %parallel_loop3A_1334 = arith.subf %parallel_loop3A_1330, %parallel_loop3A_1333 : vector<16xf32>
      %parallel_loop3A_1335 = arith.minimumf %parallel_loop3A_1328, %parallel_loop3A_1334 : vector<16xf32>
      %parallel_loop3A_1336 = arith.index_cast %parallel_loop3A_1271 : i32 to index
      %parallel_loop3A_1337 = tpu.vector_load %arg13[%parallel_loop3A_1336] {strides = array<i32>} : memref<12288xf32, #tpu.memory_space<vmem>>, vector<16xf32>,
      %parallel_loop3A_1338 = vector.shape_cast %parallel_loop3A_1337 : vector<16xf32> to vector<16xf32>
      %parallel_loop3A_1339 = vector.shape_cast %parallel_loop3A_1335 : vector<16xf32> to vector<16xf32>
      tpu.vector_store %arg13[%parallel_loop3A_1336], %parallel_loop3A_1339 {strides = array<i32>} : memref<12288xf32, #tpu.memory_space<vmem>>, vector<16xf32>,
      %parallel_loop3A_1340 = arith.mulf %parallel_loop3A_1274, %parallel_loop3A_1274 : vector<16xf32>
      %parallel_loop3A_1341 = arith.mulf %parallel_loop3A_1277, %parallel_loop3A_1277 : vector<16xf32>
      %parallel_loop3A_1342 = arith.addf %parallel_loop3A_1340, %parallel_loop3A_1341 : vector<16xf32>
      %parallel_loop3A_1343 = arith.mulf %parallel_loop3A_1280, %parallel_loop3A_1280 : vector<16xf32>
      %parallel_loop3A_1344 = arith.addf %parallel_loop3A_1342, %parallel_loop3A_1343 : vector<16xf32>
      %parallel_loop3A_1345 = arith.addf %parallel_loop3A_1269, %parallel_loop3A_1344 : vector<16xf32>
      scf.yield %parallel_loop3A_1345 : vector<16xf32>
    } {sc.loop_unroll_factor = 2 : i64, sc.parallel_access}
    %get3A_924 = arith.constant 512 : index
    %get3A_925 = tpu.vector_load %arg15[%get3A_924] {strides = array<i32>} : memref<1024xf32, #tpu.memory_space<vmem>>, vector<16xf32>,
    %get3A_926 = vector.shape_cast %get3A_925 : vector<16xf32> to vector<16xf32>
    %get3A_927 = arith.constant 528 : index
    %get3A_928 = tpu.vector_load %arg15[%get3A_927] {strides = array<i32>} : memref<1024xf32, #tpu.memory_space<vmem>>, vector<16xf32>,
    %get3A_929 = vector.shape_cast %get3A_928 : vector<16xf32> to vector<16xf32>
    %get3A_930 = arith.constant 544 : index
    %get3A_931 = tpu.vector_load %arg15[%get3A_930] {strides = array<i32>} : memref<1024xf32, #tpu.memory_space<vmem>>, vector<16xf32>,
    %get3A_932 = vector.shape_cast %get3A_931 : vector<16xf32> to vector<16xf32>
    %get3A_933 = arith.constant 560 : index
    %get3A_934 = tpu.vector_load %arg15[%get3A_933] {strides = array<i32>} : memref<1024xf32, #tpu.memory_space<vmem>>, vector<16xf32>,
    %get3A_935 = vector.shape_cast %get3A_934 : vector<16xf32> to vector<16xf32>
    %get3A_936 = arith.constant 576 : index
    %get3A_937 = tpu.vector_load %arg15[%get3A_936] {strides = array<i32>} : memref<1024xf32, #tpu.memory_space<vmem>>, vector<16xf32>,
    %get3A_938 = vector.shape_cast %get3A_937 : vector<16xf32> to vector<16xf32>
    %get3A_939 = arith.constant 592 : index
    %get3A_940 = tpu.vector_load %arg15[%get3A_939] {strides = array<i32>} : memref<1024xf32, #tpu.memory_space<vmem>>, vector<16xf32>,
    %get3A_941 = vector.shape_cast %get3A_940 : vector<16xf32> to vector<16xf32>
    %get3A_942 = arith.constant 608 : index
    %get3A_943 = tpu.vector_load %arg15[%get3A_942] {strides = array<i32>} : memref<1024xf32, #tpu.memory_space<vmem>>, vector<16xf32>,
    %get3A_944 = vector.shape_cast %get3A_943 : vector<16xf32> to vector<16xf32>
    %get3A_945 = arith.constant 624 : index
    %get3A_946 = tpu.vector_load %arg15[%get3A_945] {strides = array<i32>} : memref<1024xf32, #tpu.memory_space<vmem>>, vector<16xf32>,
    %get3A_947 = vector.shape_cast %get3A_946 : vector<16xf32> to vector<16xf32>
    %get3A_948 = arith.constant 640 : index
    %get3A_949 = tpu.vector_load %arg15[%get3A_948] {strides = array<i32>} : memref<1024xf32, #tpu.memory_space<vmem>>, vector<16xf32>,
    %get3A_950 = vector.shape_cast %get3A_949 : vector<16xf32> to vector<16xf32>
    %get3A_951 = arith.constant 656 : index
    %get3A_952 = tpu.vector_load %arg15[%get3A_951] {strides = array<i32>} : memref<1024xf32, #tpu.memory_space<vmem>>, vector<16xf32>,
    %get3A_953 = vector.shape_cast %get3A_952 : vector<16xf32> to vector<16xf32>
    %get3A_954 = arith.constant 672 : index
    %get3A_955 = tpu.vector_load %arg15[%get3A_954] {strides = array<i32>} : memref<1024xf32, #tpu.memory_space<vmem>>, vector<16xf32>,
    %get3A_956 = vector.shape_cast %get3A_955 : vector<16xf32> to vector<16xf32>
    %get3A_957 = arith.constant 688 : index
    %get3A_958 = tpu.vector_load %arg15[%get3A_957] {strides = array<i32>} : memref<1024xf32, #tpu.memory_space<vmem>>, vector<16xf32>,
    %get3A_959 = vector.shape_cast %get3A_958 : vector<16xf32> to vector<16xf32>
    %get3A_960 = arith.constant 704 : index
    %get3A_961 = tpu.vector_load %arg15[%get3A_960] {strides = array<i32>} : memref<1024xf32, #tpu.memory_space<vmem>>, vector<16xf32>,
    %get3A_962 = vector.shape_cast %get3A_961 : vector<16xf32> to vector<16xf32>
    %get3A_963 = arith.constant 720 : index
    %get3A_964 = tpu.vector_load %arg15[%get3A_963] {strides = array<i32>} : memref<1024xf32, #tpu.memory_space<vmem>>, vector<16xf32>,
    %get3A_965 = vector.shape_cast %get3A_964 : vector<16xf32> to vector<16xf32>
    %get3A_966 = arith.constant 736 : index
    %get3A_967 = tpu.vector_load %arg15[%get3A_966] {strides = array<i32>} : memref<1024xf32, #tpu.memory_space<vmem>>, vector<16xf32>,
    %get3A_968 = vector.shape_cast %get3A_967 : vector<16xf32> to vector<16xf32>
    %get3A_969 = arith.constant 752 : index
    %get3A_970 = tpu.vector_load %arg15[%get3A_969] {strides = array<i32>} : memref<1024xf32, #tpu.memory_space<vmem>>, vector<16xf32>,
    %get3A_971 = vector.shape_cast %get3A_970 : vector<16xf32> to vector<16xf32>
    %get3A_972 = arith.constant 768 : index
    %get3A_973 = tpu.vector_load %arg15[%get3A_972] {strides = array<i32>} : memref<1024xf32, #tpu.memory_space<vmem>>, vector<16xf32>,
    %get3A_974 = vector.shape_cast %get3A_973 : vector<16xf32> to vector<16xf32>
    %get3A_975 = arith.constant 784 : index
    %get3A_976 = tpu.vector_load %arg15[%get3A_975] {strides = array<i32>} : memref<1024xf32, #tpu.memory_space<vmem>>, vector<16xf32>,
    %get3A_977 = vector.shape_cast %get3A_976 : vector<16xf32> to vector<16xf32>
    %get3A_978 = arith.constant 800 : index
    %get3A_979 = tpu.vector_load %arg15[%get3A_978] {strides = array<i32>} : memref<1024xf32, #tpu.memory_space<vmem>>, vector<16xf32>,
    %get3A_980 = vector.shape_cast %get3A_979 : vector<16xf32> to vector<16xf32>
    %get3A_981 = arith.constant 816 : index
    %get3A_982 = tpu.vector_load %arg15[%get3A_981] {strides = array<i32>} : memref<1024xf32, #tpu.memory_space<vmem>>, vector<16xf32>,
    %get3A_983 = vector.shape_cast %get3A_982 : vector<16xf32> to vector<16xf32>
    %get3A_984 = arith.constant 832 : index
    %get3A_985 = tpu.vector_load %arg15[%get3A_984] {strides = array<i32>} : memref<1024xf32, #tpu.memory_space<vmem>>, vector<16xf32>,
    %get3A_986 = vector.shape_cast %get3A_985 : vector<16xf32> to vector<16xf32>
    %get3A_987 = arith.constant 848 : index
    %get3A_988 = tpu.vector_load %arg15[%get3A_987] {strides = array<i32>} : memref<1024xf32, #tpu.memory_space<vmem>>, vector<16xf32>,
    %get3A_989 = vector.shape_cast %get3A_988 : vector<16xf32> to vector<16xf32>
    %get3A_990 = arith.constant 864 : index
    %get3A_991 = tpu.vector_load %arg15[%get3A_990] {strides = array<i32>} : memref<1024xf32, #tpu.memory_space<vmem>>, vector<16xf32>,
    %get3A_992 = vector.shape_cast %get3A_991 : vector<16xf32> to vector<16xf32>
    %get3A_993 = arith.constant 880 : index
    %get3A_994 = tpu.vector_load %arg15[%get3A_993] {strides = array<i32>} : memref<1024xf32, #tpu.memory_space<vmem>>, vector<16xf32>,
    %get3A_995 = vector.shape_cast %get3A_994 : vector<16xf32> to vector<16xf32>
    %get3A_996 = arith.constant 896 : index
    %get3A_997 = tpu.vector_load %arg15[%get3A_996] {strides = array<i32>} : memref<1024xf32, #tpu.memory_space<vmem>>, vector<16xf32>,
    %get3A_998 = vector.shape_cast %get3A_997 : vector<16xf32> to vector<16xf32>
    %get3A_999 = arith.constant 912 : index
    %get3A_1000 = tpu.vector_load %arg15[%get3A_999] {strides = array<i32>} : memref<1024xf32, #tpu.memory_space<vmem>>, vector<16xf32>,
    %get3A_1001 = vector.shape_cast %get3A_1000 : vector<16xf32> to vector<16xf32>
    %get3A_1002 = arith.constant 928 : index
    %get3A_1003 = tpu.vector_load %arg15[%get3A_1002] {strides = array<i32>} : memref<1024xf32, #tpu.memory_space<vmem>>, vector<16xf32>,
    %get3A_1004 = vector.shape_cast %get3A_1003 : vector<16xf32> to vector<16xf32>
    %get3A_1005 = arith.constant 944 : index
    %get3A_1006 = tpu.vector_load %arg15[%get3A_1005] {strides = array<i32>} : memref<1024xf32, #tpu.memory_space<vmem>>, vector<16xf32>,
    %get3A_1007 = vector.shape_cast %get3A_1006 : vector<16xf32> to vector<16xf32>
    %get3A_1008 = arith.constant 960 : index
    %get3A_1009 = tpu.vector_load %arg15[%get3A_1008] {strides = array<i32>} : memref<1024xf32, #tpu.memory_space<vmem>>, vector<16xf32>,
    %get3A_1010 = vector.shape_cast %get3A_1009 : vector<16xf32> to vector<16xf32>
    %get3A_1011 = arith.constant 976 : index
    %get3A_1012 = tpu.vector_load %arg15[%get3A_1011] {strides = array<i32>} : memref<1024xf32, #tpu.memory_space<vmem>>, vector<16xf32>,
    %get3A_1013 = vector.shape_cast %get3A_1012 : vector<16xf32> to vector<16xf32>
    %get3A_1014 = arith.constant 992 : index
    %get3A_1015 = tpu.vector_load %arg15[%get3A_1014] {strides = array<i32>} : memref<1024xf32, #tpu.memory_space<vmem>>, vector<16xf32>,
    %get3A_1016 = vector.shape_cast %get3A_1015 : vector<16xf32> to vector<16xf32>
    %get3A_1017 = arith.constant 1008 : index
    %get3A_1018 = tpu.vector_load %arg15[%get3A_1017] {strides = array<i32>} : memref<1024xf32, #tpu.memory_space<vmem>>, vector<16xf32>,
    %get3A_1019 = vector.shape_cast %get3A_1018 : vector<16xf32> to vector<16xf32>
    %parallel_loop3A_1020 = arith.constant 0 : i32
    %parallel_loop3A_1021 = arith.constant 768 : i32
    %parallel_loop3A_1022 = arith.constant 1 : i32
    %parallel_loop3A_1023 = scf.for %parallel_loop3A_1268 = %parallel_loop3A_1020 to %parallel_loop3A_1021 step %parallel_loop3A_1022 iter_args(%parallel_loop3A_1269 = %parallel_loop3A_803) -> (vector<16xf32>)  : i32 {
      %parallel_loop3A_1270 = arith.constant 16 : i32
      %parallel_loop3A_1271 = arith.muli %parallel_loop3A_1268, %parallel_loop3A_1270 : i32
      %parallel_loop3A_1272 = arith.index_cast %parallel_loop3A_1271 : i32 to index
      %parallel_loop3A_1273 = tpu.vector_load %arg10[%parallel_loop3A_1272] {strides = array<i32>} : memref<12288xf32, #tpu.memory_space<vmem>>, vector<16xf32>,
      %parallel_loop3A_1274 = vector.shape_cast %parallel_loop3A_1273 : vector<16xf32> to vector<16xf32>
      %parallel_loop3A_1275 = arith.index_cast %parallel_loop3A_1271 : i32 to index
      %parallel_loop3A_1276 = tpu.vector_load %arg11[%parallel_loop3A_1275] {strides = array<i32>} : memref<12288xf32, #tpu.memory_space<vmem>>, vector<16xf32>,
      %parallel_loop3A_1277 = vector.shape_cast %parallel_loop3A_1276 : vector<16xf32> to vector<16xf32>
      %parallel_loop3A_1278 = arith.index_cast %parallel_loop3A_1271 : i32 to index
      %parallel_loop3A_1279 = tpu.vector_load %arg12[%parallel_loop3A_1278] {strides = array<i32>} : memref<12288xf32, #tpu.memory_space<vmem>>, vector<16xf32>,
      %parallel_loop3A_1280 = vector.shape_cast %parallel_loop3A_1279 : vector<16xf32> to vector<16xf32>
      %parallel_loop3A_1281 = arith.index_cast %parallel_loop3A_1271 : i32 to index
      %parallel_loop3A_1282 = tpu.vector_load %arg13[%parallel_loop3A_1281] {strides = array<i32>} : memref<12288xf32, #tpu.memory_space<vmem>>, vector<16xf32>,
      %parallel_loop3A_1283 = vector.shape_cast %parallel_loop3A_1282 : vector<16xf32> to vector<16xf32>
      %parallel_loop3A_1284 = arith.mulf %parallel_loop3A_1274, %get3A_926 : vector<16xf32>
      %parallel_loop3A_1285 = arith.subf %get3A_935, %parallel_loop3A_1284 : vector<16xf32>
      %parallel_loop3A_1286 = arith.mulf %parallel_loop3A_1277, %get3A_929 : vector<16xf32>
      %parallel_loop3A_1287 = arith.mulf %parallel_loop3A_1280, %get3A_932 : vector<16xf32>
      %parallel_loop3A_1288 = arith.addf %parallel_loop3A_1286, %parallel_loop3A_1287 : vector<16xf32>
      %parallel_loop3A_1289 = arith.subf %parallel_loop3A_1285, %parallel_loop3A_1288 : vector<16xf32>
      %parallel_loop3A_1290 = arith.minimumf %parallel_loop3A_1283, %parallel_loop3A_1289 : vector<16xf32>
      %parallel_loop3A_1291 = arith.mulf %parallel_loop3A_1274, %get3A_938 : vector<16xf32>
      %parallel_loop3A_1292 = arith.subf %get3A_947, %parallel_loop3A_1291 : vector<16xf32>
      %parallel_loop3A_1293 = arith.mulf %parallel_loop3A_1277, %get3A_941 : vector<16xf32>
      %parallel_loop3A_1294 = arith.mulf %parallel_loop3A_1280, %get3A_944 : vector<16xf32>
      %parallel_loop3A_1295 = arith.addf %parallel_loop3A_1293, %parallel_loop3A_1294 : vector<16xf32>
      %parallel_loop3A_1296 = arith.subf %parallel_loop3A_1292, %parallel_loop3A_1295 : vector<16xf32>
      %parallel_loop3A_1297 = arith.minimumf %parallel_loop3A_1290, %parallel_loop3A_1296 : vector<16xf32>
      %parallel_loop3A_1298 = arith.mulf %parallel_loop3A_1274, %get3A_950 : vector<16xf32>
      %parallel_loop3A_1299 = arith.subf %get3A_959, %parallel_loop3A_1298 : vector<16xf32>
      %parallel_loop3A_1300 = arith.mulf %parallel_loop3A_1277, %get3A_953 : vector<16xf32>
      %parallel_loop3A_1301 = arith.mulf %parallel_loop3A_1280, %get3A_956 : vector<16xf32>
      %parallel_loop3A_1302 = arith.addf %parallel_loop3A_1300, %parallel_loop3A_1301 : vector<16xf32>
      %parallel_loop3A_1303 = arith.subf %parallel_loop3A_1299, %parallel_loop3A_1302 : vector<16xf32>
      %parallel_loop3A_1304 = arith.minimumf %parallel_loop3A_1297, %parallel_loop3A_1303 : vector<16xf32>
      %parallel_loop3A_1305 = arith.mulf %parallel_loop3A_1274, %get3A_962 : vector<16xf32>
      %parallel_loop3A_1306 = arith.subf %get3A_971, %parallel_loop3A_1305 : vector<16xf32>
      %parallel_loop3A_1307 = arith.mulf %parallel_loop3A_1277, %get3A_965 : vector<16xf32>
      %parallel_loop3A_1308 = arith.mulf %parallel_loop3A_1280, %get3A_968 : vector<16xf32>
      %parallel_loop3A_1309 = arith.addf %parallel_loop3A_1307, %parallel_loop3A_1308 : vector<16xf32>
      %parallel_loop3A_1310 = arith.subf %parallel_loop3A_1306, %parallel_loop3A_1309 : vector<16xf32>
      %parallel_loop3A_1311 = arith.minimumf %parallel_loop3A_1304, %parallel_loop3A_1310 : vector<16xf32>
      %parallel_loop3A_1312 = arith.mulf %parallel_loop3A_1274, %get3A_974 : vector<16xf32>
      %parallel_loop3A_1313 = arith.subf %get3A_983, %parallel_loop3A_1312 : vector<16xf32>
      %parallel_loop3A_1314 = arith.mulf %parallel_loop3A_1277, %get3A_977 : vector<16xf32>
      %parallel_loop3A_1315 = arith.mulf %parallel_loop3A_1280, %get3A_980 : vector<16xf32>
      %parallel_loop3A_1316 = arith.addf %parallel_loop3A_1314, %parallel_loop3A_1315 : vector<16xf32>
      %parallel_loop3A_1317 = arith.subf %parallel_loop3A_1313, %parallel_loop3A_1316 : vector<16xf32>
      %parallel_loop3A_1318 = arith.minimumf %parallel_loop3A_1311, %parallel_loop3A_1317 : vector<16xf32>
      %parallel_loop3A_1319 = arith.mulf %parallel_loop3A_1274, %get3A_986 : vector<16xf32>
      %parallel_loop3A_1320 = arith.subf %get3A_995, %parallel_loop3A_1319 : vector<16xf32>
      %parallel_loop3A_1321 = arith.mulf %parallel_loop3A_1277, %get3A_989 : vector<16xf32>
      %parallel_loop3A_1322 = arith.mulf %parallel_loop3A_1280, %get3A_992 : vector<16xf32>
      %parallel_loop3A_1323 = arith.addf %parallel_loop3A_1321, %parallel_loop3A_1322 : vector<16xf32>
      %parallel_loop3A_1324 = arith.subf %parallel_loop3A_1320, %parallel_loop3A_1323 : vector<16xf32>
      %parallel_loop3A_1325 = arith.minimumf %parallel_loop3A_1318, %parallel_loop3A_1324 : vector<16xf32>
      %parallel_loop3A_1326 = arith.mulf %parallel_loop3A_1274, %get3A_998 : vector<16xf32>
      %parallel_loop3A_1327 = arith.subf %get3A_1007, %parallel_loop3A_1326 : vector<16xf32>
      %parallel_loop3A_1328 = arith.mulf %parallel_loop3A_1277, %get3A_1001 : vector<16xf32>
      %parallel_loop3A_1329 = arith.mulf %parallel_loop3A_1280, %get3A_1004 : vector<16xf32>
      %parallel_loop3A_1330 = arith.addf %parallel_loop3A_1328, %parallel_loop3A_1329 : vector<16xf32>
      %parallel_loop3A_1331 = arith.subf %parallel_loop3A_1327, %parallel_loop3A_1330 : vector<16xf32>
      %parallel_loop3A_1332 = arith.minimumf %parallel_loop3A_1325, %parallel_loop3A_1331 : vector<16xf32>
      %parallel_loop3A_1333 = arith.mulf %parallel_loop3A_1274, %get3A_1010 : vector<16xf32>
      %parallel_loop3A_1334 = arith.subf %get3A_1019, %parallel_loop3A_1333 : vector<16xf32>
      %parallel_loop3A_1335 = arith.mulf %parallel_loop3A_1277, %get3A_1013 : vector<16xf32>
      %parallel_loop3A_1336 = arith.mulf %parallel_loop3A_1280, %get3A_1016 : vector<16xf32>
      %parallel_loop3A_1337 = arith.addf %parallel_loop3A_1335, %parallel_loop3A_1336 : vector<16xf32>
      %parallel_loop3A_1338 = arith.subf %parallel_loop3A_1334, %parallel_loop3A_1337 : vector<16xf32>
      %parallel_loop3A_1339 = arith.minimumf %parallel_loop3A_1332, %parallel_loop3A_1338 : vector<16xf32>
      %parallel_loop3A_1340 = arith.addf %parallel_loop3A_1269, %parallel_loop3A_1339 : vector<16xf32>
      scf.yield %parallel_loop3A_1340 : vector<16xf32>
    } {sc.loop_unroll_factor = 2 : i64, sc.parallel_access}
    %dma_wait3A_1024 = tpu.memref_slice %arg2[%add3A_813] : memref<3538944xf32, #tpu.memory_space<hbm>> -> memref<12288xf32, #tpu.memory_space<hbm>>
    %dma_wait3A_1025 = tpu.memref_slice %arg2[%add3A_813] : memref<3538944xf32, #tpu.memory_space<hbm>> -> memref<12288xf32, #tpu.memory_space<hbm>>
    tpu.wait_dma2 semaphore(%arg18 : memref<!tpu.dma_semaphore, #tpu.memory_space<semaphore_mem>>) src(%dma_wait3A_1025 : memref<12288xf32, #tpu.memory_space<hbm>>) dst(%arg7 : memref<12288xf32, #tpu.memory_space<vmem>>)
    %dma_wait3A_1026 = tpu.memref_slice %arg2[%add3A_817] : memref<3538944xf32, #tpu.memory_space<hbm>> -> memref<12288xf32, #tpu.memory_space<hbm>>
    %dma_wait3A_1027 = tpu.memref_slice %arg2[%add3A_817] : memref<3538944xf32, #tpu.memory_space<hbm>> -> memref<12288xf32, #tpu.memory_space<hbm>>
    tpu.wait_dma2 semaphore(%arg18 : memref<!tpu.dma_semaphore, #tpu.memory_space<semaphore_mem>>) src(%dma_wait3A_1027 : memref<12288xf32, #tpu.memory_space<hbm>>) dst(%arg8 : memref<12288xf32, #tpu.memory_space<vmem>>)
    %dma_wait3A_1028 = tpu.memref_slice %arg2[%add3A_821] : memref<3538944xf32, #tpu.memory_space<hbm>> -> memref<12288xf32, #tpu.memory_space<hbm>>
    %dma_wait3A_1029 = tpu.memref_slice %arg2[%add3A_821] : memref<3538944xf32, #tpu.memory_space<hbm>> -> memref<12288xf32, #tpu.memory_space<hbm>>
    tpu.wait_dma2 semaphore(%arg18 : memref<!tpu.dma_semaphore, #tpu.memory_space<semaphore_mem>>) src(%dma_wait3A_1029 : memref<12288xf32, #tpu.memory_space<hbm>>) dst(%arg9 : memref<12288xf32, #tpu.memory_space<vmem>>)
    %get3A_1030 = arith.constant 0 : index
    %get3A_1031 = tpu.vector_load %arg15[%get3A_1030] {strides = array<i32>} : memref<1024xf32, #tpu.memory_space<vmem>>, vector<16xf32>,
    %get3A_1032 = vector.shape_cast %get3A_1031 : vector<16xf32> to vector<16xf32>
    %get3A_1033 = arith.constant 16 : index
    %get3A_1034 = tpu.vector_load %arg15[%get3A_1033] {strides = array<i32>} : memref<1024xf32, #tpu.memory_space<vmem>>, vector<16xf32>,
    %get3A_1035 = vector.shape_cast %get3A_1034 : vector<16xf32> to vector<16xf32>
    %get3A_1036 = arith.constant 32 : index
    %get3A_1037 = tpu.vector_load %arg15[%get3A_1036] {strides = array<i32>} : memref<1024xf32, #tpu.memory_space<vmem>>, vector<16xf32>,
    %get3A_1038 = vector.shape_cast %get3A_1037 : vector<16xf32> to vector<16xf32>
    %get3A_1039 = arith.constant 48 : index
    %get3A_1040 = tpu.vector_load %arg15[%get3A_1039] {strides = array<i32>} : memref<1024xf32, #tpu.memory_space<vmem>>, vector<16xf32>,
    %get3A_1041 = vector.shape_cast %get3A_1040 : vector<16xf32> to vector<16xf32>
    %get3A_1042 = arith.constant 64 : index
    %get3A_1043 = tpu.vector_load %arg15[%get3A_1042] {strides = array<i32>} : memref<1024xf32, #tpu.memory_space<vmem>>, vector<16xf32>,
    %get3A_1044 = vector.shape_cast %get3A_1043 : vector<16xf32> to vector<16xf32>
    %get3A_1045 = arith.constant 80 : index
    %get3A_1046 = tpu.vector_load %arg15[%get3A_1045] {strides = array<i32>} : memref<1024xf32, #tpu.memory_space<vmem>>, vector<16xf32>,
    %get3A_1047 = vector.shape_cast %get3A_1046 : vector<16xf32> to vector<16xf32>
    %get3A_1048 = arith.constant 96 : index
    %get3A_1049 = tpu.vector_load %arg15[%get3A_1048] {strides = array<i32>} : memref<1024xf32, #tpu.memory_space<vmem>>, vector<16xf32>,
    %get3A_1050 = vector.shape_cast %get3A_1049 : vector<16xf32> to vector<16xf32>
    %get3A_1051 = arith.constant 112 : index
    %get3A_1052 = tpu.vector_load %arg15[%get3A_1051] {strides = array<i32>} : memref<1024xf32, #tpu.memory_space<vmem>>, vector<16xf32>,
    %get3A_1053 = vector.shape_cast %get3A_1052 : vector<16xf32> to vector<16xf32>
    %get3A_1054 = arith.constant 128 : index
    %get3A_1055 = tpu.vector_load %arg15[%get3A_1054] {strides = array<i32>} : memref<1024xf32, #tpu.memory_space<vmem>>, vector<16xf32>,
    %get3A_1056 = vector.shape_cast %get3A_1055 : vector<16xf32> to vector<16xf32>
    %get3A_1057 = arith.constant 144 : index
    %get3A_1058 = tpu.vector_load %arg15[%get3A_1057] {strides = array<i32>} : memref<1024xf32, #tpu.memory_space<vmem>>, vector<16xf32>,
    %get3A_1059 = vector.shape_cast %get3A_1058 : vector<16xf32> to vector<16xf32>
    %get3A_1060 = arith.constant 160 : index
    %get3A_1061 = tpu.vector_load %arg15[%get3A_1060] {strides = array<i32>} : memref<1024xf32, #tpu.memory_space<vmem>>, vector<16xf32>,
    %get3A_1062 = vector.shape_cast %get3A_1061 : vector<16xf32> to vector<16xf32>
    %get3A_1063 = arith.constant 176 : index
    %get3A_1064 = tpu.vector_load %arg15[%get3A_1063] {strides = array<i32>} : memref<1024xf32, #tpu.memory_space<vmem>>, vector<16xf32>,
    %get3A_1065 = vector.shape_cast %get3A_1064 : vector<16xf32> to vector<16xf32>
    %get3A_1066 = arith.constant 192 : index
    %get3A_1067 = tpu.vector_load %arg15[%get3A_1066] {strides = array<i32>} : memref<1024xf32, #tpu.memory_space<vmem>>, vector<16xf32>,
    %get3A_1068 = vector.shape_cast %get3A_1067 : vector<16xf32> to vector<16xf32>
    %get3A_1069 = arith.constant 208 : index
    %get3A_1070 = tpu.vector_load %arg15[%get3A_1069] {strides = array<i32>} : memref<1024xf32, #tpu.memory_space<vmem>>, vector<16xf32>,
    %get3A_1071 = vector.shape_cast %get3A_1070 : vector<16xf32> to vector<16xf32>
    %get3A_1072 = arith.constant 224 : index
    %get3A_1073 = tpu.vector_load %arg15[%get3A_1072] {strides = array<i32>} : memref<1024xf32, #tpu.memory_space<vmem>>, vector<16xf32>,
    %get3A_1074 = vector.shape_cast %get3A_1073 : vector<16xf32> to vector<16xf32>
    %get3A_1075 = arith.constant 240 : index
    %get3A_1076 = tpu.vector_load %arg15[%get3A_1075] {strides = array<i32>} : memref<1024xf32, #tpu.memory_space<vmem>>, vector<16xf32>,
    %get3A_1077 = vector.shape_cast %get3A_1076 : vector<16xf32> to vector<16xf32>
    %get3A_1078 = arith.constant 256 : index
    %get3A_1079 = tpu.vector_load %arg15[%get3A_1078] {strides = array<i32>} : memref<1024xf32, #tpu.memory_space<vmem>>, vector<16xf32>,
    %get3A_1080 = vector.shape_cast %get3A_1079 : vector<16xf32> to vector<16xf32>
    %get3A_1081 = arith.constant 272 : index
    %get3A_1082 = tpu.vector_load %arg15[%get3A_1081] {strides = array<i32>} : memref<1024xf32, #tpu.memory_space<vmem>>, vector<16xf32>,
    %get3A_1083 = vector.shape_cast %get3A_1082 : vector<16xf32> to vector<16xf32>
    %get3A_1084 = arith.constant 288 : index
    %get3A_1085 = tpu.vector_load %arg15[%get3A_1084] {strides = array<i32>} : memref<1024xf32, #tpu.memory_space<vmem>>, vector<16xf32>,
    %get3A_1086 = vector.shape_cast %get3A_1085 : vector<16xf32> to vector<16xf32>
    %get3A_1087 = arith.constant 304 : index
    %get3A_1088 = tpu.vector_load %arg15[%get3A_1087] {strides = array<i32>} : memref<1024xf32, #tpu.memory_space<vmem>>, vector<16xf32>,
    %get3A_1089 = vector.shape_cast %get3A_1088 : vector<16xf32> to vector<16xf32>
    %get3A_1090 = arith.constant 320 : index
    %get3A_1091 = tpu.vector_load %arg15[%get3A_1090] {strides = array<i32>} : memref<1024xf32, #tpu.memory_space<vmem>>, vector<16xf32>,
    %get3A_1092 = vector.shape_cast %get3A_1091 : vector<16xf32> to vector<16xf32>
    %get3A_1093 = arith.constant 336 : index
    %get3A_1094 = tpu.vector_load %arg15[%get3A_1093] {strides = array<i32>} : memref<1024xf32, #tpu.memory_space<vmem>>, vector<16xf32>,
    %get3A_1095 = vector.shape_cast %get3A_1094 : vector<16xf32> to vector<16xf32>
    %get3A_1096 = arith.constant 352 : index
    %get3A_1097 = tpu.vector_load %arg15[%get3A_1096] {strides = array<i32>} : memref<1024xf32, #tpu.memory_space<vmem>>, vector<16xf32>,
    %get3A_1098 = vector.shape_cast %get3A_1097 : vector<16xf32> to vector<16xf32>
    %get3A_1099 = arith.constant 368 : index
    %get3A_1100 = tpu.vector_load %arg15[%get3A_1099] {strides = array<i32>} : memref<1024xf32, #tpu.memory_space<vmem>>, vector<16xf32>,
    %get3A_1101 = vector.shape_cast %get3A_1100 : vector<16xf32> to vector<16xf32>
    %get3A_1102 = arith.constant 384 : index
    %get3A_1103 = tpu.vector_load %arg15[%get3A_1102] {strides = array<i32>} : memref<1024xf32, #tpu.memory_space<vmem>>, vector<16xf32>,
    %get3A_1104 = vector.shape_cast %get3A_1103 : vector<16xf32> to vector<16xf32>
    %get3A_1105 = arith.constant 400 : index
    %get3A_1106 = tpu.vector_load %arg15[%get3A_1105] {strides = array<i32>} : memref<1024xf32, #tpu.memory_space<vmem>>, vector<16xf32>,
    %get3A_1107 = vector.shape_cast %get3A_1106 : vector<16xf32> to vector<16xf32>
    %get3A_1108 = arith.constant 416 : index
    %get3A_1109 = tpu.vector_load %arg15[%get3A_1108] {strides = array<i32>} : memref<1024xf32, #tpu.memory_space<vmem>>, vector<16xf32>,
    %get3A_1110 = vector.shape_cast %get3A_1109 : vector<16xf32> to vector<16xf32>
    %get3A_1111 = arith.constant 432 : index
    %get3A_1112 = tpu.vector_load %arg15[%get3A_1111] {strides = array<i32>} : memref<1024xf32, #tpu.memory_space<vmem>>, vector<16xf32>,
    %get3A_1113 = vector.shape_cast %get3A_1112 : vector<16xf32> to vector<16xf32>
    %get3A_1114 = arith.constant 448 : index
    %get3A_1115 = tpu.vector_load %arg15[%get3A_1114] {strides = array<i32>} : memref<1024xf32, #tpu.memory_space<vmem>>, vector<16xf32>,
    %get3A_1116 = vector.shape_cast %get3A_1115 : vector<16xf32> to vector<16xf32>
    %get3A_1117 = arith.constant 464 : index
    %get3A_1118 = tpu.vector_load %arg15[%get3A_1117] {strides = array<i32>} : memref<1024xf32, #tpu.memory_space<vmem>>, vector<16xf32>,
    %get3A_1119 = vector.shape_cast %get3A_1118 : vector<16xf32> to vector<16xf32>
    %get3A_1120 = arith.constant 480 : index
    %get3A_1121 = tpu.vector_load %arg15[%get3A_1120] {strides = array<i32>} : memref<1024xf32, #tpu.memory_space<vmem>>, vector<16xf32>,
    %get3A_1122 = vector.shape_cast %get3A_1121 : vector<16xf32> to vector<16xf32>
    %get3A_1123 = arith.constant 496 : index
    %get3A_1124 = tpu.vector_load %arg15[%get3A_1123] {strides = array<i32>} : memref<1024xf32, #tpu.memory_space<vmem>>, vector<16xf32>,
    %get3A_1125 = vector.shape_cast %get3A_1124 : vector<16xf32> to vector<16xf32>
    %parallel_loop3A_1126 = arith.constant 0 : i32
    %parallel_loop3A_1127 = arith.constant 768 : i32
    %parallel_loop3A_1128 = arith.constant 1 : i32
    %parallel_loop3A_1129 = scf.for %parallel_loop3A_1268 = %parallel_loop3A_1126 to %parallel_loop3A_1127 step %parallel_loop3A_1128 iter_args(%parallel_loop3A_1269 = %parallel_loop3A_923) -> (vector<16xf32>)  : i32 {
      %parallel_loop3A_1270 = arith.constant 16 : i32
      %parallel_loop3A_1271 = arith.muli %parallel_loop3A_1268, %parallel_loop3A_1270 : i32
      %parallel_loop3A_1272 = arith.index_cast %parallel_loop3A_1271 : i32 to index
      %parallel_loop3A_1273 = tpu.vector_load %arg7[%parallel_loop3A_1272] {strides = array<i32>} : memref<12288xf32, #tpu.memory_space<vmem>>, vector<16xf32>,
      %parallel_loop3A_1274 = vector.shape_cast %parallel_loop3A_1273 : vector<16xf32> to vector<16xf32>
      %parallel_loop3A_1275 = arith.index_cast %parallel_loop3A_1271 : i32 to index
      %parallel_loop3A_1276 = tpu.vector_load %arg8[%parallel_loop3A_1275] {strides = array<i32>} : memref<12288xf32, #tpu.memory_space<vmem>>, vector<16xf32>,
      %parallel_loop3A_1277 = vector.shape_cast %parallel_loop3A_1276 : vector<16xf32> to vector<16xf32>
      %parallel_loop3A_1278 = arith.index_cast %parallel_loop3A_1271 : i32 to index
      %parallel_loop3A_1279 = tpu.vector_load %arg9[%parallel_loop3A_1278] {strides = array<i32>} : memref<12288xf32, #tpu.memory_space<vmem>>, vector<16xf32>,
      %parallel_loop3A_1280 = vector.shape_cast %parallel_loop3A_1279 : vector<16xf32> to vector<16xf32>
      %parallel_loop3A_1281 = arith.mulf %parallel_loop3A_1274, %get3A_1032 : vector<16xf32>
      %parallel_loop3A_1282 = arith.subf %get3A_1041, %parallel_loop3A_1281 : vector<16xf32>
      %parallel_loop3A_1283 = arith.mulf %parallel_loop3A_1277, %get3A_1035 : vector<16xf32>
      %parallel_loop3A_1284 = arith.mulf %parallel_loop3A_1280, %get3A_1038 : vector<16xf32>
      %parallel_loop3A_1285 = arith.addf %parallel_loop3A_1283, %parallel_loop3A_1284 : vector<16xf32>
      %parallel_loop3A_1286 = arith.subf %parallel_loop3A_1282, %parallel_loop3A_1285 : vector<16xf32>
      %parallel_loop3A_1287 = arith.mulf %parallel_loop3A_1274, %get3A_1044 : vector<16xf32>
      %parallel_loop3A_1288 = arith.subf %get3A_1053, %parallel_loop3A_1287 : vector<16xf32>
      %parallel_loop3A_1289 = arith.mulf %parallel_loop3A_1277, %get3A_1047 : vector<16xf32>
      %parallel_loop3A_1290 = arith.mulf %parallel_loop3A_1280, %get3A_1050 : vector<16xf32>
      %parallel_loop3A_1291 = arith.addf %parallel_loop3A_1289, %parallel_loop3A_1290 : vector<16xf32>
      %parallel_loop3A_1292 = arith.subf %parallel_loop3A_1288, %parallel_loop3A_1291 : vector<16xf32>
      %parallel_loop3A_1293 = arith.minimumf %parallel_loop3A_1286, %parallel_loop3A_1292 : vector<16xf32>
      %parallel_loop3A_1294 = arith.mulf %parallel_loop3A_1274, %get3A_1056 : vector<16xf32>
      %parallel_loop3A_1295 = arith.subf %get3A_1065, %parallel_loop3A_1294 : vector<16xf32>
      %parallel_loop3A_1296 = arith.mulf %parallel_loop3A_1277, %get3A_1059 : vector<16xf32>
      %parallel_loop3A_1297 = arith.mulf %parallel_loop3A_1280, %get3A_1062 : vector<16xf32>
      %parallel_loop3A_1298 = arith.addf %parallel_loop3A_1296, %parallel_loop3A_1297 : vector<16xf32>
      %parallel_loop3A_1299 = arith.subf %parallel_loop3A_1295, %parallel_loop3A_1298 : vector<16xf32>
      %parallel_loop3A_1300 = arith.minimumf %parallel_loop3A_1293, %parallel_loop3A_1299 : vector<16xf32>
      %parallel_loop3A_1301 = arith.mulf %parallel_loop3A_1274, %get3A_1068 : vector<16xf32>
      %parallel_loop3A_1302 = arith.subf %get3A_1077, %parallel_loop3A_1301 : vector<16xf32>
      %parallel_loop3A_1303 = arith.mulf %parallel_loop3A_1277, %get3A_1071 : vector<16xf32>
      %parallel_loop3A_1304 = arith.mulf %parallel_loop3A_1280, %get3A_1074 : vector<16xf32>
      %parallel_loop3A_1305 = arith.addf %parallel_loop3A_1303, %parallel_loop3A_1304 : vector<16xf32>
      %parallel_loop3A_1306 = arith.subf %parallel_loop3A_1302, %parallel_loop3A_1305 : vector<16xf32>
      %parallel_loop3A_1307 = arith.minimumf %parallel_loop3A_1300, %parallel_loop3A_1306 : vector<16xf32>
      %parallel_loop3A_1308 = arith.mulf %parallel_loop3A_1274, %get3A_1080 : vector<16xf32>
      %parallel_loop3A_1309 = arith.subf %get3A_1089, %parallel_loop3A_1308 : vector<16xf32>
      %parallel_loop3A_1310 = arith.mulf %parallel_loop3A_1277, %get3A_1083 : vector<16xf32>
      %parallel_loop3A_1311 = arith.mulf %parallel_loop3A_1280, %get3A_1086 : vector<16xf32>
      %parallel_loop3A_1312 = arith.addf %parallel_loop3A_1310, %parallel_loop3A_1311 : vector<16xf32>
      %parallel_loop3A_1313 = arith.subf %parallel_loop3A_1309, %parallel_loop3A_1312 : vector<16xf32>
      %parallel_loop3A_1314 = arith.minimumf %parallel_loop3A_1307, %parallel_loop3A_1313 : vector<16xf32>
      %parallel_loop3A_1315 = arith.mulf %parallel_loop3A_1274, %get3A_1092 : vector<16xf32>
      %parallel_loop3A_1316 = arith.subf %get3A_1101, %parallel_loop3A_1315 : vector<16xf32>
      %parallel_loop3A_1317 = arith.mulf %parallel_loop3A_1277, %get3A_1095 : vector<16xf32>
      %parallel_loop3A_1318 = arith.mulf %parallel_loop3A_1280, %get3A_1098 : vector<16xf32>
      %parallel_loop3A_1319 = arith.addf %parallel_loop3A_1317, %parallel_loop3A_1318 : vector<16xf32>
      %parallel_loop3A_1320 = arith.subf %parallel_loop3A_1316, %parallel_loop3A_1319 : vector<16xf32>
      %parallel_loop3A_1321 = arith.minimumf %parallel_loop3A_1314, %parallel_loop3A_1320 : vector<16xf32>
      %parallel_loop3A_1322 = arith.mulf %parallel_loop3A_1274, %get3A_1104 : vector<16xf32>
      %parallel_loop3A_1323 = arith.subf %get3A_1113, %parallel_loop3A_1322 : vector<16xf32>
      %parallel_loop3A_1324 = arith.mulf %parallel_loop3A_1277, %get3A_1107 : vector<16xf32>
      %parallel_loop3A_1325 = arith.mulf %parallel_loop3A_1280, %get3A_1110 : vector<16xf32>
      %parallel_loop3A_1326 = arith.addf %parallel_loop3A_1324, %parallel_loop3A_1325 : vector<16xf32>
      %parallel_loop3A_1327 = arith.subf %parallel_loop3A_1323, %parallel_loop3A_1326 : vector<16xf32>
      %parallel_loop3A_1328 = arith.minimumf %parallel_loop3A_1321, %parallel_loop3A_1327 : vector<16xf32>
      %parallel_loop3A_1329 = arith.mulf %parallel_loop3A_1274, %get3A_1116 : vector<16xf32>
      %parallel_loop3A_1330 = arith.subf %get3A_1125, %parallel_loop3A_1329 : vector<16xf32>
      %parallel_loop3A_1331 = arith.mulf %parallel_loop3A_1277, %get3A_1119 : vector<16xf32>
      %parallel_loop3A_1332 = arith.mulf %parallel_loop3A_1280, %get3A_1122 : vector<16xf32>
      %parallel_loop3A_1333 = arith.addf %parallel_loop3A_1331, %parallel_loop3A_1332 : vector<16xf32>
      %parallel_loop3A_1334 = arith.subf %parallel_loop3A_1330, %parallel_loop3A_1333 : vector<16xf32>
      %parallel_loop3A_1335 = arith.minimumf %parallel_loop3A_1328, %parallel_loop3A_1334 : vector<16xf32>
      %parallel_loop3A_1336 = arith.index_cast %parallel_loop3A_1271 : i32 to index
      %parallel_loop3A_1337 = tpu.vector_load %arg13[%parallel_loop3A_1336] {strides = array<i32>} : memref<12288xf32, #tpu.memory_space<vmem>>, vector<16xf32>,
      %parallel_loop3A_1338 = vector.shape_cast %parallel_loop3A_1337 : vector<16xf32> to vector<16xf32>
      %parallel_loop3A_1339 = vector.shape_cast %parallel_loop3A_1335 : vector<16xf32> to vector<16xf32>
      tpu.vector_store %arg13[%parallel_loop3A_1336], %parallel_loop3A_1339 {strides = array<i32>} : memref<12288xf32, #tpu.memory_space<vmem>>, vector<16xf32>,
      %parallel_loop3A_1340 = arith.mulf %parallel_loop3A_1274, %parallel_loop3A_1274 : vector<16xf32>
      %parallel_loop3A_1341 = arith.mulf %parallel_loop3A_1277, %parallel_loop3A_1277 : vector<16xf32>
      %parallel_loop3A_1342 = arith.addf %parallel_loop3A_1340, %parallel_loop3A_1341 : vector<16xf32>
      %parallel_loop3A_1343 = arith.mulf %parallel_loop3A_1280, %parallel_loop3A_1280 : vector<16xf32>
      %parallel_loop3A_1344 = arith.addf %parallel_loop3A_1342, %parallel_loop3A_1343 : vector<16xf32>
      %parallel_loop3A_1345 = arith.addf %parallel_loop3A_1269, %parallel_loop3A_1344 : vector<16xf32>
      scf.yield %parallel_loop3A_1345 : vector<16xf32>
    } {sc.loop_unroll_factor = 2 : i64, sc.parallel_access}
    %get3A_1130 = arith.constant 512 : index
    %get3A_1131 = tpu.vector_load %arg15[%get3A_1130] {strides = array<i32>} : memref<1024xf32, #tpu.memory_space<vmem>>, vector<16xf32>,
    %get3A_1132 = vector.shape_cast %get3A_1131 : vector<16xf32> to vector<16xf32>
    %get3A_1133 = arith.constant 528 : index
    %get3A_1134 = tpu.vector_load %arg15[%get3A_1133] {strides = array<i32>} : memref<1024xf32, #tpu.memory_space<vmem>>, vector<16xf32>,
    %get3A_1135 = vector.shape_cast %get3A_1134 : vector<16xf32> to vector<16xf32>
    %get3A_1136 = arith.constant 544 : index
    %get3A_1137 = tpu.vector_load %arg15[%get3A_1136] {strides = array<i32>} : memref<1024xf32, #tpu.memory_space<vmem>>, vector<16xf32>,
    %get3A_1138 = vector.shape_cast %get3A_1137 : vector<16xf32> to vector<16xf32>
    %get3A_1139 = arith.constant 560 : index
    %get3A_1140 = tpu.vector_load %arg15[%get3A_1139] {strides = array<i32>} : memref<1024xf32, #tpu.memory_space<vmem>>, vector<16xf32>,
    %get3A_1141 = vector.shape_cast %get3A_1140 : vector<16xf32> to vector<16xf32>
    %get3A_1142 = arith.constant 576 : index
    %get3A_1143 = tpu.vector_load %arg15[%get3A_1142] {strides = array<i32>} : memref<1024xf32, #tpu.memory_space<vmem>>, vector<16xf32>,
    %get3A_1144 = vector.shape_cast %get3A_1143 : vector<16xf32> to vector<16xf32>
    %get3A_1145 = arith.constant 592 : index
    %get3A_1146 = tpu.vector_load %arg15[%get3A_1145] {strides = array<i32>} : memref<1024xf32, #tpu.memory_space<vmem>>, vector<16xf32>,
    %get3A_1147 = vector.shape_cast %get3A_1146 : vector<16xf32> to vector<16xf32>
    %get3A_1148 = arith.constant 608 : index
    %get3A_1149 = tpu.vector_load %arg15[%get3A_1148] {strides = array<i32>} : memref<1024xf32, #tpu.memory_space<vmem>>, vector<16xf32>,
    %get3A_1150 = vector.shape_cast %get3A_1149 : vector<16xf32> to vector<16xf32>
    %get3A_1151 = arith.constant 624 : index
    %get3A_1152 = tpu.vector_load %arg15[%get3A_1151] {strides = array<i32>} : memref<1024xf32, #tpu.memory_space<vmem>>, vector<16xf32>,
    %get3A_1153 = vector.shape_cast %get3A_1152 : vector<16xf32> to vector<16xf32>
    %get3A_1154 = arith.constant 640 : index
    %get3A_1155 = tpu.vector_load %arg15[%get3A_1154] {strides = array<i32>} : memref<1024xf32, #tpu.memory_space<vmem>>, vector<16xf32>,
    %get3A_1156 = vector.shape_cast %get3A_1155 : vector<16xf32> to vector<16xf32>
    %get3A_1157 = arith.constant 656 : index
    %get3A_1158 = tpu.vector_load %arg15[%get3A_1157] {strides = array<i32>} : memref<1024xf32, #tpu.memory_space<vmem>>, vector<16xf32>,
    %get3A_1159 = vector.shape_cast %get3A_1158 : vector<16xf32> to vector<16xf32>
    %get3A_1160 = arith.constant 672 : index
    %get3A_1161 = tpu.vector_load %arg15[%get3A_1160] {strides = array<i32>} : memref<1024xf32, #tpu.memory_space<vmem>>, vector<16xf32>,
    %get3A_1162 = vector.shape_cast %get3A_1161 : vector<16xf32> to vector<16xf32>
    %get3A_1163 = arith.constant 688 : index
    %get3A_1164 = tpu.vector_load %arg15[%get3A_1163] {strides = array<i32>} : memref<1024xf32, #tpu.memory_space<vmem>>, vector<16xf32>,
    %get3A_1165 = vector.shape_cast %get3A_1164 : vector<16xf32> to vector<16xf32>
    %get3A_1166 = arith.constant 704 : index
    %get3A_1167 = tpu.vector_load %arg15[%get3A_1166] {strides = array<i32>} : memref<1024xf32, #tpu.memory_space<vmem>>, vector<16xf32>,
    %get3A_1168 = vector.shape_cast %get3A_1167 : vector<16xf32> to vector<16xf32>
    %get3A_1169 = arith.constant 720 : index
    %get3A_1170 = tpu.vector_load %arg15[%get3A_1169] {strides = array<i32>} : memref<1024xf32, #tpu.memory_space<vmem>>, vector<16xf32>,
    %get3A_1171 = vector.shape_cast %get3A_1170 : vector<16xf32> to vector<16xf32>
    %get3A_1172 = arith.constant 736 : index
    %get3A_1173 = tpu.vector_load %arg15[%get3A_1172] {strides = array<i32>} : memref<1024xf32, #tpu.memory_space<vmem>>, vector<16xf32>,
    %get3A_1174 = vector.shape_cast %get3A_1173 : vector<16xf32> to vector<16xf32>
    %get3A_1175 = arith.constant 752 : index
    %get3A_1176 = tpu.vector_load %arg15[%get3A_1175] {strides = array<i32>} : memref<1024xf32, #tpu.memory_space<vmem>>, vector<16xf32>,
    %get3A_1177 = vector.shape_cast %get3A_1176 : vector<16xf32> to vector<16xf32>
    %get3A_1178 = arith.constant 768 : index
    %get3A_1179 = tpu.vector_load %arg15[%get3A_1178] {strides = array<i32>} : memref<1024xf32, #tpu.memory_space<vmem>>, vector<16xf32>,
    %get3A_1180 = vector.shape_cast %get3A_1179 : vector<16xf32> to vector<16xf32>
    %get3A_1181 = arith.constant 784 : index
    %get3A_1182 = tpu.vector_load %arg15[%get3A_1181] {strides = array<i32>} : memref<1024xf32, #tpu.memory_space<vmem>>, vector<16xf32>,
    %get3A_1183 = vector.shape_cast %get3A_1182 : vector<16xf32> to vector<16xf32>
    %get3A_1184 = arith.constant 800 : index
    %get3A_1185 = tpu.vector_load %arg15[%get3A_1184] {strides = array<i32>} : memref<1024xf32, #tpu.memory_space<vmem>>, vector<16xf32>,
    %get3A_1186 = vector.shape_cast %get3A_1185 : vector<16xf32> to vector<16xf32>
    %get3A_1187 = arith.constant 816 : index
    %get3A_1188 = tpu.vector_load %arg15[%get3A_1187] {strides = array<i32>} : memref<1024xf32, #tpu.memory_space<vmem>>, vector<16xf32>,
    %get3A_1189 = vector.shape_cast %get3A_1188 : vector<16xf32> to vector<16xf32>
    %get3A_1190 = arith.constant 832 : index
    %get3A_1191 = tpu.vector_load %arg15[%get3A_1190] {strides = array<i32>} : memref<1024xf32, #tpu.memory_space<vmem>>, vector<16xf32>,
    %get3A_1192 = vector.shape_cast %get3A_1191 : vector<16xf32> to vector<16xf32>
    %get3A_1193 = arith.constant 848 : index
    %get3A_1194 = tpu.vector_load %arg15[%get3A_1193] {strides = array<i32>} : memref<1024xf32, #tpu.memory_space<vmem>>, vector<16xf32>,
    %get3A_1195 = vector.shape_cast %get3A_1194 : vector<16xf32> to vector<16xf32>
    %get3A_1196 = arith.constant 864 : index
    %get3A_1197 = tpu.vector_load %arg15[%get3A_1196] {strides = array<i32>} : memref<1024xf32, #tpu.memory_space<vmem>>, vector<16xf32>,
    %get3A_1198 = vector.shape_cast %get3A_1197 : vector<16xf32> to vector<16xf32>
    %get3A_1199 = arith.constant 880 : index
    %get3A_1200 = tpu.vector_load %arg15[%get3A_1199] {strides = array<i32>} : memref<1024xf32, #tpu.memory_space<vmem>>, vector<16xf32>,
    %get3A_1201 = vector.shape_cast %get3A_1200 : vector<16xf32> to vector<16xf32>
    %get3A_1202 = arith.constant 896 : index
    %get3A_1203 = tpu.vector_load %arg15[%get3A_1202] {strides = array<i32>} : memref<1024xf32, #tpu.memory_space<vmem>>, vector<16xf32>,
    %get3A_1204 = vector.shape_cast %get3A_1203 : vector<16xf32> to vector<16xf32>
    %get3A_1205 = arith.constant 912 : index
    %get3A_1206 = tpu.vector_load %arg15[%get3A_1205] {strides = array<i32>} : memref<1024xf32, #tpu.memory_space<vmem>>, vector<16xf32>,
    %get3A_1207 = vector.shape_cast %get3A_1206 : vector<16xf32> to vector<16xf32>
    %get3A_1208 = arith.constant 928 : index
    %get3A_1209 = tpu.vector_load %arg15[%get3A_1208] {strides = array<i32>} : memref<1024xf32, #tpu.memory_space<vmem>>, vector<16xf32>,
    %get3A_1210 = vector.shape_cast %get3A_1209 : vector<16xf32> to vector<16xf32>
    %get3A_1211 = arith.constant 944 : index
    %get3A_1212 = tpu.vector_load %arg15[%get3A_1211] {strides = array<i32>} : memref<1024xf32, #tpu.memory_space<vmem>>, vector<16xf32>,
    %get3A_1213 = vector.shape_cast %get3A_1212 : vector<16xf32> to vector<16xf32>
    %get3A_1214 = arith.constant 960 : index
    %get3A_1215 = tpu.vector_load %arg15[%get3A_1214] {strides = array<i32>} : memref<1024xf32, #tpu.memory_space<vmem>>, vector<16xf32>,
    %get3A_1216 = vector.shape_cast %get3A_1215 : vector<16xf32> to vector<16xf32>
    %get3A_1217 = arith.constant 976 : index
    %get3A_1218 = tpu.vector_load %arg15[%get3A_1217] {strides = array<i32>} : memref<1024xf32, #tpu.memory_space<vmem>>, vector<16xf32>,
    %get3A_1219 = vector.shape_cast %get3A_1218 : vector<16xf32> to vector<16xf32>
    %get3A_1220 = arith.constant 992 : index
    %get3A_1221 = tpu.vector_load %arg15[%get3A_1220] {strides = array<i32>} : memref<1024xf32, #tpu.memory_space<vmem>>, vector<16xf32>,
    %get3A_1222 = vector.shape_cast %get3A_1221 : vector<16xf32> to vector<16xf32>
    %get3A_1223 = arith.constant 1008 : index
    %get3A_1224 = tpu.vector_load %arg15[%get3A_1223] {strides = array<i32>} : memref<1024xf32, #tpu.memory_space<vmem>>, vector<16xf32>,
    %get3A_1225 = vector.shape_cast %get3A_1224 : vector<16xf32> to vector<16xf32>
    %parallel_loop3A_1226 = arith.constant 0 : i32
    %parallel_loop3A_1227 = arith.constant 768 : i32
    %parallel_loop3A_1228 = arith.constant 1 : i32
    %parallel_loop3A_1229 = scf.for %parallel_loop3A_1268 = %parallel_loop3A_1226 to %parallel_loop3A_1227 step %parallel_loop3A_1228 iter_args(%parallel_loop3A_1269 = %parallel_loop3A_1023) -> (vector<16xf32>)  : i32 {
      %parallel_loop3A_1270 = arith.constant 16 : i32
      %parallel_loop3A_1271 = arith.muli %parallel_loop3A_1268, %parallel_loop3A_1270 : i32
      %parallel_loop3A_1272 = arith.index_cast %parallel_loop3A_1271 : i32 to index
      %parallel_loop3A_1273 = tpu.vector_load %arg7[%parallel_loop3A_1272] {strides = array<i32>} : memref<12288xf32, #tpu.memory_space<vmem>>, vector<16xf32>,
      %parallel_loop3A_1274 = vector.shape_cast %parallel_loop3A_1273 : vector<16xf32> to vector<16xf32>
      %parallel_loop3A_1275 = arith.index_cast %parallel_loop3A_1271 : i32 to index
      %parallel_loop3A_1276 = tpu.vector_load %arg8[%parallel_loop3A_1275] {strides = array<i32>} : memref<12288xf32, #tpu.memory_space<vmem>>, vector<16xf32>,
      %parallel_loop3A_1277 = vector.shape_cast %parallel_loop3A_1276 : vector<16xf32> to vector<16xf32>
      %parallel_loop3A_1278 = arith.index_cast %parallel_loop3A_1271 : i32 to index
      %parallel_loop3A_1279 = tpu.vector_load %arg9[%parallel_loop3A_1278] {strides = array<i32>} : memref<12288xf32, #tpu.memory_space<vmem>>, vector<16xf32>,
      %parallel_loop3A_1280 = vector.shape_cast %parallel_loop3A_1279 : vector<16xf32> to vector<16xf32>
      %parallel_loop3A_1281 = arith.index_cast %parallel_loop3A_1271 : i32 to index
      %parallel_loop3A_1282 = tpu.vector_load %arg13[%parallel_loop3A_1281] {strides = array<i32>} : memref<12288xf32, #tpu.memory_space<vmem>>, vector<16xf32>,
      %parallel_loop3A_1283 = vector.shape_cast %parallel_loop3A_1282 : vector<16xf32> to vector<16xf32>
      %parallel_loop3A_1284 = arith.mulf %parallel_loop3A_1274, %get3A_1132 : vector<16xf32>
      %parallel_loop3A_1285 = arith.subf %get3A_1141, %parallel_loop3A_1284 : vector<16xf32>
      %parallel_loop3A_1286 = arith.mulf %parallel_loop3A_1277, %get3A_1135 : vector<16xf32>
      %parallel_loop3A_1287 = arith.mulf %parallel_loop3A_1280, %get3A_1138 : vector<16xf32>
      %parallel_loop3A_1288 = arith.addf %parallel_loop3A_1286, %parallel_loop3A_1287 : vector<16xf32>
      %parallel_loop3A_1289 = arith.subf %parallel_loop3A_1285, %parallel_loop3A_1288 : vector<16xf32>
      %parallel_loop3A_1290 = arith.minimumf %parallel_loop3A_1283, %parallel_loop3A_1289 : vector<16xf32>
      %parallel_loop3A_1291 = arith.mulf %parallel_loop3A_1274, %get3A_1144 : vector<16xf32>
      %parallel_loop3A_1292 = arith.subf %get3A_1153, %parallel_loop3A_1291 : vector<16xf32>
      %parallel_loop3A_1293 = arith.mulf %parallel_loop3A_1277, %get3A_1147 : vector<16xf32>
      %parallel_loop3A_1294 = arith.mulf %parallel_loop3A_1280, %get3A_1150 : vector<16xf32>
      %parallel_loop3A_1295 = arith.addf %parallel_loop3A_1293, %parallel_loop3A_1294 : vector<16xf32>
      %parallel_loop3A_1296 = arith.subf %parallel_loop3A_1292, %parallel_loop3A_1295 : vector<16xf32>
      %parallel_loop3A_1297 = arith.minimumf %parallel_loop3A_1290, %parallel_loop3A_1296 : vector<16xf32>
      %parallel_loop3A_1298 = arith.mulf %parallel_loop3A_1274, %get3A_1156 : vector<16xf32>
      %parallel_loop3A_1299 = arith.subf %get3A_1165, %parallel_loop3A_1298 : vector<16xf32>
      %parallel_loop3A_1300 = arith.mulf %parallel_loop3A_1277, %get3A_1159 : vector<16xf32>
      %parallel_loop3A_1301 = arith.mulf %parallel_loop3A_1280, %get3A_1162 : vector<16xf32>
      %parallel_loop3A_1302 = arith.addf %parallel_loop3A_1300, %parallel_loop3A_1301 : vector<16xf32>
      %parallel_loop3A_1303 = arith.subf %parallel_loop3A_1299, %parallel_loop3A_1302 : vector<16xf32>
      %parallel_loop3A_1304 = arith.minimumf %parallel_loop3A_1297, %parallel_loop3A_1303 : vector<16xf32>
      %parallel_loop3A_1305 = arith.mulf %parallel_loop3A_1274, %get3A_1168 : vector<16xf32>
      %parallel_loop3A_1306 = arith.subf %get3A_1177, %parallel_loop3A_1305 : vector<16xf32>
      %parallel_loop3A_1307 = arith.mulf %parallel_loop3A_1277, %get3A_1171 : vector<16xf32>
      %parallel_loop3A_1308 = arith.mulf %parallel_loop3A_1280, %get3A_1174 : vector<16xf32>
      %parallel_loop3A_1309 = arith.addf %parallel_loop3A_1307, %parallel_loop3A_1308 : vector<16xf32>
      %parallel_loop3A_1310 = arith.subf %parallel_loop3A_1306, %parallel_loop3A_1309 : vector<16xf32>
      %parallel_loop3A_1311 = arith.minimumf %parallel_loop3A_1304, %parallel_loop3A_1310 : vector<16xf32>
      %parallel_loop3A_1312 = arith.mulf %parallel_loop3A_1274, %get3A_1180 : vector<16xf32>
      %parallel_loop3A_1313 = arith.subf %get3A_1189, %parallel_loop3A_1312 : vector<16xf32>
      %parallel_loop3A_1314 = arith.mulf %parallel_loop3A_1277, %get3A_1183 : vector<16xf32>
      %parallel_loop3A_1315 = arith.mulf %parallel_loop3A_1280, %get3A_1186 : vector<16xf32>
      %parallel_loop3A_1316 = arith.addf %parallel_loop3A_1314, %parallel_loop3A_1315 : vector<16xf32>
      %parallel_loop3A_1317 = arith.subf %parallel_loop3A_1313, %parallel_loop3A_1316 : vector<16xf32>
      %parallel_loop3A_1318 = arith.minimumf %parallel_loop3A_1311, %parallel_loop3A_1317 : vector<16xf32>
      %parallel_loop3A_1319 = arith.mulf %parallel_loop3A_1274, %get3A_1192 : vector<16xf32>
      %parallel_loop3A_1320 = arith.subf %get3A_1201, %parallel_loop3A_1319 : vector<16xf32>
      %parallel_loop3A_1321 = arith.mulf %parallel_loop3A_1277, %get3A_1195 : vector<16xf32>
      %parallel_loop3A_1322 = arith.mulf %parallel_loop3A_1280, %get3A_1198 : vector<16xf32>
      %parallel_loop3A_1323 = arith.addf %parallel_loop3A_1321, %parallel_loop3A_1322 : vector<16xf32>
      %parallel_loop3A_1324 = arith.subf %parallel_loop3A_1320, %parallel_loop3A_1323 : vector<16xf32>
      %parallel_loop3A_1325 = arith.minimumf %parallel_loop3A_1318, %parallel_loop3A_1324 : vector<16xf32>
      %parallel_loop3A_1326 = arith.mulf %parallel_loop3A_1274, %get3A_1204 : vector<16xf32>
      %parallel_loop3A_1327 = arith.subf %get3A_1213, %parallel_loop3A_1326 : vector<16xf32>
      %parallel_loop3A_1328 = arith.mulf %parallel_loop3A_1277, %get3A_1207 : vector<16xf32>
      %parallel_loop3A_1329 = arith.mulf %parallel_loop3A_1280, %get3A_1210 : vector<16xf32>
      %parallel_loop3A_1330 = arith.addf %parallel_loop3A_1328, %parallel_loop3A_1329 : vector<16xf32>
      %parallel_loop3A_1331 = arith.subf %parallel_loop3A_1327, %parallel_loop3A_1330 : vector<16xf32>
      %parallel_loop3A_1332 = arith.minimumf %parallel_loop3A_1325, %parallel_loop3A_1331 : vector<16xf32>
      %parallel_loop3A_1333 = arith.mulf %parallel_loop3A_1274, %get3A_1216 : vector<16xf32>
      %parallel_loop3A_1334 = arith.subf %get3A_1225, %parallel_loop3A_1333 : vector<16xf32>
      %parallel_loop3A_1335 = arith.mulf %parallel_loop3A_1277, %get3A_1219 : vector<16xf32>
      %parallel_loop3A_1336 = arith.mulf %parallel_loop3A_1280, %get3A_1222 : vector<16xf32>
      %parallel_loop3A_1337 = arith.addf %parallel_loop3A_1335, %parallel_loop3A_1336 : vector<16xf32>
      %parallel_loop3A_1338 = arith.subf %parallel_loop3A_1334, %parallel_loop3A_1337 : vector<16xf32>
      %parallel_loop3A_1339 = arith.minimumf %parallel_loop3A_1332, %parallel_loop3A_1338 : vector<16xf32>
      %parallel_loop3A_1340 = arith.addf %parallel_loop3A_1269, %parallel_loop3A_1339 : vector<16xf32>
      scf.yield %parallel_loop3A_1340 : vector<16xf32>
    } {sc.loop_unroll_factor = 2 : i64, sc.parallel_access}
    %add3A_1230 = arith.addf %parallel_loop3A_1229, %parallel_loop3A_1129 : vector<16xf32>
    %swap3A_1231 = arith.constant 0 : index
    %swap3A_1232 = tpu.vector_load %arg17[%swap3A_1231] {strides = array<i32>} : memref<16xf32, #tpu.memory_space<vmem>>, vector<16xf32>,
    %swap3A_1233 = vector.shape_cast %swap3A_1232 : vector<16xf32> to vector<16xf32>
    %swap3A_1234 = vector.shape_cast %add3A_1230 : vector<16xf32> to vector<16xf32>
    tpu.vector_store %arg17[%swap3A_1231], %swap3A_1234 {strides = array<i32>} : memref<16xf32, #tpu.memory_space<vmem>>, vector<16xf32>,
    "tpu.region"() ({
      %run_scoped3A = tpu.sem_alloc : memref<!tpu.dma_semaphore, #tpu.memory_space<semaphore_mem>>
      %dma_start3A_1268 = arith.constant 0 : i32
      %dma_start3A_1269 = tpu.memref_slice %arg5[%add3A, %dma_start3A_1268] : memref<32x16xf32, #tpu.memory_space<hbm>> -> memref<1x16xf32, #tpu.memory_space<hbm>>
      %dma_start3A_1270 = tpu.memref_squeeze %dma_start3A_1269 : memref<1x16xf32, #tpu.memory_space<hbm>> -> memref<16xf32, #tpu.memory_space<hbm>>
      %dma_start3A_1271 = arith.constant 0 : i32
      %dma_start3A_1272 = tpu.memref_slice %arg5[%add3A, %dma_start3A_1271] : memref<32x16xf32, #tpu.memory_space<hbm>> -> memref<1x16xf32, #tpu.memory_space<hbm>>
      %dma_start3A_1273 = tpu.memref_squeeze %dma_start3A_1272 : memref<1x16xf32, #tpu.memory_space<hbm>> -> memref<16xf32, #tpu.memory_space<hbm>>
      tpu.enqueue_dma source(%arg17 : memref<16xf32, #tpu.memory_space<vmem>>) target(%dma_start3A_1273 : memref<16xf32, #tpu.memory_space<hbm>>) target_semaphore(%run_scoped3A : memref<!tpu.dma_semaphore, #tpu.memory_space<semaphore_mem>>)
      %dma_wait3A_1274 = arith.constant 0 : i32
      %dma_wait3A_1275 = tpu.memref_slice %arg5[%add3A, %dma_wait3A_1274] : memref<32x16xf32, #tpu.memory_space<hbm>> -> memref<1x16xf32, #tpu.memory_space<hbm>>
      %dma_wait3A_1276 = tpu.memref_squeeze %dma_wait3A_1275 : memref<1x16xf32, #tpu.memory_space<hbm>> -> memref<16xf32, #tpu.memory_space<hbm>>
      %dma_wait3A_1277 = arith.constant 0 : i32
      %dma_wait3A_1278 = tpu.memref_slice %arg5[%add3A, %dma_wait3A_1277] : memref<32x16xf32, #tpu.memory_space<hbm>> -> memref<1x16xf32, #tpu.memory_space<hbm>>
      %dma_wait3A_1279 = tpu.memref_squeeze %dma_wait3A_1278 : memref<1x16xf32, #tpu.memory_space<hbm>> -> memref<16xf32, #tpu.memory_space<hbm>>
      tpu.wait_dma2 semaphore(%run_scoped3A : memref<!tpu.dma_semaphore, #tpu.memory_space<semaphore_mem>>) src(%arg17 : memref<16xf32, #tpu.memory_space<vmem>>) dst(%dma_wait3A_1279 : memref<16xf32, #tpu.memory_space<hbm>>)
      tpu.yield
    }) : () -> ()
    %dma_wait3A_1235 = arith.constant 0 : i32
    %dma_wait3A_1236 = tpu.memref_slice %arg4[%select_n3A, %dma_wait3A_1235] : memref<8x48xf32, #tpu.memory_space<hbm>> -> memref<1x48xf32, #tpu.memory_space<hbm>>
    %dma_wait3A_1237 = tpu.memref_squeeze %dma_wait3A_1236 : memref<1x48xf32, #tpu.memory_space<hbm>> -> memref<48xf32, #tpu.memory_space<hbm>>
    %dma_wait3A_1238 = arith.constant 0 : i32
    %dma_wait3A_1239 = tpu.memref_slice %arg4[%select_n3A, %dma_wait3A_1238] : memref<8x48xf32, #tpu.memory_space<hbm>> -> memref<1x48xf32, #tpu.memory_space<hbm>>
    %dma_wait3A_1240 = tpu.memref_squeeze %dma_wait3A_1239 : memref<1x48xf32, #tpu.memory_space<hbm>> -> memref<48xf32, #tpu.memory_space<hbm>>
    tpu.wait_dma2 semaphore(%arg20 : memref<!tpu.dma_semaphore, #tpu.memory_space<semaphore_mem>>) src(%dma_wait3A_1240 : memref<48xf32, #tpu.memory_space<hbm>>) dst(%arg16 : memref<48xf32, #tpu.memory_space<vmem>>)
    %iota3A = tpu.iota {dimensions = array<i32: 0>} : vector<16xi32>
    %get3A_1241 = arith.constant 0 : index
    %get3A_1242 = tpu.vector_load %arg16[%get3A_1241] {strides = array<i32>} : memref<48xf32, #tpu.memory_space<vmem>>, vector<16xf32>,
    %get3A_1243 = vector.shape_cast %get3A_1242 : vector<16xf32> to vector<16xf32>
    %get3A_1244 = arith.constant 16 : index
    %get3A_1245 = tpu.vector_load %arg16[%get3A_1244] {strides = array<i32>} : memref<48xf32, #tpu.memory_space<vmem>>, vector<16xf32>,
    %get3A_1246 = vector.shape_cast %get3A_1245 : vector<16xf32> to vector<16xf32>
    %get3A_1247 = arith.constant 32 : index
    %get3A_1248 = tpu.vector_load %arg16[%get3A_1247] {strides = array<i32>} : memref<48xf32, #tpu.memory_space<vmem>>, vector<16xf32>,
    %get3A_1249 = vector.shape_cast %get3A_1248 : vector<16xf32> to vector<16xf32>
    %eq3A_1250 = arith.constant 0 : i32
    %eq3A_1251 = arith.cmpi eq, %select_n3A_30, %eq3A_1250 : i32
    %convert_element_type3A = arith.extui %eq3A_1251 : i1 to i32
    %cond3A = arith.constant 0 : i32
    %cond3A_1252 = arith.cmpi ne, %convert_element_type3A, %cond3A : i32
    scf.if %cond3A_1252 {
      %broadcast_in_dim3A_1268 = arith.constant 0.000000e+00 : f32
      %broadcast_in_dim3A_1269 = vector.broadcast %broadcast_in_dim3A_1268 : f32 to vector<16xf32>
      %sub3A_1270 = arith.subf %get3A_1243, %get3A_58 : vector<16xf32>
      %sub3A_1271 = arith.subf %get3A_1246, %get3A_106 : vector<16xf32>
      %sub3A_1272 = arith.subf %get3A_1249, %get3A_154 : vector<16xf32>
      %mul3A_1273 = arith.mulf %sub3A_1270, %sub3A_1270 : vector<16xf32>
      %mul3A_1274 = arith.mulf %sub3A_1271, %sub3A_1271 : vector<16xf32>
      %add3A_1275 = arith.addf %mul3A_1273, %mul3A_1274 : vector<16xf32>
      %mul3A_1276 = arith.mulf %sub3A_1272, %sub3A_1272 : vector<16xf32>
      %add3A_1277 = arith.addf %add3A_1275, %mul3A_1276 : vector<16xf32>
      %bitcast_convert_type3A = tpu.bitcast %add3A_1277 : vector<16xf32> -> vector<16xi32>
      %shift_right_arithmetic3A = arith.constant 1 : i32
      %shift_right_arithmetic3A_1278 = vector.broadcast %shift_right_arithmetic3A : i32 to vector<16xi32>
      %shift_right_arithmetic3A_1279 = arith.shrsi %bitcast_convert_type3A, %shift_right_arithmetic3A_1278 : vector<16xi32>
      %sub3A_1280 = arith.constant 1597463007 : i32
      %sub3A_1281 = vector.broadcast %sub3A_1280 : i32 to vector<16xi32>
      %sub3A_1282 = arith.subi %sub3A_1281, %shift_right_arithmetic3A_1279 : vector<16xi32>
      %bitcast_convert_type3A_1283 = tpu.bitcast %sub3A_1282 : vector<16xi32> -> vector<16xf32>
      %mul3A_1284 = arith.constant 5.000000e-01 : f32
      %mul3A_1285 = vector.broadcast %mul3A_1284 : f32 to vector<16xf32>
      %mul3A_1286 = arith.mulf %mul3A_1285, %add3A_1277 : vector<16xf32>
      %mul3A_1287 = arith.mulf %mul3A_1286, %bitcast_convert_type3A_1283 : vector<16xf32>
      %mul3A_1288 = arith.mulf %mul3A_1287, %bitcast_convert_type3A_1283 : vector<16xf32>
      %sub3A_1289 = arith.constant 1.500000e+00 : f32
      %sub3A_1290 = vector.broadcast %sub3A_1289 : f32 to vector<16xf32>
      %sub3A_1291 = arith.subf %sub3A_1290, %mul3A_1288 : vector<16xf32>
      %mul3A_1292 = arith.mulf %bitcast_convert_type3A_1283, %sub3A_1291 : vector<16xf32>
      %mul3A_1293 = arith.constant 5.000000e-01 : f32
      %mul3A_1294 = vector.broadcast %mul3A_1293 : f32 to vector<16xf32>
      %mul3A_1295 = arith.mulf %mul3A_1294, %add3A_1277 : vector<16xf32>
      %mul3A_1296 = arith.mulf %mul3A_1295, %mul3A_1292 : vector<16xf32>
      %mul3A_1297 = arith.mulf %mul3A_1296, %mul3A_1292 : vector<16xf32>
      %sub3A_1298 = arith.constant 1.500000e+00 : f32
      %sub3A_1299 = vector.broadcast %sub3A_1298 : f32 to vector<16xf32>
      %sub3A_1300 = arith.subf %sub3A_1299, %mul3A_1297 : vector<16xf32>
      %mul3A_1301 = arith.mulf %mul3A_1292, %sub3A_1300 : vector<16xf32>
      %mul3A_1302 = arith.constant 5.000000e-01 : f32
      %mul3A_1303 = vector.broadcast %mul3A_1302 : f32 to vector<16xf32>
      %mul3A_1304 = arith.mulf %mul3A_1303, %add3A_1277 : vector<16xf32>
      %mul3A_1305 = arith.mulf %mul3A_1304, %mul3A_1301 : vector<16xf32>
      %mul3A_1306 = arith.mulf %mul3A_1305, %mul3A_1301 : vector<16xf32>
      %sub3A_1307 = arith.constant 1.500000e+00 : f32
      %sub3A_1308 = vector.broadcast %sub3A_1307 : f32 to vector<16xf32>
      %sub3A_1309 = arith.subf %sub3A_1308, %mul3A_1306 : vector<16xf32>
      %mul3A_1310 = arith.mulf %mul3A_1301, %sub3A_1309 : vector<16xf32>
      %mul3A_1311 = arith.mulf %add3A_1277, %mul3A_1310 : vector<16xf32>
      %gt3A = arith.constant 0 : i32
      %gt3A_1312 = vector.broadcast %gt3A : i32 to vector<16xi32>
      %gt3A_1313 = arith.cmpi sgt, %iota3A, %gt3A_1312 : vector<16xi32>
      %jit3A_1314 = arith.constant 1.000000e+00 : f32
      %jit3A_1315 = arith.constant 0.000000e+00 : f32
      %broadcast_in_dim3A_1316 = vector.broadcast %jit3A_1314 : f32 to vector<16xf32>
      %broadcast_in_dim3A_1317 = vector.broadcast %jit3A_1315 : f32 to vector<16xf32>
      %select_n3A_1318 = arith.select %gt3A_1313, %broadcast_in_dim3A_1316, %broadcast_in_dim3A_1317 : vector<16xi1>, vector<16xf32>
      %mul3A_1319 = arith.mulf %mul3A_1311, %select_n3A_1318 : vector<16xf32>
      %add3A_1320 = arith.addf %broadcast_in_dim3A_1269, %mul3A_1319 : vector<16xf32>
      %sub3A_1321 = arith.subf %get3A_1243, %get3A_61 : vector<16xf32>
      %sub3A_1322 = arith.subf %get3A_1246, %get3A_109 : vector<16xf32>
      %sub3A_1323 = arith.subf %get3A_1249, %get3A_157 : vector<16xf32>
      %mul3A_1324 = arith.mulf %sub3A_1321, %sub3A_1321 : vector<16xf32>
      %mul3A_1325 = arith.mulf %sub3A_1322, %sub3A_1322 : vector<16xf32>
      %add3A_1326 = arith.addf %mul3A_1324, %mul3A_1325 : vector<16xf32>
      %mul3A_1327 = arith.mulf %sub3A_1323, %sub3A_1323 : vector<16xf32>
      %add3A_1328 = arith.addf %add3A_1326, %mul3A_1327 : vector<16xf32>
      %bitcast_convert_type3A_1329 = tpu.bitcast %add3A_1328 : vector<16xf32> -> vector<16xi32>
      %shift_right_arithmetic3A_1330 = arith.constant 1 : i32
      %shift_right_arithmetic3A_1331 = vector.broadcast %shift_right_arithmetic3A_1330 : i32 to vector<16xi32>
      %shift_right_arithmetic3A_1332 = arith.shrsi %bitcast_convert_type3A_1329, %shift_right_arithmetic3A_1331 : vector<16xi32>
      %sub3A_1333 = arith.constant 1597463007 : i32
      %sub3A_1334 = vector.broadcast %sub3A_1333 : i32 to vector<16xi32>
      %sub3A_1335 = arith.subi %sub3A_1334, %shift_right_arithmetic3A_1332 : vector<16xi32>
      %bitcast_convert_type3A_1336 = tpu.bitcast %sub3A_1335 : vector<16xi32> -> vector<16xf32>
      %mul3A_1337 = arith.constant 5.000000e-01 : f32
      %mul3A_1338 = vector.broadcast %mul3A_1337 : f32 to vector<16xf32>
      %mul3A_1339 = arith.mulf %mul3A_1338, %add3A_1328 : vector<16xf32>
      %mul3A_1340 = arith.mulf %mul3A_1339, %bitcast_convert_type3A_1336 : vector<16xf32>
      %mul3A_1341 = arith.mulf %mul3A_1340, %bitcast_convert_type3A_1336 : vector<16xf32>
      %sub3A_1342 = arith.constant 1.500000e+00 : f32
      %sub3A_1343 = vector.broadcast %sub3A_1342 : f32 to vector<16xf32>
      %sub3A_1344 = arith.subf %sub3A_1343, %mul3A_1341 : vector<16xf32>
      %mul3A_1345 = arith.mulf %bitcast_convert_type3A_1336, %sub3A_1344 : vector<16xf32>
      %mul3A_1346 = arith.constant 5.000000e-01 : f32
      %mul3A_1347 = vector.broadcast %mul3A_1346 : f32 to vector<16xf32>
      %mul3A_1348 = arith.mulf %mul3A_1347, %add3A_1328 : vector<16xf32>
      %mul3A_1349 = arith.mulf %mul3A_1348, %mul3A_1345 : vector<16xf32>
      %mul3A_1350 = arith.mulf %mul3A_1349, %mul3A_1345 : vector<16xf32>
      %sub3A_1351 = arith.constant 1.500000e+00 : f32
      %sub3A_1352 = vector.broadcast %sub3A_1351 : f32 to vector<16xf32>
      %sub3A_1353 = arith.subf %sub3A_1352, %mul3A_1350 : vector<16xf32>
      %mul3A_1354 = arith.mulf %mul3A_1345, %sub3A_1353 : vector<16xf32>
      %mul3A_1355 = arith.constant 5.000000e-01 : f32
      %mul3A_1356 = vector.broadcast %mul3A_1355 : f32 to vector<16xf32>
      %mul3A_1357 = arith.mulf %mul3A_1356, %add3A_1328 : vector<16xf32>
      %mul3A_1358 = arith.mulf %mul3A_1357, %mul3A_1354 : vector<16xf32>
      %mul3A_1359 = arith.mulf %mul3A_1358, %mul3A_1354 : vector<16xf32>
      %sub3A_1360 = arith.constant 1.500000e+00 : f32
      %sub3A_1361 = vector.broadcast %sub3A_1360 : f32 to vector<16xf32>
      %sub3A_1362 = arith.subf %sub3A_1361, %mul3A_1359 : vector<16xf32>
      %mul3A_1363 = arith.mulf %mul3A_1354, %sub3A_1362 : vector<16xf32>
      %mul3A_1364 = arith.mulf %add3A_1328, %mul3A_1363 : vector<16xf32>
      %gt3A_1365 = arith.constant 1 : i32
      %gt3A_1366 = vector.broadcast %gt3A_1365 : i32 to vector<16xi32>
      %gt3A_1367 = arith.cmpi sgt, %iota3A, %gt3A_1366 : vector<16xi32>
      %jit3A_1368 = arith.constant 1.000000e+00 : f32
      %jit3A_1369 = arith.constant 0.000000e+00 : f32
      %broadcast_in_dim3A_1370 = vector.broadcast %jit3A_1368 : f32 to vector<16xf32>
      %broadcast_in_dim3A_1371 = vector.broadcast %jit3A_1369 : f32 to vector<16xf32>
      %select_n3A_1372 = arith.select %gt3A_1367, %broadcast_in_dim3A_1370, %broadcast_in_dim3A_1371 : vector<16xi1>, vector<16xf32>
      %mul3A_1373 = arith.mulf %mul3A_1364, %select_n3A_1372 : vector<16xf32>
      %add3A_1374 = arith.addf %add3A_1320, %mul3A_1373 : vector<16xf32>
      %sub3A_1375 = arith.subf %get3A_1243, %get3A_64 : vector<16xf32>
      %sub3A_1376 = arith.subf %get3A_1246, %get3A_112 : vector<16xf32>
      %sub3A_1377 = arith.subf %get3A_1249, %get3A_160 : vector<16xf32>
      %mul3A_1378 = arith.mulf %sub3A_1375, %sub3A_1375 : vector<16xf32>
      %mul3A_1379 = arith.mulf %sub3A_1376, %sub3A_1376 : vector<16xf32>
      %add3A_1380 = arith.addf %mul3A_1378, %mul3A_1379 : vector<16xf32>
      %mul3A_1381 = arith.mulf %sub3A_1377, %sub3A_1377 : vector<16xf32>
      %add3A_1382 = arith.addf %add3A_1380, %mul3A_1381 : vector<16xf32>
      %bitcast_convert_type3A_1383 = tpu.bitcast %add3A_1382 : vector<16xf32> -> vector<16xi32>
      %shift_right_arithmetic3A_1384 = arith.constant 1 : i32
      %shift_right_arithmetic3A_1385 = vector.broadcast %shift_right_arithmetic3A_1384 : i32 to vector<16xi32>
      %shift_right_arithmetic3A_1386 = arith.shrsi %bitcast_convert_type3A_1383, %shift_right_arithmetic3A_1385 : vector<16xi32>
      %sub3A_1387 = arith.constant 1597463007 : i32
      %sub3A_1388 = vector.broadcast %sub3A_1387 : i32 to vector<16xi32>
      %sub3A_1389 = arith.subi %sub3A_1388, %shift_right_arithmetic3A_1386 : vector<16xi32>
      %bitcast_convert_type3A_1390 = tpu.bitcast %sub3A_1389 : vector<16xi32> -> vector<16xf32>
      %mul3A_1391 = arith.constant 5.000000e-01 : f32
      %mul3A_1392 = vector.broadcast %mul3A_1391 : f32 to vector<16xf32>
      %mul3A_1393 = arith.mulf %mul3A_1392, %add3A_1382 : vector<16xf32>
      %mul3A_1394 = arith.mulf %mul3A_1393, %bitcast_convert_type3A_1390 : vector<16xf32>
      %mul3A_1395 = arith.mulf %mul3A_1394, %bitcast_convert_type3A_1390 : vector<16xf32>
      %sub3A_1396 = arith.constant 1.500000e+00 : f32
      %sub3A_1397 = vector.broadcast %sub3A_1396 : f32 to vector<16xf32>
      %sub3A_1398 = arith.subf %sub3A_1397, %mul3A_1395 : vector<16xf32>
      %mul3A_1399 = arith.mulf %bitcast_convert_type3A_1390, %sub3A_1398 : vector<16xf32>
      %mul3A_1400 = arith.constant 5.000000e-01 : f32
      %mul3A_1401 = vector.broadcast %mul3A_1400 : f32 to vector<16xf32>
      %mul3A_1402 = arith.mulf %mul3A_1401, %add3A_1382 : vector<16xf32>
      %mul3A_1403 = arith.mulf %mul3A_1402, %mul3A_1399 : vector<16xf32>
      %mul3A_1404 = arith.mulf %mul3A_1403, %mul3A_1399 : vector<16xf32>
      %sub3A_1405 = arith.constant 1.500000e+00 : f32
      %sub3A_1406 = vector.broadcast %sub3A_1405 : f32 to vector<16xf32>
      %sub3A_1407 = arith.subf %sub3A_1406, %mul3A_1404 : vector<16xf32>
      %mul3A_1408 = arith.mulf %mul3A_1399, %sub3A_1407 : vector<16xf32>
      %mul3A_1409 = arith.constant 5.000000e-01 : f32
      %mul3A_1410 = vector.broadcast %mul3A_1409 : f32 to vector<16xf32>
      %mul3A_1411 = arith.mulf %mul3A_1410, %add3A_1382 : vector<16xf32>
      %mul3A_1412 = arith.mulf %mul3A_1411, %mul3A_1408 : vector<16xf32>
      %mul3A_1413 = arith.mulf %mul3A_1412, %mul3A_1408 : vector<16xf32>
      %sub3A_1414 = arith.constant 1.500000e+00 : f32
      %sub3A_1415 = vector.broadcast %sub3A_1414 : f32 to vector<16xf32>
      %sub3A_1416 = arith.subf %sub3A_1415, %mul3A_1413 : vector<16xf32>
      %mul3A_1417 = arith.mulf %mul3A_1408, %sub3A_1416 : vector<16xf32>
      %mul3A_1418 = arith.mulf %add3A_1382, %mul3A_1417 : vector<16xf32>
      %gt3A_1419 = arith.constant 2 : i32
      %gt3A_1420 = vector.broadcast %gt3A_1419 : i32 to vector<16xi32>
      %gt3A_1421 = arith.cmpi sgt, %iota3A, %gt3A_1420 : vector<16xi32>
      %jit3A_1422 = arith.constant 1.000000e+00 : f32
      %jit3A_1423 = arith.constant 0.000000e+00 : f32
      %broadcast_in_dim3A_1424 = vector.broadcast %jit3A_1422 : f32 to vector<16xf32>
      %broadcast_in_dim3A_1425 = vector.broadcast %jit3A_1423 : f32 to vector<16xf32>
      %select_n3A_1426 = arith.select %gt3A_1421, %broadcast_in_dim3A_1424, %broadcast_in_dim3A_1425 : vector<16xi1>, vector<16xf32>
      %mul3A_1427 = arith.mulf %mul3A_1418, %select_n3A_1426 : vector<16xf32>
      %add3A_1428 = arith.addf %add3A_1374, %mul3A_1427 : vector<16xf32>
      %sub3A_1429 = arith.subf %get3A_1243, %get3A_67 : vector<16xf32>
      %sub3A_1430 = arith.subf %get3A_1246, %get3A_115 : vector<16xf32>
      %sub3A_1431 = arith.subf %get3A_1249, %get3A_163 : vector<16xf32>
      %mul3A_1432 = arith.mulf %sub3A_1429, %sub3A_1429 : vector<16xf32>
      %mul3A_1433 = arith.mulf %sub3A_1430, %sub3A_1430 : vector<16xf32>
      %add3A_1434 = arith.addf %mul3A_1432, %mul3A_1433 : vector<16xf32>
      %mul3A_1435 = arith.mulf %sub3A_1431, %sub3A_1431 : vector<16xf32>
      %add3A_1436 = arith.addf %add3A_1434, %mul3A_1435 : vector<16xf32>
      %bitcast_convert_type3A_1437 = tpu.bitcast %add3A_1436 : vector<16xf32> -> vector<16xi32>
      %shift_right_arithmetic3A_1438 = arith.constant 1 : i32
      %shift_right_arithmetic3A_1439 = vector.broadcast %shift_right_arithmetic3A_1438 : i32 to vector<16xi32>
      %shift_right_arithmetic3A_1440 = arith.shrsi %bitcast_convert_type3A_1437, %shift_right_arithmetic3A_1439 : vector<16xi32>
      %sub3A_1441 = arith.constant 1597463007 : i32
      %sub3A_1442 = vector.broadcast %sub3A_1441 : i32 to vector<16xi32>
      %sub3A_1443 = arith.subi %sub3A_1442, %shift_right_arithmetic3A_1440 : vector<16xi32>
      %bitcast_convert_type3A_1444 = tpu.bitcast %sub3A_1443 : vector<16xi32> -> vector<16xf32>
      %mul3A_1445 = arith.constant 5.000000e-01 : f32
      %mul3A_1446 = vector.broadcast %mul3A_1445 : f32 to vector<16xf32>
      %mul3A_1447 = arith.mulf %mul3A_1446, %add3A_1436 : vector<16xf32>
      %mul3A_1448 = arith.mulf %mul3A_1447, %bitcast_convert_type3A_1444 : vector<16xf32>
      %mul3A_1449 = arith.mulf %mul3A_1448, %bitcast_convert_type3A_1444 : vector<16xf32>
      %sub3A_1450 = arith.constant 1.500000e+00 : f32
      %sub3A_1451 = vector.broadcast %sub3A_1450 : f32 to vector<16xf32>
      %sub3A_1452 = arith.subf %sub3A_1451, %mul3A_1449 : vector<16xf32>
      %mul3A_1453 = arith.mulf %bitcast_convert_type3A_1444, %sub3A_1452 : vector<16xf32>
      %mul3A_1454 = arith.constant 5.000000e-01 : f32
      %mul3A_1455 = vector.broadcast %mul3A_1454 : f32 to vector<16xf32>
      %mul3A_1456 = arith.mulf %mul3A_1455, %add3A_1436 : vector<16xf32>
      %mul3A_1457 = arith.mulf %mul3A_1456, %mul3A_1453 : vector<16xf32>
      %mul3A_1458 = arith.mulf %mul3A_1457, %mul3A_1453 : vector<16xf32>
      %sub3A_1459 = arith.constant 1.500000e+00 : f32
      %sub3A_1460 = vector.broadcast %sub3A_1459 : f32 to vector<16xf32>
      %sub3A_1461 = arith.subf %sub3A_1460, %mul3A_1458 : vector<16xf32>
      %mul3A_1462 = arith.mulf %mul3A_1453, %sub3A_1461 : vector<16xf32>
      %mul3A_1463 = arith.constant 5.000000e-01 : f32
      %mul3A_1464 = vector.broadcast %mul3A_1463 : f32 to vector<16xf32>
      %mul3A_1465 = arith.mulf %mul3A_1464, %add3A_1436 : vector<16xf32>
      %mul3A_1466 = arith.mulf %mul3A_1465, %mul3A_1462 : vector<16xf32>
      %mul3A_1467 = arith.mulf %mul3A_1466, %mul3A_1462 : vector<16xf32>
      %sub3A_1468 = arith.constant 1.500000e+00 : f32
      %sub3A_1469 = vector.broadcast %sub3A_1468 : f32 to vector<16xf32>
      %sub3A_1470 = arith.subf %sub3A_1469, %mul3A_1467 : vector<16xf32>
      %mul3A_1471 = arith.mulf %mul3A_1462, %sub3A_1470 : vector<16xf32>
      %mul3A_1472 = arith.mulf %add3A_1436, %mul3A_1471 : vector<16xf32>
      %gt3A_1473 = arith.constant 3 : i32
      %gt3A_1474 = vector.broadcast %gt3A_1473 : i32 to vector<16xi32>
      %gt3A_1475 = arith.cmpi sgt, %iota3A, %gt3A_1474 : vector<16xi32>
      %jit3A_1476 = arith.constant 1.000000e+00 : f32
      %jit3A_1477 = arith.constant 0.000000e+00 : f32
      %broadcast_in_dim3A_1478 = vector.broadcast %jit3A_1476 : f32 to vector<16xf32>
      %broadcast_in_dim3A_1479 = vector.broadcast %jit3A_1477 : f32 to vector<16xf32>
      %select_n3A_1480 = arith.select %gt3A_1475, %broadcast_in_dim3A_1478, %broadcast_in_dim3A_1479 : vector<16xi1>, vector<16xf32>
      %mul3A_1481 = arith.mulf %mul3A_1472, %select_n3A_1480 : vector<16xf32>
      %add3A_1482 = arith.addf %add3A_1428, %mul3A_1481 : vector<16xf32>
      %swap3A_1483 = arith.constant 0 : index
      %swap3A_1484 = tpu.vector_load %arg17[%swap3A_1483] {strides = array<i32>} : memref<16xf32, #tpu.memory_space<vmem>>, vector<16xf32>,
      %swap3A_1485 = vector.shape_cast %swap3A_1484 : vector<16xf32> to vector<16xf32>
      %swap3A_1486 = vector.shape_cast %add3A_1482 : vector<16xf32> to vector<16xf32>
      tpu.vector_store %arg17[%swap3A_1483], %swap3A_1486 {strides = array<i32>} : memref<16xf32, #tpu.memory_space<vmem>>, vector<16xf32>,
      "tpu.region"() ({
        %run_scoped3A = tpu.sem_alloc : memref<!tpu.dma_semaphore, #tpu.memory_space<semaphore_mem>>
        %dma_start3A_1487 = arith.constant 0 : i32
        %dma_start3A_1488 = tpu.memref_slice %arg6[%add3A, %dma_start3A_1487] : memref<32x16xf32, #tpu.memory_space<hbm>> -> memref<1x16xf32, #tpu.memory_space<hbm>>
        %dma_start3A_1489 = tpu.memref_squeeze %dma_start3A_1488 : memref<1x16xf32, #tpu.memory_space<hbm>> -> memref<16xf32, #tpu.memory_space<hbm>>
        %dma_start3A_1490 = arith.constant 0 : i32
        %dma_start3A_1491 = tpu.memref_slice %arg6[%add3A, %dma_start3A_1490] : memref<32x16xf32, #tpu.memory_space<hbm>> -> memref<1x16xf32, #tpu.memory_space<hbm>>
        %dma_start3A_1492 = tpu.memref_squeeze %dma_start3A_1491 : memref<1x16xf32, #tpu.memory_space<hbm>> -> memref<16xf32, #tpu.memory_space<hbm>>
        tpu.enqueue_dma source(%arg17 : memref<16xf32, #tpu.memory_space<vmem>>) target(%dma_start3A_1492 : memref<16xf32, #tpu.memory_space<hbm>>) target_semaphore(%run_scoped3A : memref<!tpu.dma_semaphore, #tpu.memory_space<semaphore_mem>>)
        %dma_wait3A_1493 = arith.constant 0 : i32
        %dma_wait3A_1494 = tpu.memref_slice %arg6[%add3A, %dma_wait3A_1493] : memref<32x16xf32, #tpu.memory_space<hbm>> -> memref<1x16xf32, #tpu.memory_space<hbm>>
        %dma_wait3A_1495 = tpu.memref_squeeze %dma_wait3A_1494 : memref<1x16xf32, #tpu.memory_space<hbm>> -> memref<16xf32, #tpu.memory_space<hbm>>
        %dma_wait3A_1496 = arith.constant 0 : i32
        %dma_wait3A_1497 = tpu.memref_slice %arg6[%add3A, %dma_wait3A_1496] : memref<32x16xf32, #tpu.memory_space<hbm>> -> memref<1x16xf32, #tpu.memory_space<hbm>>
        %dma_wait3A_1498 = tpu.memref_squeeze %dma_wait3A_1497 : memref<1x16xf32, #tpu.memory_space<hbm>> -> memref<16xf32, #tpu.memory_space<hbm>>
        tpu.wait_dma2 semaphore(%run_scoped3A : memref<!tpu.dma_semaphore, #tpu.memory_space<semaphore_mem>>) src(%arg17 : memref<16xf32, #tpu.memory_space<vmem>>) dst(%dma_wait3A_1498 : memref<16xf32, #tpu.memory_space<hbm>>)
        tpu.yield
      }) : () -> ()
    } else {
    }
    %eq3A_1253 = arith.constant 1 : i32
    %eq3A_1254 = arith.cmpi eq, %select_n3A_30, %eq3A_1253 : i32
    %convert_element_type3A_1255 = arith.extui %eq3A_1254 : i1 to i32
    %cond3A_1256 = arith.constant 0 : i32
    %cond3A_1257 = arith.cmpi ne, %convert_element_type3A_1255, %cond3A_1256 : i32
    scf.if %cond3A_1257 {
      %broadcast_in_dim3A_1268 = arith.constant 0.000000e+00 : f32
      %broadcast_in_dim3A_1269 = vector.broadcast %broadcast_in_dim3A_1268 : f32 to vector<16xf32>
      %sub3A_1270 = arith.subf %get3A_1243, %get3A_70 : vector<16xf32>
      %sub3A_1271 = arith.subf %get3A_1246, %get3A_118 : vector<16xf32>
      %sub3A_1272 = arith.subf %get3A_1249, %get3A_166 : vector<16xf32>
      %mul3A_1273 = arith.mulf %sub3A_1270, %sub3A_1270 : vector<16xf32>
      %mul3A_1274 = arith.mulf %sub3A_1271, %sub3A_1271 : vector<16xf32>
      %add3A_1275 = arith.addf %mul3A_1273, %mul3A_1274 : vector<16xf32>
      %mul3A_1276 = arith.mulf %sub3A_1272, %sub3A_1272 : vector<16xf32>
      %add3A_1277 = arith.addf %add3A_1275, %mul3A_1276 : vector<16xf32>
      %bitcast_convert_type3A = tpu.bitcast %add3A_1277 : vector<16xf32> -> vector<16xi32>
      %shift_right_arithmetic3A = arith.constant 1 : i32
      %shift_right_arithmetic3A_1278 = vector.broadcast %shift_right_arithmetic3A : i32 to vector<16xi32>
      %shift_right_arithmetic3A_1279 = arith.shrsi %bitcast_convert_type3A, %shift_right_arithmetic3A_1278 : vector<16xi32>
      %sub3A_1280 = arith.constant 1597463007 : i32
      %sub3A_1281 = vector.broadcast %sub3A_1280 : i32 to vector<16xi32>
      %sub3A_1282 = arith.subi %sub3A_1281, %shift_right_arithmetic3A_1279 : vector<16xi32>
      %bitcast_convert_type3A_1283 = tpu.bitcast %sub3A_1282 : vector<16xi32> -> vector<16xf32>
      %mul3A_1284 = arith.constant 5.000000e-01 : f32
      %mul3A_1285 = vector.broadcast %mul3A_1284 : f32 to vector<16xf32>
      %mul3A_1286 = arith.mulf %mul3A_1285, %add3A_1277 : vector<16xf32>
      %mul3A_1287 = arith.mulf %mul3A_1286, %bitcast_convert_type3A_1283 : vector<16xf32>
      %mul3A_1288 = arith.mulf %mul3A_1287, %bitcast_convert_type3A_1283 : vector<16xf32>
      %sub3A_1289 = arith.constant 1.500000e+00 : f32
      %sub3A_1290 = vector.broadcast %sub3A_1289 : f32 to vector<16xf32>
      %sub3A_1291 = arith.subf %sub3A_1290, %mul3A_1288 : vector<16xf32>
      %mul3A_1292 = arith.mulf %bitcast_convert_type3A_1283, %sub3A_1291 : vector<16xf32>
      %mul3A_1293 = arith.constant 5.000000e-01 : f32
      %mul3A_1294 = vector.broadcast %mul3A_1293 : f32 to vector<16xf32>
      %mul3A_1295 = arith.mulf %mul3A_1294, %add3A_1277 : vector<16xf32>
      %mul3A_1296 = arith.mulf %mul3A_1295, %mul3A_1292 : vector<16xf32>
      %mul3A_1297 = arith.mulf %mul3A_1296, %mul3A_1292 : vector<16xf32>
      %sub3A_1298 = arith.constant 1.500000e+00 : f32
      %sub3A_1299 = vector.broadcast %sub3A_1298 : f32 to vector<16xf32>
      %sub3A_1300 = arith.subf %sub3A_1299, %mul3A_1297 : vector<16xf32>
      %mul3A_1301 = arith.mulf %mul3A_1292, %sub3A_1300 : vector<16xf32>
      %mul3A_1302 = arith.constant 5.000000e-01 : f32
      %mul3A_1303 = vector.broadcast %mul3A_1302 : f32 to vector<16xf32>
      %mul3A_1304 = arith.mulf %mul3A_1303, %add3A_1277 : vector<16xf32>
      %mul3A_1305 = arith.mulf %mul3A_1304, %mul3A_1301 : vector<16xf32>
      %mul3A_1306 = arith.mulf %mul3A_1305, %mul3A_1301 : vector<16xf32>
      %sub3A_1307 = arith.constant 1.500000e+00 : f32
      %sub3A_1308 = vector.broadcast %sub3A_1307 : f32 to vector<16xf32>
      %sub3A_1309 = arith.subf %sub3A_1308, %mul3A_1306 : vector<16xf32>
      %mul3A_1310 = arith.mulf %mul3A_1301, %sub3A_1309 : vector<16xf32>
      %mul3A_1311 = arith.mulf %add3A_1277, %mul3A_1310 : vector<16xf32>
      %gt3A = arith.constant 4 : i32
      %gt3A_1312 = vector.broadcast %gt3A : i32 to vector<16xi32>
      %gt3A_1313 = arith.cmpi sgt, %iota3A, %gt3A_1312 : vector<16xi32>
      %jit3A_1314 = arith.constant 1.000000e+00 : f32
      %jit3A_1315 = arith.constant 0.000000e+00 : f32
      %broadcast_in_dim3A_1316 = vector.broadcast %jit3A_1314 : f32 to vector<16xf32>
      %broadcast_in_dim3A_1317 = vector.broadcast %jit3A_1315 : f32 to vector<16xf32>
      %select_n3A_1318 = arith.select %gt3A_1313, %broadcast_in_dim3A_1316, %broadcast_in_dim3A_1317 : vector<16xi1>, vector<16xf32>
      %mul3A_1319 = arith.mulf %mul3A_1311, %select_n3A_1318 : vector<16xf32>
      %add3A_1320 = arith.addf %broadcast_in_dim3A_1269, %mul3A_1319 : vector<16xf32>
      %sub3A_1321 = arith.subf %get3A_1243, %get3A_73 : vector<16xf32>
      %sub3A_1322 = arith.subf %get3A_1246, %get3A_121 : vector<16xf32>
      %sub3A_1323 = arith.subf %get3A_1249, %get3A_169 : vector<16xf32>
      %mul3A_1324 = arith.mulf %sub3A_1321, %sub3A_1321 : vector<16xf32>
      %mul3A_1325 = arith.mulf %sub3A_1322, %sub3A_1322 : vector<16xf32>
      %add3A_1326 = arith.addf %mul3A_1324, %mul3A_1325 : vector<16xf32>
      %mul3A_1327 = arith.mulf %sub3A_1323, %sub3A_1323 : vector<16xf32>
      %add3A_1328 = arith.addf %add3A_1326, %mul3A_1327 : vector<16xf32>
      %bitcast_convert_type3A_1329 = tpu.bitcast %add3A_1328 : vector<16xf32> -> vector<16xi32>
      %shift_right_arithmetic3A_1330 = arith.constant 1 : i32
      %shift_right_arithmetic3A_1331 = vector.broadcast %shift_right_arithmetic3A_1330 : i32 to vector<16xi32>
      %shift_right_arithmetic3A_1332 = arith.shrsi %bitcast_convert_type3A_1329, %shift_right_arithmetic3A_1331 : vector<16xi32>
      %sub3A_1333 = arith.constant 1597463007 : i32
      %sub3A_1334 = vector.broadcast %sub3A_1333 : i32 to vector<16xi32>
      %sub3A_1335 = arith.subi %sub3A_1334, %shift_right_arithmetic3A_1332 : vector<16xi32>
      %bitcast_convert_type3A_1336 = tpu.bitcast %sub3A_1335 : vector<16xi32> -> vector<16xf32>
      %mul3A_1337 = arith.constant 5.000000e-01 : f32
      %mul3A_1338 = vector.broadcast %mul3A_1337 : f32 to vector<16xf32>
      %mul3A_1339 = arith.mulf %mul3A_1338, %add3A_1328 : vector<16xf32>
      %mul3A_1340 = arith.mulf %mul3A_1339, %bitcast_convert_type3A_1336 : vector<16xf32>
      %mul3A_1341 = arith.mulf %mul3A_1340, %bitcast_convert_type3A_1336 : vector<16xf32>
      %sub3A_1342 = arith.constant 1.500000e+00 : f32
      %sub3A_1343 = vector.broadcast %sub3A_1342 : f32 to vector<16xf32>
      %sub3A_1344 = arith.subf %sub3A_1343, %mul3A_1341 : vector<16xf32>
      %mul3A_1345 = arith.mulf %bitcast_convert_type3A_1336, %sub3A_1344 : vector<16xf32>
      %mul3A_1346 = arith.constant 5.000000e-01 : f32
      %mul3A_1347 = vector.broadcast %mul3A_1346 : f32 to vector<16xf32>
      %mul3A_1348 = arith.mulf %mul3A_1347, %add3A_1328 : vector<16xf32>
      %mul3A_1349 = arith.mulf %mul3A_1348, %mul3A_1345 : vector<16xf32>
      %mul3A_1350 = arith.mulf %mul3A_1349, %mul3A_1345 : vector<16xf32>
      %sub3A_1351 = arith.constant 1.500000e+00 : f32
      %sub3A_1352 = vector.broadcast %sub3A_1351 : f32 to vector<16xf32>
      %sub3A_1353 = arith.subf %sub3A_1352, %mul3A_1350 : vector<16xf32>
      %mul3A_1354 = arith.mulf %mul3A_1345, %sub3A_1353 : vector<16xf32>
      %mul3A_1355 = arith.constant 5.000000e-01 : f32
      %mul3A_1356 = vector.broadcast %mul3A_1355 : f32 to vector<16xf32>
      %mul3A_1357 = arith.mulf %mul3A_1356, %add3A_1328 : vector<16xf32>
      %mul3A_1358 = arith.mulf %mul3A_1357, %mul3A_1354 : vector<16xf32>
      %mul3A_1359 = arith.mulf %mul3A_1358, %mul3A_1354 : vector<16xf32>
      %sub3A_1360 = arith.constant 1.500000e+00 : f32
      %sub3A_1361 = vector.broadcast %sub3A_1360 : f32 to vector<16xf32>
      %sub3A_1362 = arith.subf %sub3A_1361, %mul3A_1359 : vector<16xf32>
      %mul3A_1363 = arith.mulf %mul3A_1354, %sub3A_1362 : vector<16xf32>
      %mul3A_1364 = arith.mulf %add3A_1328, %mul3A_1363 : vector<16xf32>
      %gt3A_1365 = arith.constant 5 : i32
      %gt3A_1366 = vector.broadcast %gt3A_1365 : i32 to vector<16xi32>
      %gt3A_1367 = arith.cmpi sgt, %iota3A, %gt3A_1366 : vector<16xi32>
      %jit3A_1368 = arith.constant 1.000000e+00 : f32
      %jit3A_1369 = arith.constant 0.000000e+00 : f32
      %broadcast_in_dim3A_1370 = vector.broadcast %jit3A_1368 : f32 to vector<16xf32>
      %broadcast_in_dim3A_1371 = vector.broadcast %jit3A_1369 : f32 to vector<16xf32>
      %select_n3A_1372 = arith.select %gt3A_1367, %broadcast_in_dim3A_1370, %broadcast_in_dim3A_1371 : vector<16xi1>, vector<16xf32>
      %mul3A_1373 = arith.mulf %mul3A_1364, %select_n3A_1372 : vector<16xf32>
      %add3A_1374 = arith.addf %add3A_1320, %mul3A_1373 : vector<16xf32>
      %sub3A_1375 = arith.subf %get3A_1243, %get3A_76 : vector<16xf32>
      %sub3A_1376 = arith.subf %get3A_1246, %get3A_124 : vector<16xf32>
      %sub3A_1377 = arith.subf %get3A_1249, %get3A_172 : vector<16xf32>
      %mul3A_1378 = arith.mulf %sub3A_1375, %sub3A_1375 : vector<16xf32>
      %mul3A_1379 = arith.mulf %sub3A_1376, %sub3A_1376 : vector<16xf32>
      %add3A_1380 = arith.addf %mul3A_1378, %mul3A_1379 : vector<16xf32>
      %mul3A_1381 = arith.mulf %sub3A_1377, %sub3A_1377 : vector<16xf32>
      %add3A_1382 = arith.addf %add3A_1380, %mul3A_1381 : vector<16xf32>
      %bitcast_convert_type3A_1383 = tpu.bitcast %add3A_1382 : vector<16xf32> -> vector<16xi32>
      %shift_right_arithmetic3A_1384 = arith.constant 1 : i32
      %shift_right_arithmetic3A_1385 = vector.broadcast %shift_right_arithmetic3A_1384 : i32 to vector<16xi32>
      %shift_right_arithmetic3A_1386 = arith.shrsi %bitcast_convert_type3A_1383, %shift_right_arithmetic3A_1385 : vector<16xi32>
      %sub3A_1387 = arith.constant 1597463007 : i32
      %sub3A_1388 = vector.broadcast %sub3A_1387 : i32 to vector<16xi32>
      %sub3A_1389 = arith.subi %sub3A_1388, %shift_right_arithmetic3A_1386 : vector<16xi32>
      %bitcast_convert_type3A_1390 = tpu.bitcast %sub3A_1389 : vector<16xi32> -> vector<16xf32>
      %mul3A_1391 = arith.constant 5.000000e-01 : f32
      %mul3A_1392 = vector.broadcast %mul3A_1391 : f32 to vector<16xf32>
      %mul3A_1393 = arith.mulf %mul3A_1392, %add3A_1382 : vector<16xf32>
      %mul3A_1394 = arith.mulf %mul3A_1393, %bitcast_convert_type3A_1390 : vector<16xf32>
      %mul3A_1395 = arith.mulf %mul3A_1394, %bitcast_convert_type3A_1390 : vector<16xf32>
      %sub3A_1396 = arith.constant 1.500000e+00 : f32
      %sub3A_1397 = vector.broadcast %sub3A_1396 : f32 to vector<16xf32>
      %sub3A_1398 = arith.subf %sub3A_1397, %mul3A_1395 : vector<16xf32>
      %mul3A_1399 = arith.mulf %bitcast_convert_type3A_1390, %sub3A_1398 : vector<16xf32>
      %mul3A_1400 = arith.constant 5.000000e-01 : f32
      %mul3A_1401 = vector.broadcast %mul3A_1400 : f32 to vector<16xf32>
      %mul3A_1402 = arith.mulf %mul3A_1401, %add3A_1382 : vector<16xf32>
      %mul3A_1403 = arith.mulf %mul3A_1402, %mul3A_1399 : vector<16xf32>
      %mul3A_1404 = arith.mulf %mul3A_1403, %mul3A_1399 : vector<16xf32>
      %sub3A_1405 = arith.constant 1.500000e+00 : f32
      %sub3A_1406 = vector.broadcast %sub3A_1405 : f32 to vector<16xf32>
      %sub3A_1407 = arith.subf %sub3A_1406, %mul3A_1404 : vector<16xf32>
      %mul3A_1408 = arith.mulf %mul3A_1399, %sub3A_1407 : vector<16xf32>
      %mul3A_1409 = arith.constant 5.000000e-01 : f32
      %mul3A_1410 = vector.broadcast %mul3A_1409 : f32 to vector<16xf32>
      %mul3A_1411 = arith.mulf %mul3A_1410, %add3A_1382 : vector<16xf32>
      %mul3A_1412 = arith.mulf %mul3A_1411, %mul3A_1408 : vector<16xf32>
      %mul3A_1413 = arith.mulf %mul3A_1412, %mul3A_1408 : vector<16xf32>
      %sub3A_1414 = arith.constant 1.500000e+00 : f32
      %sub3A_1415 = vector.broadcast %sub3A_1414 : f32 to vector<16xf32>
      %sub3A_1416 = arith.subf %sub3A_1415, %mul3A_1413 : vector<16xf32>
      %mul3A_1417 = arith.mulf %mul3A_1408, %sub3A_1416 : vector<16xf32>
      %mul3A_1418 = arith.mulf %add3A_1382, %mul3A_1417 : vector<16xf32>
      %gt3A_1419 = arith.constant 6 : i32
      %gt3A_1420 = vector.broadcast %gt3A_1419 : i32 to vector<16xi32>
      %gt3A_1421 = arith.cmpi sgt, %iota3A, %gt3A_1420 : vector<16xi32>
      %jit3A_1422 = arith.constant 1.000000e+00 : f32
      %jit3A_1423 = arith.constant 0.000000e+00 : f32
      %broadcast_in_dim3A_1424 = vector.broadcast %jit3A_1422 : f32 to vector<16xf32>
      %broadcast_in_dim3A_1425 = vector.broadcast %jit3A_1423 : f32 to vector<16xf32>
      %select_n3A_1426 = arith.select %gt3A_1421, %broadcast_in_dim3A_1424, %broadcast_in_dim3A_1425 : vector<16xi1>, vector<16xf32>
      %mul3A_1427 = arith.mulf %mul3A_1418, %select_n3A_1426 : vector<16xf32>
      %add3A_1428 = arith.addf %add3A_1374, %mul3A_1427 : vector<16xf32>
      %sub3A_1429 = arith.subf %get3A_1243, %get3A_79 : vector<16xf32>
      %sub3A_1430 = arith.subf %get3A_1246, %get3A_127 : vector<16xf32>
      %sub3A_1431 = arith.subf %get3A_1249, %get3A_175 : vector<16xf32>
      %mul3A_1432 = arith.mulf %sub3A_1429, %sub3A_1429 : vector<16xf32>
      %mul3A_1433 = arith.mulf %sub3A_1430, %sub3A_1430 : vector<16xf32>
      %add3A_1434 = arith.addf %mul3A_1432, %mul3A_1433 : vector<16xf32>
      %mul3A_1435 = arith.mulf %sub3A_1431, %sub3A_1431 : vector<16xf32>
      %add3A_1436 = arith.addf %add3A_1434, %mul3A_1435 : vector<16xf32>
      %bitcast_convert_type3A_1437 = tpu.bitcast %add3A_1436 : vector<16xf32> -> vector<16xi32>
      %shift_right_arithmetic3A_1438 = arith.constant 1 : i32
      %shift_right_arithmetic3A_1439 = vector.broadcast %shift_right_arithmetic3A_1438 : i32 to vector<16xi32>
      %shift_right_arithmetic3A_1440 = arith.shrsi %bitcast_convert_type3A_1437, %shift_right_arithmetic3A_1439 : vector<16xi32>
      %sub3A_1441 = arith.constant 1597463007 : i32
      %sub3A_1442 = vector.broadcast %sub3A_1441 : i32 to vector<16xi32>
      %sub3A_1443 = arith.subi %sub3A_1442, %shift_right_arithmetic3A_1440 : vector<16xi32>
      %bitcast_convert_type3A_1444 = tpu.bitcast %sub3A_1443 : vector<16xi32> -> vector<16xf32>
      %mul3A_1445 = arith.constant 5.000000e-01 : f32
      %mul3A_1446 = vector.broadcast %mul3A_1445 : f32 to vector<16xf32>
      %mul3A_1447 = arith.mulf %mul3A_1446, %add3A_1436 : vector<16xf32>
      %mul3A_1448 = arith.mulf %mul3A_1447, %bitcast_convert_type3A_1444 : vector<16xf32>
      %mul3A_1449 = arith.mulf %mul3A_1448, %bitcast_convert_type3A_1444 : vector<16xf32>
      %sub3A_1450 = arith.constant 1.500000e+00 : f32
      %sub3A_1451 = vector.broadcast %sub3A_1450 : f32 to vector<16xf32>
      %sub3A_1452 = arith.subf %sub3A_1451, %mul3A_1449 : vector<16xf32>
      %mul3A_1453 = arith.mulf %bitcast_convert_type3A_1444, %sub3A_1452 : vector<16xf32>
      %mul3A_1454 = arith.constant 5.000000e-01 : f32
      %mul3A_1455 = vector.broadcast %mul3A_1454 : f32 to vector<16xf32>
      %mul3A_1456 = arith.mulf %mul3A_1455, %add3A_1436 : vector<16xf32>
      %mul3A_1457 = arith.mulf %mul3A_1456, %mul3A_1453 : vector<16xf32>
      %mul3A_1458 = arith.mulf %mul3A_1457, %mul3A_1453 : vector<16xf32>
      %sub3A_1459 = arith.constant 1.500000e+00 : f32
      %sub3A_1460 = vector.broadcast %sub3A_1459 : f32 to vector<16xf32>
      %sub3A_1461 = arith.subf %sub3A_1460, %mul3A_1458 : vector<16xf32>
      %mul3A_1462 = arith.mulf %mul3A_1453, %sub3A_1461 : vector<16xf32>
      %mul3A_1463 = arith.constant 5.000000e-01 : f32
      %mul3A_1464 = vector.broadcast %mul3A_1463 : f32 to vector<16xf32>
      %mul3A_1465 = arith.mulf %mul3A_1464, %add3A_1436 : vector<16xf32>
      %mul3A_1466 = arith.mulf %mul3A_1465, %mul3A_1462 : vector<16xf32>
      %mul3A_1467 = arith.mulf %mul3A_1466, %mul3A_1462 : vector<16xf32>
      %sub3A_1468 = arith.constant 1.500000e+00 : f32
      %sub3A_1469 = vector.broadcast %sub3A_1468 : f32 to vector<16xf32>
      %sub3A_1470 = arith.subf %sub3A_1469, %mul3A_1467 : vector<16xf32>
      %mul3A_1471 = arith.mulf %mul3A_1462, %sub3A_1470 : vector<16xf32>
      %mul3A_1472 = arith.mulf %add3A_1436, %mul3A_1471 : vector<16xf32>
      %gt3A_1473 = arith.constant 7 : i32
      %gt3A_1474 = vector.broadcast %gt3A_1473 : i32 to vector<16xi32>
      %gt3A_1475 = arith.cmpi sgt, %iota3A, %gt3A_1474 : vector<16xi32>
      %jit3A_1476 = arith.constant 1.000000e+00 : f32
      %jit3A_1477 = arith.constant 0.000000e+00 : f32
      %broadcast_in_dim3A_1478 = vector.broadcast %jit3A_1476 : f32 to vector<16xf32>
      %broadcast_in_dim3A_1479 = vector.broadcast %jit3A_1477 : f32 to vector<16xf32>
      %select_n3A_1480 = arith.select %gt3A_1475, %broadcast_in_dim3A_1478, %broadcast_in_dim3A_1479 : vector<16xi1>, vector<16xf32>
      %mul3A_1481 = arith.mulf %mul3A_1472, %select_n3A_1480 : vector<16xf32>
      %add3A_1482 = arith.addf %add3A_1428, %mul3A_1481 : vector<16xf32>
      %swap3A_1483 = arith.constant 0 : index
      %swap3A_1484 = tpu.vector_load %arg17[%swap3A_1483] {strides = array<i32>} : memref<16xf32, #tpu.memory_space<vmem>>, vector<16xf32>,
      %swap3A_1485 = vector.shape_cast %swap3A_1484 : vector<16xf32> to vector<16xf32>
      %swap3A_1486 = vector.shape_cast %add3A_1482 : vector<16xf32> to vector<16xf32>
      tpu.vector_store %arg17[%swap3A_1483], %swap3A_1486 {strides = array<i32>} : memref<16xf32, #tpu.memory_space<vmem>>, vector<16xf32>,
      "tpu.region"() ({
        %run_scoped3A = tpu.sem_alloc : memref<!tpu.dma_semaphore, #tpu.memory_space<semaphore_mem>>
        %dma_start3A_1487 = arith.constant 0 : i32
        %dma_start3A_1488 = tpu.memref_slice %arg6[%add3A, %dma_start3A_1487] : memref<32x16xf32, #tpu.memory_space<hbm>> -> memref<1x16xf32, #tpu.memory_space<hbm>>
        %dma_start3A_1489 = tpu.memref_squeeze %dma_start3A_1488 : memref<1x16xf32, #tpu.memory_space<hbm>> -> memref<16xf32, #tpu.memory_space<hbm>>
        %dma_start3A_1490 = arith.constant 0 : i32
        %dma_start3A_1491 = tpu.memref_slice %arg6[%add3A, %dma_start3A_1490] : memref<32x16xf32, #tpu.memory_space<hbm>> -> memref<1x16xf32, #tpu.memory_space<hbm>>
        %dma_start3A_1492 = tpu.memref_squeeze %dma_start3A_1491 : memref<1x16xf32, #tpu.memory_space<hbm>> -> memref<16xf32, #tpu.memory_space<hbm>>
        tpu.enqueue_dma source(%arg17 : memref<16xf32, #tpu.memory_space<vmem>>) target(%dma_start3A_1492 : memref<16xf32, #tpu.memory_space<hbm>>) target_semaphore(%run_scoped3A : memref<!tpu.dma_semaphore, #tpu.memory_space<semaphore_mem>>)
        %dma_wait3A_1493 = arith.constant 0 : i32
        %dma_wait3A_1494 = tpu.memref_slice %arg6[%add3A, %dma_wait3A_1493] : memref<32x16xf32, #tpu.memory_space<hbm>> -> memref<1x16xf32, #tpu.memory_space<hbm>>
        %dma_wait3A_1495 = tpu.memref_squeeze %dma_wait3A_1494 : memref<1x16xf32, #tpu.memory_space<hbm>> -> memref<16xf32, #tpu.memory_space<hbm>>
        %dma_wait3A_1496 = arith.constant 0 : i32
        %dma_wait3A_1497 = tpu.memref_slice %arg6[%add3A, %dma_wait3A_1496] : memref<32x16xf32, #tpu.memory_space<hbm>> -> memref<1x16xf32, #tpu.memory_space<hbm>>
        %dma_wait3A_1498 = tpu.memref_squeeze %dma_wait3A_1497 : memref<1x16xf32, #tpu.memory_space<hbm>> -> memref<16xf32, #tpu.memory_space<hbm>>
        tpu.wait_dma2 semaphore(%run_scoped3A : memref<!tpu.dma_semaphore, #tpu.memory_space<semaphore_mem>>) src(%arg17 : memref<16xf32, #tpu.memory_space<vmem>>) dst(%dma_wait3A_1498 : memref<16xf32, #tpu.memory_space<hbm>>)
        tpu.yield
      }) : () -> ()
    } else {
    }
    %eq3A_1258 = arith.constant 2 : i32
    %eq3A_1259 = arith.cmpi eq, %select_n3A_30, %eq3A_1258 : i32
    %convert_element_type3A_1260 = arith.extui %eq3A_1259 : i1 to i32
    %cond3A_1261 = arith.constant 0 : i32
    %cond3A_1262 = arith.cmpi ne, %convert_element_type3A_1260, %cond3A_1261 : i32
    scf.if %cond3A_1262 {
      %broadcast_in_dim3A_1268 = arith.constant 0.000000e+00 : f32
      %broadcast_in_dim3A_1269 = vector.broadcast %broadcast_in_dim3A_1268 : f32 to vector<16xf32>
      %sub3A_1270 = arith.subf %get3A_1243, %get3A_82 : vector<16xf32>
      %sub3A_1271 = arith.subf %get3A_1246, %get3A_130 : vector<16xf32>
      %sub3A_1272 = arith.subf %get3A_1249, %get3A_178 : vector<16xf32>
      %mul3A_1273 = arith.mulf %sub3A_1270, %sub3A_1270 : vector<16xf32>
      %mul3A_1274 = arith.mulf %sub3A_1271, %sub3A_1271 : vector<16xf32>
      %add3A_1275 = arith.addf %mul3A_1273, %mul3A_1274 : vector<16xf32>
      %mul3A_1276 = arith.mulf %sub3A_1272, %sub3A_1272 : vector<16xf32>
      %add3A_1277 = arith.addf %add3A_1275, %mul3A_1276 : vector<16xf32>
      %bitcast_convert_type3A = tpu.bitcast %add3A_1277 : vector<16xf32> -> vector<16xi32>
      %shift_right_arithmetic3A = arith.constant 1 : i32
      %shift_right_arithmetic3A_1278 = vector.broadcast %shift_right_arithmetic3A : i32 to vector<16xi32>
      %shift_right_arithmetic3A_1279 = arith.shrsi %bitcast_convert_type3A, %shift_right_arithmetic3A_1278 : vector<16xi32>
      %sub3A_1280 = arith.constant 1597463007 : i32
      %sub3A_1281 = vector.broadcast %sub3A_1280 : i32 to vector<16xi32>
      %sub3A_1282 = arith.subi %sub3A_1281, %shift_right_arithmetic3A_1279 : vector<16xi32>
      %bitcast_convert_type3A_1283 = tpu.bitcast %sub3A_1282 : vector<16xi32> -> vector<16xf32>
      %mul3A_1284 = arith.constant 5.000000e-01 : f32
      %mul3A_1285 = vector.broadcast %mul3A_1284 : f32 to vector<16xf32>
      %mul3A_1286 = arith.mulf %mul3A_1285, %add3A_1277 : vector<16xf32>
      %mul3A_1287 = arith.mulf %mul3A_1286, %bitcast_convert_type3A_1283 : vector<16xf32>
      %mul3A_1288 = arith.mulf %mul3A_1287, %bitcast_convert_type3A_1283 : vector<16xf32>
      %sub3A_1289 = arith.constant 1.500000e+00 : f32
      %sub3A_1290 = vector.broadcast %sub3A_1289 : f32 to vector<16xf32>
      %sub3A_1291 = arith.subf %sub3A_1290, %mul3A_1288 : vector<16xf32>
      %mul3A_1292 = arith.mulf %bitcast_convert_type3A_1283, %sub3A_1291 : vector<16xf32>
      %mul3A_1293 = arith.constant 5.000000e-01 : f32
      %mul3A_1294 = vector.broadcast %mul3A_1293 : f32 to vector<16xf32>
      %mul3A_1295 = arith.mulf %mul3A_1294, %add3A_1277 : vector<16xf32>
      %mul3A_1296 = arith.mulf %mul3A_1295, %mul3A_1292 : vector<16xf32>
      %mul3A_1297 = arith.mulf %mul3A_1296, %mul3A_1292 : vector<16xf32>
      %sub3A_1298 = arith.constant 1.500000e+00 : f32
      %sub3A_1299 = vector.broadcast %sub3A_1298 : f32 to vector<16xf32>
      %sub3A_1300 = arith.subf %sub3A_1299, %mul3A_1297 : vector<16xf32>
      %mul3A_1301 = arith.mulf %mul3A_1292, %sub3A_1300 : vector<16xf32>
      %mul3A_1302 = arith.constant 5.000000e-01 : f32
      %mul3A_1303 = vector.broadcast %mul3A_1302 : f32 to vector<16xf32>
      %mul3A_1304 = arith.mulf %mul3A_1303, %add3A_1277 : vector<16xf32>
      %mul3A_1305 = arith.mulf %mul3A_1304, %mul3A_1301 : vector<16xf32>
      %mul3A_1306 = arith.mulf %mul3A_1305, %mul3A_1301 : vector<16xf32>
      %sub3A_1307 = arith.constant 1.500000e+00 : f32
      %sub3A_1308 = vector.broadcast %sub3A_1307 : f32 to vector<16xf32>
      %sub3A_1309 = arith.subf %sub3A_1308, %mul3A_1306 : vector<16xf32>
      %mul3A_1310 = arith.mulf %mul3A_1301, %sub3A_1309 : vector<16xf32>
      %mul3A_1311 = arith.mulf %add3A_1277, %mul3A_1310 : vector<16xf32>
      %gt3A = arith.constant 8 : i32
      %gt3A_1312 = vector.broadcast %gt3A : i32 to vector<16xi32>
      %gt3A_1313 = arith.cmpi sgt, %iota3A, %gt3A_1312 : vector<16xi32>
      %jit3A_1314 = arith.constant 1.000000e+00 : f32
      %jit3A_1315 = arith.constant 0.000000e+00 : f32
      %broadcast_in_dim3A_1316 = vector.broadcast %jit3A_1314 : f32 to vector<16xf32>
      %broadcast_in_dim3A_1317 = vector.broadcast %jit3A_1315 : f32 to vector<16xf32>
      %select_n3A_1318 = arith.select %gt3A_1313, %broadcast_in_dim3A_1316, %broadcast_in_dim3A_1317 : vector<16xi1>, vector<16xf32>
      %mul3A_1319 = arith.mulf %mul3A_1311, %select_n3A_1318 : vector<16xf32>
      %add3A_1320 = arith.addf %broadcast_in_dim3A_1269, %mul3A_1319 : vector<16xf32>
      %sub3A_1321 = arith.subf %get3A_1243, %get3A_85 : vector<16xf32>
      %sub3A_1322 = arith.subf %get3A_1246, %get3A_133 : vector<16xf32>
      %sub3A_1323 = arith.subf %get3A_1249, %get3A_181 : vector<16xf32>
      %mul3A_1324 = arith.mulf %sub3A_1321, %sub3A_1321 : vector<16xf32>
      %mul3A_1325 = arith.mulf %sub3A_1322, %sub3A_1322 : vector<16xf32>
      %add3A_1326 = arith.addf %mul3A_1324, %mul3A_1325 : vector<16xf32>
      %mul3A_1327 = arith.mulf %sub3A_1323, %sub3A_1323 : vector<16xf32>
      %add3A_1328 = arith.addf %add3A_1326, %mul3A_1327 : vector<16xf32>
      %bitcast_convert_type3A_1329 = tpu.bitcast %add3A_1328 : vector<16xf32> -> vector<16xi32>
      %shift_right_arithmetic3A_1330 = arith.constant 1 : i32
      %shift_right_arithmetic3A_1331 = vector.broadcast %shift_right_arithmetic3A_1330 : i32 to vector<16xi32>
      %shift_right_arithmetic3A_1332 = arith.shrsi %bitcast_convert_type3A_1329, %shift_right_arithmetic3A_1331 : vector<16xi32>
      %sub3A_1333 = arith.constant 1597463007 : i32
      %sub3A_1334 = vector.broadcast %sub3A_1333 : i32 to vector<16xi32>
      %sub3A_1335 = arith.subi %sub3A_1334, %shift_right_arithmetic3A_1332 : vector<16xi32>
      %bitcast_convert_type3A_1336 = tpu.bitcast %sub3A_1335 : vector<16xi32> -> vector<16xf32>
      %mul3A_1337 = arith.constant 5.000000e-01 : f32
      %mul3A_1338 = vector.broadcast %mul3A_1337 : f32 to vector<16xf32>
      %mul3A_1339 = arith.mulf %mul3A_1338, %add3A_1328 : vector<16xf32>
      %mul3A_1340 = arith.mulf %mul3A_1339, %bitcast_convert_type3A_1336 : vector<16xf32>
      %mul3A_1341 = arith.mulf %mul3A_1340, %bitcast_convert_type3A_1336 : vector<16xf32>
      %sub3A_1342 = arith.constant 1.500000e+00 : f32
      %sub3A_1343 = vector.broadcast %sub3A_1342 : f32 to vector<16xf32>
      %sub3A_1344 = arith.subf %sub3A_1343, %mul3A_1341 : vector<16xf32>
      %mul3A_1345 = arith.mulf %bitcast_convert_type3A_1336, %sub3A_1344 : vector<16xf32>
      %mul3A_1346 = arith.constant 5.000000e-01 : f32
      %mul3A_1347 = vector.broadcast %mul3A_1346 : f32 to vector<16xf32>
      %mul3A_1348 = arith.mulf %mul3A_1347, %add3A_1328 : vector<16xf32>
      %mul3A_1349 = arith.mulf %mul3A_1348, %mul3A_1345 : vector<16xf32>
      %mul3A_1350 = arith.mulf %mul3A_1349, %mul3A_1345 : vector<16xf32>
      %sub3A_1351 = arith.constant 1.500000e+00 : f32
      %sub3A_1352 = vector.broadcast %sub3A_1351 : f32 to vector<16xf32>
      %sub3A_1353 = arith.subf %sub3A_1352, %mul3A_1350 : vector<16xf32>
      %mul3A_1354 = arith.mulf %mul3A_1345, %sub3A_1353 : vector<16xf32>
      %mul3A_1355 = arith.constant 5.000000e-01 : f32
      %mul3A_1356 = vector.broadcast %mul3A_1355 : f32 to vector<16xf32>
      %mul3A_1357 = arith.mulf %mul3A_1356, %add3A_1328 : vector<16xf32>
      %mul3A_1358 = arith.mulf %mul3A_1357, %mul3A_1354 : vector<16xf32>
      %mul3A_1359 = arith.mulf %mul3A_1358, %mul3A_1354 : vector<16xf32>
      %sub3A_1360 = arith.constant 1.500000e+00 : f32
      %sub3A_1361 = vector.broadcast %sub3A_1360 : f32 to vector<16xf32>
      %sub3A_1362 = arith.subf %sub3A_1361, %mul3A_1359 : vector<16xf32>
      %mul3A_1363 = arith.mulf %mul3A_1354, %sub3A_1362 : vector<16xf32>
      %mul3A_1364 = arith.mulf %add3A_1328, %mul3A_1363 : vector<16xf32>
      %gt3A_1365 = arith.constant 9 : i32
      %gt3A_1366 = vector.broadcast %gt3A_1365 : i32 to vector<16xi32>
      %gt3A_1367 = arith.cmpi sgt, %iota3A, %gt3A_1366 : vector<16xi32>
      %jit3A_1368 = arith.constant 1.000000e+00 : f32
      %jit3A_1369 = arith.constant 0.000000e+00 : f32
      %broadcast_in_dim3A_1370 = vector.broadcast %jit3A_1368 : f32 to vector<16xf32>
      %broadcast_in_dim3A_1371 = vector.broadcast %jit3A_1369 : f32 to vector<16xf32>
      %select_n3A_1372 = arith.select %gt3A_1367, %broadcast_in_dim3A_1370, %broadcast_in_dim3A_1371 : vector<16xi1>, vector<16xf32>
      %mul3A_1373 = arith.mulf %mul3A_1364, %select_n3A_1372 : vector<16xf32>
      %add3A_1374 = arith.addf %add3A_1320, %mul3A_1373 : vector<16xf32>
      %sub3A_1375 = arith.subf %get3A_1243, %get3A_88 : vector<16xf32>
      %sub3A_1376 = arith.subf %get3A_1246, %get3A_136 : vector<16xf32>
      %sub3A_1377 = arith.subf %get3A_1249, %get3A_184 : vector<16xf32>
      %mul3A_1378 = arith.mulf %sub3A_1375, %sub3A_1375 : vector<16xf32>
      %mul3A_1379 = arith.mulf %sub3A_1376, %sub3A_1376 : vector<16xf32>
      %add3A_1380 = arith.addf %mul3A_1378, %mul3A_1379 : vector<16xf32>
      %mul3A_1381 = arith.mulf %sub3A_1377, %sub3A_1377 : vector<16xf32>
      %add3A_1382 = arith.addf %add3A_1380, %mul3A_1381 : vector<16xf32>
      %bitcast_convert_type3A_1383 = tpu.bitcast %add3A_1382 : vector<16xf32> -> vector<16xi32>
      %shift_right_arithmetic3A_1384 = arith.constant 1 : i32
      %shift_right_arithmetic3A_1385 = vector.broadcast %shift_right_arithmetic3A_1384 : i32 to vector<16xi32>
      %shift_right_arithmetic3A_1386 = arith.shrsi %bitcast_convert_type3A_1383, %shift_right_arithmetic3A_1385 : vector<16xi32>
      %sub3A_1387 = arith.constant 1597463007 : i32
      %sub3A_1388 = vector.broadcast %sub3A_1387 : i32 to vector<16xi32>
      %sub3A_1389 = arith.subi %sub3A_1388, %shift_right_arithmetic3A_1386 : vector<16xi32>
      %bitcast_convert_type3A_1390 = tpu.bitcast %sub3A_1389 : vector<16xi32> -> vector<16xf32>
      %mul3A_1391 = arith.constant 5.000000e-01 : f32
      %mul3A_1392 = vector.broadcast %mul3A_1391 : f32 to vector<16xf32>
      %mul3A_1393 = arith.mulf %mul3A_1392, %add3A_1382 : vector<16xf32>
      %mul3A_1394 = arith.mulf %mul3A_1393, %bitcast_convert_type3A_1390 : vector<16xf32>
      %mul3A_1395 = arith.mulf %mul3A_1394, %bitcast_convert_type3A_1390 : vector<16xf32>
      %sub3A_1396 = arith.constant 1.500000e+00 : f32
      %sub3A_1397 = vector.broadcast %sub3A_1396 : f32 to vector<16xf32>
      %sub3A_1398 = arith.subf %sub3A_1397, %mul3A_1395 : vector<16xf32>
      %mul3A_1399 = arith.mulf %bitcast_convert_type3A_1390, %sub3A_1398 : vector<16xf32>
      %mul3A_1400 = arith.constant 5.000000e-01 : f32
      %mul3A_1401 = vector.broadcast %mul3A_1400 : f32 to vector<16xf32>
      %mul3A_1402 = arith.mulf %mul3A_1401, %add3A_1382 : vector<16xf32>
      %mul3A_1403 = arith.mulf %mul3A_1402, %mul3A_1399 : vector<16xf32>
      %mul3A_1404 = arith.mulf %mul3A_1403, %mul3A_1399 : vector<16xf32>
      %sub3A_1405 = arith.constant 1.500000e+00 : f32
      %sub3A_1406 = vector.broadcast %sub3A_1405 : f32 to vector<16xf32>
      %sub3A_1407 = arith.subf %sub3A_1406, %mul3A_1404 : vector<16xf32>
      %mul3A_1408 = arith.mulf %mul3A_1399, %sub3A_1407 : vector<16xf32>
      %mul3A_1409 = arith.constant 5.000000e-01 : f32
      %mul3A_1410 = vector.broadcast %mul3A_1409 : f32 to vector<16xf32>
      %mul3A_1411 = arith.mulf %mul3A_1410, %add3A_1382 : vector<16xf32>
      %mul3A_1412 = arith.mulf %mul3A_1411, %mul3A_1408 : vector<16xf32>
      %mul3A_1413 = arith.mulf %mul3A_1412, %mul3A_1408 : vector<16xf32>
      %sub3A_1414 = arith.constant 1.500000e+00 : f32
      %sub3A_1415 = vector.broadcast %sub3A_1414 : f32 to vector<16xf32>
      %sub3A_1416 = arith.subf %sub3A_1415, %mul3A_1413 : vector<16xf32>
      %mul3A_1417 = arith.mulf %mul3A_1408, %sub3A_1416 : vector<16xf32>
      %mul3A_1418 = arith.mulf %add3A_1382, %mul3A_1417 : vector<16xf32>
      %gt3A_1419 = arith.constant 10 : i32
      %gt3A_1420 = vector.broadcast %gt3A_1419 : i32 to vector<16xi32>
      %gt3A_1421 = arith.cmpi sgt, %iota3A, %gt3A_1420 : vector<16xi32>
      %jit3A_1422 = arith.constant 1.000000e+00 : f32
      %jit3A_1423 = arith.constant 0.000000e+00 : f32
      %broadcast_in_dim3A_1424 = vector.broadcast %jit3A_1422 : f32 to vector<16xf32>
      %broadcast_in_dim3A_1425 = vector.broadcast %jit3A_1423 : f32 to vector<16xf32>
      %select_n3A_1426 = arith.select %gt3A_1421, %broadcast_in_dim3A_1424, %broadcast_in_dim3A_1425 : vector<16xi1>, vector<16xf32>
      %mul3A_1427 = arith.mulf %mul3A_1418, %select_n3A_1426 : vector<16xf32>
      %add3A_1428 = arith.addf %add3A_1374, %mul3A_1427 : vector<16xf32>
      %sub3A_1429 = arith.subf %get3A_1243, %get3A_91 : vector<16xf32>
      %sub3A_1430 = arith.subf %get3A_1246, %get3A_139 : vector<16xf32>
      %sub3A_1431 = arith.subf %get3A_1249, %get3A_187 : vector<16xf32>
      %mul3A_1432 = arith.mulf %sub3A_1429, %sub3A_1429 : vector<16xf32>
      %mul3A_1433 = arith.mulf %sub3A_1430, %sub3A_1430 : vector<16xf32>
      %add3A_1434 = arith.addf %mul3A_1432, %mul3A_1433 : vector<16xf32>
      %mul3A_1435 = arith.mulf %sub3A_1431, %sub3A_1431 : vector<16xf32>
      %add3A_1436 = arith.addf %add3A_1434, %mul3A_1435 : vector<16xf32>
      %bitcast_convert_type3A_1437 = tpu.bitcast %add3A_1436 : vector<16xf32> -> vector<16xi32>
      %shift_right_arithmetic3A_1438 = arith.constant 1 : i32
      %shift_right_arithmetic3A_1439 = vector.broadcast %shift_right_arithmetic3A_1438 : i32 to vector<16xi32>
      %shift_right_arithmetic3A_1440 = arith.shrsi %bitcast_convert_type3A_1437, %shift_right_arithmetic3A_1439 : vector<16xi32>
      %sub3A_1441 = arith.constant 1597463007 : i32
      %sub3A_1442 = vector.broadcast %sub3A_1441 : i32 to vector<16xi32>
      %sub3A_1443 = arith.subi %sub3A_1442, %shift_right_arithmetic3A_1440 : vector<16xi32>
      %bitcast_convert_type3A_1444 = tpu.bitcast %sub3A_1443 : vector<16xi32> -> vector<16xf32>
      %mul3A_1445 = arith.constant 5.000000e-01 : f32
      %mul3A_1446 = vector.broadcast %mul3A_1445 : f32 to vector<16xf32>
      %mul3A_1447 = arith.mulf %mul3A_1446, %add3A_1436 : vector<16xf32>
      %mul3A_1448 = arith.mulf %mul3A_1447, %bitcast_convert_type3A_1444 : vector<16xf32>
      %mul3A_1449 = arith.mulf %mul3A_1448, %bitcast_convert_type3A_1444 : vector<16xf32>
      %sub3A_1450 = arith.constant 1.500000e+00 : f32
      %sub3A_1451 = vector.broadcast %sub3A_1450 : f32 to vector<16xf32>
      %sub3A_1452 = arith.subf %sub3A_1451, %mul3A_1449 : vector<16xf32>
      %mul3A_1453 = arith.mulf %bitcast_convert_type3A_1444, %sub3A_1452 : vector<16xf32>
      %mul3A_1454 = arith.constant 5.000000e-01 : f32
      %mul3A_1455 = vector.broadcast %mul3A_1454 : f32 to vector<16xf32>
      %mul3A_1456 = arith.mulf %mul3A_1455, %add3A_1436 : vector<16xf32>
      %mul3A_1457 = arith.mulf %mul3A_1456, %mul3A_1453 : vector<16xf32>
      %mul3A_1458 = arith.mulf %mul3A_1457, %mul3A_1453 : vector<16xf32>
      %sub3A_1459 = arith.constant 1.500000e+00 : f32
      %sub3A_1460 = vector.broadcast %sub3A_1459 : f32 to vector<16xf32>
      %sub3A_1461 = arith.subf %sub3A_1460, %mul3A_1458 : vector<16xf32>
      %mul3A_1462 = arith.mulf %mul3A_1453, %sub3A_1461 : vector<16xf32>
      %mul3A_1463 = arith.constant 5.000000e-01 : f32
      %mul3A_1464 = vector.broadcast %mul3A_1463 : f32 to vector<16xf32>
      %mul3A_1465 = arith.mulf %mul3A_1464, %add3A_1436 : vector<16xf32>
      %mul3A_1466 = arith.mulf %mul3A_1465, %mul3A_1462 : vector<16xf32>
      %mul3A_1467 = arith.mulf %mul3A_1466, %mul3A_1462 : vector<16xf32>
      %sub3A_1468 = arith.constant 1.500000e+00 : f32
      %sub3A_1469 = vector.broadcast %sub3A_1468 : f32 to vector<16xf32>
      %sub3A_1470 = arith.subf %sub3A_1469, %mul3A_1467 : vector<16xf32>
      %mul3A_1471 = arith.mulf %mul3A_1462, %sub3A_1470 : vector<16xf32>
      %mul3A_1472 = arith.mulf %add3A_1436, %mul3A_1471 : vector<16xf32>
      %gt3A_1473 = arith.constant 11 : i32
      %gt3A_1474 = vector.broadcast %gt3A_1473 : i32 to vector<16xi32>
      %gt3A_1475 = arith.cmpi sgt, %iota3A, %gt3A_1474 : vector<16xi32>
      %jit3A_1476 = arith.constant 1.000000e+00 : f32
      %jit3A_1477 = arith.constant 0.000000e+00 : f32
      %broadcast_in_dim3A_1478 = vector.broadcast %jit3A_1476 : f32 to vector<16xf32>
      %broadcast_in_dim3A_1479 = vector.broadcast %jit3A_1477 : f32 to vector<16xf32>
      %select_n3A_1480 = arith.select %gt3A_1475, %broadcast_in_dim3A_1478, %broadcast_in_dim3A_1479 : vector<16xi1>, vector<16xf32>
      %mul3A_1481 = arith.mulf %mul3A_1472, %select_n3A_1480 : vector<16xf32>
      %add3A_1482 = arith.addf %add3A_1428, %mul3A_1481 : vector<16xf32>
      %swap3A_1483 = arith.constant 0 : index
      %swap3A_1484 = tpu.vector_load %arg17[%swap3A_1483] {strides = array<i32>} : memref<16xf32, #tpu.memory_space<vmem>>, vector<16xf32>,
      %swap3A_1485 = vector.shape_cast %swap3A_1484 : vector<16xf32> to vector<16xf32>
      %swap3A_1486 = vector.shape_cast %add3A_1482 : vector<16xf32> to vector<16xf32>
      tpu.vector_store %arg17[%swap3A_1483], %swap3A_1486 {strides = array<i32>} : memref<16xf32, #tpu.memory_space<vmem>>, vector<16xf32>,
      "tpu.region"() ({
        %run_scoped3A = tpu.sem_alloc : memref<!tpu.dma_semaphore, #tpu.memory_space<semaphore_mem>>
        %dma_start3A_1487 = arith.constant 0 : i32
        %dma_start3A_1488 = tpu.memref_slice %arg6[%add3A, %dma_start3A_1487] : memref<32x16xf32, #tpu.memory_space<hbm>> -> memref<1x16xf32, #tpu.memory_space<hbm>>
        %dma_start3A_1489 = tpu.memref_squeeze %dma_start3A_1488 : memref<1x16xf32, #tpu.memory_space<hbm>> -> memref<16xf32, #tpu.memory_space<hbm>>
        %dma_start3A_1490 = arith.constant 0 : i32
        %dma_start3A_1491 = tpu.memref_slice %arg6[%add3A, %dma_start3A_1490] : memref<32x16xf32, #tpu.memory_space<hbm>> -> memref<1x16xf32, #tpu.memory_space<hbm>>
        %dma_start3A_1492 = tpu.memref_squeeze %dma_start3A_1491 : memref<1x16xf32, #tpu.memory_space<hbm>> -> memref<16xf32, #tpu.memory_space<hbm>>
        tpu.enqueue_dma source(%arg17 : memref<16xf32, #tpu.memory_space<vmem>>) target(%dma_start3A_1492 : memref<16xf32, #tpu.memory_space<hbm>>) target_semaphore(%run_scoped3A : memref<!tpu.dma_semaphore, #tpu.memory_space<semaphore_mem>>)
        %dma_wait3A_1493 = arith.constant 0 : i32
        %dma_wait3A_1494 = tpu.memref_slice %arg6[%add3A, %dma_wait3A_1493] : memref<32x16xf32, #tpu.memory_space<hbm>> -> memref<1x16xf32, #tpu.memory_space<hbm>>
        %dma_wait3A_1495 = tpu.memref_squeeze %dma_wait3A_1494 : memref<1x16xf32, #tpu.memory_space<hbm>> -> memref<16xf32, #tpu.memory_space<hbm>>
        %dma_wait3A_1496 = arith.constant 0 : i32
        %dma_wait3A_1497 = tpu.memref_slice %arg6[%add3A, %dma_wait3A_1496] : memref<32x16xf32, #tpu.memory_space<hbm>> -> memref<1x16xf32, #tpu.memory_space<hbm>>
        %dma_wait3A_1498 = tpu.memref_squeeze %dma_wait3A_1497 : memref<1x16xf32, #tpu.memory_space<hbm>> -> memref<16xf32, #tpu.memory_space<hbm>>
        tpu.wait_dma2 semaphore(%run_scoped3A : memref<!tpu.dma_semaphore, #tpu.memory_space<semaphore_mem>>) src(%arg17 : memref<16xf32, #tpu.memory_space<vmem>>) dst(%dma_wait3A_1498 : memref<16xf32, #tpu.memory_space<hbm>>)
        tpu.yield
      }) : () -> ()
    } else {
    }
    %eq3A_1263 = arith.constant 3 : i32
    %eq3A_1264 = arith.cmpi eq, %select_n3A_30, %eq3A_1263 : i32
    %convert_element_type3A_1265 = arith.extui %eq3A_1264 : i1 to i32
    %cond3A_1266 = arith.constant 0 : i32
    %cond3A_1267 = arith.cmpi ne, %convert_element_type3A_1265, %cond3A_1266 : i32
    scf.if %cond3A_1267 {
      %broadcast_in_dim3A_1268 = arith.constant 0.000000e+00 : f32
      %broadcast_in_dim3A_1269 = vector.broadcast %broadcast_in_dim3A_1268 : f32 to vector<16xf32>
      %sub3A_1270 = arith.subf %get3A_1243, %get3A_94 : vector<16xf32>
      %sub3A_1271 = arith.subf %get3A_1246, %get3A_142 : vector<16xf32>
      %sub3A_1272 = arith.subf %get3A_1249, %get3A_190 : vector<16xf32>
      %mul3A_1273 = arith.mulf %sub3A_1270, %sub3A_1270 : vector<16xf32>
      %mul3A_1274 = arith.mulf %sub3A_1271, %sub3A_1271 : vector<16xf32>
      %add3A_1275 = arith.addf %mul3A_1273, %mul3A_1274 : vector<16xf32>
      %mul3A_1276 = arith.mulf %sub3A_1272, %sub3A_1272 : vector<16xf32>
      %add3A_1277 = arith.addf %add3A_1275, %mul3A_1276 : vector<16xf32>
      %bitcast_convert_type3A = tpu.bitcast %add3A_1277 : vector<16xf32> -> vector<16xi32>
      %shift_right_arithmetic3A = arith.constant 1 : i32
      %shift_right_arithmetic3A_1278 = vector.broadcast %shift_right_arithmetic3A : i32 to vector<16xi32>
      %shift_right_arithmetic3A_1279 = arith.shrsi %bitcast_convert_type3A, %shift_right_arithmetic3A_1278 : vector<16xi32>
      %sub3A_1280 = arith.constant 1597463007 : i32
      %sub3A_1281 = vector.broadcast %sub3A_1280 : i32 to vector<16xi32>
      %sub3A_1282 = arith.subi %sub3A_1281, %shift_right_arithmetic3A_1279 : vector<16xi32>
      %bitcast_convert_type3A_1283 = tpu.bitcast %sub3A_1282 : vector<16xi32> -> vector<16xf32>
      %mul3A_1284 = arith.constant 5.000000e-01 : f32
      %mul3A_1285 = vector.broadcast %mul3A_1284 : f32 to vector<16xf32>
      %mul3A_1286 = arith.mulf %mul3A_1285, %add3A_1277 : vector<16xf32>
      %mul3A_1287 = arith.mulf %mul3A_1286, %bitcast_convert_type3A_1283 : vector<16xf32>
      %mul3A_1288 = arith.mulf %mul3A_1287, %bitcast_convert_type3A_1283 : vector<16xf32>
      %sub3A_1289 = arith.constant 1.500000e+00 : f32
      %sub3A_1290 = vector.broadcast %sub3A_1289 : f32 to vector<16xf32>
      %sub3A_1291 = arith.subf %sub3A_1290, %mul3A_1288 : vector<16xf32>
      %mul3A_1292 = arith.mulf %bitcast_convert_type3A_1283, %sub3A_1291 : vector<16xf32>
      %mul3A_1293 = arith.constant 5.000000e-01 : f32
      %mul3A_1294 = vector.broadcast %mul3A_1293 : f32 to vector<16xf32>
      %mul3A_1295 = arith.mulf %mul3A_1294, %add3A_1277 : vector<16xf32>
      %mul3A_1296 = arith.mulf %mul3A_1295, %mul3A_1292 : vector<16xf32>
      %mul3A_1297 = arith.mulf %mul3A_1296, %mul3A_1292 : vector<16xf32>
      %sub3A_1298 = arith.constant 1.500000e+00 : f32
      %sub3A_1299 = vector.broadcast %sub3A_1298 : f32 to vector<16xf32>
      %sub3A_1300 = arith.subf %sub3A_1299, %mul3A_1297 : vector<16xf32>
      %mul3A_1301 = arith.mulf %mul3A_1292, %sub3A_1300 : vector<16xf32>
      %mul3A_1302 = arith.constant 5.000000e-01 : f32
      %mul3A_1303 = vector.broadcast %mul3A_1302 : f32 to vector<16xf32>
      %mul3A_1304 = arith.mulf %mul3A_1303, %add3A_1277 : vector<16xf32>
      %mul3A_1305 = arith.mulf %mul3A_1304, %mul3A_1301 : vector<16xf32>
      %mul3A_1306 = arith.mulf %mul3A_1305, %mul3A_1301 : vector<16xf32>
      %sub3A_1307 = arith.constant 1.500000e+00 : f32
      %sub3A_1308 = vector.broadcast %sub3A_1307 : f32 to vector<16xf32>
      %sub3A_1309 = arith.subf %sub3A_1308, %mul3A_1306 : vector<16xf32>
      %mul3A_1310 = arith.mulf %mul3A_1301, %sub3A_1309 : vector<16xf32>
      %mul3A_1311 = arith.mulf %add3A_1277, %mul3A_1310 : vector<16xf32>
      %gt3A = arith.constant 12 : i32
      %gt3A_1312 = vector.broadcast %gt3A : i32 to vector<16xi32>
      %gt3A_1313 = arith.cmpi sgt, %iota3A, %gt3A_1312 : vector<16xi32>
      %jit3A_1314 = arith.constant 1.000000e+00 : f32
      %jit3A_1315 = arith.constant 0.000000e+00 : f32
      %broadcast_in_dim3A_1316 = vector.broadcast %jit3A_1314 : f32 to vector<16xf32>
      %broadcast_in_dim3A_1317 = vector.broadcast %jit3A_1315 : f32 to vector<16xf32>
      %select_n3A_1318 = arith.select %gt3A_1313, %broadcast_in_dim3A_1316, %broadcast_in_dim3A_1317 : vector<16xi1>, vector<16xf32>
      %mul3A_1319 = arith.mulf %mul3A_1311, %select_n3A_1318 : vector<16xf32>
      %add3A_1320 = arith.addf %broadcast_in_dim3A_1269, %mul3A_1319 : vector<16xf32>
      %sub3A_1321 = arith.subf %get3A_1243, %get3A_97 : vector<16xf32>
      %sub3A_1322 = arith.subf %get3A_1246, %get3A_145 : vector<16xf32>
      %sub3A_1323 = arith.subf %get3A_1249, %get3A_193 : vector<16xf32>
      %mul3A_1324 = arith.mulf %sub3A_1321, %sub3A_1321 : vector<16xf32>
      %mul3A_1325 = arith.mulf %sub3A_1322, %sub3A_1322 : vector<16xf32>
      %add3A_1326 = arith.addf %mul3A_1324, %mul3A_1325 : vector<16xf32>
      %mul3A_1327 = arith.mulf %sub3A_1323, %sub3A_1323 : vector<16xf32>
      %add3A_1328 = arith.addf %add3A_1326, %mul3A_1327 : vector<16xf32>
      %bitcast_convert_type3A_1329 = tpu.bitcast %add3A_1328 : vector<16xf32> -> vector<16xi32>
      %shift_right_arithmetic3A_1330 = arith.constant 1 : i32
      %shift_right_arithmetic3A_1331 = vector.broadcast %shift_right_arithmetic3A_1330 : i32 to vector<16xi32>
      %shift_right_arithmetic3A_1332 = arith.shrsi %bitcast_convert_type3A_1329, %shift_right_arithmetic3A_1331 : vector<16xi32>
      %sub3A_1333 = arith.constant 1597463007 : i32
      %sub3A_1334 = vector.broadcast %sub3A_1333 : i32 to vector<16xi32>
      %sub3A_1335 = arith.subi %sub3A_1334, %shift_right_arithmetic3A_1332 : vector<16xi32>
      %bitcast_convert_type3A_1336 = tpu.bitcast %sub3A_1335 : vector<16xi32> -> vector<16xf32>
      %mul3A_1337 = arith.constant 5.000000e-01 : f32
      %mul3A_1338 = vector.broadcast %mul3A_1337 : f32 to vector<16xf32>
      %mul3A_1339 = arith.mulf %mul3A_1338, %add3A_1328 : vector<16xf32>
      %mul3A_1340 = arith.mulf %mul3A_1339, %bitcast_convert_type3A_1336 : vector<16xf32>
      %mul3A_1341 = arith.mulf %mul3A_1340, %bitcast_convert_type3A_1336 : vector<16xf32>
      %sub3A_1342 = arith.constant 1.500000e+00 : f32
      %sub3A_1343 = vector.broadcast %sub3A_1342 : f32 to vector<16xf32>
      %sub3A_1344 = arith.subf %sub3A_1343, %mul3A_1341 : vector<16xf32>
      %mul3A_1345 = arith.mulf %bitcast_convert_type3A_1336, %sub3A_1344 : vector<16xf32>
      %mul3A_1346 = arith.constant 5.000000e-01 : f32
      %mul3A_1347 = vector.broadcast %mul3A_1346 : f32 to vector<16xf32>
      %mul3A_1348 = arith.mulf %mul3A_1347, %add3A_1328 : vector<16xf32>
      %mul3A_1349 = arith.mulf %mul3A_1348, %mul3A_1345 : vector<16xf32>
      %mul3A_1350 = arith.mulf %mul3A_1349, %mul3A_1345 : vector<16xf32>
      %sub3A_1351 = arith.constant 1.500000e+00 : f32
      %sub3A_1352 = vector.broadcast %sub3A_1351 : f32 to vector<16xf32>
      %sub3A_1353 = arith.subf %sub3A_1352, %mul3A_1350 : vector<16xf32>
      %mul3A_1354 = arith.mulf %mul3A_1345, %sub3A_1353 : vector<16xf32>
      %mul3A_1355 = arith.constant 5.000000e-01 : f32
      %mul3A_1356 = vector.broadcast %mul3A_1355 : f32 to vector<16xf32>
      %mul3A_1357 = arith.mulf %mul3A_1356, %add3A_1328 : vector<16xf32>
      %mul3A_1358 = arith.mulf %mul3A_1357, %mul3A_1354 : vector<16xf32>
      %mul3A_1359 = arith.mulf %mul3A_1358, %mul3A_1354 : vector<16xf32>
      %sub3A_1360 = arith.constant 1.500000e+00 : f32
      %sub3A_1361 = vector.broadcast %sub3A_1360 : f32 to vector<16xf32>
      %sub3A_1362 = arith.subf %sub3A_1361, %mul3A_1359 : vector<16xf32>
      %mul3A_1363 = arith.mulf %mul3A_1354, %sub3A_1362 : vector<16xf32>
      %mul3A_1364 = arith.mulf %add3A_1328, %mul3A_1363 : vector<16xf32>
      %gt3A_1365 = arith.constant 13 : i32
      %gt3A_1366 = vector.broadcast %gt3A_1365 : i32 to vector<16xi32>
      %gt3A_1367 = arith.cmpi sgt, %iota3A, %gt3A_1366 : vector<16xi32>
      %jit3A_1368 = arith.constant 1.000000e+00 : f32
      %jit3A_1369 = arith.constant 0.000000e+00 : f32
      %broadcast_in_dim3A_1370 = vector.broadcast %jit3A_1368 : f32 to vector<16xf32>
      %broadcast_in_dim3A_1371 = vector.broadcast %jit3A_1369 : f32 to vector<16xf32>
      %select_n3A_1372 = arith.select %gt3A_1367, %broadcast_in_dim3A_1370, %broadcast_in_dim3A_1371 : vector<16xi1>, vector<16xf32>
      %mul3A_1373 = arith.mulf %mul3A_1364, %select_n3A_1372 : vector<16xf32>
      %add3A_1374 = arith.addf %add3A_1320, %mul3A_1373 : vector<16xf32>
      %sub3A_1375 = arith.subf %get3A_1243, %get3A_100 : vector<16xf32>
      %sub3A_1376 = arith.subf %get3A_1246, %get3A_148 : vector<16xf32>
      %sub3A_1377 = arith.subf %get3A_1249, %get3A_196 : vector<16xf32>
      %mul3A_1378 = arith.mulf %sub3A_1375, %sub3A_1375 : vector<16xf32>
      %mul3A_1379 = arith.mulf %sub3A_1376, %sub3A_1376 : vector<16xf32>
      %add3A_1380 = arith.addf %mul3A_1378, %mul3A_1379 : vector<16xf32>
      %mul3A_1381 = arith.mulf %sub3A_1377, %sub3A_1377 : vector<16xf32>
      %add3A_1382 = arith.addf %add3A_1380, %mul3A_1381 : vector<16xf32>
      %bitcast_convert_type3A_1383 = tpu.bitcast %add3A_1382 : vector<16xf32> -> vector<16xi32>
      %shift_right_arithmetic3A_1384 = arith.constant 1 : i32
      %shift_right_arithmetic3A_1385 = vector.broadcast %shift_right_arithmetic3A_1384 : i32 to vector<16xi32>
      %shift_right_arithmetic3A_1386 = arith.shrsi %bitcast_convert_type3A_1383, %shift_right_arithmetic3A_1385 : vector<16xi32>
      %sub3A_1387 = arith.constant 1597463007 : i32
      %sub3A_1388 = vector.broadcast %sub3A_1387 : i32 to vector<16xi32>
      %sub3A_1389 = arith.subi %sub3A_1388, %shift_right_arithmetic3A_1386 : vector<16xi32>
      %bitcast_convert_type3A_1390 = tpu.bitcast %sub3A_1389 : vector<16xi32> -> vector<16xf32>
      %mul3A_1391 = arith.constant 5.000000e-01 : f32
      %mul3A_1392 = vector.broadcast %mul3A_1391 : f32 to vector<16xf32>
      %mul3A_1393 = arith.mulf %mul3A_1392, %add3A_1382 : vector<16xf32>
      %mul3A_1394 = arith.mulf %mul3A_1393, %bitcast_convert_type3A_1390 : vector<16xf32>
      %mul3A_1395 = arith.mulf %mul3A_1394, %bitcast_convert_type3A_1390 : vector<16xf32>
      %sub3A_1396 = arith.constant 1.500000e+00 : f32
      %sub3A_1397 = vector.broadcast %sub3A_1396 : f32 to vector<16xf32>
      %sub3A_1398 = arith.subf %sub3A_1397, %mul3A_1395 : vector<16xf32>
      %mul3A_1399 = arith.mulf %bitcast_convert_type3A_1390, %sub3A_1398 : vector<16xf32>
      %mul3A_1400 = arith.constant 5.000000e-01 : f32
      %mul3A_1401 = vector.broadcast %mul3A_1400 : f32 to vector<16xf32>
      %mul3A_1402 = arith.mulf %mul3A_1401, %add3A_1382 : vector<16xf32>
      %mul3A_1403 = arith.mulf %mul3A_1402, %mul3A_1399 : vector<16xf32>
      %mul3A_1404 = arith.mulf %mul3A_1403, %mul3A_1399 : vector<16xf32>
      %sub3A_1405 = arith.constant 1.500000e+00 : f32
      %sub3A_1406 = vector.broadcast %sub3A_1405 : f32 to vector<16xf32>
      %sub3A_1407 = arith.subf %sub3A_1406, %mul3A_1404 : vector<16xf32>
      %mul3A_1408 = arith.mulf %mul3A_1399, %sub3A_1407 : vector<16xf32>
      %mul3A_1409 = arith.constant 5.000000e-01 : f32
      %mul3A_1410 = vector.broadcast %mul3A_1409 : f32 to vector<16xf32>
      %mul3A_1411 = arith.mulf %mul3A_1410, %add3A_1382 : vector<16xf32>
      %mul3A_1412 = arith.mulf %mul3A_1411, %mul3A_1408 : vector<16xf32>
      %mul3A_1413 = arith.mulf %mul3A_1412, %mul3A_1408 : vector<16xf32>
      %sub3A_1414 = arith.constant 1.500000e+00 : f32
      %sub3A_1415 = vector.broadcast %sub3A_1414 : f32 to vector<16xf32>
      %sub3A_1416 = arith.subf %sub3A_1415, %mul3A_1413 : vector<16xf32>
      %mul3A_1417 = arith.mulf %mul3A_1408, %sub3A_1416 : vector<16xf32>
      %mul3A_1418 = arith.mulf %add3A_1382, %mul3A_1417 : vector<16xf32>
      %gt3A_1419 = arith.constant 14 : i32
      %gt3A_1420 = vector.broadcast %gt3A_1419 : i32 to vector<16xi32>
      %gt3A_1421 = arith.cmpi sgt, %iota3A, %gt3A_1420 : vector<16xi32>
      %jit3A_1422 = arith.constant 1.000000e+00 : f32
      %jit3A_1423 = arith.constant 0.000000e+00 : f32
      %broadcast_in_dim3A_1424 = vector.broadcast %jit3A_1422 : f32 to vector<16xf32>
      %broadcast_in_dim3A_1425 = vector.broadcast %jit3A_1423 : f32 to vector<16xf32>
      %select_n3A_1426 = arith.select %gt3A_1421, %broadcast_in_dim3A_1424, %broadcast_in_dim3A_1425 : vector<16xi1>, vector<16xf32>
      %mul3A_1427 = arith.mulf %mul3A_1418, %select_n3A_1426 : vector<16xf32>
      %add3A_1428 = arith.addf %add3A_1374, %mul3A_1427 : vector<16xf32>
      %sub3A_1429 = arith.subf %get3A_1243, %get3A_103 : vector<16xf32>
      %sub3A_1430 = arith.subf %get3A_1246, %get3A_151 : vector<16xf32>
      %sub3A_1431 = arith.subf %get3A_1249, %get3A_199 : vector<16xf32>
      %mul3A_1432 = arith.mulf %sub3A_1429, %sub3A_1429 : vector<16xf32>
      %mul3A_1433 = arith.mulf %sub3A_1430, %sub3A_1430 : vector<16xf32>
      %add3A_1434 = arith.addf %mul3A_1432, %mul3A_1433 : vector<16xf32>
      %mul3A_1435 = arith.mulf %sub3A_1431, %sub3A_1431 : vector<16xf32>
      %add3A_1436 = arith.addf %add3A_1434, %mul3A_1435 : vector<16xf32>
      %bitcast_convert_type3A_1437 = tpu.bitcast %add3A_1436 : vector<16xf32> -> vector<16xi32>
      %shift_right_arithmetic3A_1438 = arith.constant 1 : i32
      %shift_right_arithmetic3A_1439 = vector.broadcast %shift_right_arithmetic3A_1438 : i32 to vector<16xi32>
      %shift_right_arithmetic3A_1440 = arith.shrsi %bitcast_convert_type3A_1437, %shift_right_arithmetic3A_1439 : vector<16xi32>
      %sub3A_1441 = arith.constant 1597463007 : i32
      %sub3A_1442 = vector.broadcast %sub3A_1441 : i32 to vector<16xi32>
      %sub3A_1443 = arith.subi %sub3A_1442, %shift_right_arithmetic3A_1440 : vector<16xi32>
      %bitcast_convert_type3A_1444 = tpu.bitcast %sub3A_1443 : vector<16xi32> -> vector<16xf32>
      %mul3A_1445 = arith.constant 5.000000e-01 : f32
      %mul3A_1446 = vector.broadcast %mul3A_1445 : f32 to vector<16xf32>
      %mul3A_1447 = arith.mulf %mul3A_1446, %add3A_1436 : vector<16xf32>
      %mul3A_1448 = arith.mulf %mul3A_1447, %bitcast_convert_type3A_1444 : vector<16xf32>
      %mul3A_1449 = arith.mulf %mul3A_1448, %bitcast_convert_type3A_1444 : vector<16xf32>
      %sub3A_1450 = arith.constant 1.500000e+00 : f32
      %sub3A_1451 = vector.broadcast %sub3A_1450 : f32 to vector<16xf32>
      %sub3A_1452 = arith.subf %sub3A_1451, %mul3A_1449 : vector<16xf32>
      %mul3A_1453 = arith.mulf %bitcast_convert_type3A_1444, %sub3A_1452 : vector<16xf32>
      %mul3A_1454 = arith.constant 5.000000e-01 : f32
      %mul3A_1455 = vector.broadcast %mul3A_1454 : f32 to vector<16xf32>
      %mul3A_1456 = arith.mulf %mul3A_1455, %add3A_1436 : vector<16xf32>
      %mul3A_1457 = arith.mulf %mul3A_1456, %mul3A_1453 : vector<16xf32>
      %mul3A_1458 = arith.mulf %mul3A_1457, %mul3A_1453 : vector<16xf32>
      %sub3A_1459 = arith.constant 1.500000e+00 : f32
      %sub3A_1460 = vector.broadcast %sub3A_1459 : f32 to vector<16xf32>
      %sub3A_1461 = arith.subf %sub3A_1460, %mul3A_1458 : vector<16xf32>
      %mul3A_1462 = arith.mulf %mul3A_1453, %sub3A_1461 : vector<16xf32>
      %mul3A_1463 = arith.constant 5.000000e-01 : f32
      %mul3A_1464 = vector.broadcast %mul3A_1463 : f32 to vector<16xf32>
      %mul3A_1465 = arith.mulf %mul3A_1464, %add3A_1436 : vector<16xf32>
      %mul3A_1466 = arith.mulf %mul3A_1465, %mul3A_1462 : vector<16xf32>
      %mul3A_1467 = arith.mulf %mul3A_1466, %mul3A_1462 : vector<16xf32>
      %sub3A_1468 = arith.constant 1.500000e+00 : f32
      %sub3A_1469 = vector.broadcast %sub3A_1468 : f32 to vector<16xf32>
      %sub3A_1470 = arith.subf %sub3A_1469, %mul3A_1467 : vector<16xf32>
      %mul3A_1471 = arith.mulf %mul3A_1462, %sub3A_1470 : vector<16xf32>
      %mul3A_1472 = arith.mulf %add3A_1436, %mul3A_1471 : vector<16xf32>
      %gt3A_1473 = arith.constant 15 : i32
      %gt3A_1474 = vector.broadcast %gt3A_1473 : i32 to vector<16xi32>
      %gt3A_1475 = arith.cmpi sgt, %iota3A, %gt3A_1474 : vector<16xi32>
      %jit3A_1476 = arith.constant 1.000000e+00 : f32
      %jit3A_1477 = arith.constant 0.000000e+00 : f32
      %broadcast_in_dim3A_1478 = vector.broadcast %jit3A_1476 : f32 to vector<16xf32>
      %broadcast_in_dim3A_1479 = vector.broadcast %jit3A_1477 : f32 to vector<16xf32>
      %select_n3A_1480 = arith.select %gt3A_1475, %broadcast_in_dim3A_1478, %broadcast_in_dim3A_1479 : vector<16xi1>, vector<16xf32>
      %mul3A_1481 = arith.mulf %mul3A_1472, %select_n3A_1480 : vector<16xf32>
      %add3A_1482 = arith.addf %add3A_1428, %mul3A_1481 : vector<16xf32>
      %swap3A_1483 = arith.constant 0 : index
      %swap3A_1484 = tpu.vector_load %arg17[%swap3A_1483] {strides = array<i32>} : memref<16xf32, #tpu.memory_space<vmem>>, vector<16xf32>,
      %swap3A_1485 = vector.shape_cast %swap3A_1484 : vector<16xf32> to vector<16xf32>
      %swap3A_1486 = vector.shape_cast %add3A_1482 : vector<16xf32> to vector<16xf32>
      tpu.vector_store %arg17[%swap3A_1483], %swap3A_1486 {strides = array<i32>} : memref<16xf32, #tpu.memory_space<vmem>>, vector<16xf32>,
      "tpu.region"() ({
        %run_scoped3A = tpu.sem_alloc : memref<!tpu.dma_semaphore, #tpu.memory_space<semaphore_mem>>
        %dma_start3A_1487 = arith.constant 0 : i32
        %dma_start3A_1488 = tpu.memref_slice %arg6[%add3A, %dma_start3A_1487] : memref<32x16xf32, #tpu.memory_space<hbm>> -> memref<1x16xf32, #tpu.memory_space<hbm>>
        %dma_start3A_1489 = tpu.memref_squeeze %dma_start3A_1488 : memref<1x16xf32, #tpu.memory_space<hbm>> -> memref<16xf32, #tpu.memory_space<hbm>>
        %dma_start3A_1490 = arith.constant 0 : i32
        %dma_start3A_1491 = tpu.memref_slice %arg6[%add3A, %dma_start3A_1490] : memref<32x16xf32, #tpu.memory_space<hbm>> -> memref<1x16xf32, #tpu.memory_space<hbm>>
        %dma_start3A_1492 = tpu.memref_squeeze %dma_start3A_1491 : memref<1x16xf32, #tpu.memory_space<hbm>> -> memref<16xf32, #tpu.memory_space<hbm>>
        tpu.enqueue_dma source(%arg17 : memref<16xf32, #tpu.memory_space<vmem>>) target(%dma_start3A_1492 : memref<16xf32, #tpu.memory_space<hbm>>) target_semaphore(%run_scoped3A : memref<!tpu.dma_semaphore, #tpu.memory_space<semaphore_mem>>)
        %dma_wait3A_1493 = arith.constant 0 : i32
        %dma_wait3A_1494 = tpu.memref_slice %arg6[%add3A, %dma_wait3A_1493] : memref<32x16xf32, #tpu.memory_space<hbm>> -> memref<1x16xf32, #tpu.memory_space<hbm>>
        %dma_wait3A_1495 = tpu.memref_squeeze %dma_wait3A_1494 : memref<1x16xf32, #tpu.memory_space<hbm>> -> memref<16xf32, #tpu.memory_space<hbm>>
        %dma_wait3A_1496 = arith.constant 0 : i32
        %dma_wait3A_1497 = tpu.memref_slice %arg6[%add3A, %dma_wait3A_1496] : memref<32x16xf32, #tpu.memory_space<hbm>> -> memref<1x16xf32, #tpu.memory_space<hbm>>
        %dma_wait3A_1498 = tpu.memref_squeeze %dma_wait3A_1497 : memref<1x16xf32, #tpu.memory_space<hbm>> -> memref<16xf32, #tpu.memory_space<hbm>>
        tpu.wait_dma2 semaphore(%run_scoped3A : memref<!tpu.dma_semaphore, #tpu.memory_space<semaphore_mem>>) src(%arg17 : memref<16xf32, #tpu.memory_space<vmem>>) dst(%dma_wait3A_1498 : memref<16xf32, #tpu.memory_space<hbm>>)
        tpu.yield
      }) : () -> ()
    } else {
    }
    return
  }
}

</mosaic_0001>

<sc_bundles>
// kernel: kernel.3.cloned.1.call-start
scs
__scs_entry_jumppad:
0x0: {  	(pc) =	sbr.rel $0x88, $3  }
0x1: {  	(tag) =	ssettag $0x0;
	lr =	simm.s32 $0x1  }
0x2: {  	[smem:$0x3F9F] =	sst lr;
	_ =	strace $0xD0000000  }
0x3: {  	_ = 	snop  }
0x4: {  	_ = 	snop  }
0x5: {  	_ = 	snop  }
0x6: {  	_ = 	snop  }
0x7: {  	_ = 	snop  }
__scs_overlays_trampoline_lowered:
0x8: {  	[smem:$0x3FAE] =	sst s0  }
0x9: {  	[smem:$0x3FAF] =	sst s1  }
0xa: {  	[smem:$0x3FB0] =	sst s2  }
0xb: {  	[smem:$0x3FB1] =	sst s3  }
0xc: {  	[smem:$0x3FB2] =	sst s4  }
0xd: {  	[smem:$0x3FB3] =	sst s5  }
0xe: {  	[smem:$0x3FB4] =	sst s6  }
0xf: {  	[smem:$0x3FB5] =	sst s7  }
0x10: {  	[smem:$0x3FB6] =	sst s8  }
0x11: {  	[smem:$0x3FB7] =	sst s9;
	s0 =	simm.s32 @!p0 $0x0  }
0x12: {  	s1 =	sld [smem:$0x3F9D];
	s0 =	simm.s32 @p0 $0x1  }
0x13: {  	[smem:$0x3FB8] =	sst s0;
	s0 =	simm.s32 @!p1 $0x0  }
0x14: {  	s2 =	sld [smem:$0x3F9C];
	s0 =	simm.s32 @p1 $0x1  }
0x15: {  	[smem:$0x3FB9] =	sst s0;
	s0 =	simm.s32 @!p2 $0x0  }
0x16: {  	s3 =	sld [smem:$0x3FDB];
	s0 =	simm.s32 @p2 $0x1  }
0x17: {  	s4 =	simm.s32 $0x1BF5;
	[smem:$0x3FBB] =	sst s0  }
0x18: {  	s0 =	sld [smem:$0x3F9E];
	_ =	swait.ge [sflag:s4], $0x0  }
0x19: {  	s7 =	sld [smem:$0x3F9F]  }
0x1a: {  	s8 =	sadd.s32 $0xFFFFE003, lr  }
0x1b: {  	s9 =	sadd.s32 $0xFFFFFEF7, lr;
	s5 =	simm.s32 $0xFFFFFFFF;
	p2 =	slt.u32 s8, $0xFFFFF086  }
0x1c: {  	p1 =	slt.u32 s9, $0xF7A;
	s5 =	simm.s32 @!p2 $0x0  }
0x1d: {  	s5 =	simm.s32 @p1 $0x1;
	p0 =	seq.s32 s7, s2  }
0x1e: {  	s7 =	smul.u32 @!p0 $0xF7A, s2;
	p2 =	seq.s32 @!p0 s5, $0x0  }
0x1f: {  	s9 =	smul.u32 $0xF7A, s1;
	s8 =	simm.s32 @!p0 $0x1BF5;
	p2 =	por !p2, p0  }
0x20: {  	[sflag:s8] =	ssyncset.s32 @!p0 $0xFFFFF086;
	s6 =	sadd.s32 @!p0 s3, s7;
	s7 =	simm.s32 @!p0 $0x108  }
0x21: {  	s3 =	sadd.s32 s3, s9;
	s6 =	sadd.s32 @!p0 $0x88, s6;
	s7 =	simm.s32 @p2 $0x1082  }
0x22: {  	[simem:s7], [sflag:s8] =	dma.local @!p0 [hbm:s6], $0xF7A  }
0x23: {  	s9 =	sor.u32 $0xD0000000, s2;
	s6 =	simm.s32 $0x108;
	_ =	swait.ge @!p0 [sflag:s8], $0x0  }
0x24: {  	s3 =	sadd.s32 $0x88, s3;
	s6 =	simm.s32 @!p1 $0x1082;
	[sflag:s4] =	ssyncset.s32 $0xFFFFF086  }
0x25: {  	[simem:s6], [sflag:s4] =	dma.local [hbm:s3], $0xF7A  }
0x26: {  	[smem:$0x3F9F] =	sst s1;
	(tag) =	ssettag s2;
	_ =	strace s9  }
0x27: {  	s1 =	sld [smem:$0x3FAF]  }
0x28: {  	s2 =	sld [smem:$0x3FB0]  }
0x29: {  	s4 =	sld [smem:$0x3FB2]  }
0x2a: {  	p0 =	seq.s32 s5, $0x0;
	s5 =	sld [smem:$0x3FB3]  }
0x2b: {  	s6 =	sld [smem:$0x3FB4]  }
0x2c: {  	s7 =	sld [smem:$0x3FB5]  }
0x2d: {  	s3 =	simm.s32 $0x108;
	s8 =	sld [smem:$0x3FB6]  }
0x2e: {  	s3 =	simm.s32 @!p0 $0x1082;
	s9 =	sld [smem:$0x3FB7]  }
0x2f: {  	lr =	sadd.s32 s0, s3;
	s0 =	sld [smem:$0x3FAE]  }
0x30: {  	s3 =	sld [smem:$0x3FB1]  }
0x31: {  	[smem:$0x3FBA] =	sst s10  }
0x32: {  	s10 =	sld [smem:$0x3FB8];
	_ =	sdelay $0x3  }
0x33: {  	p0 =	seq.s32 s10, $0x1;
	s10 =	sld [smem:$0x3FBA];
	_ =	sdelay $0x3  }
0x34: {  	[smem:$0x3FBA] =	sst s10  }
0x35: {  	s10 =	sld [smem:$0x3FB9];
	_ =	sdelay $0x3  }
0x36: {  	p1 =	seq.s32 s10, $0x1;
	s10 =	sld [smem:$0x3FBA];
	_ =	sdelay $0x3  }
0x37: {  	[smem:$0x3FBA] =	sst s10  }
0x38: {  	s10 =	sld [smem:$0x3FBB]  }
0x39: {  	_ = 	snop;
	(pc) =	sbr.ind lr, $3  }
0x3a: {  	_ = 	snop  }
0x3b: {  	_ = 	snop  }
0x3c: {  	p2 =	seq.s32 s10, $0x1;
	s10 =	sld [smem:$0x3FBA]  }
0x3d: {  	_ =	shalt  }
0x3e: {  	_ =	shalt  }
0x3f: {  	_ =	shalt  }
0x40: {  	_ =	shalt  }
0x41: {  	_ =	shalt  }
0x42: {  	_ =	shalt  }
0x43: {  	_ =	shalt  }
0x44: {  	_ =	shalt  }
0x45: {  	_ =	shalt  }
0x46: {  	_ =	shalt  }
0x47: {  	_ =	shalt  }
0x48: {  	_ =	shalt  }
0x49: {  	_ =	shalt  }
0x4a: {  	_ =	shalt  }
0x4b: {  	_ =	shalt  }
0x4c: {  	_ =	shalt  }
0x4d: {  	_ =	shalt  }
0x4e: {  	_ =	shalt  }
0x4f: {  	_ =	shalt  }
0x50: {  	_ =	shalt  }
0x51: {  	_ =	shalt  }
0x52: {  	_ =	shalt  }
0x53: {  	_ =	shalt  }
0x54: {  	_ =	shalt  }
0x55: {  	_ =	shalt  }
0x56: {  	_ =	shalt  }
0x57: {  	_ =	shalt  }
0x58: {  	_ =	shalt  }
0x59: {  	_ =	shalt  }
0x5a: {  	_ =	shalt  }
0x5b: {  	_ =	shalt  }
0x5c: {  	_ =	shalt  }
0x5d: {  	_ =	shalt  }
0x5e: {  	_ =	shalt  }
0x5f: {  	_ =	shalt  }
0x60: {  	_ =	shalt  }
0x61: {  	_ =	shalt  }
0x62: {  	_ =	shalt  }
0x63: {  	_ =	shalt  }
0x64: {  	_ =	shalt  }
0x65: {  	_ =	shalt  }
0x66: {  	_ =	shalt  }
0x67: {  	_ =	shalt  }
0x68: {  	_ =	shalt  }
0x69: {  	_ =	shalt  }
0x6a: {  	_ =	shalt  }
0x6b: {  	_ =	shalt  }
0x6c: {  	_ =	shalt  }
0x6d: {  	_ =	shalt  }
0x6e: {  	_ =	shalt  }
0x6f: {  	_ =	shalt  }
0x70: {  	_ =	shalt  }
0x71: {  	_ =	shalt  }
0x72: {  	_ =	shalt  }
0x73: {  	_ =	shalt  }
0x74: {  	_ =	shalt  }
0x75: {  	_ =	shalt  }
0x76: {  	_ =	shalt  }
0x77: {  	_ =	shalt  }
0x78: {  	_ =	shalt  }
0x79: {  	_ =	shalt  }
0x7a: {  	_ =	shalt  }
0x7b: {  	_ =	shalt  }
0x7c: {  	_ =	shalt  }
0x7d: {  	_ =	shalt  }
0x7e: {  	_ =	shalt  }
0x7f: {  	_ =	shalt  }
0x80: {  	_ =	shalt  }
0x81: {  	_ =	shalt  }
0x82: {  	_ =	shalt  }
0x83: {  	_ =	shalt  }
0x84: {  	_ =	shalt  }
0x85: {  	_ =	shalt  }
0x86: {  	_ =	shalt  }
0x87: {  	_ =	shalt  }
.Lfunc_end0:
.L_simem_size_0:
called_computation_lowered:
.L_overlay_start_0:
0x88: {  	s2 =	sld [smem:$0x3FD9]  }
0x89: {  	s3 =	sld [smem:$0x3FFE];
	_ =	sdelay $0x1  }
0x8a: {  	s1 =	srdreg.scid  }
0x8b: {  	s0 =	sand.u32 $0x1, s1  }
0x8c: {  	s16 =	sshll.u32 s0, $0xA;
	s2 =	sadd.s32 s3, s2  }
0x8d: {  	s2 =	sadd.s32 s2, s16  }
0x8e: {  	[smem:$0x3FC6] =	sst s2  }
0x8f: {  	_ = 	snop  }
0x90: {  	(tm) =	ssettm $0x1  }
0x91: {  	s17 =	sld [smem:$0x3FFB];
	_ =	sdelay $0x3  }
0x92: {  	_ =	strace s17  }
0x93: {  	s2 =	sld [smem:$0x3FFC];
	_ =	sdelay $0x3  }
0x94: {  	_ =	strace s2  }
0x95: {  	s2 =	sld [smem:$0x3FFD];
	_ =	sdelay $0x3  }
0x96: {  	_ =	strace s2  }
0x97: {  	_ =	strace $0x8FFFFFFF  }
0x98: {  	s18 =	sld [smem:$0x3FDB];
	_ =	sdelay $0x1  }
0x99: {  	s19 =	simm.s32 $_scs_section_size  }
0x9a: {  	s4 =	simm.s32 $_size__tile_overlayer_lowered;
	s5 =	simm.s32 $_tile_overlayer_lowered  }
0x9b: {  	s22 =	simm.s32 $0x1BFF;
	s21 =	sshll.u32 s5, $0x1;
	s2 =	sadd.s32 s19, s18  }
0x9c: {  	s6 =	simm.s32 $0x0;
	s20 =	sshll.u32 s4, $0x1;
	s4 =	sadd.s32 s21, s2  }
0x9d: {  	[timem:s6], [sflag:s22] =	dma.local [hbm:s4], s20  }
0x9e: {  	_ =	swait.ge [sflag:s22], s20  }
0x9f: {  	s3 =	ssub.s32 $0x0, s20;
	[sflag:s22] =	ssyncset.done $0x0  }
0xa0: {  	[sflag:s22] =	ssyncadd.s32 s3;
	_ =	sdelay $0x1  }
0xa1: {  	s23 =	simm.s32 $0x1B8B  }
0xa2: {  	_ =	swait.ge [sflag:s23], $0x1  }
0xa3: {  	[sflag:s23] =	ssyncset.done $0x0  }
0xa4: {  	s25 =	simm.s32 $0x1B8E;
	s24 =	sld [smem:$0x3FFE];
	[sflag:s23] =	ssyncadd.s32 $0xFFFFFFFF  }
0xa5: {  	s26 =	simm.s32 $execute0_lowered;
	[smem:$0x3FD2] =	sst s25  }
0xa6: {  	s4 =	sshll.u32 s26, $0x1;
	_ =	strace $0x80000046;
	[dreg:$0x1] =	wrdreg $0xFFFFFFFF  }
0xa7: {  	s28 =	simm.s32 $_size_execute0_lowered;
	s2 =	sadd.s32 s2, s4;
	[dreg:$0x0] =	wrdreg $0x0  }
0xa8: {  	s4 =	sshll.u32 s28, $0x1;
	[dreg:$0x2] =	wrdreg s2  }
0xa9: {  	[dreg:$0x3] =	wrdreg s4  }
0xaa: {  	[dreg:$0x4] =	wrdreg $0xC0  }
0xab: {  	_ =	task [dreg:s6], $0x5FFFF  }
0xac: {  	[dreg:$0x1] =	wrdreg $0xFFFFFFFF  }
0xad: {  	[dreg:$0x0] =	wrdreg $0x60  }
0xae: {  	[dreg:$0x2] =	wrdreg s24  }
0xaf: {  	[dreg:$0x3] =	wrdreg $0x9  }
0xb0: {  	_ =	task.clear_ibuf [dreg:s6], $0x4FFFF;
	_ =	strace $0x90000046  }
0xb1: {  	s29 =	simm.s32 $0x9;
	_ =	strace $0x80000048  }
0xb2: {  	_ =	swait.ge [sflag:s29], $0x1  }
0xb3: {  	[sflag:s29] =	ssyncadd.s32 $0xFFFFFFFF  }
0xb4: {  	_ =	strace $0x90000048  }
0xb5: {  	_ =	sfence  }
0xb6: {  	s30 =	sld [smem:$0x0];
	_ =	sdelay $0x2  }
0xb7: {  	s31 =	sshll.u32 s1, $0xD;
	s1 =	sshrl.u32 s1, $0x2  }
0xb8: {  	s3 =	sand.u32 $0x4000, s31;
	s1 =	sadd.s32 s1, s30  }
0xb9: {  	s0 =	sor.u32 s3, s0;
	s1 =	sshll.u32 s1, $0x11  }
0xba: {  	s0 =	sor.u32 s1, s0  }
0xbb: {  	s0 =	sadd.s32 $0x8F2B, s0  }
0xbc: {  	[sflag:s0] =	ssyncadd.remote.s32 $0x1  }
0xbd: {  	_ =	sfence.sel $0xFFFF  }
0xbe: {  	[dreg:$0x0] =	wrdreg $0xFFFFFFFF;
	(pc) =	sbr.abs _section_cstart, $3  }
0xbf: {  	[dreg:$0x1] =	wrdreg $0xFFFFFFFF  }
0xc0: {  	_ =	task.clear_ibuf [dreg:s6], $0x2FFFF;
	_ =	strace $0x9FFFFFFF  }
0xc1: {  	(tm) =	ssettm $0x7FFFFFFF  }
tec
execute0_lowered:
.L_overlay_start_1:
0x0: {  	(tag) =	ssettag $0x1  }
0x1: {  	s0 =	srdreg.scid;
	s2 =	stileid.u32  }
0x2: {  	s5 =	rddreg [dreg:$0x0];
	s17 =	simm.s32 $0x3000;
	s18 =	simm.s32 $0x6000  }
0x3: {  	s21 =	simm.s32 $0x400;
	s22 =	simm.s32 $0x15000;
	s23 =	simm.s32 $0x4  }
0x4: {  	s24 =	simm.s32 $0x1;
	s28 =	simm.s32 $0xF000;
	s29 =	simm.s32 $0x2  }
0x5: {  	s30 =	simm.s32 $0x15780;
	s31 =	simm.s32 $0x3;
	s0 =	sand.u32 $0x1, s0  }
0x6: {  	s1 =	sshll.u32 s2, $0x1;
	s3 =	sshrl.u32 s2, $0x1;
	s2 =	simm.s32 $0x0  }
0x7: {  	s1 =	sor.u32 s0, s1;
	s4 =	smul.u32 $0x6C000, s3;
	[smem:$0x7FF] =	sst s2  }
0x8: {  	s0 =	ssub.s32 $0x2, s0;
	s26 =	sshll.u32 s3, $0x4;
	s19 =	sand.u32 $0x3, s1  }
0x9: {  	_ =	strace $0x80000047;
	s1 =	sshll.u32 s1, $0x4;
	s25 =	sshrl.u32 s0, $0x1  }
0xa: {  	s6 =	smul.u32 $0x9000, s19;
	s1 =	sadd.s32 s1, s5;
	s0 =	ssub.s32 s0, s25  }
0xb: {  	p0 =	sgt.s32 s19, $0x1;
	s25 =	simm.s32 $0x9000;
	s14 =	sadd.s32 $0x6C800, s1  }
0xc: {  	s15 =	sadd.s32 $0x6C600, s1;
	s16 =	smax.u32 s0, $0x1;
	p2 =	seq.s32 @p0 s19, $0x2  }
0xd: {  	p4 =	seq.s32 @!p0 s19, $0x0;
	s1 =	simm.s32 $0x0;
	s4 =	sadd.s32 s4, s6  }
0xe: {  	p1 =	por !p2, !p0;
	p2 =	por p2, !p0;
	s4 =	sshrl.u32 s4, $0x3  }
0xf: {  	p3 =	por p4, p0;
	p4 =	por !p4, p0;
	s13 =	sadd.s32 s4, s5  }
0x10: {  	s5 =	sadd.s32 s5, s26;
	s26 =	simm.s32 $0xC000;
	s3 =	sadd.s32 $0x600, s13  }
0x11: {  	s4 =	sadd.s32 $0x4E00, s13;
	s6 =	sadd.s32 $0x9600, s13;
	s7 =	sadd.s32 $0x200, s5  }
0x12: {  	vm0 =	vcmask $0xF00;
	s8 =	sadd.s32 $0xC00, s13;
	s9 =	sadd.s32 $0x5400, s13;
	s10 =	sadd.s32 $0x9C00, s13  }
0x13: {  	vm1 =	vcmask $0xB00;
	vm2 =	vcmask $0x700;
	vm3 =	vcmask $0x300;
	s11 =	sadd.s32 $0x1200, s13;
	s12 =	sadd.s32 $0x5A00, s13;
	s13 =	sadd.s32 $0xA200, s13  }
.LBB2_1:
0x14: {  	[tilespmem:s2], [sflag:$0x1] =	stream.linear.gather [hbm4b:s3+s2], $0x3000, $0x38;
	[tilespmem:$0x15800] =	vst v63  }
0x15: {  	_ = 	snop  }
0x16: {  	[tilespmem:s17], [sflag:$0x1] =	stream.linear.gather [hbm4b:s4+s2], $0x3000, $0x38;
	[tilespmem:$0x15800] =	vst v63  }
0x17: {  	_ = 	snop  }
0x18: {  	[tilespmem:s18], [sflag:$0x1] =	stream.linear.gather [hbm4b:s6+s2], $0x3000, $0x38;
	[tilespmem:$0x15800] =	vst v63  }
0x19: {  	s0 =	simm.s32 $0x15700  }
0x1a: {  	[tilespmem:s0], [sflag:$0x3] =	stream.linear.gather [hbm4b:s5+s2], $0x80, $0x38;
	[tilespmem:$0x15800] =	vst v63  }
0x1b: {  	s20 =	simm.s32 $0x80  }
0x1c: {  	[tilespmem:s22], [sflag:$0x4] =	stream.strided.gather [hbm4b:s7+s20], $0x300, s21, s20, $0x38;
	[tilespmem:$0x15800] =	vst v63  }
0x1d: {  	_ =	swait.ge [sflag:s23], $0x300  }
0x1e: {  	[sflag:s23] =	ssyncset.done $0x0  }
0x1f: {  	[sflag:s23] =	ssyncadd.s32 $0xFFFFFD00  }
0x20: {  	v2 =	vld [tilespmem:$0x15000]  }
0x21: {  	v3 =	vld [tilespmem:$0x15100]  }
0x22: {  	v9 =	vld [tilespmem:$0x15200]  }
0x23: {  	v5 =	vld [tilespmem:$0x15010]  }
0x24: {  	v4 =	vld [tilespmem:$0x15110]  }
0x25: {  	v7 =	vld [tilespmem:$0x15210];
	[tilespmem:$0x1FD70] =	vst v2  }
0x26: {  	v6 =	vld [tilespmem:$0x15020];
	[tilespmem:$0x1FD80] =	vst v3  }
0x27: {  	v8 =	vld [tilespmem:$0x15120];
	[tilespmem:$0x1FD90] =	vst v9  }
0x28: {  	v10 =	vld [tilespmem:$0x15290];
	[tilespmem:$0x1FDA0] =	vst v5  }
0x29: {  	[tilespmem:$0x1FDB0] =	vst v4  }
0x2a: {  	[tilespmem:$0x1FDC0] =	vst v7  }
0x2b: {  	v0 =	vmul.f32 v2, v2;
	v1 =	vmul.f32 v3, v3;
	[tilespmem:$0x1FDD0] =	vst v6  }
0x2c: {  	v2 =	vadd.f32 v2, v2;
	[tilespmem:$0x1FDE0] =	vst v8  }
0x2d: {  	v3 =	vadd.f32 v3, v3;
	[tilespmem:$0x1FF40] =	vst v10;
	v0 =	vadd.f32 v1, v0;
	v1 =	vmul.f32 v9, v9  }
0x2e: {  	[tilespmem:$0x15300] =	vst v2;
	v2 =	vadd.f32 v9, v9;
	v9 =	vld [tilespmem:$0x15220]  }
0x2f: {  	[tilespmem:$0x15310] =	vst v3;
	v0 =	vadd.f32 v1, v0  }
0x30: {  	[tilespmem:$0x15320] =	vst v2;
	v2 =	vadd.f32 v5, v5  }
0x31: {  	v3 =	vmul.f32 v4, v4;
	v1 =	vmul.f32 v5, v5;
	v5 =	vld [tilespmem:$0x15030];
	[tilespmem:$0x15330] =	vst v0  }
0x32: {  	v0 =	vadd.f32 v4, v4;
	[tilespmem:$0x15340] =	vst v2  }
0x33: {  	v1 =	vadd.f32 v3, v1;
	v3 =	vmul.f32 v7, v7;
	v2 =	vadd.f32 v7, v7;
	[tilespmem:$0x1FDF0] =	vst v9  }
0x34: {  	v4 =	vld [tilespmem:$0x15130];
	[tilespmem:$0x15350] =	vst v0  }
0x35: {  	v7 =	vld [tilespmem:$0x15230];
	v0 =	vadd.f32 v3, v1;
	[tilespmem:$0x15360] =	vst v2  }
0x36: {  	v2 =	vadd.f32 v6, v6;
	[tilespmem:$0x1FE00] =	vst v5  }
0x37: {  	[tilespmem:$0x15370] =	vst v0  }
0x38: {  	v1 =	vmul.f32 v6, v6;
	v3 =	vmul.f32 v8, v8;
	v6 =	vld [tilespmem:$0x15040];
	[tilespmem:$0x15380] =	vst v2  }
0x39: {  	v0 =	vadd.f32 v8, v8;
	[tilespmem:$0x1FE10] =	vst v4  }
0x3a: {  	v1 =	vadd.f32 v3, v1;
	v3 =	vmul.f32 v9, v9;
	v2 =	vadd.f32 v9, v9;
	[tilespmem:$0x1FE20] =	vst v7  }
0x3b: {  	v8 =	vld [tilespmem:$0x15140];
	[tilespmem:$0x15390] =	vst v0  }
0x3c: {  	v9 =	vld [tilespmem:$0x15240];
	v0 =	vadd.f32 v3, v1;
	[tilespmem:$0x153A0] =	vst v2  }
0x3d: {  	v2 =	vadd.f32 v5, v5;
	[tilespmem:$0x1FE30] =	vst v6  }
0x3e: {  	[tilespmem:$0x153B0] =	vst v0  }
0x3f: {  	v1 =	vmul.f32 v5, v5;
	v3 =	vmul.f32 v4, v4;
	v5 =	vld [tilespmem:$0x15050];
	[tilespmem:$0x153C0] =	vst v2  }
0x40: {  	v0 =	vadd.f32 v4, v4;
	[tilespmem:$0x1FE40] =	vst v8  }
0x41: {  	v1 =	vadd.f32 v3, v1;
	v3 =	vmul.f32 v7, v7;
	v2 =	vadd.f32 v7, v7;
	[tilespmem:$0x1FE50] =	vst v9  }
0x42: {  	v4 =	vld [tilespmem:$0x15150];
	[tilespmem:$0x153D0] =	vst v0  }
0x43: {  	v7 =	vld [tilespmem:$0x15250];
	v0 =	vadd.f32 v3, v1;
	[tilespmem:$0x153E0] =	vst v2  }
0x44: {  	v2 =	vadd.f32 v6, v6;
	[tilespmem:$0x1FE60] =	vst v5  }
0x45: {  	[tilespmem:$0x153F0] =	vst v0  }
0x46: {  	v1 =	vmul.f32 v6, v6;
	v3 =	vmul.f32 v8, v8;
	v6 =	vld [tilespmem:$0x15060];
	[tilespmem:$0x15400] =	vst v2  }
0x47: {  	v0 =	vadd.f32 v8, v8;
	[tilespmem:$0x1FE70] =	vst v4  }
0x48: {  	v1 =	vadd.f32 v3, v1;
	v3 =	vmul.f32 v9, v9;
	v2 =	vadd.f32 v9, v9;
	[tilespmem:$0x1FE80] =	vst v7  }
0x49: {  	v8 =	vld [tilespmem:$0x15160];
	[tilespmem:$0x15410] =	vst v0  }
0x4a: {  	v9 =	vld [tilespmem:$0x15260];
	v0 =	vadd.f32 v3, v1;
	[tilespmem:$0x15420] =	vst v2  }
0x4b: {  	v2 =	vadd.f32 v5, v5;
	[tilespmem:$0x1FE90] =	vst v6  }
0x4c: {  	[tilespmem:$0x15430] =	vst v0  }
0x4d: {  	v1 =	vmul.f32 v5, v5;
	v3 =	vmul.f32 v4, v4;
	v5 =	vld [tilespmem:$0x15070];
	[tilespmem:$0x15440] =	vst v2  }
0x4e: {  	v0 =	vadd.f32 v4, v4;
	[tilespmem:$0x1FEA0] =	vst v8  }
0x4f: {  	v1 =	vadd.f32 v3, v1;
	v3 =	vmul.f32 v7, v7;
	v2 =	vadd.f32 v7, v7;
	[tilespmem:$0x1FEB0] =	vst v9  }
0x50: {  	v4 =	vld [tilespmem:$0x15170];
	[tilespmem:$0x15450] =	vst v0  }
0x51: {  	v7 =	vld [tilespmem:$0x15270];
	v0 =	vadd.f32 v3, v1;
	[tilespmem:$0x15460] =	vst v2  }
0x52: {  	v2 =	vadd.f32 v6, v6;
	[tilespmem:$0x1FEC0] =	vst v5  }
0x53: {  	[tilespmem:$0x15470] =	vst v0  }
0x54: {  	v1 =	vmul.f32 v6, v6;
	v3 =	vmul.f32 v8, v8;
	v6 =	vld [tilespmem:$0x15080];
	[tilespmem:$0x15480] =	vst v2  }
0x55: {  	v0 =	vadd.f32 v8, v8;
	[tilespmem:$0x1FED0] =	vst v4  }
0x56: {  	v1 =	vadd.f32 v3, v1;
	v3 =	vmul.f32 v9, v9;
	v2 =	vadd.f32 v9, v9;
	[tilespmem:$0x1FEE0] =	vst v7  }
0x57: {  	v8 =	vld [tilespmem:$0x15180];
	[tilespmem:$0x15490] =	vst v0  }
0x58: {  	v9 =	vld [tilespmem:$0x15280];
	v0 =	vadd.f32 v3, v1;
	[tilespmem:$0x154A0] =	vst v2  }
0x59: {  	v2 =	vadd.f32 v5, v5;
	[tilespmem:$0x1FEF0] =	vst v6  }
0x5a: {  	[tilespmem:$0x154B0] =	vst v0  }
0x5b: {  	v1 =	vmul.f32 v5, v5;
	v3 =	vmul.f32 v4, v4;
	v5 =	vld [tilespmem:$0x15090];
	[tilespmem:$0x154C0] =	vst v2  }
0x5c: {  	v0 =	vadd.f32 v4, v4;
	[tilespmem:$0x1FF00] =	vst v8  }
0x5d: {  	v1 =	vadd.f32 v3, v1;
	v3 =	vmul.f32 v7, v7;
	v2 =	vadd.f32 v7, v7;
	[tilespmem:$0x1FF10] =	vst v9  }
0x5e: {  	v4 =	vld [tilespmem:$0x15190];
	[tilespmem:$0x154D0] =	vst v0  }
0x5f: {  	v7 =	vld [tilespmem:$0x151A0];
	v0 =	vadd.f32 v3, v1;
	[tilespmem:$0x154E0] =	vst v2  }
0x60: {  	v2 =	vadd.f32 v6, v6;
	[tilespmem:$0x1FF20] =	vst v5  }
0x61: {  	[tilespmem:$0x154F0] =	vst v0  }
0x62: {  	v1 =	vmul.f32 v6, v6;
	v3 =	vmul.f32 v8, v8;
	v6 =	vld [tilespmem:$0x150A0];
	[tilespmem:$0x15500] =	vst v2  }
0x63: {  	v0 =	vadd.f32 v8, v8;
	[tilespmem:$0x1FF30] =	vst v4  }
0x64: {  	v1 =	vadd.f32 v3, v1;
	v3 =	vmul.f32 v9, v9;
	v2 =	vadd.f32 v9, v9;
	[tilespmem:$0x1FF60] =	vst v7  }
0x65: {  	v8 =	vld [tilespmem:$0x152A0];
	[tilespmem:$0x15510] =	vst v0  }
0x66: {  	v9 =	vld [tilespmem:$0x152B0];
	v0 =	vadd.f32 v3, v1;
	[tilespmem:$0x15520] =	vst v2  }
0x67: {  	v2 =	vadd.f32 v5, v5;
	[tilespmem:$0x1FF50] =	vst v6  }
0x68: {  	[tilespmem:$0x15530] =	vst v0  }
0x69: {  	v1 =	vmul.f32 v5, v5;
	v3 =	vmul.f32 v4, v4;
	v5 =	vld [tilespmem:$0x150B0];
	[tilespmem:$0x15540] =	vst v2  }
0x6a: {  	v0 =	vadd.f32 v4, v4;
	[tilespmem:$0x1FF70] =	vst v8  }
0x6b: {  	v1 =	vadd.f32 v3, v1;
	v3 =	vmul.f32 v10, v10;
	v2 =	vadd.f32 v10, v10;
	[tilespmem:$0x1FFA0] =	vst v9  }
0x6c: {  	v4 =	vld [tilespmem:$0x151B0];
	[tilespmem:$0x15550] =	vst v0  }
0x6d: {  	v0 =	vadd.f32 v3, v1;
	[tilespmem:$0x15560] =	vst v2  }
0x6e: {  	v2 =	vadd.f32 v6, v6;
	[tilespmem:$0x1FF80] =	vst v5  }
0x6f: {  	v1 =	vmul.f32 v6, v6;
	v3 =	vmul.f32 v7, v7;
	v6 =	vld [tilespmem:$0x150C0];
	[tilespmem:$0x15570] =	vst v0  }
0x70: {  	v0 =	vadd.f32 v7, v7;
	[tilespmem:$0x15580] =	vst v2  }
0x71: {  	v1 =	vadd.f32 v3, v1;
	v3 =	vmul.f32 v8, v8;
	v2 =	vadd.f32 v8, v8;
	[tilespmem:$0x1FF90] =	vst v4  }
0x72: {  	v7 =	vld [tilespmem:$0x151C0];
	[tilespmem:$0x15590] =	vst v0  }
0x73: {  	v8 =	vld [tilespmem:$0x152C0];
	v0 =	vadd.f32 v3, v1;
	[tilespmem:$0x155A0] =	vst v2  }
0x74: {  	v2 =	vadd.f32 v5, v5;
	[tilespmem:$0x1FFB0] =	vst v6  }
0x75: {  	[tilespmem:$0x155B0] =	vst v0  }
0x76: {  	v1 =	vmul.f32 v5, v5;
	v3 =	vmul.f32 v4, v4;
	v5 =	vld [tilespmem:$0x150D0];
	[tilespmem:$0x155C0] =	vst v2  }
0x77: {  	v0 =	vadd.f32 v4, v4;
	[tilespmem:$0x1FFC0] =	vst v7  }
0x78: {  	v1 =	vadd.f32 v3, v1;
	v3 =	vmul.f32 v9, v9;
	v2 =	vadd.f32 v9, v9;
	[tilespmem:$0x1FFD0] =	vst v8  }
0x79: {  	v4 =	vld [tilespmem:$0x151D0];
	[tilespmem:$0x155D0] =	vst v0  }
0x7a: {  	v0 =	vadd.f32 v3, v1;
	[tilespmem:$0x155E0] =	vst v2  }
0x7b: {  	v1 =	vmul.f32 v6, v6;
	v3 =	vmul.f32 v7, v7;
	v2 =	vadd.f32 v6, v6;
	[tilespmem:$0x1FFE0] =	vst v5  }
0x7c: {  	v44 =	vld [tilespmem:$0x152D0];
	[tilespmem:$0x155F0] =	vst v0  }
0x7d: {  	v42 =	vld [tilespmem:$0x150E0];
	v0 =	vadd.f32 v7, v7;
	v1 =	vadd.f32 v3, v1;
	v3 =	vmul.f32 v8, v8;
	[tilespmem:$0x15600] =	vst v2  }
0x7e: {  	v43 =	vld [tilespmem:$0x151E0];
	v2 =	vadd.f32 v8, v8;
	[tilespmem:$0x1FFF0] =	vst v4  }
0x7f: {  	[tilespmem:$0x15610] =	vst v0;
	v0 =	vadd.f32 v3, v1;
	v1 =	vmul.f32 v5, v5;
	v3 =	vmul.f32 v4, v4  }
0x80: {  	v45 =	vld [tilespmem:$0x152E0];
	[tilespmem:$0x15620] =	vst v2;
	v2 =	vadd.f32 v5, v5  }
0x81: {  	v46 =	vld [tilespmem:$0x150F0];
	[tilespmem:$0x15630] =	vst v0;
	v0 =	vadd.f32 v4, v4;
	v1 =	vadd.f32 v3, v1;
	v3 =	vmul.f32 v44, v44  }
0x82: {  	v47 =	vld [tilespmem:$0x151F0];
	[tilespmem:$0x15640] =	vst v2;
	v2 =	vadd.f32 v44, v44  }
0x83: {  	[tilespmem:$0x15650] =	vst v0;
	v0 =	vadd.f32 v3, v1;
	v1 =	vmul.f32 v42, v42;
	v3 =	vmul.f32 v43, v43  }
0x84: {  	v48 =	vld [tilespmem:$0x152F0];
	[tilespmem:$0x15660] =	vst v2;
	v2 =	vadd.f32 v42, v42  }
0x85: {  	[tilespmem:$0x15670] =	vst v0;
	v0 =	vadd.f32 v43, v43;
	v1 =	vadd.f32 v3, v1;
	v3 =	vmul.f32 v45, v45  }
0x86: {  	[tilespmem:$0x15680] =	vst v2;
	v2 =	vadd.f32 v45, v45  }
0x87: {  	[tilespmem:$0x15690] =	vst v0;
	v0 =	vadd.f32 v3, v1;
	v1 =	vmul.f32 v46, v46;
	v3 =	vmul.f32 v47, v47  }
0x88: {  	[tilespmem:$0x156A0] =	vst v2;
	v2 =	vadd.f32 v46, v46  }
0x89: {  	[tilespmem:$0x156B0] =	vst v0;
	v0 =	vadd.f32 v47, v47;
	v1 =	vadd.f32 v3, v1;
	v3 =	vmul.f32 v48, v48  }
0x8a: {  	[tilespmem:$0x156C0] =	vst v2;
	v2 =	vadd.f32 v48, v48  }
0x8b: {  	[tilespmem:$0x156D0] =	vst v0;
	v0 =	vadd.f32 v3, v1  }
0x8c: {  	[tilespmem:$0x156E0] =	vst v2  }
0x8d: {  	[tilespmem:$0x156F0] =	vst v0  }
0x8e: {  	_ =	swait.ge [sflag:s24], $0x3000  }
0x8f: {  	[sflag:s24] =	ssyncset.done $0x0  }
0x90: {  	[sflag:s24] =	ssyncadd.s32 $0xFFFFD000  }
0x91: {  	_ =	swait.ge [sflag:s24], $0x3000  }
0x92: {  	[sflag:s24] =	ssyncset.done $0x0  }
0x93: {  	[sflag:s24] =	ssyncadd.s32 $0xFFFFD000  }
0x94: {  	_ =	swait.ge [sflag:s24], $0x3000  }
0x95: {  	[sflag:s24] =	ssyncset.done $0x0  }
0x96: {  	[sflag:s24] =	ssyncadd.s32 $0xFFFFD000  }
0x97: {  	[tilespmem:s25], [sflag:$0x2] =	stream.linear.gather [hbm4b:s8+s2], $0x3000, $0x38;
	[tilespmem:$0x15800] =	vst v63  }
0x98: {  	_ = 	snop  }
0x99: {  	[tilespmem:s26], [sflag:$0x2] =	stream.linear.gather [hbm4b:s9+s2], $0x3000, $0x38;
	[tilespmem:$0x15800] =	vst v63  }
0x9a: {  	_ = 	snop  }
0x9b: {  	[tilespmem:s28], [sflag:$0x2] =	stream.linear.gather [hbm4b:s10+s2], $0x3000, $0x38;
	[tilespmem:$0x15800] =	vst v63  }
0x9c: {  	v1 =	vld [tilespmem:$0x15300]  }
0x9d: {  	v2 =	vld [tilespmem:$0x15310]  }
0x9e: {  	v3 =	vld [tilespmem:$0x15320]  }
0x9f: {  	v4 =	vld [tilespmem:$0x15330]  }
0xa0: {  	v5 =	vld [tilespmem:$0x15340]  }
0xa1: {  	v6 =	vld [tilespmem:$0x15350]  }
0xa2: {  	v7 =	vld [tilespmem:$0x15360]  }
0xa3: {  	v9 =	vld [tilespmem:$0x15370]  }
0xa4: {  	v8 =	vld [tilespmem:$0x15380]  }
0xa5: {  	v51 =	vld [tilespmem:$0x15390]  }
0xa6: {  	v52 =	vld [tilespmem:$0x153A0]  }
0xa7: {  	v54 =	vld [tilespmem:$0x153C0]  }
0xa8: {  	v12 =	vld [tilespmem:$0x153D0]  }
0xa9: {  	v13 =	vld [tilespmem:$0x153E0]  }
0xaa: {  	s0 =	simm.s32 $0x0;
	v10 =	vld [tilespmem:$0x153F0]  }
0xab: {  	v22 =	vld [tilespmem:s0+$0x6000]  }
0xac: {  	v49 =	vld [tilespmem:s0+$0x3000]  }
0xad: {  	v11 =	vld [tilespmem:s0+$0x0]  }
0xae: {  	v14 =	vld [tilespmem:$0x15400]  }
0xaf: {  	v15 =	vld [tilespmem:$0x154A0]  }
0xb0: {  	v17 =	vld [tilespmem:$0x154D0]  }
0xb1: {  	v18 =	vld [tilespmem:$0x15410];
	v0 =	vmul.f32 v22, v7  }
0xb2: {  	v16 =	vld [tilespmem:$0x154E0];
	v20 =	vmul.f32 v22, v3;
	v21 =	vmul.f32 v49, v2  }
0xb3: {  	v19 =	vld [tilespmem:$0x15420];
	v23 =	vmul.f32 v11, v1;
	v24 =	vmul.f32 v11, v5  }
0xb4: {  	v56 =	vld [tilespmem:$0x15450];
	v25 =	vmul.f32 v49, v6;
	v55 =	vmul.f32 v22, v15  }
0xb5: {  	v58 =	vld [tilespmem:$0x15480];
	v27 =	vmul.f32 v49, v17;
	v26 =	vadd.f32 v20, v21;
	v23 =	vsub.f32 v4, v23  }
0xb6: {  	v59 =	vld [tilespmem:$0x15490];
	v28 =	vmul.f32 v49, v18;
	v0 =	vadd.f32 v0, v25;
	v24 =	vsub.f32 v9, v24  }
0xb7: {  	v29 =	vmul.f32 v22, v52;
	v20 =	vld [tilespmem:$0x15460];
	v25 =	vmul.f32 v22, v16  }
0xb8: {  	v32 =	vmul.f32 v22, v13;
	v21 =	vld [tilespmem:$0x15430];
	v26 =	vsub.f32 v23, v26;
	v24 =	vsub.f32 v24, v0  }
0xb9: {  	v31 =	vmul.f32 v49, v56;
	v23 =	vld [tilespmem:$0x15440];
	v62 =	vadd.f32 v25, v27;
	v27 =	vmul.f32 v22, v19  }
0xba: {  	v61 =	vld [tilespmem:$0x154C0];
	v34 =	vmul.f32 v49, v12;
	v63 =	vmul.f32 v11, v58;
	v25 =	vmin.f32 v26, v24  }
0xbb: {  	v60 =	vld [tilespmem:$0x154F0];
	v26 =	vmul.f32 v49, v51;
	v33 =	vadd.f32 v27, v28;
	v28 =	vmul.f32 v11, v14  }
0xbc: {  	v0 =	vmul.f32 v22, v22;
	v24 =	vld [tilespmem:$0x15470];
	v30 =	vmul.f32 v22, v20  }
0xbd: {  	v57 =	vld [tilespmem:$0x154B0];
	v22 =	vmul.f32 v11, v11;
	v27 =	vadd.f32 v29, v26;
	v29 =	vsub.f32 v21, v28  }
0xbe: {  	s19 =	simm.s32 $0x40;
	v53 =	vimm.f32 $0.0e+00;
	v50 =	vld [tilespmem:$0x153B0];
	v26 =	vmul.f32 v11, v54;
	v28 =	vmul.f32 v11, v23  }
.LBB2_2:
0xbf: {  	s20 =	sshra.s32 s19, $0x2;
	p5 =	sne.s32 s19, $0xBFC0;
	s19 =	sadd.s32 $0x40, s19;
	v29 =	vsub.f32 v29, v33;
	v30 =	vadd.f32 v30, v31;
	v31 =	vmul.f32 v11, v61  }
0xc0: {  	v26 =	vsub.f32 v10, v26;
	v33 =	vmul.f32 v49, v59;
	v35 =	vld [tilespmem:s20+$0x6000];
	v32 =	vadd.f32 v32, v34  }
0xc1: {  	v28 =	vsub.f32 v24, v28;
	v34 =	vld [tilespmem:s20+$0x3000];
	v31 =	vsub.f32 v60, v31  }
0xc2: {  	v36 =	vmul.f32 v11, v8;
	v63 =	vsub.f32 v57, v63;
	v33 =	vadd.f32 v55, v33;
	v11 =	vld [tilespmem:s20+$0x0]  }
0xc3: {  	v28 =	vsub.f32 v28, v30;
	v30 =	vsub.f32 v31, v62  }
0xc4: {  	v31 =	vsub.f32 v50, v36;
	v33 =	vsub.f32 v63, v33;
	v36 =	vmul.f32 v49, v49  }
0xc5: {  	v32 =	vsub.f32 v26, v32;
	v62 =	vmul.f32 v35, v7;
	v63 =	vmul.f32 v35, v16  }
0xc6: {  	v26 =	vmul.f32 v35, v3;
	v55 =	vmul.f32 v35, v15;
	v27 =	vsub.f32 v31, v27;
	v49 =	vmovc v34  }
0xc7: {  	v22 =	vadd.f32 v36, v22;
	v31 =	vmul.f32 v49, v2;
	v34 =	vmul.f32 v49, v17  }
0xc8: {  	v37 =	vmul.f32 v35, v35;
	v36 =	vmul.f32 v11, v1;
	v25 =	vmin.f32 v25, v27  }
0xc9: {  	v22 =	vadd.f32 v0, v22;
	v27 =	vadd.f32 v26, v31;
	v31 =	vmul.f32 v11, v5  }
0xca: {  	v0 =	vmovc v37;
	v25 =	vmin.f32 v25, v32;
	v36 =	vsub.f32 v4, v36;
	v26 =	vmul.f32 v11, v54  }
0xcb: {  	v32 =	vmul.f32 v49, v6;
	v25 =	vmin.f32 v25, v29;
	v31 =	vsub.f32 v9, v31  }
0xcc: {  	v29 =	vmul.f32 v11, v14;
	v53 =	vadd.f32 v22, v53;
	v27 =	vsub.f32 v36, v27  }
0xcd: {  	v22 =	vmul.f32 v11, v11;
	v32 =	vadd.f32 v62, v32;
	v62 =	vadd.f32 v63, v34  }
0xce: {  	v25 =	vmin.f32 v25, v28;
	v29 =	vsub.f32 v21, v29;
	v36 =	vmul.f32 v49, v18  }
.Ltmp0:
0xcf: {  	v37 =	vmul.f32 v35, v19;
	v28 =	vmul.f32 v11, v23;
	v32 =	vsub.f32 v31, v32;
	(pc) =	sbr.rel @p5 .LBB2_2-.Ltmp0, $4  }
0xd0: {  	v63 =	vmul.f32 v35, v52;
	v33 =	vmin.f32 v25, v33;
	v31 =	vmul.f32 v49, v56  }
0xd1: {  	v25 =	vmin.f32 v27, v32;
	v27 =	vmul.f32 v49, v51;
	v32 =	vmin.f32 v33, v30  }
0xd2: {  	v34 =	vmul.f32 v49, v12;
	v33 =	vadd.f32 v37, v36;
	v30 =	vmul.f32 v35, v20;
	[tilespmem:s0+$0x12000] =	vst v32;
	s0 =	smov.u32 s20  }
0xd3: {  	v27 =	vadd.f32 v63, v27;
	v63 =	vmul.f32 v11, v58;
	v32 =	vmul.f32 v35, v13  }
0xd4: {  	v1 =	vmul.f32 v11, v8;
	_ =	sdelay $0x1  }
0xd5: {  	v2 =	vsub.f32 v29, v33;
	v1 =	vsub.f32 v50, v1  }
0xd6: {  	v3 =	vsub.f32 v10, v26;
	v4 =	vadd.f32 v32, v34  }
0xd7: {  	v5 =	vadd.f32 v30, v31;
	v6 =	vmul.f32 v49, v59;
	v1 =	vsub.f32 v1, v27  }
0xd8: {  	v7 =	vmul.f32 v11, v61;
	v8 =	vsub.f32 v24, v28;
	v3 =	vsub.f32 v3, v4  }
0xd9: {  	v6 =	vadd.f32 v55, v6;
	v4 =	vsub.f32 v57, v63;
	v1 =	vmin.f32 v25, v1  }
0xda: {  	v7 =	vsub.f32 v60, v7;
	v5 =	vsub.f32 v8, v5;
	v1 =	vmin.f32 v1, v3  }
0xdb: {  	v3 =	vsub.f32 v4, v6;
	v1 =	vmin.f32 v1, v2  }
0xdc: {  	v2 =	vsub.f32 v7, v62;
	v1 =	vmin.f32 v1, v5  }
0xdd: {  	v1 =	vmin.f32 v1, v3  }
0xde: {  	v1 =	vmin.f32 v1, v2  }
0xdf: {  	[tilespmem:s0+$0x12000] =	vst v1  }
0xe0: {  	v1 =	vld [tilespmem:$0x15500]  }
0xe1: {  	v52 =	vld [tilespmem:$0x15510]  }
0xe2: {  	v54 =	vld [tilespmem:$0x15520]  }
0xe3: {  	v55 =	vld [tilespmem:$0x15530]  }
0xe4: {  	v56 =	vld [tilespmem:$0x15540]  }
0xe5: {  	v57 =	vld [tilespmem:$0x15550]  }
0xe6: {  	v58 =	vld [tilespmem:$0x15560]  }
0xe7: {  	v59 =	vld [tilespmem:$0x15570]  }
0xe8: {  	v14 =	vld [tilespmem:$0x15580]  }
0xe9: {  	v15 =	vld [tilespmem:$0x15590]  }
0xea: {  	v16 =	vld [tilespmem:$0x155A0]  }
0xeb: {  	v17 =	vld [tilespmem:$0x155B0]  }
0xec: {  	v60 =	vld [tilespmem:$0x155C0]  }
0xed: {  	v61 =	vld [tilespmem:$0x155D0]  }
0xee: {  	v62 =	vld [tilespmem:$0x155E0]  }
0xef: {  	v63 =	vld [tilespmem:$0x155F0]  }
0xf0: {  	v20 =	vld [tilespmem:$0x15600]  }
0xf1: {  	v51 =	vld [tilespmem:$0x15610]  }
0xf2: {  	v21 =	vld [tilespmem:$0x15620]  }
0xf3: {  	s19 =	simm.s32 $0x0;
	v2 =	vld [tilespmem:$0x15630]  }
0xf4: {  	v6 =	vld [tilespmem:s19+$0x6000]  }
0xf5: {  	v5 =	vmul.f32 v49, v49;
	v10 =	vld [tilespmem:s19+$0x3000]  }
0xf6: {  	v4 =	vld [tilespmem:s19+$0x0]  }
0xf7: {  	v5 =	vadd.f32 v5, v22;
	v3 =	vld [tilespmem:$0x15640]  }
0xf8: {  	v9 =	vld [tilespmem:$0x15650]  }
0xf9: {  	v0 =	vadd.f32 v0, v5;
	v8 =	vld [tilespmem:$0x15660];
	v26 =	vmul.f32 v6, v62  }
0xfa: {  	v7 =	vld [tilespmem:$0x15670];
	v18 =	vmul.f32 v6, v16;
	v22 =	vmul.f32 v10, v15  }
0xfb: {  	v24 =	vld [tilespmem:$0x15680];
	v49 =	vadd.f32 v0, v53;
	v25 =	vmul.f32 v4, v56;
	v28 =	vmul.f32 v4, v14  }
0xfc: {  	v11 =	vld [tilespmem:$0x15690];
	v12 =	vmul.f32 v6, v54;
	v19 =	vmul.f32 v6, v58;
	v31 =	vadd.f32 v18, v22  }
0xfd: {  	v0 =	vld [tilespmem:$0x156E0];
	v39 =	vsub.f32 v59, v25;
	v25 =	vmul.f32 v4, v60;
	v28 =	vsub.f32 v17, v28  }
0xfe: {  	v50 =	vimm.f32 $0.0e+00;
	v53 =	vld [tilespmem:$0x156D0];
	v13 =	vmul.f32 v4, v1;
	v23 =	vmul.f32 v10, v52  }
0xff: {  	v22 =	vmul.f32 v10, v57;
	v29 =	vsub.f32 v63, v25;
	v25 =	vsub.f32 v28, v31;
	v28 =	vld [tilespmem:s19+$0x12000]  }
0x100: {  	v5 =	vmul.f32 v6, v21;
	v27 =	vsub.f32 v55, v13;
	v13 =	vld [tilespmem:$0x156A0];
	v23 =	vadd.f32 v12, v23  }
0x101: {  	v41 =	vmul.f32 v10, v61;
	v32 =	vmul.f32 v4, v20;
	v40 =	vadd.f32 v19, v22;
	v22 =	vld [tilespmem:$0x156C0]  }
0x102: {  	v12 =	vld [tilespmem:$0x156B0];
	v18 =	vmul.f32 v6, v0;
	v30 =	vsub.f32 v27, v23;
	v23 =	vmul.f32 v4, v24  }
0x103: {  	s0 =	simm.s32 $0x40;
	v19 =	vld [tilespmem:$0x156F0];
	v31 =	vadd.f32 v26, v41;
	v26 =	vmul.f32 v10, v53;
	v27 =	vsub.f32 v39, v40  }
.LBB2_4:
0x104: {  	s19 =	sshra.s32 s0, $0x2;
	p5 =	sne.s32 s0, $0xBFC0;
	s0 =	sadd.s32 $0x40, s0;
	v28 =	vmin.f32 v28, v30;
	v30 =	vmul.f32 v4, v3;
	v33 =	vmul.f32 v10, v9  }
0x105: {  	v29 =	vsub.f32 v29, v31;
	v34 =	vld [tilespmem:s19+$0x6000];
	v31 =	vsub.f32 v2, v32;
	v32 =	vmul.f32 v6, v8  }
0x106: {  	v36 =	vmul.f32 v10, v11;
	v37 =	vmul.f32 v4, v22;
	v35 =	vld [tilespmem:s19+$0x3000];
	v30 =	vsub.f32 v7, v30  }
0x107: {  	v38 =	vmul.f32 v6, v13;
	v27 =	vmin.f32 v28, v27;
	v4 =	vld [tilespmem:s19+$0x0];
	v28 =	vadd.f32 v32, v33  }
0x108: {  	v26 =	vadd.f32 v18, v26;
	v39 =	vsub.f32 v19, v37;
	v32 =	vmul.f32 v10, v51  }
0x109: {  	v25 =	vmin.f32 v27, v25;
	v27 =	vsub.f32 v12, v23;
	v33 =	vadd.f32 v38, v36  }
0x10a: {  	v30 =	vsub.f32 v30, v28;
	v36 =	vmul.f32 v34, v62;
	v37 =	vmul.f32 v34, v21;
	v6 =	vmovc v34  }
0x10b: {  	v26 =	vsub.f32 v39, v26;
	v34 =	vmul.f32 v6, v54;
	v18 =	vmul.f32 v6, v0;
	v10 =	vmovc v35  }
0x10c: {  	v27 =	vsub.f32 v27, v33;
	v35 =	vmul.f32 v6, v58;
	v23 =	vmul.f32 v4, v24  }
0x10d: {  	v32 =	vadd.f32 v5, v32;
	v33 =	vmul.f32 v6, v16;
	v38 =	vmul.f32 v10, v61;
	v5 =	vmovc v37  }
0x10e: {  	v25 =	vmin.f32 v25, v29;
	v37 =	vmul.f32 v4, v1;
	v39 =	vmul.f32 v10, v15  }
0x10f: {  	v31 =	vsub.f32 v31, v32;
	v29 =	vmul.f32 v10, v52;
	v40 =	vmul.f32 v4, v56;
	v28 =	vld [tilespmem:s19+$0x12000]  }
0x110: {  	v32 =	vsub.f32 v55, v37;
	v37 =	vmul.f32 v4, v14;
	v33 =	vadd.f32 v33, v39  }
0x111: {  	v41 =	vmul.f32 v4, v60;
	v39 =	vsub.f32 v59, v40;
	v40 =	vmul.f32 v10, v57  }
.Ltmp1:
0x112: {  	v25 =	vmin.f32 v25, v31;
	v34 =	vadd.f32 v34, v29;
	v37 =	vsub.f32 v17, v37;
	(pc) =	sbr.rel @p5 .LBB2_4-.Ltmp1, $4  }
0x113: {  	v29 =	vsub.f32 v63, v41;
	v31 =	vadd.f32 v35, v40;
	v35 =	vmin.f32 v25, v30  }
0x114: {  	v30 =	vsub.f32 v32, v34;
	v32 =	vmin.f32 v35, v27;
	v25 =	vsub.f32 v37, v33  }
0x115: {  	v27 =	vsub.f32 v39, v31;
	v31 =	vadd.f32 v36, v38;
	v33 =	vmin.f32 v32, v26  }
0x116: {  	v32 =	vmul.f32 v4, v20;
	v26 =	vmul.f32 v10, v53;
	v50 =	vadd.f32 v33, v50  }
0x117: {  	_ =	swait.ge [sflag:s29], $0x3000  }
0x118: {  	[sflag:s29] =	ssyncset.done $0x0  }
0x119: {  	[sflag:s29] =	ssyncadd.s32 $0xFFFFD000  }
0x11a: {  	_ =	swait.ge [sflag:s29], $0x3000  }
0x11b: {  	[sflag:s29] =	ssyncset.done $0x0  }
0x11c: {  	[sflag:s29] =	ssyncadd.s32 $0xFFFFD000  }
0x11d: {  	_ =	swait.ge [sflag:s29], $0x3000  }
0x11e: {  	[sflag:s29] =	ssyncset.done $0x0  }
0x11f: {  	s0 =	simm.s32 $0x0;
	[sflag:s29] =	ssyncadd.s32 $0xFFFFD000  }
0x120: {  	[tilespmem:s0], [sflag:$0x1] =	stream.linear.gather [hbm4b:s11+s0], $0x3000, $0x38;
	[tilespmem:$0x15800] =	vst v63  }
0x121: {  	_ = 	snop  }
0x122: {  	[tilespmem:s17], [sflag:$0x1] =	stream.linear.gather [hbm4b:s12+s0], $0x3000, $0x38;
	[tilespmem:$0x15800] =	vst v63  }
0x123: {  	_ = 	snop  }
0x124: {  	[tilespmem:s18], [sflag:$0x1] =	stream.linear.gather [hbm4b:s13+s0], $0x3000, $0x38;
	[tilespmem:$0x15800] =	vst v63  }
0x125: {  	v52 =	vld [tilespmem:$0x15300]  }
0x126: {  	v53 =	vld [tilespmem:$0x15310]  }
0x127: {  	v54 =	vld [tilespmem:$0x15320]  }
0x128: {  	v55 =	vld [tilespmem:$0x15330]  }
0x129: {  	v56 =	vld [tilespmem:$0x15340]  }
0x12a: {  	v57 =	vld [tilespmem:$0x15350]  }
0x12b: {  	v58 =	vld [tilespmem:$0x15360]  }
0x12c: {  	v60 =	vld [tilespmem:$0x15370]  }
0x12d: {  	v59 =	vld [tilespmem:$0x15380]  }
0x12e: {  	v62 =	vld [tilespmem:$0x15390]  }
0x12f: {  	v63 =	vld [tilespmem:$0x153A0]  }
0x130: {  	v0 =	vld [tilespmem:$0x153C0]  }
0x131: {  	v15 =	vmul.f32 v4, v3;
	v1 =	vld [tilespmem:$0x153D0]  }
0x132: {  	v14 =	vmin.f32 v28, v30;
	v9 =	vmul.f32 v10, v9;
	v20 =	vmul.f32 v10, v51;
	v3 =	vld [tilespmem:$0x153E0]  }
0x133: {  	v16 =	vsub.f32 v29, v31;
	v8 =	vmul.f32 v6, v8;
	v17 =	vsub.f32 v2, v32;
	s0 =	simm.s32 $0x0;
	v2 =	vld [tilespmem:$0x153F0]  }
0x134: {  	v10 =	vmul.f32 v10, v11;
	v4 =	vmul.f32 v4, v22;
	v5 =	vadd.f32 v5, v20;
	v31 =	vld [tilespmem:s0+$0xF000]  }
0x135: {  	v6 =	vmul.f32 v6, v13;
	v11 =	vsub.f32 v12, v23;
	v15 =	vsub.f32 v7, v15;
	v51 =	vld [tilespmem:s0+$0xC000]  }
0x136: {  	v8 =	vadd.f32 v8, v9;
	v9 =	vmin.f32 v14, v27;
	v12 =	vsub.f32 v17, v5;
	v5 =	vld [tilespmem:s0+$0x9000]  }
0x137: {  	v13 =	vadd.f32 v18, v26;
	v10 =	vadd.f32 v6, v10;
	v9 =	vmin.f32 v9, v25;
	v7 =	vld [tilespmem:$0x154E0]  }
0x138: {  	v4 =	vsub.f32 v19, v4;
	v14 =	vsub.f32 v15, v8;
	v8 =	vmin.f32 v9, v16;
	v6 =	vld [tilespmem:$0x154A0]  }
0x139: {  	v10 =	vsub.f32 v11, v10;
	v9 =	vmin.f32 v8, v12;
	v8 =	vld [tilespmem:$0x15400]  }
0x13a: {  	v4 =	vsub.f32 v4, v13;
	v11 =	vmin.f32 v9, v14;
	v9 =	vld [tilespmem:$0x154D0];
	v16 =	vmul.f32 v31, v54  }
0x13b: {  	v11 =	vmin.f32 v11, v10;
	v10 =	vld [tilespmem:$0x15410];
	v18 =	vmul.f32 v51, v53;
	v19 =	vmul.f32 v5, v52  }
0x13c: {  	v4 =	vmin.f32 v11, v4;
	v11 =	vld [tilespmem:$0x15420];
	v15 =	vmul.f32 v31, v58;
	v20 =	vmul.f32 v5, v56  }
0x13d: {  	v12 =	vld [tilespmem:$0x15430];
	v22 =	vmul.f32 v51, v57;
	v21 =	vadd.f32 v16, v18;
	v19 =	vsub.f32 v55, v19  }
0x13e: {  	v14 =	vld [tilespmem:$0x15440];
	v17 =	vmul.f32 v31, v7;
	v26 =	vsub.f32 v60, v20  }
0x13f: {  	v23 =	vmul.f32 v51, v9;
	v16 =	vld [tilespmem:$0x15450];
	v28 =	vsub.f32 v19, v21;
	v19 =	vadd.f32 v15, v22  }
0x140: {  	v50 =	vadd.f32 v4, v50;
	v13 =	vmul.f32 v31, v6;
	v4 =	vmul.f32 v31, v31;
	v18 =	vld [tilespmem:$0x15460]  }
0x141: {  	v25 =	vmul.f32 v5, v0;
	v20 =	vld [tilespmem:$0x15480];
	v24 =	vadd.f32 v17, v23;
	v23 =	vsub.f32 v26, v19  }
0x142: {  	v33 =	vmul.f32 v51, v10;
	v34 =	vmul.f32 v31, v11;
	v17 =	vld [tilespmem:$0x15470]  }
0x143: {  	v27 =	vmul.f32 v5, v14;
	v22 =	vmul.f32 v5, v8;
	v26 =	vmin.f32 v28, v23;
	v23 =	vld [tilespmem:$0x154C0]  }
0x144: {  	v35 =	vmul.f32 v31, v63;
	v32 =	vmul.f32 v51, v1;
	v21 =	vld [tilespmem:$0x15490]  }
0x145: {  	v15 =	vmul.f32 v5, v5;
	v29 =	vsub.f32 v12, v22;
	v22 =	vld [tilespmem:$0x154F0];
	v28 =	vmul.f32 v51, v62  }
0x146: {  	v34 =	vadd.f32 v34, v33;
	v19 =	vld [tilespmem:$0x154B0];
	v30 =	vmul.f32 v51, v16;
	v33 =	vmul.f32 v31, v18  }
0x147: {  	s19 =	simm.s32 $0x40;
	v61 =	vld [tilespmem:$0x153B0];
	v28 =	vadd.f32 v35, v28;
	v35 =	vmul.f32 v31, v3;
	v31 =	vmul.f32 v5, v20  }
.LBB2_6:
0x148: {  	s20 =	sshra.s32 s19, $0x2;
	p5 =	sne.s32 s19, $0xBFC0;
	s19 =	sadd.s32 $0x40, s19;
	v29 =	vsub.f32 v29, v34;
	v30 =	vadd.f32 v33, v30;
	v33 =	vmul.f32 v5, v23  }
0x149: {  	v25 =	vsub.f32 v2, v25;
	v34 =	vmul.f32 v51, v21;
	v36 =	vld [tilespmem:s20+$0xF000];
	v32 =	vadd.f32 v35, v32  }
0x14a: {  	v27 =	vsub.f32 v17, v27;
	v35 =	vld [tilespmem:s20+$0xC000];
	v33 =	vsub.f32 v22, v33  }
0x14b: {  	v37 =	vmul.f32 v5, v59;
	v31 =	vsub.f32 v19, v31;
	v13 =	vadd.f32 v13, v34;
	v5 =	vld [tilespmem:s20+$0x9000]  }
0x14c: {  	v27 =	vsub.f32 v27, v30;
	v33 =	vsub.f32 v33, v24  }
0x14d: {  	v30 =	vmul.f32 v51, v51;
	v24 =	vsub.f32 v61, v37;
	v31 =	vsub.f32 v31, v13  }
0x14e: {  	v32 =	vsub.f32 v25, v32;
	v34 =	vmul.f32 v36, v58;
	v37 =	vmul.f32 v36, v7  }
0x14f: {  	v25 =	vmul.f32 v36, v54;
	v13 =	vmul.f32 v36, v6;
	v24 =	vsub.f32 v24, v28;
	v51 =	vmovc v35  }
0x150: {  	v15 =	vadd.f32 v30, v15;
	v28 =	vmul.f32 v51, v53;
	v35 =	vmul.f32 v51, v9  }
0x151: {  	v38 =	vmul.f32 v36, v36;
	v30 =	vmul.f32 v5, v52;
	v24 =	vmin.f32 v26, v24  }
0x152: {  	v15 =	vadd.f32 v4, v15;
	v26 =	vadd.f32 v25, v28;
	v28 =	vmul.f32 v5, v56  }
0x153: {  	v4 =	vmovc v38;
	v24 =	vmin.f32 v24, v32;
	v30 =	vsub.f32 v55, v30;
	v25 =	vmul.f32 v5, v0  }
0x154: {  	v32 =	vmul.f32 v51, v57;
	v38 =	vmin.f32 v24, v29;
	v28 =	vsub.f32 v60, v28  }
0x155: {  	v49 =	vadd.f32 v15, v49;
	v29 =	vmul.f32 v5, v8;
	v26 =	vsub.f32 v30, v26  }
0x156: {  	v15 =	vmul.f32 v5, v5;
	v24 =	vadd.f32 v37, v35;
	v30 =	vadd.f32 v34, v32  }
0x157: {  	v29 =	vsub.f32 v12, v29;
	v34 =	vmul.f32 v51, v10;
	v32 =	vmin.f32 v38, v27  }
.Ltmp2:
0x158: {  	v35 =	vmul.f32 v36, v11;
	v27 =	vmul.f32 v5, v14;
	v28 =	vsub.f32 v28, v30;
	(pc) =	sbr.rel @p5 .LBB2_6-.Ltmp2, $4  }
0x159: {  	v37 =	vmul.f32 v36, v63;
	v31 =	vmin.f32 v32, v31;
	v30 =	vmul.f32 v51, v16  }
0x15a: {  	v31 =	vmin.f32 v31, v33;
	v26 =	vmin.f32 v26, v28;
	v28 =	vmul.f32 v51, v62  }
0x15b: {  	v32 =	vmul.f32 v51, v1;
	v34 =	vadd.f32 v35, v34;
	v33 =	vmul.f32 v36, v18;
	[tilespmem:s0+$0x12000] =	vst v31;
	s0 =	smov.u32 s20  }
0x15c: {  	v35 =	vmul.f32 v36, v3;
	v28 =	vadd.f32 v37, v28;
	v31 =	vmul.f32 v5, v20  }
0x15d: {  	v0 =	vmul.f32 v5, v59;
	_ =	sdelay $0x1  }
0x15e: {  	v1 =	vsub.f32 v29, v34;
	v0 =	vsub.f32 v61, v0  }
0x15f: {  	v2 =	vsub.f32 v2, v25;
	v3 =	vadd.f32 v35, v32  }
0x160: {  	v6 =	vadd.f32 v33, v30;
	v7 =	vmul.f32 v51, v21;
	v0 =	vsub.f32 v0, v28  }
0x161: {  	v5 =	vmul.f32 v5, v23;
	v8 =	vsub.f32 v17, v27;
	v2 =	vsub.f32 v2, v3  }
0x162: {  	v7 =	vadd.f32 v13, v7;
	v3 =	vsub.f32 v19, v31;
	v0 =	vmin.f32 v26, v0  }
0x163: {  	v5 =	vsub.f32 v22, v5;
	v6 =	vsub.f32 v8, v6;
	v0 =	vmin.f32 v0, v2  }
0x164: {  	v2 =	vsub.f32 v3, v7;
	v0 =	vmin.f32 v0, v1  }
0x165: {  	v1 =	vsub.f32 v5, v24;
	v0 =	vmin.f32 v0, v6  }
0x166: {  	v0 =	vmin.f32 v0, v2  }
0x167: {  	v0 =	vmin.f32 v0, v1  }
0x168: {  	[tilespmem:s0+$0x12000] =	vst v0  }
0x169: {  	v0 =	vld [tilespmem:$0x15500]  }
0x16a: {  	v1 =	vld [tilespmem:$0x15510]  }
0x16b: {  	v52 =	vld [tilespmem:$0x15520]  }
0x16c: {  	v10 =	vld [tilespmem:$0x15530]  }
0x16d: {  	v11 =	vld [tilespmem:$0x15540]  }
0x16e: {  	v12 =	vld [tilespmem:$0x15550]  }
0x16f: {  	v13 =	vld [tilespmem:$0x15560]  }
0x170: {  	v53 =	vld [tilespmem:$0x15570]  }
0x171: {  	v54 =	vld [tilespmem:$0x15580]  }
0x172: {  	v55 =	vld [tilespmem:$0x15590]  }
0x173: {  	v56 =	vld [tilespmem:$0x155A0]  }
0x174: {  	v57 =	vld [tilespmem:$0x155B0]  }
0x175: {  	v18 =	vld [tilespmem:$0x155C0]  }
0x176: {  	v58 =	vld [tilespmem:$0x155D0]  }
0x177: {  	v19 =	vld [tilespmem:$0x155E0]  }
0x178: {  	v20 =	vld [tilespmem:$0x155F0]  }
0x179: {  	v59 =	vld [tilespmem:$0x15600]  }
0x17a: {  	v2 =	vld [tilespmem:$0x15610]  }
0x17b: {  	v60 =	vld [tilespmem:$0x15620]  }
0x17c: {  	s19 =	simm.s32 $0x0;
	v5 =	vld [tilespmem:$0x15630]  }
0x17d: {  	v7 =	vld [tilespmem:s19+$0xF000]  }
0x17e: {  	v8 =	vmul.f32 v51, v51;
	v14 =	vld [tilespmem:s19+$0xC000]  }
0x17f: {  	v6 =	vld [tilespmem:s19+$0x9000]  }
0x180: {  	v9 =	vadd.f32 v8, v15;
	v3 =	vld [tilespmem:$0x15640]  }
0x181: {  	v51 =	vld [tilespmem:$0x15650]  }
0x182: {  	v15 =	vadd.f32 v4, v9;
	v8 =	vld [tilespmem:$0x15660];
	v26 =	vmul.f32 v7, v19  }
0x183: {  	v9 =	vld [tilespmem:$0x15670];
	v21 =	vmul.f32 v7, v56;
	v23 =	vmul.f32 v14, v55  }
0x184: {  	v49 =	vadd.f32 v15, v49;
	v61 =	vld [tilespmem:$0x156E0];
	v25 =	vmul.f32 v6, v11;
	v28 =	vmul.f32 v6, v54  }
0x185: {  	v62 =	vld [tilespmem:$0x15680];
	v16 =	vmul.f32 v7, v52;
	v22 =	vmul.f32 v7, v13;
	v31 =	vadd.f32 v21, v23  }
0x186: {  	v15 =	vld [tilespmem:$0x15690];
	v39 =	vsub.f32 v53, v25;
	v25 =	vmul.f32 v6, v18;
	v28 =	vsub.f32 v57, v28  }
0x187: {  	v63 =	vld [tilespmem:$0x156D0];
	v17 =	vmul.f32 v6, v0;
	v24 =	vmul.f32 v14, v1  }
0x188: {  	v23 =	vmul.f32 v14, v12;
	v29 =	vsub.f32 v20, v25;
	v25 =	vsub.f32 v28, v31;
	v28 =	vld [tilespmem:s19+$0x12000]  }
0x189: {  	v4 =	vmul.f32 v7, v60;
	v27 =	vsub.f32 v10, v17;
	v17 =	vld [tilespmem:$0x156A0];
	v24 =	vadd.f32 v16, v24  }
0x18a: {  	v41 =	vmul.f32 v14, v58;
	v32 =	vmul.f32 v6, v59;
	v40 =	vadd.f32 v22, v23;
	v23 =	vld [tilespmem:$0x156C0]  }
0x18b: {  	v16 =	vld [tilespmem:$0x156B0];
	v21 =	vmul.f32 v7, v61;
	v30 =	vsub.f32 v27, v24;
	v24 =	vmul.f32 v6, v62  }
0x18c: {  	s0 =	simm.s32 $0x40;
	v22 =	vld [tilespmem:$0x156F0];
	v31 =	vadd.f32 v26, v41;
	v26 =	vmul.f32 v14, v63;
	v27 =	vsub.f32 v39, v40  }
.LBB2_8:
0x18d: {  	s19 =	sshra.s32 s0, $0x2;
	p5 =	sne.s32 s0, $0xBFC0;
	s0 =	sadd.s32 $0x40, s0;
	v28 =	vmin.f32 v28, v30;
	v30 =	vmul.f32 v6, v3;
	v33 =	vmul.f32 v14, v51  }
0x18e: {  	v29 =	vsub.f32 v29, v31;
	v34 =	vld [tilespmem:s19+$0xF000];
	v31 =	vsub.f32 v5, v32;
	v32 =	vmul.f32 v7, v8  }
0x18f: {  	v36 =	vmul.f32 v14, v15;
	v37 =	vmul.f32 v6, v23;
	v35 =	vld [tilespmem:s19+$0xC000];
	v30 =	vsub.f32 v9, v30  }
0x190: {  	v38 =	vmul.f32 v7, v17;
	v27 =	vmin.f32 v28, v27;
	v6 =	vld [tilespmem:s19+$0x9000];
	v28 =	vadd.f32 v32, v33  }
0x191: {  	v26 =	vadd.f32 v21, v26;
	v39 =	vsub.f32 v22, v37;
	v32 =	vmul.f32 v14, v2  }
0x192: {  	v25 =	vmin.f32 v27, v25;
	v27 =	vsub.f32 v16, v24;
	v33 =	vadd.f32 v38, v36  }
0x193: {  	v30 =	vsub.f32 v30, v28;
	v36 =	vmul.f32 v34, v19;
	v37 =	vmul.f32 v34, v60;
	v7 =	vmovc v34  }
0x194: {  	v26 =	vsub.f32 v39, v26;
	v34 =	vmul.f32 v7, v52;
	v21 =	vmul.f32 v7, v61;
	v14 =	vmovc v35  }
0x195: {  	v27 =	vsub.f32 v27, v33;
	v35 =	vmul.f32 v7, v13;
	v24 =	vmul.f32 v6, v62  }
0x196: {  	v32 =	vadd.f32 v4, v32;
	v33 =	vmul.f32 v7, v56;
	v38 =	vmul.f32 v14, v58;
	v4 =	vmovc v37  }
0x197: {  	v25 =	vmin.f32 v25, v29;
	v37 =	vmul.f32 v6, v0;
	v39 =	vmul.f32 v14, v55  }
0x198: {  	v31 =	vsub.f32 v31, v32;
	v29 =	vmul.f32 v14, v1;
	v40 =	vmul.f32 v6, v11;
	v28 =	vld [tilespmem:s19+$0x12000]  }
0x199: {  	v32 =	vsub.f32 v10, v37;
	v37 =	vmul.f32 v6, v54;
	v33 =	vadd.f32 v33, v39  }
0x19a: {  	v41 =	vmul.f32 v6, v18;
	v39 =	vsub.f32 v53, v40;
	v40 =	vmul.f32 v14, v12  }
.Ltmp3:
0x19b: {  	v25 =	vmin.f32 v25, v31;
	v34 =	vadd.f32 v34, v29;
	v37 =	vsub.f32 v57, v37;
	(pc) =	sbr.rel @p5 .LBB2_8-.Ltmp3, $4  }
0x19c: {  	v29 =	vsub.f32 v20, v41;
	v31 =	vadd.f32 v35, v40;
	v35 =	vmin.f32 v25, v30  }
0x19d: {  	v30 =	vsub.f32 v32, v34;
	v32 =	vmin.f32 v35, v27;
	v25 =	vsub.f32 v37, v33  }
0x19e: {  	v27 =	vsub.f32 v39, v31;
	v31 =	vadd.f32 v36, v38;
	v33 =	vmin.f32 v32, v26  }
0x19f: {  	v32 =	vmul.f32 v6, v59;
	v26 =	vmul.f32 v14, v63;
	v50 =	vadd.f32 v33, v50  }
0x1a0: {  	_ =	swait.ge [sflag:s24], $0x3000  }
0x1a1: {  	[sflag:s24] =	ssyncset.done $0x0  }
0x1a2: {  	[sflag:s24] =	ssyncadd.s32 $0xFFFFD000  }
0x1a3: {  	_ =	swait.ge [sflag:s24], $0x3000  }
0x1a4: {  	[sflag:s24] =	ssyncset.done $0x0  }
0x1a5: {  	[sflag:s24] =	ssyncadd.s32 $0xFFFFD000  }
0x1a6: {  	_ =	swait.ge [sflag:s24], $0x3000  }
0x1a7: {  	[sflag:s24] =	ssyncset.done $0x0  }
0x1a8: {  	[sflag:s24] =	ssyncadd.s32 $0xFFFFD000  }
0x1a9: {  	v52 =	vld [tilespmem:$0x15300]  }
0x1aa: {  	v53 =	vld [tilespmem:$0x15310]  }
0x1ab: {  	v54 =	vld [tilespmem:$0x15320]  }
0x1ac: {  	v55 =	vld [tilespmem:$0x15330]  }
0x1ad: {  	v56 =	vld [tilespmem:$0x15340]  }
0x1ae: {  	v57 =	vld [tilespmem:$0x15350]  }
0x1af: {  	v58 =	vld [tilespmem:$0x15360]  }
0x1b0: {  	v60 =	vld [tilespmem:$0x15370]  }
0x1b1: {  	v59 =	vld [tilespmem:$0x15380]  }
0x1b2: {  	v62 =	vld [tilespmem:$0x15390]  }
0x1b3: {  	v63 =	vld [tilespmem:$0x153A0]  }
0x1b4: {  	v0 =	vld [tilespmem:$0x153C0]  }
0x1b5: {  	v11 =	vmul.f32 v6, v3;
	v1 =	vld [tilespmem:$0x153D0]  }
0x1b6: {  	v10 =	vmin.f32 v28, v30;
	v12 =	vmul.f32 v14, v51;
	v8 =	vmul.f32 v7, v8;
	v3 =	vld [tilespmem:$0x153E0]  }
0x1b7: {  	v13 =	vsub.f32 v29, v31;
	v19 =	vmul.f32 v14, v2;
	v6 =	vmul.f32 v6, v23;
	s0 =	simm.s32 $0x0;
	v2 =	vld [tilespmem:$0x153F0]  }
0x1b8: {  	v7 =	vmul.f32 v7, v17;
	v18 =	vsub.f32 v5, v32;
	v9 =	vsub.f32 v9, v11;
	v31 =	vld [tilespmem:s0+$0x6000]  }
0x1b9: {  	v11 =	vmul.f32 v14, v15;
	v8 =	vadd.f32 v8, v12;
	v4 =	vadd.f32 v4, v19;
	v51 =	vld [tilespmem:s0+$0x3000]  }
0x1ba: {  	v10 =	vmin.f32 v10, v27;
	v12 =	vsub.f32 v22, v6;
	v14 =	vsub.f32 v16, v24;
	v6 =	vld [tilespmem:s0+$0x0]  }
0x1bb: {  	v10 =	vmin.f32 v10, v25;
	v11 =	vadd.f32 v7, v11;
	v4 =	vsub.f32 v18, v4;
	v5 =	vld [tilespmem:$0x154E0]  }
0x1bc: {  	v15 =	vadd.f32 v21, v26;
	v9 =	vsub.f32 v9, v8;
	v8 =	vmin.f32 v10, v13;
	v7 =	vld [tilespmem:$0x154A0]  }
0x1bd: {  	v10 =	vsub.f32 v14, v11;
	v4 =	vmin.f32 v8, v4;
	v8 =	vld [tilespmem:$0x15400]  }
0x1be: {  	v11 =	vsub.f32 v12, v15;
	v4 =	vmin.f32 v4, v9;
	v9 =	vld [tilespmem:$0x154D0];
	v15 =	vmul.f32 v31, v54  }
0x1bf: {  	v4 =	vmin.f32 v4, v10;
	v10 =	vld [tilespmem:$0x15410];
	v17 =	vmul.f32 v51, v53;
	v19 =	vmul.f32 v6, v52  }
0x1c0: {  	v4 =	vmin.f32 v4, v11;
	v11 =	vld [tilespmem:$0x15420];
	v16 =	vmul.f32 v31, v58;
	v20 =	vmul.f32 v6, v56  }
0x1c1: {  	v12 =	vld [tilespmem:$0x15430];
	v22 =	vmul.f32 v51, v57;
	v21 =	vadd.f32 v15, v17;
	v19 =	vsub.f32 v55, v19  }
0x1c2: {  	v14 =	vld [tilespmem:$0x15440];
	v18 =	vmul.f32 v31, v5;
	v26 =	vsub.f32 v60, v20  }
0x1c3: {  	v23 =	vmul.f32 v51, v9;
	v15 =	vld [tilespmem:$0x15450];
	v28 =	vsub.f32 v19, v21;
	v21 =	vadd.f32 v16, v22  }
0x1c4: {  	v50 =	vadd.f32 v4, v50;
	v13 =	vmul.f32 v31, v7;
	v4 =	vmul.f32 v31, v31;
	v17 =	vld [tilespmem:$0x15460]  }
0x1c5: {  	v25 =	vmul.f32 v6, v0;
	v20 =	vld [tilespmem:$0x15480];
	v24 =	vadd.f32 v18, v23;
	v23 =	vsub.f32 v26, v21  }
0x1c6: {  	v33 =	vmul.f32 v51, v10;
	v34 =	vmul.f32 v31, v11;
	v16 =	vld [tilespmem:$0x15470]  }
0x1c7: {  	v27 =	vmul.f32 v6, v14;
	v22 =	vmul.f32 v6, v8;
	v26 =	vmin.f32 v28, v23;
	v23 =	vld [tilespmem:$0x154C0]  }
0x1c8: {  	v35 =	vmul.f32 v31, v63;
	v32 =	vmul.f32 v51, v1;
	v21 =	vld [tilespmem:$0x15490]  }
0x1c9: {  	v19 =	vmul.f32 v6, v6;
	v29 =	vsub.f32 v12, v22;
	v22 =	vld [tilespmem:$0x154F0];
	v28 =	vmul.f32 v51, v62  }
0x1ca: {  	v18 =	vld [tilespmem:$0x154B0];
	v34 =	vadd.f32 v34, v33;
	v30 =	vmul.f32 v51, v15;
	v33 =	vmul.f32 v31, v17  }
0x1cb: {  	s19 =	simm.s32 $0x40;
	v61 =	vld [tilespmem:$0x153B0];
	v28 =	vadd.f32 v35, v28;
	v35 =	vmul.f32 v31, v3;
	v31 =	vmul.f32 v6, v20  }
.LBB2_10:
0x1cc: {  	s20 =	sshra.s32 s19, $0x2;
	p5 =	sne.s32 s19, $0xBFC0;
	s19 =	sadd.s32 $0x40, s19;
	v29 =	vsub.f32 v29, v34;
	v30 =	vadd.f32 v33, v30;
	v33 =	vmul.f32 v6, v23  }
0x1cd: {  	v25 =	vsub.f32 v2, v25;
	v34 =	vmul.f32 v51, v21;
	v36 =	vld [tilespmem:s20+$0x6000];
	v32 =	vadd.f32 v35, v32  }
0x1ce: {  	v27 =	vsub.f32 v16, v27;
	v35 =	vld [tilespmem:s20+$0x3000];
	v33 =	vsub.f32 v22, v33  }
0x1cf: {  	v37 =	vmul.f32 v6, v59;
	v31 =	vsub.f32 v18, v31;
	v13 =	vadd.f32 v13, v34;
	v6 =	vld [tilespmem:s20+$0x0]  }
0x1d0: {  	v27 =	vsub.f32 v27, v30;
	v33 =	vsub.f32 v33, v24  }
0x1d1: {  	v30 =	vmul.f32 v51, v51;
	v24 =	vsub.f32 v61, v37;
	v31 =	vsub.f32 v31, v13  }
0x1d2: {  	v32 =	vsub.f32 v25, v32;
	v34 =	vmul.f32 v36, v58;
	v37 =	vmul.f32 v36, v5  }
0x1d3: {  	v25 =	vmul.f32 v36, v54;
	v13 =	vmul.f32 v36, v7;
	v24 =	vsub.f32 v24, v28;
	v51 =	vmovc v35  }
0x1d4: {  	v19 =	vadd.f32 v30, v19;
	v28 =	vmul.f32 v51, v53;
	v35 =	vmul.f32 v51, v9  }
0x1d5: {  	v38 =	vmul.f32 v36, v36;
	v30 =	vmul.f32 v6, v52;
	v24 =	vmin.f32 v26, v24  }
0x1d6: {  	v19 =	vadd.f32 v4, v19;
	v26 =	vadd.f32 v25, v28;
	v28 =	vmul.f32 v6, v56  }
0x1d7: {  	v4 =	vmovc v38;
	v24 =	vmin.f32 v24, v32;
	v30 =	vsub.f32 v55, v30;
	v25 =	vmul.f32 v6, v0  }
0x1d8: {  	v32 =	vmul.f32 v51, v57;
	v38 =	vmin.f32 v24, v29;
	v28 =	vsub.f32 v60, v28  }
0x1d9: {  	v49 =	vadd.f32 v19, v49;
	v29 =	vmul.f32 v6, v8;
	v26 =	vsub.f32 v30, v26  }
0x1da: {  	v19 =	vmul.f32 v6, v6;
	v24 =	vadd.f32 v37, v35;
	v30 =	vadd.f32 v34, v32  }
0x1db: {  	v29 =	vsub.f32 v12, v29;
	v34 =	vmul.f32 v51, v10;
	v32 =	vmin.f32 v38, v27  }
.Ltmp4:
0x1dc: {  	v35 =	vmul.f32 v36, v11;
	v27 =	vmul.f32 v6, v14;
	v28 =	vsub.f32 v28, v30;
	(pc) =	sbr.rel @p5 .LBB2_10-.Ltmp4, $4  }
0x1dd: {  	v37 =	vmul.f32 v36, v63;
	v31 =	vmin.f32 v32, v31;
	v30 =	vmul.f32 v51, v15  }
0x1de: {  	v31 =	vmin.f32 v31, v33;
	v26 =	vmin.f32 v26, v28;
	v28 =	vmul.f32 v51, v62  }
0x1df: {  	v32 =	vmul.f32 v51, v1;
	v34 =	vadd.f32 v35, v34;
	v33 =	vmul.f32 v36, v17;
	[tilespmem:s0+$0x12000] =	vst v31;
	s0 =	smov.u32 s20  }
0x1e0: {  	v35 =	vmul.f32 v36, v3;
	v28 =	vadd.f32 v37, v28;
	v31 =	vmul.f32 v6, v20  }
0x1e1: {  	v0 =	vmul.f32 v6, v59;
	_ =	sdelay $0x1  }
0x1e2: {  	v1 =	vsub.f32 v29, v34;
	v0 =	vsub.f32 v61, v0  }
0x1e3: {  	v2 =	vsub.f32 v2, v25;
	v3 =	vadd.f32 v35, v32  }
0x1e4: {  	v5 =	vadd.f32 v33, v30;
	v7 =	vmul.f32 v51, v21;
	v0 =	vsub.f32 v0, v28  }
0x1e5: {  	v6 =	vmul.f32 v6, v23;
	v8 =	vsub.f32 v16, v27;
	v2 =	vsub.f32 v2, v3  }
0x1e6: {  	v7 =	vadd.f32 v13, v7;
	v3 =	vsub.f32 v18, v31;
	v0 =	vmin.f32 v26, v0  }
0x1e7: {  	v6 =	vsub.f32 v22, v6;
	v5 =	vsub.f32 v8, v5;
	v0 =	vmin.f32 v0, v2  }
0x1e8: {  	v2 =	vsub.f32 v3, v7;
	v0 =	vmin.f32 v0, v1  }
0x1e9: {  	v1 =	vsub.f32 v6, v24;
	v0 =	vmin.f32 v0, v5  }
0x1ea: {  	v0 =	vmin.f32 v0, v2  }
0x1eb: {  	v0 =	vmin.f32 v0, v1  }
0x1ec: {  	[tilespmem:s0+$0x12000] =	vst v0  }
0x1ed: {  	v0 =	vld [tilespmem:$0x15500]  }
0x1ee: {  	v1 =	vld [tilespmem:$0x15510]  }
0x1ef: {  	v2 =	vld [tilespmem:$0x15520]  }
0x1f0: {  	v3 =	vld [tilespmem:$0x15530]  }
0x1f1: {  	v5 =	vld [tilespmem:$0x15540]  }
0x1f2: {  	v6 =	vld [tilespmem:$0x15550]  }
0x1f3: {  	v7 =	vld [tilespmem:$0x15560]  }
0x1f4: {  	v8 =	vld [tilespmem:$0x15570]  }
0x1f5: {  	v9 =	vld [tilespmem:$0x15580]  }
0x1f6: {  	v10 =	vld [tilespmem:$0x15590]  }
0x1f7: {  	v12 =	vld [tilespmem:$0x155A0]  }
0x1f8: {  	v13 =	vld [tilespmem:$0x155B0]  }
0x1f9: {  	v14 =	vld [tilespmem:$0x155C0]  }
0x1fa: {  	v15 =	vld [tilespmem:$0x155D0]  }
0x1fb: {  	v17 =	vld [tilespmem:$0x155E0]  }
0x1fc: {  	v18 =	vld [tilespmem:$0x155F0]  }
0x1fd: {  	v21 =	vld [tilespmem:$0x15600]  }
0x1fe: {  	v11 =	vld [tilespmem:$0x15610]  }
0x1ff: {  	v22 =	vld [tilespmem:$0x15620]  }
0x200: {  	s19 =	simm.s32 $0x0;
	v16 =	vld [tilespmem:$0x15630]  }
0x201: {  	v53 =	vld [tilespmem:s19+$0x6000]  }
0x202: {  	v23 =	vmul.f32 v51, v51;
	v55 =	vld [tilespmem:s19+$0x3000]  }
0x203: {  	v20 =	vld [tilespmem:s19+$0x0]  }
0x204: {  	v19 =	vadd.f32 v23, v19;
	v52 =	vld [tilespmem:$0x15640]  }
0x205: {  	v51 =	vld [tilespmem:$0x15650]  }
0x206: {  	v4 =	vadd.f32 v4, v19;
	v23 =	vld [tilespmem:$0x15660];
	v25 =	vmul.f32 v53, v2  }
0x207: {  	v54 =	vld [tilespmem:$0x15670];
	v29 =	vmul.f32 v53, v12;
	v30 =	vmul.f32 v55, v10  }
0x208: {  	v4 =	vadd.f32 v4, v49;
	v24 =	vld [tilespmem:$0x156E0];
	v28 =	vmul.f32 v20, v0;
	v31 =	vmul.f32 v55, v1  }
0x209: {  	v58 =	vld [tilespmem:$0x15680];
	v27 =	vmul.f32 v53, v7;
	v40 =	vadd.f32 v29, v30;
	v29 =	vmul.f32 v55, v6  }
0x20a: {  	v49 =	vld [tilespmem:$0x15690];
	v28 =	vsub.f32 v3, v28;
	v30 =	vmul.f32 v20, v14;
	v25 =	vadd.f32 v25, v31  }
0x20b: {  	v59 =	vld [tilespmem:$0x156D0];
	v39 =	vmul.f32 v20, v9;
	v27 =	vadd.f32 v27, v29  }
0x20c: {  	v38 =	vmul.f32 v20, v5;
	v29 =	vsub.f32 v18, v30;
	v30 =	vsub.f32 v28, v25;
	v28 =	vld [tilespmem:s19+$0x12000]  }
0x20d: {  	v56 =	vld [tilespmem:$0x156A0];
	v26 =	vmul.f32 v53, v17;
	v41 =	vmul.f32 v55, v15;
	v31 =	vsub.f32 v13, v39  }
0x20e: {  	v62 =	vld [tilespmem:$0x156C0];
	v19 =	vmul.f32 v53, v22;
	v61 =	vmul.f32 v53, v24;
	v32 =	vsub.f32 v8, v38  }
0x20f: {  	v57 =	vld [tilespmem:$0x156B0];
	v63 =	vmul.f32 v20, v58;
	v25 =	vsub.f32 v31, v40;
	v31 =	vadd.f32 v26, v41  }
0x210: {  	s0 =	simm.s32 $0x40;
	v60 =	vld [tilespmem:$0x156F0];
	v26 =	vmul.f32 v55, v59;
	v27 =	vsub.f32 v32, v27;
	v32 =	vmul.f32 v20, v21  }
.LBB2_12:
0x211: {  	s19 =	sshra.s32 s0, $0x2;
	p5 =	sne.s32 s0, $0xBFC0;
	s0 =	sadd.s32 $0x40, s0;
	v28 =	vmin.f32 v28, v30;
	v30 =	vmul.f32 v20, v52;
	v33 =	vmul.f32 v55, v51  }
0x212: {  	v29 =	vsub.f32 v29, v31;
	v34 =	vld [tilespmem:s19+$0x6000];
	v31 =	vsub.f32 v16, v32;
	v32 =	vmul.f32 v53, v23  }
0x213: {  	v36 =	vmul.f32 v55, v49;
	v37 =	vmul.f32 v20, v62;
	v35 =	vld [tilespmem:s19+$0x3000];
	v30 =	vsub.f32 v54, v30  }
0x214: {  	v27 =	vmin.f32 v28, v27;
	v20 =	vld [tilespmem:s19+$0x0];
	v28 =	vadd.f32 v32, v33;
	v32 =	vmul.f32 v53, v56  }
0x215: {  	v26 =	vadd.f32 v61, v26;
	v37 =	vsub.f32 v60, v37;
	v33 =	vmul.f32 v55, v11  }
0x216: {  	v25 =	vmin.f32 v27, v25;
	v27 =	vsub.f32 v57, v63;
	v32 =	vadd.f32 v32, v36  }
0x217: {  	v30 =	vsub.f32 v30, v28;
	v36 =	vmul.f32 v34, v17;
	v38 =	vmul.f32 v34, v22;
	v53 =	vmovc v34  }
0x218: {  	v26 =	vsub.f32 v37, v26;
	v34 =	vmul.f32 v53, v2;
	v61 =	vmul.f32 v53, v24;
	v55 =	vmovc v35  }
0x219: {  	v35 =	vmul.f32 v53, v7;
	v27 =	vsub.f32 v27, v32;
	v63 =	vmul.f32 v20, v58  }
0x21a: {  	v33 =	vadd.f32 v19, v33;
	v32 =	vmul.f32 v53, v12;
	v37 =	vmul.f32 v55, v15;
	v19 =	vmovc v38  }
0x21b: {  	v25 =	vmin.f32 v25, v29;
	v38 =	vmul.f32 v20, v0;
	v39 =	vmul.f32 v55, v10  }
0x21c: {  	v31 =	vsub.f32 v31, v33;
	v29 =	vmul.f32 v55, v1;
	v40 =	vmul.f32 v20, v5;
	v28 =	vld [tilespmem:s19+$0x12000]  }
0x21d: {  	v33 =	vsub.f32 v3, v38;
	v38 =	vmul.f32 v20, v9;
	v32 =	vadd.f32 v32, v39  }
0x21e: {  	v41 =	vmul.f32 v20, v14;
	v39 =	vsub.f32 v8, v40;
	v40 =	vmul.f32 v55, v6  }
.Ltmp5:
0x21f: {  	v25 =	vmin.f32 v25, v31;
	v34 =	vadd.f32 v34, v29;
	v38 =	vsub.f32 v13, v38;
	(pc) =	sbr.rel @p5 .LBB2_12-.Ltmp5, $4  }
0x220: {  	v29 =	vsub.f32 v18, v41;
	v31 =	vadd.f32 v35, v40;
	v35 =	vmin.f32 v25, v30  }
0x221: {  	v30 =	vsub.f32 v33, v34;
	v25 =	vsub.f32 v38, v32;
	v32 =	vmin.f32 v35, v27  }
0x222: {  	v27 =	vsub.f32 v39, v31;
	v31 =	vadd.f32 v36, v37;
	v33 =	vmin.f32 v32, v26  }
0x223: {  	v32 =	vmul.f32 v20, v21;
	v26 =	vmul.f32 v55, v59;
	v50 =	vadd.f32 v33, v50  }
0x224: {  	v0 =	vmin.f32 v28, v30;
	v30 =	vld [tilespmem:$0x1FEF0]  }
0x225: {  	v1 =	vsub.f32 v29, v31;
	v31 =	vld [tilespmem:$0x1FFB0]  }
0x226: {  	v33 =	vld [tilespmem:$0x1FFC0]  }
0x227: {  	v34 =	vld [tilespmem:$0x1FF10]  }
0x228: {  	v35 =	vld [tilespmem:$0x1FFD0]  }
0x229: {  	v36 =	vld [tilespmem:$0x1FF20]  }
0x22a: {  	v37 =	vld [tilespmem:$0x1FFE0]  }
0x22b: {  	v38 =	vld [tilespmem:$0x1FF30]  }
0x22c: {  	v39 =	vld [tilespmem:$0x1FFF0]  }
0x22d: {  	v40 =	vld [tilespmem:$0x1FF40]  }
0x22e: {  	v41 =	vld [tilespmem:$0x1FF50]  }
0x22f: {  	v3 =	vmul.f32 v55, v51;
	v6 =	vmul.f32 v53, v23;
	v13 =	vld [tilespmem:$0x1FF60]  }
0x230: {  	v8 =	vmul.f32 v55, v49;
	v24 =	vmul.f32 v53, v56;
	v14 =	vld [tilespmem:$0x1FE30]  }
0x231: {  	v10 =	vsub.f32 v57, v63;
	v15 =	vld [tilespmem:$0x1FD80]  }
0x232: {  	v17 =	vld [tilespmem:$0x1FD90];
	v3 =	vadd.f32 v6, v3;
	v6 =	vadd.f32 v24, v8  }
0x233: {  	v18 =	vld [tilespmem:$0x1FE50]  }
0x234: {  	v28 =	vsub.f32 v10, v6;
	v10 =	vpsel p1, v44, v40;
	v44 =	vld [tilespmem:$0x1FF70]  }
0x235: {  	v2 =	vmul.f32 v20, v52;
	v52 =	vld [tilespmem:$0x1FDA0]  }
0x236: {  	v7 =	vmul.f32 v55, v11;
	v53 =	vld [tilespmem:$0x1FDB0]  }
0x237: {  	v9 =	vmul.f32 v20, v62;
	vm4 =	vcmask @!p1 $0x2300;
	vm5 =	vcmask @!p2 $0x3300;
	v55 =	vld [tilespmem:$0x1FDC0]  }
0x238: {  	v56 =	vld [tilespmem:$0x1FE80];
	v5 =	vsub.f32 v16, v32;
	v0 =	vmin.f32 v0, v27;
	v2 =	vsub.f32 v54, v2  }
0x239: {  	v7 =	vadd.f32 v19, v7;
	v0 =	vmin.f32 v0, v25;
	v20 =	vpsel p1, v45, v44;
	v45 =	vld [tilespmem:$0x1FF80]  }
0x23a: {  	v58 =	vld [tilespmem:$0x1FDD0];
	v27 =	vadd.f32 v61, v26;
	v9 =	vsub.f32 v60, v9;
	v0 =	vmin.f32 v0, v1  }
0x23b: {  	v59 =	vld [tilespmem:$0x1FE90];
	v1 =	vimm.f32 @!p2 $1.000000000e+00;
	v5 =	vsub.f32 v5, v7;
	v2 =	vsub.f32 v2, v3  }
0x23c: {  	v62 =	vld [tilespmem:$0x1FEA0];
	v29 =	vsub.f32 v9, v27;
	v6 =	vsel @!p2 vm5, $0x0, v1;
	vm5 =	vcmask @!p2 $0x3700  }
0x23d: {  	v32 =	vld [tilespmem:$0x1FF00];
	v3 =	vpsel p1, v31, v30;
	v7 =	vpsel p1, v35, v34;
	v8 =	vpsel p1, v39, v38  }
0x23e: {  	v11 =	vsel @!p2 vm5, $0x0, v1;
	v0 =	vmin.f32 v0, v5;
	v21 =	vpsel p1, v46, v45;
	v46 =	vld [tilespmem:$0x1FF90]  }
0x23f: {  	v61 =	vld [tilespmem:$0x1FDE0];
	vm5 =	vcmask @!p2 $0x3B00;
	v19 =	vpsel p1, v43, v13;
	v0 =	vmin.f32 v0, v2  }
0x240: {  	v24 =	vld [tilespmem:$0x1FE60];
	v34 =	vimm.f32 $1.000000000e+00;
	v17 =	vpsel p4, v18, v17;
	v0 =	vmin.f32 v0, v28  }
0x241: {  	v54 =	vld [tilespmem:$0x1FE70];
	v26 =	vpsel p4, v56, v55;
	v60 =	vpsel p4, v59, v58;
	v0 =	vmin.f32 v0, v29  }
0x242: {  	v40 =	vld [tilespmem:$0x1FE00];
	v5 =	vpsel p1, v33, v32;
	v1 =	vsel @!p2 vm5, $0x0, v1;
	v0 =	vadd.f32 v0, v50  }
0x243: {  	v49 =	vsel vm3, $0x0, v34;
	v2 =	vimm.f32 @!p1 $1.000000000e+00;
	v22 =	vpsel p1, v47, v46;
	v47 =	vld [tilespmem:$0x1FFA0]  }
0x244: {  	v51 =	vsel vm2, $0x0, v34;
	v50 =	vld [tilespmem:$0x1FE40];
	v0 =	vadd.f32 v0, v4;
	v4 =	vsel @!p1 vm4, $0x0, v2  }
0x245: {  	vm4 =	vcmask @!p1 $0x2700;
	v4 =	vpsel p1, v6, v4;
	v6 =	vpsel p1, v37, v36;
	v36 =	vld [tilespmem:$0x1FDF0]  }
0x246: {  	v63 =	vpsel p4, v62, v61;
	v35 =	vsel vm1, $0x0, v34;
	v9 =	vsel @!p1 vm4, $0x0, v2;
	v37 =	vld [tilespmem:$0x1FEB0];
	[tilespmem:$0x15780] =	vst v0  }
0x247: {  	v24 =	vpsel p4, v24, v52;
	v9 =	vpsel p1, v11, v9;
	v11 =	vpsel p1, v42, v41;
	v41 =	vld [tilespmem:$0x1FEC0];
	[hbm4b:s14+s2] =	stream.linear.scatter [tilespmem:s30], [sflag:$0x4], $0x80, $0x38  }
0x248: {  	v25 =	vpsel p4, v54, v53;
	vm4 =	vcmask @!p1 $0x2B00;
	v23 =	vpsel p1, v48, v47;
	v48 =	vld [tilespmem:$0x1FD70];
	_ =	swait.ge [sflag:s23], $0x80  }
0x249: {  	v53 =	vpsel p0, v10, v26;
	v55 =	vpsel p0, v19, v63;
	v12 =	vsel @!p1 vm4, $0x0, v2;
	v43 =	vld [tilespmem:$0x1FE10]  }
0x24a: {  	v52 =	vpsel p0, v8, v25;
	vm4 =	vcmask @!p3 $0x1300;
	v12 =	vpsel p1, v1, v12;
	[sflag:s23] =	ssyncset.done $0x0;
	v44 =	vld [tilespmem:$0x1FED0]  }
0x24b: {  	v1 =	vimm.f32 @!p3 $1.000000000e+00;
	v15 =	vpsel p4, v50, v15;
	v45 =	vsel vm0, $0x0, v34;
	v46 =	vld [tilespmem:$0x1FE20];
	[sflag:s23] =	ssyncadd.s32 $0xFFFFFF80  }
0x24c: {  	v50 =	vpsel p0, v7, v17;
	v16 =	vsel @!p3 vm4, $0x0, v1;
	vm4 =	vcmask @!p3 $0x1700;
	v47 =	vld [tilespmem:$0x1FEE0];
	_ =	swait.ge [sflag:s31], $0x80  }
0x24d: {  	v54 =	vpsel p0, v11, v60;
	v18 =	vpsel p4, v16, v49;
	v16 =	vsel @!p3 vm4, $0x0, v1;
	[sflag:s31] =	ssyncset.done $0x0  }
0x24e: {  	v15 =	vpsel p0, v5, v15;
	vm4 =	vcmask @!p3 $0x1B00;
	v57 =	vpsel p4, v16, v51;
	[sflag:s31] =	ssyncadd.s32 $0xFFFFFF80  }
0x24f: {  	v38 =	vpsel p4, v37, v36;
	v0 =	vpsel p0, v4, v18;
	v42 =	vpsel p4, v41, v40;
	v59 =	vld [tilespmem:$0x15710]  }
0x250: {  	v51 =	vpsel p0, v6, v24;
	v56 =	vpsel p0, v20, v38;
	v58 =	vpsel p0, v21, v42;
	v62 =	vld [tilespmem:$0x15720]  }
0x251: {  	v13 =	vpsel p4, v14, v48;
	v14 =	vsel @!p3 vm4, $0x0, v1;
	vm4 =	vcmask @!p3 $0x1F00  }
0x252: {  	v39 =	vpsel p4, v14, v35;
	v33 =	vpsel p4, v44, v43;
	v1 =	vsel @!p3 vm4, $0x0, v1  }
0x253: {  	vm4 =	vcmask @!p1 $0x2F00;
	v35 =	vpsel p4, v1, v45;
	v1 =	vpsel p0, v9, v57;
	v57 =	vld [tilespmem:$0x15700]  }
0x254: {  	v48 =	vpsel p4, v47, v46;
	v49 =	vpsel p0, v3, v13;
	v3 =	vsel @!p1 vm4, $0x0, v2  }
0x255: {  	v60 =	vpsel p0, v22, v33;
	v15 =	vsub.f32 v59, v15;
	v16 =	vsub.f32 v62, v50  }
0x256: {  	v61 =	vpsel p0, v23, v48;
	v18 =	vsub.f32 v59, v52;
	v13 =	vsub.f32 v62, v53  }
0x257: {  	v3 =	vpsel p1, $0x0, v3;
	v11 =	vsub.f32 v59, v55;
	v8 =	vsub.f32 v62, v56  }
0x258: {  	v3 =	vpsel p0, v3, v35;
	v6 =	vsub.f32 v59, v60;
	v14 =	vsub.f32 v57, v49  }
0x259: {  	v17 =	vsub.f32 v57, v51;
	v15 =	vmul.f32 v15, v15;
	v63 =	vmul.f32 v16, v16  }
0x25a: {  	v7 =	vsub.f32 v57, v54;
	v21 =	vmul.f32 v18, v18;
	v14 =	vmul.f32 v14, v14  }
0x25b: {  	v4 =	vsub.f32 v57, v58;
	v13 =	vmul.f32 v13, v13;
	v11 =	vmul.f32 v11, v11  }
0x25c: {  	v6 =	vmul.f32 v6, v6;
	v20 =	vmul.f32 v17, v17;
	v14 =	vadd.f32 v15, v14  }
0x25d: {  	v5 =	vsub.f32 v62, v61;
	v7 =	vmul.f32 v7, v7;
	v4 =	vmul.f32 v4, v4  }
0x25e: {  	v8 =	vmul.f32 v8, v8;
	v22 =	vadd.f32 v21, v20;
	v14 =	vadd.f32 v63, v14  }
0x25f: {  	v5 =	vmul.f32 v5, v5;
	v7 =	vadd.f32 v11, v7;
	v4 =	vadd.f32 v6, v4  }
0x260: {  	v13 =	vadd.f32 v13, v22;
	v23 =	vshra.s32 v14, $0x1;
	v24 =	vmul.f32 $5.000000000e-01, v14  }
0x261: {  	v7 =	vadd.f32 v8, v7;
	v4 =	vadd.f32 v5, v4;
	v16 =	vsub.s32 $0x5F3759DF, v23  }
0x262: {  	v25 =	vshra.s32 v13, $0x1;
	v27 =	vmul.f32 $5.000000000e-01, v13;
	v26 =	vmul.f32 v16, v24  }
0x263: {  	v30 =	vshra.s32 v7, $0x1;
	v31 =	vmul.f32 $5.000000000e-01, v7;
	v9 =	vsub.s32 $0x5F3759DF, v25  }
0x264: {  	v34 =	vsub.s32 $0x5F3759DF, v30;
	v29 =	vmul.f32 v9, v27;
	v28 =	vmul.f32 v16, v26  }
0x265: {  	v35 =	vshra.s32 v4, $0x1;
	v36 =	vmul.f32 $5.000000000e-01, v4;
	v10 =	vmul.f32 v34, v31  }
0x266: {  	v37 =	vsub.s32 $0x5F3759DF, v35;
	v33 =	vmul.f32 v9, v29;
	v32 =	vsub.f32 $1.500000000e+00, v28  }
0x267: {  	v17 =	vmul.f32 v37, v36;
	v10 =	vmul.f32 v34, v10  }
0x268: {  	v6 =	vsub.f32 $1.500000000e+00, v33;
	v5 =	vmul.f32 v16, v32  }
0x269: {  	v2 =	vpsel p0, v12, v39;
	v40 =	vmul.f32 v37, v17;
	v39 =	vsub.f32 $1.500000000e+00, v10  }
0x26a: {  	v6 =	vmul.f32 v9, v6;
	v38 =	vmul.f32 v5, v24  }
0x26b: {  	v43 =	vsub.f32 $1.500000000e+00, v40;
	v8 =	vmul.f32 v34, v39  }
0x26c: {  	v42 =	vmul.f32 v6, v27;
	v41 =	vmul.f32 v38, v5  }
0x26d: {  	v9 =	vmul.f32 v37, v43;
	v46 =	vmul.f32 v8, v31  }
0x26e: {  	v45 =	vmul.f32 v42, v6;
	v44 =	vsub.f32 $1.500000000e+00, v41  }
0x26f: {  	v49 =	vmul.f32 v9, v36;
	v48 =	vmul.f32 v46, v8  }
0x270: {  	v47 =	vsub.f32 $1.500000000e+00, v45;
	v5 =	vmul.f32 v44, v5  }
0x271: {  	v51 =	vmul.f32 v49, v9;
	v50 =	vsub.f32 $1.500000000e+00, v48  }
0x272: {  	v6 =	vmul.f32 v47, v6;
	v15 =	vmul.f32 v5, v24  }
0x273: {  	v52 =	vsub.f32 $1.500000000e+00, v51;
	v8 =	vmul.f32 v50, v8  }
0x274: {  	v11 =	vmul.f32 v6, v27;
	v15 =	vmul.f32 v15, v5  }
0x275: {  	v9 =	vmul.f32 v52, v9;
	v12 =	vmul.f32 v8, v31  }
0x276: {  	v11 =	vmul.f32 v11, v6;
	v15 =	vsub.f32 $1.500000000e+00, v15  }
0x277: {  	v55 =	vmul.f32 v9, v36;
	v54 =	vmul.f32 v12, v8  }
0x278: {  	v53 =	vsub.f32 $1.500000000e+00, v11;
	v5 =	vmul.f32 v15, v5  }
0x279: {  	v57 =	vmul.f32 v55, v9;
	v56 =	vsub.f32 $1.500000000e+00, v54  }
0x27a: {  	v6 =	vmul.f32 v53, v6;
	v5 =	vmul.f32 v5, v14  }
0x27b: {  	v59 =	vsub.f32 $1.500000000e+00, v57;
	v58 =	vmul.f32 v56, v8  }
0x27c: {  	v6 =	vmul.f32 v6, v13;
	v0 =	vmul.f32 v0, v5  }
0x27d: {  	v60 =	vmul.f32 v59, v9  }
0x27e: {  	v1 =	vmul.f32 v1, v6;
	v5 =	vmul.f32 v58, v7;
	v0 =	vadd.f32 $0.0e+00, v0;
	_ =	sdelay $0x1  }
0x27f: {  	v62 =	vmul.f32 v60, v4;
	v61 =	vmul.f32 v2, v5;
	v0 =	vadd.f32 v0, v1;
	_ =	sdelay $0x1  }
0x280: {  	v63 =	vmul.f32 v3, v62;
	v0 =	vadd.f32 v0, v61;
	_ =	sdelay $0x1  }
0x281: {  	s1 =	sadd.s32 $0x1, s1;
	v0 =	vadd.f32 v0, v63  }
0x282: {  	p5 =	sne.s32 s1, s16  }
.Ltmp6:
0x283: {  	[tilespmem:$0x15780] =	vst v0;
	(pc) =	sbr.rel @p5 .LBB2_1-.Ltmp6, $4  }
0x284: {  	[hbm4b:s15+s2] =	stream.linear.scatter [tilespmem:s30], [sflag:$0x4], $0x80, $0x38;
	[tilespmem:$0x15800] =	vst v63  }
0x285: {  	_ =	swait.ge [sflag:s23], $0x80  }
0x286: {  	[sflag:s23] =	ssyncset.done $0x0  }
0x287: {  	[sflag:s23] =	ssyncadd.s32 $0xFFFFFF80  }
0x288: {  	_ =	sfence.sel $0x180000  }
0x289: {  	[bflag:$0x0] =	sbarrier.arrive $0xFFFF  }
0x28a: {  	_ =	strace $0x90000047  }
0x28b: {  	s0 =	stileid.u32;
	[bflag:$0x2] =	sbarrier.arrive $0xFFFF  }
0x28c: {  	p0 =	sne.s32 s0, $0x0;
	s0 =	rddreg [dreg:$0x1]  }
0x28d: {  	s0 =	sadd.s32 @!p0 $0x100000, s0  }
0x28e: {  	[sflag:s0] =	ssyncadd.tile.s32 @!p0 $0x1;
	_ =	shalt  }
.Lfunc_end2:
_tile_overlayer_lowered:
.L_overlay_start_2:
0x28f: {  	(tag) =	ssettag $0x2  }
0x290: {  	s0 =	rddreg [dreg:$0x0];
	s2 =	stileid.u32  }
0x291: {  	s1 =	rddreg [dreg:$0x1];
	p0 =	sne.s32 s2, $0x0  }
0x292: {  	s3 =	rddreg [dreg:$0x2];
	[bflag:$0x3] =	sbarrier.arrive $0xFFFF;
	s2 =	simm.s32 @!p0 $0x1C04  }
0x293: {  	[timem:s3], [sflag:s2] =	dma.local @!p0 [hbm:s0], s1  }
0x294: {  	s0 =	simm.s32 @!p0 $0x4  }
0x295: {  	_ =	swait.ge @!p0 [sflag:s0], s1  }
0x296: {  	s1 =	ssub.s32 @!p0 $0x0, s1;
	[sflag:s0] =	ssyncset.done @!p0 $0x0  }
0x297: {  	[sflag:s0] =	ssyncadd.s32 @!p0 s1  }
0x298: {  	[bflag:$0x3] =	sbarrier.arrive $0xFFFF  }
0x299: {  	_ =	shalt  }

</sc_bundles>
